<compile_context>
chip_gen: v7x
topology: tpu7x:2x2x1
jax: 0.10.2.dev20260603
libtpu: 0.0.44.dev20260713+nightly
codegen_flags: <defaults>
</compile_context>

<pallas_src>
import functools

import jax
import jax.numpy as jnp
from jax import lax
from jax.experimental import pallas as pl
from jax.experimental.pallas import tpu as pltpu
from jax.experimental.pallas import tpu_sc as plsc

_N, _W, _D = 16384, 5, 512
_NC, _NS = 2, 16
_NW = _NC * _NS
_PER_W = _N // _NW
_CHUNK = 64
_NCHUNK = _PER_W // _CHUNK
_NBUF = 3


def _dup_body(bt_hbm, ot_hbm, *scratch):
    bufs = scratch[:_NBUF]
    in_sems = scratch[_NBUF:2 * _NBUF]
    out_sems0 = scratch[2 * _NBUF:3 * _NBUF]
    out_sems1 = scratch[3 * _NBUF:4 * _NBUF]
    wid = lax.axis_index("s") * _NC + lax.axis_index("c")
    base = wid * _PER_W

    tasks = [(k, base + j * _CHUNK) for k in range(_W) for j in range(_NCHUNK)]
    ntask = len(tasks)

    def gather(t, b):
        k, r0 = tasks[t]
        return pltpu.async_copy(bt_hbm.at[k, pl.ds(r0, _CHUNK), :], bufs[b],
                                in_sems[b])

    def scatter(t, b):
        k, r0 = tasks[t]
        c0 = pltpu.async_copy(bufs[b], ot_hbm.at[2 * k, pl.ds(r0, _CHUNK), :],
                              out_sems0[b])
        c1 = pltpu.async_copy(bufs[b],
                              ot_hbm.at[2 * k + 1, pl.ds(r0, _CHUNK), :],
                              out_sems1[b])
        return c0, c1

    in_h = [None] * ntask
    out_h = [None] * ntask
    in_h[0] = gather(0, 0)
    for t in range(ntask):
        b = t % _NBUF
        if t + 1 < ntask:
            in_h[t + 1] = gather(t + 1, (t + 1) % _NBUF)
        in_h[t].wait()
        if t > 0:
            for h in out_h[t - 1]:
                h.wait()
        out_h[t] = scatter(t, b)
    for h in out_h[ntask - 1]:
        h.wait()


_dup = functools.partial(
    pl.kernel,
    out_type=jax.ShapeDtypeStruct((2 * _W, _N, _D), jnp.float32),
    mesh=plsc.VectorSubcoreMesh(core_axis_name="c", subcore_axis_name="s"),
    scratch_types=(
        [pltpu.VMEM((_CHUNK, _D), jnp.float32) for _ in range(_NBUF)]
        + [pltpu.SemaphoreType.DMA for _ in range(3 * _NBUF)]
    ),
)(_dup_body)


def kernel(body):
    bt = jnp.transpose(body, (1, 0, 2))
    ot = _dup(bt)
    return jnp.transpose(ot, (1, 0, 2))

# --- scband reference (transcript-rebuilt; emitter-appended) ---
"""Pipeline reference for scband-up-body2-part-26414048870635 (READ-ONLY COPY).

The authoritative reference and input builder live on the scoring server;
editing this copy changes nothing except your own understanding.
"""

import jax, jax.numpy as jnp
import numpy as np

# Up_Body2Part: duplicates each of 5 coarse body-node features into 2 part slots
# torso=[4,5]<-node2, left_leg=[0,1]<-node0, right_leg=[2,3]<-node1,
# left_arm=[6,7]<-node3, right_arm=[8,9]<-node4
_PART_SRC = jnp.array([0, 0, 1, 1, 2, 2, 3, 3, 4, 4], dtype=jnp.int32)


def setup_inputs(seed: int = 0) -> dict:
    key = jax.random.key(seed)
    body = jax.random.normal(key, (16384, 5, 512), dtype=jnp.float32)
    return {"body": body}


def reference(body):
    # body: [N, w=5, d] -> permute to [N, d, w]
    b = jnp.transpose(body, (0, 2, 1))  # [N, d, 5]
    N, d, w = b.shape
    # Faithful to the torch scatter-overwrite into a zeros buffer of 10 slots:
    # x[:, :, [0,1]] = body[:, :, 0] duplicated, etc. Every one of the 10 output
    # slots is written exactly once, so it equals a gather with _PART_SRC.
    x = jnp.zeros((N, d, 10), dtype=b.dtype)
    x = x.at[:, :, :].set(jnp.take(b, _PART_SRC, axis=2))
    x = jnp.transpose(x, (0, 2, 1))  # [N, 10, d]
    return x

if __name__ == "__main__":
    import jax
    _d = setup_inputs()
    print(jax.jit(kernel)(*tuple(_d.values())))

</pallas_src>

<mosaic_0001>
#map = affine_map<(d0, d1) -> (0, 0, 0)>
module attributes {stable_mosaic.version = 14 : i64} {
  func.func @_dup_body(%arg0: i32, %arg1: i32, %arg2: memref<5x16384x512xf32, #tpu.memory_space<hbm>>, %arg3: memref<10x16384x512xf32, #tpu.memory_space<hbm>>, %arg4: memref<64x512xf32, #tpu.memory_space<vmem>>, %arg5: memref<64x512xf32, #tpu.memory_space<vmem>>, %arg6: memref<64x512xf32, #tpu.memory_space<vmem>>, %arg7: memref<!tpu.dma_semaphore, #tpu.memory_space<semaphore_mem>>, %arg8: memref<!tpu.dma_semaphore, #tpu.memory_space<semaphore_mem>>, %arg9: memref<!tpu.dma_semaphore, #tpu.memory_space<semaphore_mem>>, %arg10: memref<!tpu.dma_semaphore, #tpu.memory_space<semaphore_mem>>, %arg11: memref<!tpu.dma_semaphore, #tpu.memory_space<semaphore_mem>>, %arg12: memref<!tpu.dma_semaphore, #tpu.memory_space<semaphore_mem>>, %arg13: memref<!tpu.dma_semaphore, #tpu.memory_space<semaphore_mem>>, %arg14: memref<!tpu.dma_semaphore, #tpu.memory_space<semaphore_mem>>, %arg15: memref<!tpu.dma_semaphore, #tpu.memory_space<semaphore_mem>>) attributes {dimension_semantics = [#tpu.dimension_semantics<core_parallel>, #tpu.dimension_semantics<subcore_parallel>], iteration_bounds = array<i64: 2, 16>, scalar_prefetch = 0 : i64, scratch_operands = 12 : i64, tpu.core_type = #tpu.core_type<sc_vector_subcore>, window_params = [{transform_indices = #map}, {transform_indices = #map}]} {
    %mul3A = arith.constant 2 : i32
    %mul3A_0 = arith.muli %arg1, %mul3A : i32
    %add3A = arith.addi %mul3A_0, %arg0 : i32
    %mul3A_1 = arith.constant 512 : i32
    %mul3A_2 = arith.muli %add3A, %mul3A_1 : i32
    %add3A_3 = arith.constant 0 : i32
    %add3A_4 = arith.addi %mul3A_2, %add3A_3 : i32
    %add3A_5 = arith.constant 64 : i32
    %add3A_6 = arith.addi %mul3A_2, %add3A_5 : i32
    %add3A_7 = arith.constant 128 : i32
    %add3A_8 = arith.addi %mul3A_2, %add3A_7 : i32
    %add3A_9 = arith.constant 192 : i32
    %add3A_10 = arith.addi %mul3A_2, %add3A_9 : i32
    %add3A_11 = arith.constant 256 : i32
    %add3A_12 = arith.addi %mul3A_2, %add3A_11 : i32
    %add3A_13 = arith.constant 320 : i32
    %add3A_14 = arith.addi %mul3A_2, %add3A_13 : i32
    %add3A_15 = arith.constant 384 : i32
    %add3A_16 = arith.addi %mul3A_2, %add3A_15 : i32
    %add3A_17 = arith.constant 448 : i32
    %add3A_18 = arith.addi %mul3A_2, %add3A_17 : i32
    %add3A_19 = arith.constant 0 : i32
    %add3A_20 = arith.addi %mul3A_2, %add3A_19 : i32
    %add3A_21 = arith.constant 64 : i32
    %add3A_22 = arith.addi %mul3A_2, %add3A_21 : i32
    %add3A_23 = arith.constant 128 : i32
    %add3A_24 = arith.addi %mul3A_2, %add3A_23 : i32
    %add3A_25 = arith.constant 192 : i32
    %add3A_26 = arith.addi %mul3A_2, %add3A_25 : i32
    %add3A_27 = arith.constant 256 : i32
    %add3A_28 = arith.addi %mul3A_2, %add3A_27 : i32
    %add3A_29 = arith.constant 320 : i32
    %add3A_30 = arith.addi %mul3A_2, %add3A_29 : i32
    %add3A_31 = arith.constant 384 : i32
    %add3A_32 = arith.addi %mul3A_2, %add3A_31 : i32
    %add3A_33 = arith.constant 448 : i32
    %add3A_34 = arith.addi %mul3A_2, %add3A_33 : i32
    %add3A_35 = arith.constant 0 : i32
    %add3A_36 = arith.addi %mul3A_2, %add3A_35 : i32
    %add3A_37 = arith.constant 64 : i32
    %add3A_38 = arith.addi %mul3A_2, %add3A_37 : i32
    %add3A_39 = arith.constant 128 : i32
    %add3A_40 = arith.addi %mul3A_2, %add3A_39 : i32
    %add3A_41 = arith.constant 192 : i32
    %add3A_42 = arith.addi %mul3A_2, %add3A_41 : i32
    %add3A_43 = arith.constant 256 : i32
    %add3A_44 = arith.addi %mul3A_2, %add3A_43 : i32
    %add3A_45 = arith.constant 320 : i32
    %add3A_46 = arith.addi %mul3A_2, %add3A_45 : i32
    %add3A_47 = arith.constant 384 : i32
    %add3A_48 = arith.addi %mul3A_2, %add3A_47 : i32
    %add3A_49 = arith.constant 448 : i32
    %add3A_50 = arith.addi %mul3A_2, %add3A_49 : i32
    %add3A_51 = arith.constant 0 : i32
    %add3A_52 = arith.addi %mul3A_2, %add3A_51 : i32
    %add3A_53 = arith.constant 64 : i32
    %add3A_54 = arith.addi %mul3A_2, %add3A_53 : i32
    %add3A_55 = arith.constant 128 : i32
    %add3A_56 = arith.addi %mul3A_2, %add3A_55 : i32
    %add3A_57 = arith.constant 192 : i32
    %add3A_58 = arith.addi %mul3A_2, %add3A_57 : i32
    %add3A_59 = arith.constant 256 : i32
    %add3A_60 = arith.addi %mul3A_2, %add3A_59 : i32
    %add3A_61 = arith.constant 320 : i32
    %add3A_62 = arith.addi %mul3A_2, %add3A_61 : i32
    %add3A_63 = arith.constant 384 : i32
    %add3A_64 = arith.addi %mul3A_2, %add3A_63 : i32
    %add3A_65 = arith.constant 448 : i32
    %add3A_66 = arith.addi %mul3A_2, %add3A_65 : i32
    %add3A_67 = arith.constant 0 : i32
    %add3A_68 = arith.addi %mul3A_2, %add3A_67 : i32
    %add3A_69 = arith.constant 64 : i32
    %add3A_70 = arith.addi %mul3A_2, %add3A_69 : i32
    %add3A_71 = arith.constant 128 : i32
    %add3A_72 = arith.addi %mul3A_2, %add3A_71 : i32
    %add3A_73 = arith.constant 192 : i32
    %add3A_74 = arith.addi %mul3A_2, %add3A_73 : i32
    %add3A_75 = arith.constant 256 : i32
    %add3A_76 = arith.addi %mul3A_2, %add3A_75 : i32
    %add3A_77 = arith.constant 320 : i32
    %add3A_78 = arith.addi %mul3A_2, %add3A_77 : i32
    %add3A_79 = arith.constant 384 : i32
    %add3A_80 = arith.addi %mul3A_2, %add3A_79 : i32
    %add3A_81 = arith.constant 448 : i32
    %add3A_82 = arith.addi %mul3A_2, %add3A_81 : i32
    %dma_start3A = arith.constant 0 : i32
    %dma_start3A_83 = arith.constant 0 : i32
    %dma_start3A_84 = tpu.memref_slice %arg2[%dma_start3A, %add3A_4, %dma_start3A_83] : memref<5x16384x512xf32, #tpu.memory_space<hbm>> -> memref<1x64x512xf32, #tpu.memory_space<hbm>>
    %dma_start3A_85 = tpu.memref_squeeze %dma_start3A_84 : memref<1x64x512xf32, #tpu.memory_space<hbm>> -> memref<64x512xf32, #tpu.memory_space<hbm>>
    %dma_start3A_86 = arith.constant 0 : i32
    %dma_start3A_87 = tpu.memref_slice %arg2[%dma_start3A, %add3A_4, %dma_start3A_86] : memref<5x16384x512xf32, #tpu.memory_space<hbm>> -> memref<1x64x512xf32, #tpu.memory_space<hbm>>
    %dma_start3A_88 = tpu.memref_squeeze %dma_start3A_87 : memref<1x64x512xf32, #tpu.memory_space<hbm>> -> memref<64x512xf32, #tpu.memory_space<hbm>>
    tpu.enqueue_dma source(%dma_start3A_88 : memref<64x512xf32, #tpu.memory_space<hbm>>) target(%arg4 : memref<64x512xf32, #tpu.memory_space<vmem>>) target_semaphore(%arg7 : memref<!tpu.dma_semaphore, #tpu.memory_space<semaphore_mem>>)
    %dma_start3A_89 = arith.constant 0 : i32
    %dma_start3A_90 = arith.constant 0 : i32
    %dma_start3A_91 = tpu.memref_slice %arg2[%dma_start3A_89, %add3A_6, %dma_start3A_90] : memref<5x16384x512xf32, #tpu.memory_space<hbm>> -> memref<1x64x512xf32, #tpu.memory_space<hbm>>
    %dma_start3A_92 = tpu.memref_squeeze %dma_start3A_91 : memref<1x64x512xf32, #tpu.memory_space<hbm>> -> memref<64x512xf32, #tpu.memory_space<hbm>>
    %dma_start3A_93 = arith.constant 0 : i32
    %dma_start3A_94 = tpu.memref_slice %arg2[%dma_start3A_89, %add3A_6, %dma_start3A_93] : memref<5x16384x512xf32, #tpu.memory_space<hbm>> -> memref<1x64x512xf32, #tpu.memory_space<hbm>>
    %dma_start3A_95 = tpu.memref_squeeze %dma_start3A_94 : memref<1x64x512xf32, #tpu.memory_space<hbm>> -> memref<64x512xf32, #tpu.memory_space<hbm>>
    tpu.enqueue_dma source(%dma_start3A_95 : memref<64x512xf32, #tpu.memory_space<hbm>>) target(%arg5 : memref<64x512xf32, #tpu.memory_space<vmem>>) target_semaphore(%arg8 : memref<!tpu.dma_semaphore, #tpu.memory_space<semaphore_mem>>)
    %dma_wait3A = arith.constant 0 : i32
    %dma_wait3A_96 = arith.constant 0 : i32
    %dma_wait3A_97 = tpu.memref_slice %arg2[%dma_wait3A, %add3A_4, %dma_wait3A_96] : memref<5x16384x512xf32, #tpu.memory_space<hbm>> -> memref<1x64x512xf32, #tpu.memory_space<hbm>>
    %dma_wait3A_98 = tpu.memref_squeeze %dma_wait3A_97 : memref<1x64x512xf32, #tpu.memory_space<hbm>> -> memref<64x512xf32, #tpu.memory_space<hbm>>
    %dma_wait3A_99 = arith.constant 0 : i32
    %dma_wait3A_100 = tpu.memref_slice %arg2[%dma_wait3A, %add3A_4, %dma_wait3A_99] : memref<5x16384x512xf32, #tpu.memory_space<hbm>> -> memref<1x64x512xf32, #tpu.memory_space<hbm>>
    %dma_wait3A_101 = tpu.memref_squeeze %dma_wait3A_100 : memref<1x64x512xf32, #tpu.memory_space<hbm>> -> memref<64x512xf32, #tpu.memory_space<hbm>>
    tpu.wait_dma2 semaphore(%arg7 : memref<!tpu.dma_semaphore, #tpu.memory_space<semaphore_mem>>) src(%dma_wait3A_101 : memref<64x512xf32, #tpu.memory_space<hbm>>) dst(%arg4 : memref<64x512xf32, #tpu.memory_space<vmem>>)
    %dma_start3A_102 = arith.constant 0 : i32
    %dma_start3A_103 = arith.constant 0 : i32
    %dma_start3A_104 = tpu.memref_slice %arg3[%dma_start3A_102, %add3A_4, %dma_start3A_103] : memref<10x16384x512xf32, #tpu.memory_space<hbm>> -> memref<1x64x512xf32, #tpu.memory_space<hbm>>
    %dma_start3A_105 = tpu.memref_squeeze %dma_start3A_104 : memref<1x64x512xf32, #tpu.memory_space<hbm>> -> memref<64x512xf32, #tpu.memory_space<hbm>>
    %dma_start3A_106 = arith.constant 0 : i32
    %dma_start3A_107 = tpu.memref_slice %arg3[%dma_start3A_102, %add3A_4, %dma_start3A_106] : memref<10x16384x512xf32, #tpu.memory_space<hbm>> -> memref<1x64x512xf32, #tpu.memory_space<hbm>>
    %dma_start3A_108 = tpu.memref_squeeze %dma_start3A_107 : memref<1x64x512xf32, #tpu.memory_space<hbm>> -> memref<64x512xf32, #tpu.memory_space<hbm>>
    tpu.enqueue_dma source(%arg4 : memref<64x512xf32, #tpu.memory_space<vmem>>) target(%dma_start3A_108 : memref<64x512xf32, #tpu.memory_space<hbm>>) target_semaphore(%arg10 : memref<!tpu.dma_semaphore, #tpu.memory_space<semaphore_mem>>)
    %dma_start3A_109 = arith.constant 1 : i32
    %dma_start3A_110 = arith.constant 0 : i32
    %dma_start3A_111 = tpu.memref_slice %arg3[%dma_start3A_109, %add3A_4, %dma_start3A_110] : memref<10x16384x512xf32, #tpu.memory_space<hbm>> -> memref<1x64x512xf32, #tpu.memory_space<hbm>>
    %dma_start3A_112 = tpu.memref_squeeze %dma_start3A_111 : memref<1x64x512xf32, #tpu.memory_space<hbm>> -> memref<64x512xf32, #tpu.memory_space<hbm>>
    %dma_start3A_113 = arith.constant 0 : i32
    %dma_start3A_114 = tpu.memref_slice %arg3[%dma_start3A_109, %add3A_4, %dma_start3A_113] : memref<10x16384x512xf32, #tpu.memory_space<hbm>> -> memref<1x64x512xf32, #tpu.memory_space<hbm>>
    %dma_start3A_115 = tpu.memref_squeeze %dma_start3A_114 : memref<1x64x512xf32, #tpu.memory_space<hbm>> -> memref<64x512xf32, #tpu.memory_space<hbm>>
    tpu.enqueue_dma source(%arg4 : memref<64x512xf32, #tpu.memory_space<vmem>>) target(%dma_start3A_115 : memref<64x512xf32, #tpu.memory_space<hbm>>) target_semaphore(%arg13 : memref<!tpu.dma_semaphore, #tpu.memory_space<semaphore_mem>>)
    %dma_start3A_116 = arith.constant 0 : i32
    %dma_start3A_117 = arith.constant 0 : i32
    %dma_start3A_118 = tpu.memref_slice %arg2[%dma_start3A_116, %add3A_8, %dma_start3A_117] : memref<5x16384x512xf32, #tpu.memory_space<hbm>> -> memref<1x64x512xf32, #tpu.memory_space<hbm>>
    %dma_start3A_119 = tpu.memref_squeeze %dma_start3A_118 : memref<1x64x512xf32, #tpu.memory_space<hbm>> -> memref<64x512xf32, #tpu.memory_space<hbm>>
    %dma_start3A_120 = arith.constant 0 : i32
    %dma_start3A_121 = tpu.memref_slice %arg2[%dma_start3A_116, %add3A_8, %dma_start3A_120] : memref<5x16384x512xf32, #tpu.memory_space<hbm>> -> memref<1x64x512xf32, #tpu.memory_space<hbm>>
    %dma_start3A_122 = tpu.memref_squeeze %dma_start3A_121 : memref<1x64x512xf32, #tpu.memory_space<hbm>> -> memref<64x512xf32, #tpu.memory_space<hbm>>
    tpu.enqueue_dma source(%dma_start3A_122 : memref<64x512xf32, #tpu.memory_space<hbm>>) target(%arg6 : memref<64x512xf32, #tpu.memory_space<vmem>>) target_semaphore(%arg9 : memref<!tpu.dma_semaphore, #tpu.memory_space<semaphore_mem>>)
    %dma_wait3A_123 = arith.constant 0 : i32
    %dma_wait3A_124 = arith.constant 0 : i32
    %dma_wait3A_125 = tpu.memref_slice %arg2[%dma_wait3A_123, %add3A_6, %dma_wait3A_124] : memref<5x16384x512xf32, #tpu.memory_space<hbm>> -> memref<1x64x512xf32, #tpu.memory_space<hbm>>
    %dma_wait3A_126 = tpu.memref_squeeze %dma_wait3A_125 : memref<1x64x512xf32, #tpu.memory_space<hbm>> -> memref<64x512xf32, #tpu.memory_space<hbm>>
    %dma_wait3A_127 = arith.constant 0 : i32
    %dma_wait3A_128 = tpu.memref_slice %arg2[%dma_wait3A_123, %add3A_6, %dma_wait3A_127] : memref<5x16384x512xf32, #tpu.memory_space<hbm>> -> memref<1x64x512xf32, #tpu.memory_space<hbm>>
    %dma_wait3A_129 = tpu.memref_squeeze %dma_wait3A_128 : memref<1x64x512xf32, #tpu.memory_space<hbm>> -> memref<64x512xf32, #tpu.memory_space<hbm>>
    tpu.wait_dma2 semaphore(%arg8 : memref<!tpu.dma_semaphore, #tpu.memory_space<semaphore_mem>>) src(%dma_wait3A_129 : memref<64x512xf32, #tpu.memory_space<hbm>>) dst(%arg5 : memref<64x512xf32, #tpu.memory_space<vmem>>)
    %dma_wait3A_130 = arith.constant 0 : i32
    %dma_wait3A_131 = arith.constant 0 : i32
    %dma_wait3A_132 = tpu.memref_slice %arg3[%dma_wait3A_130, %add3A_4, %dma_wait3A_131] : memref<10x16384x512xf32, #tpu.memory_space<hbm>> -> memref<1x64x512xf32, #tpu.memory_space<hbm>>
    %dma_wait3A_133 = tpu.memref_squeeze %dma_wait3A_132 : memref<1x64x512xf32, #tpu.memory_space<hbm>> -> memref<64x512xf32, #tpu.memory_space<hbm>>
    %dma_wait3A_134 = arith.constant 0 : i32
    %dma_wait3A_135 = tpu.memref_slice %arg3[%dma_wait3A_130, %add3A_4, %dma_wait3A_134] : memref<10x16384x512xf32, #tpu.memory_space<hbm>> -> memref<1x64x512xf32, #tpu.memory_space<hbm>>
    %dma_wait3A_136 = tpu.memref_squeeze %dma_wait3A_135 : memref<1x64x512xf32, #tpu.memory_space<hbm>> -> memref<64x512xf32, #tpu.memory_space<hbm>>
    tpu.wait_dma2 semaphore(%arg10 : memref<!tpu.dma_semaphore, #tpu.memory_space<semaphore_mem>>) src(%arg4 : memref<64x512xf32, #tpu.memory_space<vmem>>) dst(%dma_wait3A_136 : memref<64x512xf32, #tpu.memory_space<hbm>>)
    %dma_wait3A_137 = arith.constant 1 : i32
    %dma_wait3A_138 = arith.constant 0 : i32
    %dma_wait3A_139 = tpu.memref_slice %arg3[%dma_wait3A_137, %add3A_4, %dma_wait3A_138] : memref<10x16384x512xf32, #tpu.memory_space<hbm>> -> memref<1x64x512xf32, #tpu.memory_space<hbm>>
    %dma_wait3A_140 = tpu.memref_squeeze %dma_wait3A_139 : memref<1x64x512xf32, #tpu.memory_space<hbm>> -> memref<64x512xf32, #tpu.memory_space<hbm>>
    %dma_wait3A_141 = arith.constant 0 : i32
    %dma_wait3A_142 = tpu.memref_slice %arg3[%dma_wait3A_137, %add3A_4, %dma_wait3A_141] : memref<10x16384x512xf32, #tpu.memory_space<hbm>> -> memref<1x64x512xf32, #tpu.memory_space<hbm>>
    %dma_wait3A_143 = tpu.memref_squeeze %dma_wait3A_142 : memref<1x64x512xf32, #tpu.memory_space<hbm>> -> memref<64x512xf32, #tpu.memory_space<hbm>>
    tpu.wait_dma2 semaphore(%arg13 : memref<!tpu.dma_semaphore, #tpu.memory_space<semaphore_mem>>) src(%arg4 : memref<64x512xf32, #tpu.memory_space<vmem>>) dst(%dma_wait3A_143 : memref<64x512xf32, #tpu.memory_space<hbm>>)
    %dma_start3A_144 = arith.constant 0 : i32
    %dma_start3A_145 = arith.constant 0 : i32
    %dma_start3A_146 = tpu.memref_slice %arg3[%dma_start3A_144, %add3A_6, %dma_start3A_145] : memref<10x16384x512xf32, #tpu.memory_space<hbm>> -> memref<1x64x512xf32, #tpu.memory_space<hbm>>
    %dma_start3A_147 = tpu.memref_squeeze %dma_start3A_146 : memref<1x64x512xf32, #tpu.memory_space<hbm>> -> memref<64x512xf32, #tpu.memory_space<hbm>>
    %dma_start3A_148 = arith.constant 0 : i32
    %dma_start3A_149 = tpu.memref_slice %arg3[%dma_start3A_144, %add3A_6, %dma_start3A_148] : memref<10x16384x512xf32, #tpu.memory_space<hbm>> -> memref<1x64x512xf32, #tpu.memory_space<hbm>>
    %dma_start3A_150 = tpu.memref_squeeze %dma_start3A_149 : memref<1x64x512xf32, #tpu.memory_space<hbm>> -> memref<64x512xf32, #tpu.memory_space<hbm>>
    tpu.enqueue_dma source(%arg5 : memref<64x512xf32, #tpu.memory_space<vmem>>) target(%dma_start3A_150 : memref<64x512xf32, #tpu.memory_space<hbm>>) target_semaphore(%arg11 : memref<!tpu.dma_semaphore, #tpu.memory_space<semaphore_mem>>)
    %dma_start3A_151 = arith.constant 1 : i32
    %dma_start3A_152 = arith.constant 0 : i32
    %dma_start3A_153 = tpu.memref_slice %arg3[%dma_start3A_151, %add3A_6, %dma_start3A_152] : memref<10x16384x512xf32, #tpu.memory_space<hbm>> -> memref<1x64x512xf32, #tpu.memory_space<hbm>>
    %dma_start3A_154 = tpu.memref_squeeze %dma_start3A_153 : memref<1x64x512xf32, #tpu.memory_space<hbm>> -> memref<64x512xf32, #tpu.memory_space<hbm>>
    %dma_start3A_155 = arith.constant 0 : i32
    %dma_start3A_156 = tpu.memref_slice %arg3[%dma_start3A_151, %add3A_6, %dma_start3A_155] : memref<10x16384x512xf32, #tpu.memory_space<hbm>> -> memref<1x64x512xf32, #tpu.memory_space<hbm>>
    %dma_start3A_157 = tpu.memref_squeeze %dma_start3A_156 : memref<1x64x512xf32, #tpu.memory_space<hbm>> -> memref<64x512xf32, #tpu.memory_space<hbm>>
    tpu.enqueue_dma source(%arg5 : memref<64x512xf32, #tpu.memory_space<vmem>>) target(%dma_start3A_157 : memref<64x512xf32, #tpu.memory_space<hbm>>) target_semaphore(%arg14 : memref<!tpu.dma_semaphore, #tpu.memory_space<semaphore_mem>>)
    %dma_start3A_158 = arith.constant 0 : i32
    %dma_start3A_159 = arith.constant 0 : i32
    %dma_start3A_160 = tpu.memref_slice %arg2[%dma_start3A_158, %add3A_10, %dma_start3A_159] : memref<5x16384x512xf32, #tpu.memory_space<hbm>> -> memref<1x64x512xf32, #tpu.memory_space<hbm>>
    %dma_start3A_161 = tpu.memref_squeeze %dma_start3A_160 : memref<1x64x512xf32, #tpu.memory_space<hbm>> -> memref<64x512xf32, #tpu.memory_space<hbm>>
    %dma_start3A_162 = arith.constant 0 : i32
    %dma_start3A_163 = tpu.memref_slice %arg2[%dma_start3A_158, %add3A_10, %dma_start3A_162] : memref<5x16384x512xf32, #tpu.memory_space<hbm>> -> memref<1x64x512xf32, #tpu.memory_space<hbm>>
    %dma_start3A_164 = tpu.memref_squeeze %dma_start3A_163 : memref<1x64x512xf32, #tpu.memory_space<hbm>> -> memref<64x512xf32, #tpu.memory_space<hbm>>
    tpu.enqueue_dma source(%dma_start3A_164 : memref<64x512xf32, #tpu.memory_space<hbm>>) target(%arg4 : memref<64x512xf32, #tpu.memory_space<vmem>>) target_semaphore(%arg7 : memref<!tpu.dma_semaphore, #tpu.memory_space<semaphore_mem>>)
    %dma_wait3A_165 = arith.constant 0 : i32
    %dma_wait3A_166 = arith.constant 0 : i32
    %dma_wait3A_167 = tpu.memref_slice %arg2[%dma_wait3A_165, %add3A_8, %dma_wait3A_166] : memref<5x16384x512xf32, #tpu.memory_space<hbm>> -> memref<1x64x512xf32, #tpu.memory_space<hbm>>
    %dma_wait3A_168 = tpu.memref_squeeze %dma_wait3A_167 : memref<1x64x512xf32, #tpu.memory_space<hbm>> -> memref<64x512xf32, #tpu.memory_space<hbm>>
    %dma_wait3A_169 = arith.constant 0 : i32
    %dma_wait3A_170 = tpu.memref_slice %arg2[%dma_wait3A_165, %add3A_8, %dma_wait3A_169] : memref<5x16384x512xf32, #tpu.memory_space<hbm>> -> memref<1x64x512xf32, #tpu.memory_space<hbm>>
    %dma_wait3A_171 = tpu.memref_squeeze %dma_wait3A_170 : memref<1x64x512xf32, #tpu.memory_space<hbm>> -> memref<64x512xf32, #tpu.memory_space<hbm>>
    tpu.wait_dma2 semaphore(%arg9 : memref<!tpu.dma_semaphore, #tpu.memory_space<semaphore_mem>>) src(%dma_wait3A_171 : memref<64x512xf32, #tpu.memory_space<hbm>>) dst(%arg6 : memref<64x512xf32, #tpu.memory_space<vmem>>)
    %dma_wait3A_172 = arith.constant 0 : i32
    %dma_wait3A_173 = arith.constant 0 : i32
    %dma_wait3A_174 = tpu.memref_slice %arg3[%dma_wait3A_172, %add3A_6, %dma_wait3A_173] : memref<10x16384x512xf32, #tpu.memory_space<hbm>> -> memref<1x64x512xf32, #tpu.memory_space<hbm>>
    %dma_wait3A_175 = tpu.memref_squeeze %dma_wait3A_174 : memref<1x64x512xf32, #tpu.memory_space<hbm>> -> memref<64x512xf32, #tpu.memory_space<hbm>>
    %dma_wait3A_176 = arith.constant 0 : i32
    %dma_wait3A_177 = tpu.memref_slice %arg3[%dma_wait3A_172, %add3A_6, %dma_wait3A_176] : memref<10x16384x512xf32, #tpu.memory_space<hbm>> -> memref<1x64x512xf32, #tpu.memory_space<hbm>>
    %dma_wait3A_178 = tpu.memref_squeeze %dma_wait3A_177 : memref<1x64x512xf32, #tpu.memory_space<hbm>> -> memref<64x512xf32, #tpu.memory_space<hbm>>
    tpu.wait_dma2 semaphore(%arg11 : memref<!tpu.dma_semaphore, #tpu.memory_space<semaphore_mem>>) src(%arg5 : memref<64x512xf32, #tpu.memory_space<vmem>>) dst(%dma_wait3A_178 : memref<64x512xf32, #tpu.memory_space<hbm>>)
    %dma_wait3A_179 = arith.constant 1 : i32
    %dma_wait3A_180 = arith.constant 0 : i32
    %dma_wait3A_181 = tpu.memref_slice %arg3[%dma_wait3A_179, %add3A_6, %dma_wait3A_180] : memref<10x16384x512xf32, #tpu.memory_space<hbm>> -> memref<1x64x512xf32, #tpu.memory_space<hbm>>
    %dma_wait3A_182 = tpu.memref_squeeze %dma_wait3A_181 : memref<1x64x512xf32, #tpu.memory_space<hbm>> -> memref<64x512xf32, #tpu.memory_space<hbm>>
    %dma_wait3A_183 = arith.constant 0 : i32
    %dma_wait3A_184 = tpu.memref_slice %arg3[%dma_wait3A_179, %add3A_6, %dma_wait3A_183] : memref<10x16384x512xf32, #tpu.memory_space<hbm>> -> memref<1x64x512xf32, #tpu.memory_space<hbm>>
    %dma_wait3A_185 = tpu.memref_squeeze %dma_wait3A_184 : memref<1x64x512xf32, #tpu.memory_space<hbm>> -> memref<64x512xf32, #tpu.memory_space<hbm>>
    tpu.wait_dma2 semaphore(%arg14 : memref<!tpu.dma_semaphore, #tpu.memory_space<semaphore_mem>>) src(%arg5 : memref<64x512xf32, #tpu.memory_space<vmem>>) dst(%dma_wait3A_185 : memref<64x512xf32, #tpu.memory_space<hbm>>)
    %dma_start3A_186 = arith.constant 0 : i32
    %dma_start3A_187 = arith.constant 0 : i32
    %dma_start3A_188 = tpu.memref_slice %arg3[%dma_start3A_186, %add3A_8, %dma_start3A_187] : memref<10x16384x512xf32, #tpu.memory_space<hbm>> -> memref<1x64x512xf32, #tpu.memory_space<hbm>>
    %dma_start3A_189 = tpu.memref_squeeze %dma_start3A_188 : memref<1x64x512xf32, #tpu.memory_space<hbm>> -> memref<64x512xf32, #tpu.memory_space<hbm>>
    %dma_start3A_190 = arith.constant 0 : i32
    %dma_start3A_191 = tpu.memref_slice %arg3[%dma_start3A_186, %add3A_8, %dma_start3A_190] : memref<10x16384x512xf32, #tpu.memory_space<hbm>> -> memref<1x64x512xf32, #tpu.memory_space<hbm>>
    %dma_start3A_192 = tpu.memref_squeeze %dma_start3A_191 : memref<1x64x512xf32, #tpu.memory_space<hbm>> -> memref<64x512xf32, #tpu.memory_space<hbm>>
    tpu.enqueue_dma source(%arg6 : memref<64x512xf32, #tpu.memory_space<vmem>>) target(%dma_start3A_192 : memref<64x512xf32, #tpu.memory_space<hbm>>) target_semaphore(%arg12 : memref<!tpu.dma_semaphore, #tpu.memory_space<semaphore_mem>>)
    %dma_start3A_193 = arith.constant 1 : i32
    %dma_start3A_194 = arith.constant 0 : i32
    %dma_start3A_195 = tpu.memref_slice %arg3[%dma_start3A_193, %add3A_8, %dma_start3A_194] : memref<10x16384x512xf32, #tpu.memory_space<hbm>> -> memref<1x64x512xf32, #tpu.memory_space<hbm>>
    %dma_start3A_196 = tpu.memref_squeeze %dma_start3A_195 : memref<1x64x512xf32, #tpu.memory_space<hbm>> -> memref<64x512xf32, #tpu.memory_space<hbm>>
    %dma_start3A_197 = arith.constant 0 : i32
    %dma_start3A_198 = tpu.memref_slice %arg3[%dma_start3A_193, %add3A_8, %dma_start3A_197] : memref<10x16384x512xf32, #tpu.memory_space<hbm>> -> memref<1x64x512xf32, #tpu.memory_space<hbm>>
    %dma_start3A_199 = tpu.memref_squeeze %dma_start3A_198 : memref<1x64x512xf32, #tpu.memory_space<hbm>> -> memref<64x512xf32, #tpu.memory_space<hbm>>
    tpu.enqueue_dma source(%arg6 : memref<64x512xf32, #tpu.memory_space<vmem>>) target(%dma_start3A_199 : memref<64x512xf32, #tpu.memory_space<hbm>>) target_semaphore(%arg15 : memref<!tpu.dma_semaphore, #tpu.memory_space<semaphore_mem>>)
    %dma_start3A_200 = arith.constant 0 : i32
    %dma_start3A_201 = arith.constant 0 : i32
    %dma_start3A_202 = tpu.memref_slice %arg2[%dma_start3A_200, %add3A_12, %dma_start3A_201] : memref<5x16384x512xf32, #tpu.memory_space<hbm>> -> memref<1x64x512xf32, #tpu.memory_space<hbm>>
    %dma_start3A_203 = tpu.memref_squeeze %dma_start3A_202 : memref<1x64x512xf32, #tpu.memory_space<hbm>> -> memref<64x512xf32, #tpu.memory_space<hbm>>
    %dma_start3A_204 = arith.constant 0 : i32
    %dma_start3A_205 = tpu.memref_slice %arg2[%dma_start3A_200, %add3A_12, %dma_start3A_204] : memref<5x16384x512xf32, #tpu.memory_space<hbm>> -> memref<1x64x512xf32, #tpu.memory_space<hbm>>
    %dma_start3A_206 = tpu.memref_squeeze %dma_start3A_205 : memref<1x64x512xf32, #tpu.memory_space<hbm>> -> memref<64x512xf32, #tpu.memory_space<hbm>>
    tpu.enqueue_dma source(%dma_start3A_206 : memref<64x512xf32, #tpu.memory_space<hbm>>) target(%arg5 : memref<64x512xf32, #tpu.memory_space<vmem>>) target_semaphore(%arg8 : memref<!tpu.dma_semaphore, #tpu.memory_space<semaphore_mem>>)
    %dma_wait3A_207 = arith.constant 0 : i32
    %dma_wait3A_208 = arith.constant 0 : i32
    %dma_wait3A_209 = tpu.memref_slice %arg2[%dma_wait3A_207, %add3A_10, %dma_wait3A_208] : memref<5x16384x512xf32, #tpu.memory_space<hbm>> -> memref<1x64x512xf32, #tpu.memory_space<hbm>>
    %dma_wait3A_210 = tpu.memref_squeeze %dma_wait3A_209 : memref<1x64x512xf32, #tpu.memory_space<hbm>> -> memref<64x512xf32, #tpu.memory_space<hbm>>
    %dma_wait3A_211 = arith.constant 0 : i32
    %dma_wait3A_212 = tpu.memref_slice %arg2[%dma_wait3A_207, %add3A_10, %dma_wait3A_211] : memref<5x16384x512xf32, #tpu.memory_space<hbm>> -> memref<1x64x512xf32, #tpu.memory_space<hbm>>
    %dma_wait3A_213 = tpu.memref_squeeze %dma_wait3A_212 : memref<1x64x512xf32, #tpu.memory_space<hbm>> -> memref<64x512xf32, #tpu.memory_space<hbm>>
    tpu.wait_dma2 semaphore(%arg7 : memref<!tpu.dma_semaphore, #tpu.memory_space<semaphore_mem>>) src(%dma_wait3A_213 : memref<64x512xf32, #tpu.memory_space<hbm>>) dst(%arg4 : memref<64x512xf32, #tpu.memory_space<vmem>>)
    %dma_wait3A_214 = arith.constant 0 : i32
    %dma_wait3A_215 = arith.constant 0 : i32
    %dma_wait3A_216 = tpu.memref_slice %arg3[%dma_wait3A_214, %add3A_8, %dma_wait3A_215] : memref<10x16384x512xf32, #tpu.memory_space<hbm>> -> memref<1x64x512xf32, #tpu.memory_space<hbm>>
    %dma_wait3A_217 = tpu.memref_squeeze %dma_wait3A_216 : memref<1x64x512xf32, #tpu.memory_space<hbm>> -> memref<64x512xf32, #tpu.memory_space<hbm>>
    %dma_wait3A_218 = arith.constant 0 : i32
    %dma_wait3A_219 = tpu.memref_slice %arg3[%dma_wait3A_214, %add3A_8, %dma_wait3A_218] : memref<10x16384x512xf32, #tpu.memory_space<hbm>> -> memref<1x64x512xf32, #tpu.memory_space<hbm>>
    %dma_wait3A_220 = tpu.memref_squeeze %dma_wait3A_219 : memref<1x64x512xf32, #tpu.memory_space<hbm>> -> memref<64x512xf32, #tpu.memory_space<hbm>>
    tpu.wait_dma2 semaphore(%arg12 : memref<!tpu.dma_semaphore, #tpu.memory_space<semaphore_mem>>) src(%arg6 : memref<64x512xf32, #tpu.memory_space<vmem>>) dst(%dma_wait3A_220 : memref<64x512xf32, #tpu.memory_space<hbm>>)
    %dma_wait3A_221 = arith.constant 1 : i32
    %dma_wait3A_222 = arith.constant 0 : i32
    %dma_wait3A_223 = tpu.memref_slice %arg3[%dma_wait3A_221, %add3A_8, %dma_wait3A_222] : memref<10x16384x512xf32, #tpu.memory_space<hbm>> -> memref<1x64x512xf32, #tpu.memory_space<hbm>>
    %dma_wait3A_224 = tpu.memref_squeeze %dma_wait3A_223 : memref<1x64x512xf32, #tpu.memory_space<hbm>> -> memref<64x512xf32, #tpu.memory_space<hbm>>
    %dma_wait3A_225 = arith.constant 0 : i32
    %dma_wait3A_226 = tpu.memref_slice %arg3[%dma_wait3A_221, %add3A_8, %dma_wait3A_225] : memref<10x16384x512xf32, #tpu.memory_space<hbm>> -> memref<1x64x512xf32, #tpu.memory_space<hbm>>
    %dma_wait3A_227 = tpu.memref_squeeze %dma_wait3A_226 : memref<1x64x512xf32, #tpu.memory_space<hbm>> -> memref<64x512xf32, #tpu.memory_space<hbm>>
    tpu.wait_dma2 semaphore(%arg15 : memref<!tpu.dma_semaphore, #tpu.memory_space<semaphore_mem>>) src(%arg6 : memref<64x512xf32, #tpu.memory_space<vmem>>) dst(%dma_wait3A_227 : memref<64x512xf32, #tpu.memory_space<hbm>>)
    %dma_start3A_228 = arith.constant 0 : i32
    %dma_start3A_229 = arith.constant 0 : i32
    %dma_start3A_230 = tpu.memref_slice %arg3[%dma_start3A_228, %add3A_10, %dma_start3A_229] : memref<10x16384x512xf32, #tpu.memory_space<hbm>> -> memref<1x64x512xf32, #tpu.memory_space<hbm>>
    %dma_start3A_231 = tpu.memref_squeeze %dma_start3A_230 : memref<1x64x512xf32, #tpu.memory_space<hbm>> -> memref<64x512xf32, #tpu.memory_space<hbm>>
    %dma_start3A_232 = arith.constant 0 : i32
    %dma_start3A_233 = tpu.memref_slice %arg3[%dma_start3A_228, %add3A_10, %dma_start3A_232] : memref<10x16384x512xf32, #tpu.memory_space<hbm>> -> memref<1x64x512xf32, #tpu.memory_space<hbm>>
    %dma_start3A_234 = tpu.memref_squeeze %dma_start3A_233 : memref<1x64x512xf32, #tpu.memory_space<hbm>> -> memref<64x512xf32, #tpu.memory_space<hbm>>
    tpu.enqueue_dma source(%arg4 : memref<64x512xf32, #tpu.memory_space<vmem>>) target(%dma_start3A_234 : memref<64x512xf32, #tpu.memory_space<hbm>>) target_semaphore(%arg10 : memref<!tpu.dma_semaphore, #tpu.memory_space<semaphore_mem>>)
    %dma_start3A_235 = arith.constant 1 : i32
    %dma_start3A_236 = arith.constant 0 : i32
    %dma_start3A_237 = tpu.memref_slice %arg3[%dma_start3A_235, %add3A_10, %dma_start3A_236] : memref<10x16384x512xf32, #tpu.memory_space<hbm>> -> memref<1x64x512xf32, #tpu.memory_space<hbm>>
    %dma_start3A_238 = tpu.memref_squeeze %dma_start3A_237 : memref<1x64x512xf32, #tpu.memory_space<hbm>> -> memref<64x512xf32, #tpu.memory_space<hbm>>
    %dma_start3A_239 = arith.constant 0 : i32
    %dma_start3A_240 = tpu.memref_slice %arg3[%dma_start3A_235, %add3A_10, %dma_start3A_239] : memref<10x16384x512xf32, #tpu.memory_space<hbm>> -> memref<1x64x512xf32, #tpu.memory_space<hbm>>
    %dma_start3A_241 = tpu.memref_squeeze %dma_start3A_240 : memref<1x64x512xf32, #tpu.memory_space<hbm>> -> memref<64x512xf32, #tpu.memory_space<hbm>>
    tpu.enqueue_dma source(%arg4 : memref<64x512xf32, #tpu.memory_space<vmem>>) target(%dma_start3A_241 : memref<64x512xf32, #tpu.memory_space<hbm>>) target_semaphore(%arg13 : memref<!tpu.dma_semaphore, #tpu.memory_space<semaphore_mem>>)
    %dma_start3A_242 = arith.constant 0 : i32
    %dma_start3A_243 = arith.constant 0 : i32
    %dma_start3A_244 = tpu.memref_slice %arg2[%dma_start3A_242, %add3A_14, %dma_start3A_243] : memref<5x16384x512xf32, #tpu.memory_space<hbm>> -> memref<1x64x512xf32, #tpu.memory_space<hbm>>
    %dma_start3A_245 = tpu.memref_squeeze %dma_start3A_244 : memref<1x64x512xf32, #tpu.memory_space<hbm>> -> memref<64x512xf32, #tpu.memory_space<hbm>>
    %dma_start3A_246 = arith.constant 0 : i32
    %dma_start3A_247 = tpu.memref_slice %arg2[%dma_start3A_242, %add3A_14, %dma_start3A_246] : memref<5x16384x512xf32, #tpu.memory_space<hbm>> -> memref<1x64x512xf32, #tpu.memory_space<hbm>>
    %dma_start3A_248 = tpu.memref_squeeze %dma_start3A_247 : memref<1x64x512xf32, #tpu.memory_space<hbm>> -> memref<64x512xf32, #tpu.memory_space<hbm>>
    tpu.enqueue_dma source(%dma_start3A_248 : memref<64x512xf32, #tpu.memory_space<hbm>>) target(%arg6 : memref<64x512xf32, #tpu.memory_space<vmem>>) target_semaphore(%arg9 : memref<!tpu.dma_semaphore, #tpu.memory_space<semaphore_mem>>)
    %dma_wait3A_249 = arith.constant 0 : i32
    %dma_wait3A_250 = arith.constant 0 : i32
    %dma_wait3A_251 = tpu.memref_slice %arg2[%dma_wait3A_249, %add3A_12, %dma_wait3A_250] : memref<5x16384x512xf32, #tpu.memory_space<hbm>> -> memref<1x64x512xf32, #tpu.memory_space<hbm>>
    %dma_wait3A_252 = tpu.memref_squeeze %dma_wait3A_251 : memref<1x64x512xf32, #tpu.memory_space<hbm>> -> memref<64x512xf32, #tpu.memory_space<hbm>>
    %dma_wait3A_253 = arith.constant 0 : i32
    %dma_wait3A_254 = tpu.memref_slice %arg2[%dma_wait3A_249, %add3A_12, %dma_wait3A_253] : memref<5x16384x512xf32, #tpu.memory_space<hbm>> -> memref<1x64x512xf32, #tpu.memory_space<hbm>>
    %dma_wait3A_255 = tpu.memref_squeeze %dma_wait3A_254 : memref<1x64x512xf32, #tpu.memory_space<hbm>> -> memref<64x512xf32, #tpu.memory_space<hbm>>
    tpu.wait_dma2 semaphore(%arg8 : memref<!tpu.dma_semaphore, #tpu.memory_space<semaphore_mem>>) src(%dma_wait3A_255 : memref<64x512xf32, #tpu.memory_space<hbm>>) dst(%arg5 : memref<64x512xf32, #tpu.memory_space<vmem>>)
    %dma_wait3A_256 = arith.constant 0 : i32
    %dma_wait3A_257 = arith.constant 0 : i32
    %dma_wait3A_258 = tpu.memref_slice %arg3[%dma_wait3A_256, %add3A_10, %dma_wait3A_257] : memref<10x16384x512xf32, #tpu.memory_space<hbm>> -> memref<1x64x512xf32, #tpu.memory_space<hbm>>
    %dma_wait3A_259 = tpu.memref_squeeze %dma_wait3A_258 : memref<1x64x512xf32, #tpu.memory_space<hbm>> -> memref<64x512xf32, #tpu.memory_space<hbm>>
    %dma_wait3A_260 = arith.constant 0 : i32
    %dma_wait3A_261 = tpu.memref_slice %arg3[%dma_wait3A_256, %add3A_10, %dma_wait3A_260] : memref<10x16384x512xf32, #tpu.memory_space<hbm>> -> memref<1x64x512xf32, #tpu.memory_space<hbm>>
    %dma_wait3A_262 = tpu.memref_squeeze %dma_wait3A_261 : memref<1x64x512xf32, #tpu.memory_space<hbm>> -> memref<64x512xf32, #tpu.memory_space<hbm>>
    tpu.wait_dma2 semaphore(%arg10 : memref<!tpu.dma_semaphore, #tpu.memory_space<semaphore_mem>>) src(%arg4 : memref<64x512xf32, #tpu.memory_space<vmem>>) dst(%dma_wait3A_262 : memref<64x512xf32, #tpu.memory_space<hbm>>)
    %dma_wait3A_263 = arith.constant 1 : i32
    %dma_wait3A_264 = arith.constant 0 : i32
    %dma_wait3A_265 = tpu.memref_slice %arg3[%dma_wait3A_263, %add3A_10, %dma_wait3A_264] : memref<10x16384x512xf32, #tpu.memory_space<hbm>> -> memref<1x64x512xf32, #tpu.memory_space<hbm>>
    %dma_wait3A_266 = tpu.memref_squeeze %dma_wait3A_265 : memref<1x64x512xf32, #tpu.memory_space<hbm>> -> memref<64x512xf32, #tpu.memory_space<hbm>>
    %dma_wait3A_267 = arith.constant 0 : i32
    %dma_wait3A_268 = tpu.memref_slice %arg3[%dma_wait3A_263, %add3A_10, %dma_wait3A_267] : memref<10x16384x512xf32, #tpu.memory_space<hbm>> -> memref<1x64x512xf32, #tpu.memory_space<hbm>>
    %dma_wait3A_269 = tpu.memref_squeeze %dma_wait3A_268 : memref<1x64x512xf32, #tpu.memory_space<hbm>> -> memref<64x512xf32, #tpu.memory_space<hbm>>
    tpu.wait_dma2 semaphore(%arg13 : memref<!tpu.dma_semaphore, #tpu.memory_space<semaphore_mem>>) src(%arg4 : memref<64x512xf32, #tpu.memory_space<vmem>>) dst(%dma_wait3A_269 : memref<64x512xf32, #tpu.memory_space<hbm>>)
    %dma_start3A_270 = arith.constant 0 : i32
    %dma_start3A_271 = arith.constant 0 : i32
    %dma_start3A_272 = tpu.memref_slice %arg3[%dma_start3A_270, %add3A_12, %dma_start3A_271] : memref<10x16384x512xf32, #tpu.memory_space<hbm>> -> memref<1x64x512xf32, #tpu.memory_space<hbm>>
    %dma_start3A_273 = tpu.memref_squeeze %dma_start3A_272 : memref<1x64x512xf32, #tpu.memory_space<hbm>> -> memref<64x512xf32, #tpu.memory_space<hbm>>
    %dma_start3A_274 = arith.constant 0 : i32
    %dma_start3A_275 = tpu.memref_slice %arg3[%dma_start3A_270, %add3A_12, %dma_start3A_274] : memref<10x16384x512xf32, #tpu.memory_space<hbm>> -> memref<1x64x512xf32, #tpu.memory_space<hbm>>
    %dma_start3A_276 = tpu.memref_squeeze %dma_start3A_275 : memref<1x64x512xf32, #tpu.memory_space<hbm>> -> memref<64x512xf32, #tpu.memory_space<hbm>>
    tpu.enqueue_dma source(%arg5 : memref<64x512xf32, #tpu.memory_space<vmem>>) target(%dma_start3A_276 : memref<64x512xf32, #tpu.memory_space<hbm>>) target_semaphore(%arg11 : memref<!tpu.dma_semaphore, #tpu.memory_space<semaphore_mem>>)
    %dma_start3A_277 = arith.constant 1 : i32
    %dma_start3A_278 = arith.constant 0 : i32
    %dma_start3A_279 = tpu.memref_slice %arg3[%dma_start3A_277, %add3A_12, %dma_start3A_278] : memref<10x16384x512xf32, #tpu.memory_space<hbm>> -> memref<1x64x512xf32, #tpu.memory_space<hbm>>
    %dma_start3A_280 = tpu.memref_squeeze %dma_start3A_279 : memref<1x64x512xf32, #tpu.memory_space<hbm>> -> memref<64x512xf32, #tpu.memory_space<hbm>>
    %dma_start3A_281 = arith.constant 0 : i32
    %dma_start3A_282 = tpu.memref_slice %arg3[%dma_start3A_277, %add3A_12, %dma_start3A_281] : memref<10x16384x512xf32, #tpu.memory_space<hbm>> -> memref<1x64x512xf32, #tpu.memory_space<hbm>>
    %dma_start3A_283 = tpu.memref_squeeze %dma_start3A_282 : memref<1x64x512xf32, #tpu.memory_space<hbm>> -> memref<64x512xf32, #tpu.memory_space<hbm>>
    tpu.enqueue_dma source(%arg5 : memref<64x512xf32, #tpu.memory_space<vmem>>) target(%dma_start3A_283 : memref<64x512xf32, #tpu.memory_space<hbm>>) target_semaphore(%arg14 : memref<!tpu.dma_semaphore, #tpu.memory_space<semaphore_mem>>)
    %dma_start3A_284 = arith.constant 0 : i32
    %dma_start3A_285 = arith.constant 0 : i32
    %dma_start3A_286 = tpu.memref_slice %arg2[%dma_start3A_284, %add3A_16, %dma_start3A_285] : memref<5x16384x512xf32, #tpu.memory_space<hbm>> -> memref<1x64x512xf32, #tpu.memory_space<hbm>>
    %dma_start3A_287 = tpu.memref_squeeze %dma_start3A_286 : memref<1x64x512xf32, #tpu.memory_space<hbm>> -> memref<64x512xf32, #tpu.memory_space<hbm>>
    %dma_start3A_288 = arith.constant 0 : i32
    %dma_start3A_289 = tpu.memref_slice %arg2[%dma_start3A_284, %add3A_16, %dma_start3A_288] : memref<5x16384x512xf32, #tpu.memory_space<hbm>> -> memref<1x64x512xf32, #tpu.memory_space<hbm>>
    %dma_start3A_290 = tpu.memref_squeeze %dma_start3A_289 : memref<1x64x512xf32, #tpu.memory_space<hbm>> -> memref<64x512xf32, #tpu.memory_space<hbm>>
    tpu.enqueue_dma source(%dma_start3A_290 : memref<64x512xf32, #tpu.memory_space<hbm>>) target(%arg4 : memref<64x512xf32, #tpu.memory_space<vmem>>) target_semaphore(%arg7 : memref<!tpu.dma_semaphore, #tpu.memory_space<semaphore_mem>>)
    %dma_wait3A_291 = arith.constant 0 : i32
    %dma_wait3A_292 = arith.constant 0 : i32
    %dma_wait3A_293 = tpu.memref_slice %arg2[%dma_wait3A_291, %add3A_14, %dma_wait3A_292] : memref<5x16384x512xf32, #tpu.memory_space<hbm>> -> memref<1x64x512xf32, #tpu.memory_space<hbm>>
    %dma_wait3A_294 = tpu.memref_squeeze %dma_wait3A_293 : memref<1x64x512xf32, #tpu.memory_space<hbm>> -> memref<64x512xf32, #tpu.memory_space<hbm>>
    %dma_wait3A_295 = arith.constant 0 : i32
    %dma_wait3A_296 = tpu.memref_slice %arg2[%dma_wait3A_291, %add3A_14, %dma_wait3A_295] : memref<5x16384x512xf32, #tpu.memory_space<hbm>> -> memref<1x64x512xf32, #tpu.memory_space<hbm>>
    %dma_wait3A_297 = tpu.memref_squeeze %dma_wait3A_296 : memref<1x64x512xf32, #tpu.memory_space<hbm>> -> memref<64x512xf32, #tpu.memory_space<hbm>>
    tpu.wait_dma2 semaphore(%arg9 : memref<!tpu.dma_semaphore, #tpu.memory_space<semaphore_mem>>) src(%dma_wait3A_297 : memref<64x512xf32, #tpu.memory_space<hbm>>) dst(%arg6 : memref<64x512xf32, #tpu.memory_space<vmem>>)
    %dma_wait3A_298 = arith.constant 0 : i32
    %dma_wait3A_299 = arith.constant 0 : i32
    %dma_wait3A_300 = tpu.memref_slice %arg3[%dma_wait3A_298, %add3A_12, %dma_wait3A_299] : memref<10x16384x512xf32, #tpu.memory_space<hbm>> -> memref<1x64x512xf32, #tpu.memory_space<hbm>>
    %dma_wait3A_301 = tpu.memref_squeeze %dma_wait3A_300 : memref<1x64x512xf32, #tpu.memory_space<hbm>> -> memref<64x512xf32, #tpu.memory_space<hbm>>
    %dma_wait3A_302 = arith.constant 0 : i32
    %dma_wait3A_303 = tpu.memref_slice %arg3[%dma_wait3A_298, %add3A_12, %dma_wait3A_302] : memref<10x16384x512xf32, #tpu.memory_space<hbm>> -> memref<1x64x512xf32, #tpu.memory_space<hbm>>
    %dma_wait3A_304 = tpu.memref_squeeze %dma_wait3A_303 : memref<1x64x512xf32, #tpu.memory_space<hbm>> -> memref<64x512xf32, #tpu.memory_space<hbm>>
    tpu.wait_dma2 semaphore(%arg11 : memref<!tpu.dma_semaphore, #tpu.memory_space<semaphore_mem>>) src(%arg5 : memref<64x512xf32, #tpu.memory_space<vmem>>) dst(%dma_wait3A_304 : memref<64x512xf32, #tpu.memory_space<hbm>>)
    %dma_wait3A_305 = arith.constant 1 : i32
    %dma_wait3A_306 = arith.constant 0 : i32
    %dma_wait3A_307 = tpu.memref_slice %arg3[%dma_wait3A_305, %add3A_12, %dma_wait3A_306] : memref<10x16384x512xf32, #tpu.memory_space<hbm>> -> memref<1x64x512xf32, #tpu.memory_space<hbm>>
    %dma_wait3A_308 = tpu.memref_squeeze %dma_wait3A_307 : memref<1x64x512xf32, #tpu.memory_space<hbm>> -> memref<64x512xf32, #tpu.memory_space<hbm>>
    %dma_wait3A_309 = arith.constant 0 : i32
    %dma_wait3A_310 = tpu.memref_slice %arg3[%dma_wait3A_305, %add3A_12, %dma_wait3A_309] : memref<10x16384x512xf32, #tpu.memory_space<hbm>> -> memref<1x64x512xf32, #tpu.memory_space<hbm>>
    %dma_wait3A_311 = tpu.memref_squeeze %dma_wait3A_310 : memref<1x64x512xf32, #tpu.memory_space<hbm>> -> memref<64x512xf32, #tpu.memory_space<hbm>>
    tpu.wait_dma2 semaphore(%arg14 : memref<!tpu.dma_semaphore, #tpu.memory_space<semaphore_mem>>) src(%arg5 : memref<64x512xf32, #tpu.memory_space<vmem>>) dst(%dma_wait3A_311 : memref<64x512xf32, #tpu.memory_space<hbm>>)
    %dma_start3A_312 = arith.constant 0 : i32
    %dma_start3A_313 = arith.constant 0 : i32
    %dma_start3A_314 = tpu.memref_slice %arg3[%dma_start3A_312, %add3A_14, %dma_start3A_313] : memref<10x16384x512xf32, #tpu.memory_space<hbm>> -> memref<1x64x512xf32, #tpu.memory_space<hbm>>
    %dma_start3A_315 = tpu.memref_squeeze %dma_start3A_314 : memref<1x64x512xf32, #tpu.memory_space<hbm>> -> memref<64x512xf32, #tpu.memory_space<hbm>>
    %dma_start3A_316 = arith.constant 0 : i32
    %dma_start3A_317 = tpu.memref_slice %arg3[%dma_start3A_312, %add3A_14, %dma_start3A_316] : memref<10x16384x512xf32, #tpu.memory_space<hbm>> -> memref<1x64x512xf32, #tpu.memory_space<hbm>>
    %dma_start3A_318 = tpu.memref_squeeze %dma_start3A_317 : memref<1x64x512xf32, #tpu.memory_space<hbm>> -> memref<64x512xf32, #tpu.memory_space<hbm>>
    tpu.enqueue_dma source(%arg6 : memref<64x512xf32, #tpu.memory_space<vmem>>) target(%dma_start3A_318 : memref<64x512xf32, #tpu.memory_space<hbm>>) target_semaphore(%arg12 : memref<!tpu.dma_semaphore, #tpu.memory_space<semaphore_mem>>)
    %dma_start3A_319 = arith.constant 1 : i32
    %dma_start3A_320 = arith.constant 0 : i32
    %dma_start3A_321 = tpu.memref_slice %arg3[%dma_start3A_319, %add3A_14, %dma_start3A_320] : memref<10x16384x512xf32, #tpu.memory_space<hbm>> -> memref<1x64x512xf32, #tpu.memory_space<hbm>>
    %dma_start3A_322 = tpu.memref_squeeze %dma_start3A_321 : memref<1x64x512xf32, #tpu.memory_space<hbm>> -> memref<64x512xf32, #tpu.memory_space<hbm>>
    %dma_start3A_323 = arith.constant 0 : i32
    %dma_start3A_324 = tpu.memref_slice %arg3[%dma_start3A_319, %add3A_14, %dma_start3A_323] : memref<10x16384x512xf32, #tpu.memory_space<hbm>> -> memref<1x64x512xf32, #tpu.memory_space<hbm>>
    %dma_start3A_325 = tpu.memref_squeeze %dma_start3A_324 : memref<1x64x512xf32, #tpu.memory_space<hbm>> -> memref<64x512xf32, #tpu.memory_space<hbm>>
    tpu.enqueue_dma source(%arg6 : memref<64x512xf32, #tpu.memory_space<vmem>>) target(%dma_start3A_325 : memref<64x512xf32, #tpu.memory_space<hbm>>) target_semaphore(%arg15 : memref<!tpu.dma_semaphore, #tpu.memory_space<semaphore_mem>>)
    %dma_start3A_326 = arith.constant 0 : i32
    %dma_start3A_327 = arith.constant 0 : i32
    %dma_start3A_328 = tpu.memref_slice %arg2[%dma_start3A_326, %add3A_18, %dma_start3A_327] : memref<5x16384x512xf32, #tpu.memory_space<hbm>> -> memref<1x64x512xf32, #tpu.memory_space<hbm>>
    %dma_start3A_329 = tpu.memref_squeeze %dma_start3A_328 : memref<1x64x512xf32, #tpu.memory_space<hbm>> -> memref<64x512xf32, #tpu.memory_space<hbm>>
    %dma_start3A_330 = arith.constant 0 : i32
    %dma_start3A_331 = tpu.memref_slice %arg2[%dma_start3A_326, %add3A_18, %dma_start3A_330] : memref<5x16384x512xf32, #tpu.memory_space<hbm>> -> memref<1x64x512xf32, #tpu.memory_space<hbm>>
    %dma_start3A_332 = tpu.memref_squeeze %dma_start3A_331 : memref<1x64x512xf32, #tpu.memory_space<hbm>> -> memref<64x512xf32, #tpu.memory_space<hbm>>
    tpu.enqueue_dma source(%dma_start3A_332 : memref<64x512xf32, #tpu.memory_space<hbm>>) target(%arg5 : memref<64x512xf32, #tpu.memory_space<vmem>>) target_semaphore(%arg8 : memref<!tpu.dma_semaphore, #tpu.memory_space<semaphore_mem>>)
    %dma_wait3A_333 = arith.constant 0 : i32
    %dma_wait3A_334 = arith.constant 0 : i32
    %dma_wait3A_335 = tpu.memref_slice %arg2[%dma_wait3A_333, %add3A_16, %dma_wait3A_334] : memref<5x16384x512xf32, #tpu.memory_space<hbm>> -> memref<1x64x512xf32, #tpu.memory_space<hbm>>
    %dma_wait3A_336 = tpu.memref_squeeze %dma_wait3A_335 : memref<1x64x512xf32, #tpu.memory_space<hbm>> -> memref<64x512xf32, #tpu.memory_space<hbm>>
    %dma_wait3A_337 = arith.constant 0 : i32
    %dma_wait3A_338 = tpu.memref_slice %arg2[%dma_wait3A_333, %add3A_16, %dma_wait3A_337] : memref<5x16384x512xf32, #tpu.memory_space<hbm>> -> memref<1x64x512xf32, #tpu.memory_space<hbm>>
    %dma_wait3A_339 = tpu.memref_squeeze %dma_wait3A_338 : memref<1x64x512xf32, #tpu.memory_space<hbm>> -> memref<64x512xf32, #tpu.memory_space<hbm>>
    tpu.wait_dma2 semaphore(%arg7 : memref<!tpu.dma_semaphore, #tpu.memory_space<semaphore_mem>>) src(%dma_wait3A_339 : memref<64x512xf32, #tpu.memory_space<hbm>>) dst(%arg4 : memref<64x512xf32, #tpu.memory_space<vmem>>)
    %dma_wait3A_340 = arith.constant 0 : i32
    %dma_wait3A_341 = arith.constant 0 : i32
    %dma_wait3A_342 = tpu.memref_slice %arg3[%dma_wait3A_340, %add3A_14, %dma_wait3A_341] : memref<10x16384x512xf32, #tpu.memory_space<hbm>> -> memref<1x64x512xf32, #tpu.memory_space<hbm>>
    %dma_wait3A_343 = tpu.memref_squeeze %dma_wait3A_342 : memref<1x64x512xf32, #tpu.memory_space<hbm>> -> memref<64x512xf32, #tpu.memory_space<hbm>>
    %dma_wait3A_344 = arith.constant 0 : i32
    %dma_wait3A_345 = tpu.memref_slice %arg3[%dma_wait3A_340, %add3A_14, %dma_wait3A_344] : memref<10x16384x512xf32, #tpu.memory_space<hbm>> -> memref<1x64x512xf32, #tpu.memory_space<hbm>>
    %dma_wait3A_346 = tpu.memref_squeeze %dma_wait3A_345 : memref<1x64x512xf32, #tpu.memory_space<hbm>> -> memref<64x512xf32, #tpu.memory_space<hbm>>
    tpu.wait_dma2 semaphore(%arg12 : memref<!tpu.dma_semaphore, #tpu.memory_space<semaphore_mem>>) src(%arg6 : memref<64x512xf32, #tpu.memory_space<vmem>>) dst(%dma_wait3A_346 : memref<64x512xf32, #tpu.memory_space<hbm>>)
    %dma_wait3A_347 = arith.constant 1 : i32
    %dma_wait3A_348 = arith.constant 0 : i32
    %dma_wait3A_349 = tpu.memref_slice %arg3[%dma_wait3A_347, %add3A_14, %dma_wait3A_348] : memref<10x16384x512xf32, #tpu.memory_space<hbm>> -> memref<1x64x512xf32, #tpu.memory_space<hbm>>
    %dma_wait3A_350 = tpu.memref_squeeze %dma_wait3A_349 : memref<1x64x512xf32, #tpu.memory_space<hbm>> -> memref<64x512xf32, #tpu.memory_space<hbm>>
    %dma_wait3A_351 = arith.constant 0 : i32
    %dma_wait3A_352 = tpu.memref_slice %arg3[%dma_wait3A_347, %add3A_14, %dma_wait3A_351] : memref<10x16384x512xf32, #tpu.memory_space<hbm>> -> memref<1x64x512xf32, #tpu.memory_space<hbm>>
    %dma_wait3A_353 = tpu.memref_squeeze %dma_wait3A_352 : memref<1x64x512xf32, #tpu.memory_space<hbm>> -> memref<64x512xf32, #tpu.memory_space<hbm>>
    tpu.wait_dma2 semaphore(%arg15 : memref<!tpu.dma_semaphore, #tpu.memory_space<semaphore_mem>>) src(%arg6 : memref<64x512xf32, #tpu.memory_space<vmem>>) dst(%dma_wait3A_353 : memref<64x512xf32, #tpu.memory_space<hbm>>)
    %dma_start3A_354 = arith.constant 0 : i32
    %dma_start3A_355 = arith.constant 0 : i32
    %dma_start3A_356 = tpu.memref_slice %arg3[%dma_start3A_354, %add3A_16, %dma_start3A_355] : memref<10x16384x512xf32, #tpu.memory_space<hbm>> -> memref<1x64x512xf32, #tpu.memory_space<hbm>>
    %dma_start3A_357 = tpu.memref_squeeze %dma_start3A_356 : memref<1x64x512xf32, #tpu.memory_space<hbm>> -> memref<64x512xf32, #tpu.memory_space<hbm>>
    %dma_start3A_358 = arith.constant 0 : i32
    %dma_start3A_359 = tpu.memref_slice %arg3[%dma_start3A_354, %add3A_16, %dma_start3A_358] : memref<10x16384x512xf32, #tpu.memory_space<hbm>> -> memref<1x64x512xf32, #tpu.memory_space<hbm>>
    %dma_start3A_360 = tpu.memref_squeeze %dma_start3A_359 : memref<1x64x512xf32, #tpu.memory_space<hbm>> -> memref<64x512xf32, #tpu.memory_space<hbm>>
    tpu.enqueue_dma source(%arg4 : memref<64x512xf32, #tpu.memory_space<vmem>>) target(%dma_start3A_360 : memref<64x512xf32, #tpu.memory_space<hbm>>) target_semaphore(%arg10 : memref<!tpu.dma_semaphore, #tpu.memory_space<semaphore_mem>>)
    %dma_start3A_361 = arith.constant 1 : i32
    %dma_start3A_362 = arith.constant 0 : i32
    %dma_start3A_363 = tpu.memref_slice %arg3[%dma_start3A_361, %add3A_16, %dma_start3A_362] : memref<10x16384x512xf32, #tpu.memory_space<hbm>> -> memref<1x64x512xf32, #tpu.memory_space<hbm>>
    %dma_start3A_364 = tpu.memref_squeeze %dma_start3A_363 : memref<1x64x512xf32, #tpu.memory_space<hbm>> -> memref<64x512xf32, #tpu.memory_space<hbm>>
    %dma_start3A_365 = arith.constant 0 : i32
    %dma_start3A_366 = tpu.memref_slice %arg3[%dma_start3A_361, %add3A_16, %dma_start3A_365] : memref<10x16384x512xf32, #tpu.memory_space<hbm>> -> memref<1x64x512xf32, #tpu.memory_space<hbm>>
    %dma_start3A_367 = tpu.memref_squeeze %dma_start3A_366 : memref<1x64x512xf32, #tpu.memory_space<hbm>> -> memref<64x512xf32, #tpu.memory_space<hbm>>
    tpu.enqueue_dma source(%arg4 : memref<64x512xf32, #tpu.memory_space<vmem>>) target(%dma_start3A_367 : memref<64x512xf32, #tpu.memory_space<hbm>>) target_semaphore(%arg13 : memref<!tpu.dma_semaphore, #tpu.memory_space<semaphore_mem>>)
    %dma_start3A_368 = arith.constant 1 : i32
    %dma_start3A_369 = arith.constant 0 : i32
    %dma_start3A_370 = tpu.memref_slice %arg2[%dma_start3A_368, %add3A_20, %dma_start3A_369] : memref<5x16384x512xf32, #tpu.memory_space<hbm>> -> memref<1x64x512xf32, #tpu.memory_space<hbm>>
    %dma_start3A_371 = tpu.memref_squeeze %dma_start3A_370 : memref<1x64x512xf32, #tpu.memory_space<hbm>> -> memref<64x512xf32, #tpu.memory_space<hbm>>
    %dma_start3A_372 = arith.constant 0 : i32
    %dma_start3A_373 = tpu.memref_slice %arg2[%dma_start3A_368, %add3A_20, %dma_start3A_372] : memref<5x16384x512xf32, #tpu.memory_space<hbm>> -> memref<1x64x512xf32, #tpu.memory_space<hbm>>
    %dma_start3A_374 = tpu.memref_squeeze %dma_start3A_373 : memref<1x64x512xf32, #tpu.memory_space<hbm>> -> memref<64x512xf32, #tpu.memory_space<hbm>>
    tpu.enqueue_dma source(%dma_start3A_374 : memref<64x512xf32, #tpu.memory_space<hbm>>) target(%arg6 : memref<64x512xf32, #tpu.memory_space<vmem>>) target_semaphore(%arg9 : memref<!tpu.dma_semaphore, #tpu.memory_space<semaphore_mem>>)
    %dma_wait3A_375 = arith.constant 0 : i32
    %dma_wait3A_376 = arith.constant 0 : i32
    %dma_wait3A_377 = tpu.memref_slice %arg2[%dma_wait3A_375, %add3A_18, %dma_wait3A_376] : memref<5x16384x512xf32, #tpu.memory_space<hbm>> -> memref<1x64x512xf32, #tpu.memory_space<hbm>>
    %dma_wait3A_378 = tpu.memref_squeeze %dma_wait3A_377 : memref<1x64x512xf32, #tpu.memory_space<hbm>> -> memref<64x512xf32, #tpu.memory_space<hbm>>
    %dma_wait3A_379 = arith.constant 0 : i32
    %dma_wait3A_380 = tpu.memref_slice %arg2[%dma_wait3A_375, %add3A_18, %dma_wait3A_379] : memref<5x16384x512xf32, #tpu.memory_space<hbm>> -> memref<1x64x512xf32, #tpu.memory_space<hbm>>
    %dma_wait3A_381 = tpu.memref_squeeze %dma_wait3A_380 : memref<1x64x512xf32, #tpu.memory_space<hbm>> -> memref<64x512xf32, #tpu.memory_space<hbm>>
    tpu.wait_dma2 semaphore(%arg8 : memref<!tpu.dma_semaphore, #tpu.memory_space<semaphore_mem>>) src(%dma_wait3A_381 : memref<64x512xf32, #tpu.memory_space<hbm>>) dst(%arg5 : memref<64x512xf32, #tpu.memory_space<vmem>>)
    %dma_wait3A_382 = arith.constant 0 : i32
    %dma_wait3A_383 = arith.constant 0 : i32
    %dma_wait3A_384 = tpu.memref_slice %arg3[%dma_wait3A_382, %add3A_16, %dma_wait3A_383] : memref<10x16384x512xf32, #tpu.memory_space<hbm>> -> memref<1x64x512xf32, #tpu.memory_space<hbm>>
    %dma_wait3A_385 = tpu.memref_squeeze %dma_wait3A_384 : memref<1x64x512xf32, #tpu.memory_space<hbm>> -> memref<64x512xf32, #tpu.memory_space<hbm>>
    %dma_wait3A_386 = arith.constant 0 : i32
    %dma_wait3A_387 = tpu.memref_slice %arg3[%dma_wait3A_382, %add3A_16, %dma_wait3A_386] : memref<10x16384x512xf32, #tpu.memory_space<hbm>> -> memref<1x64x512xf32, #tpu.memory_space<hbm>>
    %dma_wait3A_388 = tpu.memref_squeeze %dma_wait3A_387 : memref<1x64x512xf32, #tpu.memory_space<hbm>> -> memref<64x512xf32, #tpu.memory_space<hbm>>
    tpu.wait_dma2 semaphore(%arg10 : memref<!tpu.dma_semaphore, #tpu.memory_space<semaphore_mem>>) src(%arg4 : memref<64x512xf32, #tpu.memory_space<vmem>>) dst(%dma_wait3A_388 : memref<64x512xf32, #tpu.memory_space<hbm>>)
    %dma_wait3A_389 = arith.constant 1 : i32
    %dma_wait3A_390 = arith.constant 0 : i32
    %dma_wait3A_391 = tpu.memref_slice %arg3[%dma_wait3A_389, %add3A_16, %dma_wait3A_390] : memref<10x16384x512xf32, #tpu.memory_space<hbm>> -> memref<1x64x512xf32, #tpu.memory_space<hbm>>
    %dma_wait3A_392 = tpu.memref_squeeze %dma_wait3A_391 : memref<1x64x512xf32, #tpu.memory_space<hbm>> -> memref<64x512xf32, #tpu.memory_space<hbm>>
    %dma_wait3A_393 = arith.constant 0 : i32
    %dma_wait3A_394 = tpu.memref_slice %arg3[%dma_wait3A_389, %add3A_16, %dma_wait3A_393] : memref<10x16384x512xf32, #tpu.memory_space<hbm>> -> memref<1x64x512xf32, #tpu.memory_space<hbm>>
    %dma_wait3A_395 = tpu.memref_squeeze %dma_wait3A_394 : memref<1x64x512xf32, #tpu.memory_space<hbm>> -> memref<64x512xf32, #tpu.memory_space<hbm>>
    tpu.wait_dma2 semaphore(%arg13 : memref<!tpu.dma_semaphore, #tpu.memory_space<semaphore_mem>>) src(%arg4 : memref<64x512xf32, #tpu.memory_space<vmem>>) dst(%dma_wait3A_395 : memref<64x512xf32, #tpu.memory_space<hbm>>)
    %dma_start3A_396 = arith.constant 0 : i32
    %dma_start3A_397 = arith.constant 0 : i32
    %dma_start3A_398 = tpu.memref_slice %arg3[%dma_start3A_396, %add3A_18, %dma_start3A_397] : memref<10x16384x512xf32, #tpu.memory_space<hbm>> -> memref<1x64x512xf32, #tpu.memory_space<hbm>>
    %dma_start3A_399 = tpu.memref_squeeze %dma_start3A_398 : memref<1x64x512xf32, #tpu.memory_space<hbm>> -> memref<64x512xf32, #tpu.memory_space<hbm>>
    %dma_start3A_400 = arith.constant 0 : i32
    %dma_start3A_401 = tpu.memref_slice %arg3[%dma_start3A_396, %add3A_18, %dma_start3A_400] : memref<10x16384x512xf32, #tpu.memory_space<hbm>> -> memref<1x64x512xf32, #tpu.memory_space<hbm>>
    %dma_start3A_402 = tpu.memref_squeeze %dma_start3A_401 : memref<1x64x512xf32, #tpu.memory_space<hbm>> -> memref<64x512xf32, #tpu.memory_space<hbm>>
    tpu.enqueue_dma source(%arg5 : memref<64x512xf32, #tpu.memory_space<vmem>>) target(%dma_start3A_402 : memref<64x512xf32, #tpu.memory_space<hbm>>) target_semaphore(%arg11 : memref<!tpu.dma_semaphore, #tpu.memory_space<semaphore_mem>>)
    %dma_start3A_403 = arith.constant 1 : i32
    %dma_start3A_404 = arith.constant 0 : i32
    %dma_start3A_405 = tpu.memref_slice %arg3[%dma_start3A_403, %add3A_18, %dma_start3A_404] : memref<10x16384x512xf32, #tpu.memory_space<hbm>> -> memref<1x64x512xf32, #tpu.memory_space<hbm>>
    %dma_start3A_406 = tpu.memref_squeeze %dma_start3A_405 : memref<1x64x512xf32, #tpu.memory_space<hbm>> -> memref<64x512xf32, #tpu.memory_space<hbm>>
    %dma_start3A_407 = arith.constant 0 : i32
    %dma_start3A_408 = tpu.memref_slice %arg3[%dma_start3A_403, %add3A_18, %dma_start3A_407] : memref<10x16384x512xf32, #tpu.memory_space<hbm>> -> memref<1x64x512xf32, #tpu.memory_space<hbm>>
    %dma_start3A_409 = tpu.memref_squeeze %dma_start3A_408 : memref<1x64x512xf32, #tpu.memory_space<hbm>> -> memref<64x512xf32, #tpu.memory_space<hbm>>
    tpu.enqueue_dma source(%arg5 : memref<64x512xf32, #tpu.memory_space<vmem>>) target(%dma_start3A_409 : memref<64x512xf32, #tpu.memory_space<hbm>>) target_semaphore(%arg14 : memref<!tpu.dma_semaphore, #tpu.memory_space<semaphore_mem>>)
    %dma_start3A_410 = arith.constant 1 : i32
    %dma_start3A_411 = arith.constant 0 : i32
    %dma_start3A_412 = tpu.memref_slice %arg2[%dma_start3A_410, %add3A_22, %dma_start3A_411] : memref<5x16384x512xf32, #tpu.memory_space<hbm>> -> memref<1x64x512xf32, #tpu.memory_space<hbm>>
    %dma_start3A_413 = tpu.memref_squeeze %dma_start3A_412 : memref<1x64x512xf32, #tpu.memory_space<hbm>> -> memref<64x512xf32, #tpu.memory_space<hbm>>
    %dma_start3A_414 = arith.constant 0 : i32
    %dma_start3A_415 = tpu.memref_slice %arg2[%dma_start3A_410, %add3A_22, %dma_start3A_414] : memref<5x16384x512xf32, #tpu.memory_space<hbm>> -> memref<1x64x512xf32, #tpu.memory_space<hbm>>
    %dma_start3A_416 = tpu.memref_squeeze %dma_start3A_415 : memref<1x64x512xf32, #tpu.memory_space<hbm>> -> memref<64x512xf32, #tpu.memory_space<hbm>>
    tpu.enqueue_dma source(%dma_start3A_416 : memref<64x512xf32, #tpu.memory_space<hbm>>) target(%arg4 : memref<64x512xf32, #tpu.memory_space<vmem>>) target_semaphore(%arg7 : memref<!tpu.dma_semaphore, #tpu.memory_space<semaphore_mem>>)
    %dma_wait3A_417 = arith.constant 1 : i32
    %dma_wait3A_418 = arith.constant 0 : i32
    %dma_wait3A_419 = tpu.memref_slice %arg2[%dma_wait3A_417, %add3A_20, %dma_wait3A_418] : memref<5x16384x512xf32, #tpu.memory_space<hbm>> -> memref<1x64x512xf32, #tpu.memory_space<hbm>>
    %dma_wait3A_420 = tpu.memref_squeeze %dma_wait3A_419 : memref<1x64x512xf32, #tpu.memory_space<hbm>> -> memref<64x512xf32, #tpu.memory_space<hbm>>
    %dma_wait3A_421 = arith.constant 0 : i32
    %dma_wait3A_422 = tpu.memref_slice %arg2[%dma_wait3A_417, %add3A_20, %dma_wait3A_421] : memref<5x16384x512xf32, #tpu.memory_space<hbm>> -> memref<1x64x512xf32, #tpu.memory_space<hbm>>
    %dma_wait3A_423 = tpu.memref_squeeze %dma_wait3A_422 : memref<1x64x512xf32, #tpu.memory_space<hbm>> -> memref<64x512xf32, #tpu.memory_space<hbm>>
    tpu.wait_dma2 semaphore(%arg9 : memref<!tpu.dma_semaphore, #tpu.memory_space<semaphore_mem>>) src(%dma_wait3A_423 : memref<64x512xf32, #tpu.memory_space<hbm>>) dst(%arg6 : memref<64x512xf32, #tpu.memory_space<vmem>>)
    %dma_wait3A_424 = arith.constant 0 : i32
    %dma_wait3A_425 = arith.constant 0 : i32
    %dma_wait3A_426 = tpu.memref_slice %arg3[%dma_wait3A_424, %add3A_18, %dma_wait3A_425] : memref<10x16384x512xf32, #tpu.memory_space<hbm>> -> memref<1x64x512xf32, #tpu.memory_space<hbm>>
    %dma_wait3A_427 = tpu.memref_squeeze %dma_wait3A_426 : memref<1x64x512xf32, #tpu.memory_space<hbm>> -> memref<64x512xf32, #tpu.memory_space<hbm>>
    %dma_wait3A_428 = arith.constant 0 : i32
    %dma_wait3A_429 = tpu.memref_slice %arg3[%dma_wait3A_424, %add3A_18, %dma_wait3A_428] : memref<10x16384x512xf32, #tpu.memory_space<hbm>> -> memref<1x64x512xf32, #tpu.memory_space<hbm>>
    %dma_wait3A_430 = tpu.memref_squeeze %dma_wait3A_429 : memref<1x64x512xf32, #tpu.memory_space<hbm>> -> memref<64x512xf32, #tpu.memory_space<hbm>>
    tpu.wait_dma2 semaphore(%arg11 : memref<!tpu.dma_semaphore, #tpu.memory_space<semaphore_mem>>) src(%arg5 : memref<64x512xf32, #tpu.memory_space<vmem>>) dst(%dma_wait3A_430 : memref<64x512xf32, #tpu.memory_space<hbm>>)
    %dma_wait3A_431 = arith.constant 1 : i32
    %dma_wait3A_432 = arith.constant 0 : i32
    %dma_wait3A_433 = tpu.memref_slice %arg3[%dma_wait3A_431, %add3A_18, %dma_wait3A_432] : memref<10x16384x512xf32, #tpu.memory_space<hbm>> -> memref<1x64x512xf32, #tpu.memory_space<hbm>>
    %dma_wait3A_434 = tpu.memref_squeeze %dma_wait3A_433 : memref<1x64x512xf32, #tpu.memory_space<hbm>> -> memref<64x512xf32, #tpu.memory_space<hbm>>
    %dma_wait3A_435 = arith.constant 0 : i32
    %dma_wait3A_436 = tpu.memref_slice %arg3[%dma_wait3A_431, %add3A_18, %dma_wait3A_435] : memref<10x16384x512xf32, #tpu.memory_space<hbm>> -> memref<1x64x512xf32, #tpu.memory_space<hbm>>
    %dma_wait3A_437 = tpu.memref_squeeze %dma_wait3A_436 : memref<1x64x512xf32, #tpu.memory_space<hbm>> -> memref<64x512xf32, #tpu.memory_space<hbm>>
    tpu.wait_dma2 semaphore(%arg14 : memref<!tpu.dma_semaphore, #tpu.memory_space<semaphore_mem>>) src(%arg5 : memref<64x512xf32, #tpu.memory_space<vmem>>) dst(%dma_wait3A_437 : memref<64x512xf32, #tpu.memory_space<hbm>>)
    %dma_start3A_438 = arith.constant 2 : i32
    %dma_start3A_439 = arith.constant 0 : i32
    %dma_start3A_440 = tpu.memref_slice %arg3[%dma_start3A_438, %add3A_20, %dma_start3A_439] : memref<10x16384x512xf32, #tpu.memory_space<hbm>> -> memref<1x64x512xf32, #tpu.memory_space<hbm>>
    %dma_start3A_441 = tpu.memref_squeeze %dma_start3A_440 : memref<1x64x512xf32, #tpu.memory_space<hbm>> -> memref<64x512xf32, #tpu.memory_space<hbm>>
    %dma_start3A_442 = arith.constant 0 : i32
    %dma_start3A_443 = tpu.memref_slice %arg3[%dma_start3A_438, %add3A_20, %dma_start3A_442] : memref<10x16384x512xf32, #tpu.memory_space<hbm>> -> memref<1x64x512xf32, #tpu.memory_space<hbm>>
    %dma_start3A_444 = tpu.memref_squeeze %dma_start3A_443 : memref<1x64x512xf32, #tpu.memory_space<hbm>> -> memref<64x512xf32, #tpu.memory_space<hbm>>
    tpu.enqueue_dma source(%arg6 : memref<64x512xf32, #tpu.memory_space<vmem>>) target(%dma_start3A_444 : memref<64x512xf32, #tpu.memory_space<hbm>>) target_semaphore(%arg12 : memref<!tpu.dma_semaphore, #tpu.memory_space<semaphore_mem>>)
    %dma_start3A_445 = arith.constant 3 : i32
    %dma_start3A_446 = arith.constant 0 : i32
    %dma_start3A_447 = tpu.memref_slice %arg3[%dma_start3A_445, %add3A_20, %dma_start3A_446] : memref<10x16384x512xf32, #tpu.memory_space<hbm>> -> memref<1x64x512xf32, #tpu.memory_space<hbm>>
    %dma_start3A_448 = tpu.memref_squeeze %dma_start3A_447 : memref<1x64x512xf32, #tpu.memory_space<hbm>> -> memref<64x512xf32, #tpu.memory_space<hbm>>
    %dma_start3A_449 = arith.constant 0 : i32
    %dma_start3A_450 = tpu.memref_slice %arg3[%dma_start3A_445, %add3A_20, %dma_start3A_449] : memref<10x16384x512xf32, #tpu.memory_space<hbm>> -> memref<1x64x512xf32, #tpu.memory_space<hbm>>
    %dma_start3A_451 = tpu.memref_squeeze %dma_start3A_450 : memref<1x64x512xf32, #tpu.memory_space<hbm>> -> memref<64x512xf32, #tpu.memory_space<hbm>>
    tpu.enqueue_dma source(%arg6 : memref<64x512xf32, #tpu.memory_space<vmem>>) target(%dma_start3A_451 : memref<64x512xf32, #tpu.memory_space<hbm>>) target_semaphore(%arg15 : memref<!tpu.dma_semaphore, #tpu.memory_space<semaphore_mem>>)
    %dma_start3A_452 = arith.constant 1 : i32
    %dma_start3A_453 = arith.constant 0 : i32
    %dma_start3A_454 = tpu.memref_slice %arg2[%dma_start3A_452, %add3A_24, %dma_start3A_453] : memref<5x16384x512xf32, #tpu.memory_space<hbm>> -> memref<1x64x512xf32, #tpu.memory_space<hbm>>
    %dma_start3A_455 = tpu.memref_squeeze %dma_start3A_454 : memref<1x64x512xf32, #tpu.memory_space<hbm>> -> memref<64x512xf32, #tpu.memory_space<hbm>>
    %dma_start3A_456 = arith.constant 0 : i32
    %dma_start3A_457 = tpu.memref_slice %arg2[%dma_start3A_452, %add3A_24, %dma_start3A_456] : memref<5x16384x512xf32, #tpu.memory_space<hbm>> -> memref<1x64x512xf32, #tpu.memory_space<hbm>>
    %dma_start3A_458 = tpu.memref_squeeze %dma_start3A_457 : memref<1x64x512xf32, #tpu.memory_space<hbm>> -> memref<64x512xf32, #tpu.memory_space<hbm>>
    tpu.enqueue_dma source(%dma_start3A_458 : memref<64x512xf32, #tpu.memory_space<hbm>>) target(%arg5 : memref<64x512xf32, #tpu.memory_space<vmem>>) target_semaphore(%arg8 : memref<!tpu.dma_semaphore, #tpu.memory_space<semaphore_mem>>)
    %dma_wait3A_459 = arith.constant 1 : i32
    %dma_wait3A_460 = arith.constant 0 : i32
    %dma_wait3A_461 = tpu.memref_slice %arg2[%dma_wait3A_459, %add3A_22, %dma_wait3A_460] : memref<5x16384x512xf32, #tpu.memory_space<hbm>> -> memref<1x64x512xf32, #tpu.memory_space<hbm>>
    %dma_wait3A_462 = tpu.memref_squeeze %dma_wait3A_461 : memref<1x64x512xf32, #tpu.memory_space<hbm>> -> memref<64x512xf32, #tpu.memory_space<hbm>>
    %dma_wait3A_463 = arith.constant 0 : i32
    %dma_wait3A_464 = tpu.memref_slice %arg2[%dma_wait3A_459, %add3A_22, %dma_wait3A_463] : memref<5x16384x512xf32, #tpu.memory_space<hbm>> -> memref<1x64x512xf32, #tpu.memory_space<hbm>>
    %dma_wait3A_465 = tpu.memref_squeeze %dma_wait3A_464 : memref<1x64x512xf32, #tpu.memory_space<hbm>> -> memref<64x512xf32, #tpu.memory_space<hbm>>
    tpu.wait_dma2 semaphore(%arg7 : memref<!tpu.dma_semaphore, #tpu.memory_space<semaphore_mem>>) src(%dma_wait3A_465 : memref<64x512xf32, #tpu.memory_space<hbm>>) dst(%arg4 : memref<64x512xf32, #tpu.memory_space<vmem>>)
    %dma_wait3A_466 = arith.constant 2 : i32
    %dma_wait3A_467 = arith.constant 0 : i32
    %dma_wait3A_468 = tpu.memref_slice %arg3[%dma_wait3A_466, %add3A_20, %dma_wait3A_467] : memref<10x16384x512xf32, #tpu.memory_space<hbm>> -> memref<1x64x512xf32, #tpu.memory_space<hbm>>
    %dma_wait3A_469 = tpu.memref_squeeze %dma_wait3A_468 : memref<1x64x512xf32, #tpu.memory_space<hbm>> -> memref<64x512xf32, #tpu.memory_space<hbm>>
    %dma_wait3A_470 = arith.constant 0 : i32
    %dma_wait3A_471 = tpu.memref_slice %arg3[%dma_wait3A_466, %add3A_20, %dma_wait3A_470] : memref<10x16384x512xf32, #tpu.memory_space<hbm>> -> memref<1x64x512xf32, #tpu.memory_space<hbm>>
    %dma_wait3A_472 = tpu.memref_squeeze %dma_wait3A_471 : memref<1x64x512xf32, #tpu.memory_space<hbm>> -> memref<64x512xf32, #tpu.memory_space<hbm>>
    tpu.wait_dma2 semaphore(%arg12 : memref<!tpu.dma_semaphore, #tpu.memory_space<semaphore_mem>>) src(%arg6 : memref<64x512xf32, #tpu.memory_space<vmem>>) dst(%dma_wait3A_472 : memref<64x512xf32, #tpu.memory_space<hbm>>)
    %dma_wait3A_473 = arith.constant 3 : i32
    %dma_wait3A_474 = arith.constant 0 : i32
    %dma_wait3A_475 = tpu.memref_slice %arg3[%dma_wait3A_473, %add3A_20, %dma_wait3A_474] : memref<10x16384x512xf32, #tpu.memory_space<hbm>> -> memref<1x64x512xf32, #tpu.memory_space<hbm>>
    %dma_wait3A_476 = tpu.memref_squeeze %dma_wait3A_475 : memref<1x64x512xf32, #tpu.memory_space<hbm>> -> memref<64x512xf32, #tpu.memory_space<hbm>>
    %dma_wait3A_477 = arith.constant 0 : i32
    %dma_wait3A_478 = tpu.memref_slice %arg3[%dma_wait3A_473, %add3A_20, %dma_wait3A_477] : memref<10x16384x512xf32, #tpu.memory_space<hbm>> -> memref<1x64x512xf32, #tpu.memory_space<hbm>>
    %dma_wait3A_479 = tpu.memref_squeeze %dma_wait3A_478 : memref<1x64x512xf32, #tpu.memory_space<hbm>> -> memref<64x512xf32, #tpu.memory_space<hbm>>
    tpu.wait_dma2 semaphore(%arg15 : memref<!tpu.dma_semaphore, #tpu.memory_space<semaphore_mem>>) src(%arg6 : memref<64x512xf32, #tpu.memory_space<vmem>>) dst(%dma_wait3A_479 : memref<64x512xf32, #tpu.memory_space<hbm>>)
    %dma_start3A_480 = arith.constant 2 : i32
    %dma_start3A_481 = arith.constant 0 : i32
    %dma_start3A_482 = tpu.memref_slice %arg3[%dma_start3A_480, %add3A_22, %dma_start3A_481] : memref<10x16384x512xf32, #tpu.memory_space<hbm>> -> memref<1x64x512xf32, #tpu.memory_space<hbm>>
    %dma_start3A_483 = tpu.memref_squeeze %dma_start3A_482 : memref<1x64x512xf32, #tpu.memory_space<hbm>> -> memref<64x512xf32, #tpu.memory_space<hbm>>
    %dma_start3A_484 = arith.constant 0 : i32
    %dma_start3A_485 = tpu.memref_slice %arg3[%dma_start3A_480, %add3A_22, %dma_start3A_484] : memref<10x16384x512xf32, #tpu.memory_space<hbm>> -> memref<1x64x512xf32, #tpu.memory_space<hbm>>
    %dma_start3A_486 = tpu.memref_squeeze %dma_start3A_485 : memref<1x64x512xf32, #tpu.memory_space<hbm>> -> memref<64x512xf32, #tpu.memory_space<hbm>>
    tpu.enqueue_dma source(%arg4 : memref<64x512xf32, #tpu.memory_space<vmem>>) target(%dma_start3A_486 : memref<64x512xf32, #tpu.memory_space<hbm>>) target_semaphore(%arg10 : memref<!tpu.dma_semaphore, #tpu.memory_space<semaphore_mem>>)
    %dma_start3A_487 = arith.constant 3 : i32
    %dma_start3A_488 = arith.constant 0 : i32
    %dma_start3A_489 = tpu.memref_slice %arg3[%dma_start3A_487, %add3A_22, %dma_start3A_488] : memref<10x16384x512xf32, #tpu.memory_space<hbm>> -> memref<1x64x512xf32, #tpu.memory_space<hbm>>
    %dma_start3A_490 = tpu.memref_squeeze %dma_start3A_489 : memref<1x64x512xf32, #tpu.memory_space<hbm>> -> memref<64x512xf32, #tpu.memory_space<hbm>>
    %dma_start3A_491 = arith.constant 0 : i32
    %dma_start3A_492 = tpu.memref_slice %arg3[%dma_start3A_487, %add3A_22, %dma_start3A_491] : memref<10x16384x512xf32, #tpu.memory_space<hbm>> -> memref<1x64x512xf32, #tpu.memory_space<hbm>>
    %dma_start3A_493 = tpu.memref_squeeze %dma_start3A_492 : memref<1x64x512xf32, #tpu.memory_space<hbm>> -> memref<64x512xf32, #tpu.memory_space<hbm>>
    tpu.enqueue_dma source(%arg4 : memref<64x512xf32, #tpu.memory_space<vmem>>) target(%dma_start3A_493 : memref<64x512xf32, #tpu.memory_space<hbm>>) target_semaphore(%arg13 : memref<!tpu.dma_semaphore, #tpu.memory_space<semaphore_mem>>)
    %dma_start3A_494 = arith.constant 1 : i32
    %dma_start3A_495 = arith.constant 0 : i32
    %dma_start3A_496 = tpu.memref_slice %arg2[%dma_start3A_494, %add3A_26, %dma_start3A_495] : memref<5x16384x512xf32, #tpu.memory_space<hbm>> -> memref<1x64x512xf32, #tpu.memory_space<hbm>>
    %dma_start3A_497 = tpu.memref_squeeze %dma_start3A_496 : memref<1x64x512xf32, #tpu.memory_space<hbm>> -> memref<64x512xf32, #tpu.memory_space<hbm>>
    %dma_start3A_498 = arith.constant 0 : i32
    %dma_start3A_499 = tpu.memref_slice %arg2[%dma_start3A_494, %add3A_26, %dma_start3A_498] : memref<5x16384x512xf32, #tpu.memory_space<hbm>> -> memref<1x64x512xf32, #tpu.memory_space<hbm>>
    %dma_start3A_500 = tpu.memref_squeeze %dma_start3A_499 : memref<1x64x512xf32, #tpu.memory_space<hbm>> -> memref<64x512xf32, #tpu.memory_space<hbm>>
    tpu.enqueue_dma source(%dma_start3A_500 : memref<64x512xf32, #tpu.memory_space<hbm>>) target(%arg6 : memref<64x512xf32, #tpu.memory_space<vmem>>) target_semaphore(%arg9 : memref<!tpu.dma_semaphore, #tpu.memory_space<semaphore_mem>>)
    %dma_wait3A_501 = arith.constant 1 : i32
    %dma_wait3A_502 = arith.constant 0 : i32
    %dma_wait3A_503 = tpu.memref_slice %arg2[%dma_wait3A_501, %add3A_24, %dma_wait3A_502] : memref<5x16384x512xf32, #tpu.memory_space<hbm>> -> memref<1x64x512xf32, #tpu.memory_space<hbm>>
    %dma_wait3A_504 = tpu.memref_squeeze %dma_wait3A_503 : memref<1x64x512xf32, #tpu.memory_space<hbm>> -> memref<64x512xf32, #tpu.memory_space<hbm>>
    %dma_wait3A_505 = arith.constant 0 : i32
    %dma_wait3A_506 = tpu.memref_slice %arg2[%dma_wait3A_501, %add3A_24, %dma_wait3A_505] : memref<5x16384x512xf32, #tpu.memory_space<hbm>> -> memref<1x64x512xf32, #tpu.memory_space<hbm>>
    %dma_wait3A_507 = tpu.memref_squeeze %dma_wait3A_506 : memref<1x64x512xf32, #tpu.memory_space<hbm>> -> memref<64x512xf32, #tpu.memory_space<hbm>>
    tpu.wait_dma2 semaphore(%arg8 : memref<!tpu.dma_semaphore, #tpu.memory_space<semaphore_mem>>) src(%dma_wait3A_507 : memref<64x512xf32, #tpu.memory_space<hbm>>) dst(%arg5 : memref<64x512xf32, #tpu.memory_space<vmem>>)
    %dma_wait3A_508 = arith.constant 2 : i32
    %dma_wait3A_509 = arith.constant 0 : i32
    %dma_wait3A_510 = tpu.memref_slice %arg3[%dma_wait3A_508, %add3A_22, %dma_wait3A_509] : memref<10x16384x512xf32, #tpu.memory_space<hbm>> -> memref<1x64x512xf32, #tpu.memory_space<hbm>>
    %dma_wait3A_511 = tpu.memref_squeeze %dma_wait3A_510 : memref<1x64x512xf32, #tpu.memory_space<hbm>> -> memref<64x512xf32, #tpu.memory_space<hbm>>
    %dma_wait3A_512 = arith.constant 0 : i32
    %dma_wait3A_513 = tpu.memref_slice %arg3[%dma_wait3A_508, %add3A_22, %dma_wait3A_512] : memref<10x16384x512xf32, #tpu.memory_space<hbm>> -> memref<1x64x512xf32, #tpu.memory_space<hbm>>
    %dma_wait3A_514 = tpu.memref_squeeze %dma_wait3A_513 : memref<1x64x512xf32, #tpu.memory_space<hbm>> -> memref<64x512xf32, #tpu.memory_space<hbm>>
    tpu.wait_dma2 semaphore(%arg10 : memref<!tpu.dma_semaphore, #tpu.memory_space<semaphore_mem>>) src(%arg4 : memref<64x512xf32, #tpu.memory_space<vmem>>) dst(%dma_wait3A_514 : memref<64x512xf32, #tpu.memory_space<hbm>>)
    %dma_wait3A_515 = arith.constant 3 : i32
    %dma_wait3A_516 = arith.constant 0 : i32
    %dma_wait3A_517 = tpu.memref_slice %arg3[%dma_wait3A_515, %add3A_22, %dma_wait3A_516] : memref<10x16384x512xf32, #tpu.memory_space<hbm>> -> memref<1x64x512xf32, #tpu.memory_space<hbm>>
    %dma_wait3A_518 = tpu.memref_squeeze %dma_wait3A_517 : memref<1x64x512xf32, #tpu.memory_space<hbm>> -> memref<64x512xf32, #tpu.memory_space<hbm>>
    %dma_wait3A_519 = arith.constant 0 : i32
    %dma_wait3A_520 = tpu.memref_slice %arg3[%dma_wait3A_515, %add3A_22, %dma_wait3A_519] : memref<10x16384x512xf32, #tpu.memory_space<hbm>> -> memref<1x64x512xf32, #tpu.memory_space<hbm>>
    %dma_wait3A_521 = tpu.memref_squeeze %dma_wait3A_520 : memref<1x64x512xf32, #tpu.memory_space<hbm>> -> memref<64x512xf32, #tpu.memory_space<hbm>>
    tpu.wait_dma2 semaphore(%arg13 : memref<!tpu.dma_semaphore, #tpu.memory_space<semaphore_mem>>) src(%arg4 : memref<64x512xf32, #tpu.memory_space<vmem>>) dst(%dma_wait3A_521 : memref<64x512xf32, #tpu.memory_space<hbm>>)
    %dma_start3A_522 = arith.constant 2 : i32
    %dma_start3A_523 = arith.constant 0 : i32
    %dma_start3A_524 = tpu.memref_slice %arg3[%dma_start3A_522, %add3A_24, %dma_start3A_523] : memref<10x16384x512xf32, #tpu.memory_space<hbm>> -> memref<1x64x512xf32, #tpu.memory_space<hbm>>
    %dma_start3A_525 = tpu.memref_squeeze %dma_start3A_524 : memref<1x64x512xf32, #tpu.memory_space<hbm>> -> memref<64x512xf32, #tpu.memory_space<hbm>>
    %dma_start3A_526 = arith.constant 0 : i32
    %dma_start3A_527 = tpu.memref_slice %arg3[%dma_start3A_522, %add3A_24, %dma_start3A_526] : memref<10x16384x512xf32, #tpu.memory_space<hbm>> -> memref<1x64x512xf32, #tpu.memory_space<hbm>>
    %dma_start3A_528 = tpu.memref_squeeze %dma_start3A_527 : memref<1x64x512xf32, #tpu.memory_space<hbm>> -> memref<64x512xf32, #tpu.memory_space<hbm>>
    tpu.enqueue_dma source(%arg5 : memref<64x512xf32, #tpu.memory_space<vmem>>) target(%dma_start3A_528 : memref<64x512xf32, #tpu.memory_space<hbm>>) target_semaphore(%arg11 : memref<!tpu.dma_semaphore, #tpu.memory_space<semaphore_mem>>)
    %dma_start3A_529 = arith.constant 3 : i32
    %dma_start3A_530 = arith.constant 0 : i32
    %dma_start3A_531 = tpu.memref_slice %arg3[%dma_start3A_529, %add3A_24, %dma_start3A_530] : memref<10x16384x512xf32, #tpu.memory_space<hbm>> -> memref<1x64x512xf32, #tpu.memory_space<hbm>>
    %dma_start3A_532 = tpu.memref_squeeze %dma_start3A_531 : memref<1x64x512xf32, #tpu.memory_space<hbm>> -> memref<64x512xf32, #tpu.memory_space<hbm>>
    %dma_start3A_533 = arith.constant 0 : i32
    %dma_start3A_534 = tpu.memref_slice %arg3[%dma_start3A_529, %add3A_24, %dma_start3A_533] : memref<10x16384x512xf32, #tpu.memory_space<hbm>> -> memref<1x64x512xf32, #tpu.memory_space<hbm>>
    %dma_start3A_535 = tpu.memref_squeeze %dma_start3A_534 : memref<1x64x512xf32, #tpu.memory_space<hbm>> -> memref<64x512xf32, #tpu.memory_space<hbm>>
    tpu.enqueue_dma source(%arg5 : memref<64x512xf32, #tpu.memory_space<vmem>>) target(%dma_start3A_535 : memref<64x512xf32, #tpu.memory_space<hbm>>) target_semaphore(%arg14 : memref<!tpu.dma_semaphore, #tpu.memory_space<semaphore_mem>>)
    %dma_start3A_536 = arith.constant 1 : i32
    %dma_start3A_537 = arith.constant 0 : i32
    %dma_start3A_538 = tpu.memref_slice %arg2[%dma_start3A_536, %add3A_28, %dma_start3A_537] : memref<5x16384x512xf32, #tpu.memory_space<hbm>> -> memref<1x64x512xf32, #tpu.memory_space<hbm>>
    %dma_start3A_539 = tpu.memref_squeeze %dma_start3A_538 : memref<1x64x512xf32, #tpu.memory_space<hbm>> -> memref<64x512xf32, #tpu.memory_space<hbm>>
    %dma_start3A_540 = arith.constant 0 : i32
    %dma_start3A_541 = tpu.memref_slice %arg2[%dma_start3A_536, %add3A_28, %dma_start3A_540] : memref<5x16384x512xf32, #tpu.memory_space<hbm>> -> memref<1x64x512xf32, #tpu.memory_space<hbm>>
    %dma_start3A_542 = tpu.memref_squeeze %dma_start3A_541 : memref<1x64x512xf32, #tpu.memory_space<hbm>> -> memref<64x512xf32, #tpu.memory_space<hbm>>
    tpu.enqueue_dma source(%dma_start3A_542 : memref<64x512xf32, #tpu.memory_space<hbm>>) target(%arg4 : memref<64x512xf32, #tpu.memory_space<vmem>>) target_semaphore(%arg7 : memref<!tpu.dma_semaphore, #tpu.memory_space<semaphore_mem>>)
    %dma_wait3A_543 = arith.constant 1 : i32
    %dma_wait3A_544 = arith.constant 0 : i32
    %dma_wait3A_545 = tpu.memref_slice %arg2[%dma_wait3A_543, %add3A_26, %dma_wait3A_544] : memref<5x16384x512xf32, #tpu.memory_space<hbm>> -> memref<1x64x512xf32, #tpu.memory_space<hbm>>
    %dma_wait3A_546 = tpu.memref_squeeze %dma_wait3A_545 : memref<1x64x512xf32, #tpu.memory_space<hbm>> -> memref<64x512xf32, #tpu.memory_space<hbm>>
    %dma_wait3A_547 = arith.constant 0 : i32
    %dma_wait3A_548 = tpu.memref_slice %arg2[%dma_wait3A_543, %add3A_26, %dma_wait3A_547] : memref<5x16384x512xf32, #tpu.memory_space<hbm>> -> memref<1x64x512xf32, #tpu.memory_space<hbm>>
    %dma_wait3A_549 = tpu.memref_squeeze %dma_wait3A_548 : memref<1x64x512xf32, #tpu.memory_space<hbm>> -> memref<64x512xf32, #tpu.memory_space<hbm>>
    tpu.wait_dma2 semaphore(%arg9 : memref<!tpu.dma_semaphore, #tpu.memory_space<semaphore_mem>>) src(%dma_wait3A_549 : memref<64x512xf32, #tpu.memory_space<hbm>>) dst(%arg6 : memref<64x512xf32, #tpu.memory_space<vmem>>)
    %dma_wait3A_550 = arith.constant 2 : i32
    %dma_wait3A_551 = arith.constant 0 : i32
    %dma_wait3A_552 = tpu.memref_slice %arg3[%dma_wait3A_550, %add3A_24, %dma_wait3A_551] : memref<10x16384x512xf32, #tpu.memory_space<hbm>> -> memref<1x64x512xf32, #tpu.memory_space<hbm>>
    %dma_wait3A_553 = tpu.memref_squeeze %dma_wait3A_552 : memref<1x64x512xf32, #tpu.memory_space<hbm>> -> memref<64x512xf32, #tpu.memory_space<hbm>>
    %dma_wait3A_554 = arith.constant 0 : i32
    %dma_wait3A_555 = tpu.memref_slice %arg3[%dma_wait3A_550, %add3A_24, %dma_wait3A_554] : memref<10x16384x512xf32, #tpu.memory_space<hbm>> -> memref<1x64x512xf32, #tpu.memory_space<hbm>>
    %dma_wait3A_556 = tpu.memref_squeeze %dma_wait3A_555 : memref<1x64x512xf32, #tpu.memory_space<hbm>> -> memref<64x512xf32, #tpu.memory_space<hbm>>
    tpu.wait_dma2 semaphore(%arg11 : memref<!tpu.dma_semaphore, #tpu.memory_space<semaphore_mem>>) src(%arg5 : memref<64x512xf32, #tpu.memory_space<vmem>>) dst(%dma_wait3A_556 : memref<64x512xf32, #tpu.memory_space<hbm>>)
    %dma_wait3A_557 = arith.constant 3 : i32
    %dma_wait3A_558 = arith.constant 0 : i32
    %dma_wait3A_559 = tpu.memref_slice %arg3[%dma_wait3A_557, %add3A_24, %dma_wait3A_558] : memref<10x16384x512xf32, #tpu.memory_space<hbm>> -> memref<1x64x512xf32, #tpu.memory_space<hbm>>
    %dma_wait3A_560 = tpu.memref_squeeze %dma_wait3A_559 : memref<1x64x512xf32, #tpu.memory_space<hbm>> -> memref<64x512xf32, #tpu.memory_space<hbm>>
    %dma_wait3A_561 = arith.constant 0 : i32
    %dma_wait3A_562 = tpu.memref_slice %arg3[%dma_wait3A_557, %add3A_24, %dma_wait3A_561] : memref<10x16384x512xf32, #tpu.memory_space<hbm>> -> memref<1x64x512xf32, #tpu.memory_space<hbm>>
    %dma_wait3A_563 = tpu.memref_squeeze %dma_wait3A_562 : memref<1x64x512xf32, #tpu.memory_space<hbm>> -> memref<64x512xf32, #tpu.memory_space<hbm>>
    tpu.wait_dma2 semaphore(%arg14 : memref<!tpu.dma_semaphore, #tpu.memory_space<semaphore_mem>>) src(%arg5 : memref<64x512xf32, #tpu.memory_space<vmem>>) dst(%dma_wait3A_563 : memref<64x512xf32, #tpu.memory_space<hbm>>)
    %dma_start3A_564 = arith.constant 2 : i32
    %dma_start3A_565 = arith.constant 0 : i32
    %dma_start3A_566 = tpu.memref_slice %arg3[%dma_start3A_564, %add3A_26, %dma_start3A_565] : memref<10x16384x512xf32, #tpu.memory_space<hbm>> -> memref<1x64x512xf32, #tpu.memory_space<hbm>>
    %dma_start3A_567 = tpu.memref_squeeze %dma_start3A_566 : memref<1x64x512xf32, #tpu.memory_space<hbm>> -> memref<64x512xf32, #tpu.memory_space<hbm>>
    %dma_start3A_568 = arith.constant 0 : i32
    %dma_start3A_569 = tpu.memref_slice %arg3[%dma_start3A_564, %add3A_26, %dma_start3A_568] : memref<10x16384x512xf32, #tpu.memory_space<hbm>> -> memref<1x64x512xf32, #tpu.memory_space<hbm>>
    %dma_start3A_570 = tpu.memref_squeeze %dma_start3A_569 : memref<1x64x512xf32, #tpu.memory_space<hbm>> -> memref<64x512xf32, #tpu.memory_space<hbm>>
    tpu.enqueue_dma source(%arg6 : memref<64x512xf32, #tpu.memory_space<vmem>>) target(%dma_start3A_570 : memref<64x512xf32, #tpu.memory_space<hbm>>) target_semaphore(%arg12 : memref<!tpu.dma_semaphore, #tpu.memory_space<semaphore_mem>>)
    %dma_start3A_571 = arith.constant 3 : i32
    %dma_start3A_572 = arith.constant 0 : i32
    %dma_start3A_573 = tpu.memref_slice %arg3[%dma_start3A_571, %add3A_26, %dma_start3A_572] : memref<10x16384x512xf32, #tpu.memory_space<hbm>> -> memref<1x64x512xf32, #tpu.memory_space<hbm>>
    %dma_start3A_574 = tpu.memref_squeeze %dma_start3A_573 : memref<1x64x512xf32, #tpu.memory_space<hbm>> -> memref<64x512xf32, #tpu.memory_space<hbm>>
    %dma_start3A_575 = arith.constant 0 : i32
    %dma_start3A_576 = tpu.memref_slice %arg3[%dma_start3A_571, %add3A_26, %dma_start3A_575] : memref<10x16384x512xf32, #tpu.memory_space<hbm>> -> memref<1x64x512xf32, #tpu.memory_space<hbm>>
    %dma_start3A_577 = tpu.memref_squeeze %dma_start3A_576 : memref<1x64x512xf32, #tpu.memory_space<hbm>> -> memref<64x512xf32, #tpu.memory_space<hbm>>
    tpu.enqueue_dma source(%arg6 : memref<64x512xf32, #tpu.memory_space<vmem>>) target(%dma_start3A_577 : memref<64x512xf32, #tpu.memory_space<hbm>>) target_semaphore(%arg15 : memref<!tpu.dma_semaphore, #tpu.memory_space<semaphore_mem>>)
    %dma_start3A_578 = arith.constant 1 : i32
    %dma_start3A_579 = arith.constant 0 : i32
    %dma_start3A_580 = tpu.memref_slice %arg2[%dma_start3A_578, %add3A_30, %dma_start3A_579] : memref<5x16384x512xf32, #tpu.memory_space<hbm>> -> memref<1x64x512xf32, #tpu.memory_space<hbm>>
    %dma_start3A_581 = tpu.memref_squeeze %dma_start3A_580 : memref<1x64x512xf32, #tpu.memory_space<hbm>> -> memref<64x512xf32, #tpu.memory_space<hbm>>
    %dma_start3A_582 = arith.constant 0 : i32
    %dma_start3A_583 = tpu.memref_slice %arg2[%dma_start3A_578, %add3A_30, %dma_start3A_582] : memref<5x16384x512xf32, #tpu.memory_space<hbm>> -> memref<1x64x512xf32, #tpu.memory_space<hbm>>
    %dma_start3A_584 = tpu.memref_squeeze %dma_start3A_583 : memref<1x64x512xf32, #tpu.memory_space<hbm>> -> memref<64x512xf32, #tpu.memory_space<hbm>>
    tpu.enqueue_dma source(%dma_start3A_584 : memref<64x512xf32, #tpu.memory_space<hbm>>) target(%arg5 : memref<64x512xf32, #tpu.memory_space<vmem>>) target_semaphore(%arg8 : memref<!tpu.dma_semaphore, #tpu.memory_space<semaphore_mem>>)
    %dma_wait3A_585 = arith.constant 1 : i32
    %dma_wait3A_586 = arith.constant 0 : i32
    %dma_wait3A_587 = tpu.memref_slice %arg2[%dma_wait3A_585, %add3A_28, %dma_wait3A_586] : memref<5x16384x512xf32, #tpu.memory_space<hbm>> -> memref<1x64x512xf32, #tpu.memory_space<hbm>>
    %dma_wait3A_588 = tpu.memref_squeeze %dma_wait3A_587 : memref<1x64x512xf32, #tpu.memory_space<hbm>> -> memref<64x512xf32, #tpu.memory_space<hbm>>
    %dma_wait3A_589 = arith.constant 0 : i32
    %dma_wait3A_590 = tpu.memref_slice %arg2[%dma_wait3A_585, %add3A_28, %dma_wait3A_589] : memref<5x16384x512xf32, #tpu.memory_space<hbm>> -> memref<1x64x512xf32, #tpu.memory_space<hbm>>
    %dma_wait3A_591 = tpu.memref_squeeze %dma_wait3A_590 : memref<1x64x512xf32, #tpu.memory_space<hbm>> -> memref<64x512xf32, #tpu.memory_space<hbm>>
    tpu.wait_dma2 semaphore(%arg7 : memref<!tpu.dma_semaphore, #tpu.memory_space<semaphore_mem>>) src(%dma_wait3A_591 : memref<64x512xf32, #tpu.memory_space<hbm>>) dst(%arg4 : memref<64x512xf32, #tpu.memory_space<vmem>>)
    %dma_wait3A_592 = arith.constant 2 : i32
    %dma_wait3A_593 = arith.constant 0 : i32
    %dma_wait3A_594 = tpu.memref_slice %arg3[%dma_wait3A_592, %add3A_26, %dma_wait3A_593] : memref<10x16384x512xf32, #tpu.memory_space<hbm>> -> memref<1x64x512xf32, #tpu.memory_space<hbm>>
    %dma_wait3A_595 = tpu.memref_squeeze %dma_wait3A_594 : memref<1x64x512xf32, #tpu.memory_space<hbm>> -> memref<64x512xf32, #tpu.memory_space<hbm>>
    %dma_wait3A_596 = arith.constant 0 : i32
    %dma_wait3A_597 = tpu.memref_slice %arg3[%dma_wait3A_592, %add3A_26, %dma_wait3A_596] : memref<10x16384x512xf32, #tpu.memory_space<hbm>> -> memref<1x64x512xf32, #tpu.memory_space<hbm>>
    %dma_wait3A_598 = tpu.memref_squeeze %dma_wait3A_597 : memref<1x64x512xf32, #tpu.memory_space<hbm>> -> memref<64x512xf32, #tpu.memory_space<hbm>>
    tpu.wait_dma2 semaphore(%arg12 : memref<!tpu.dma_semaphore, #tpu.memory_space<semaphore_mem>>) src(%arg6 : memref<64x512xf32, #tpu.memory_space<vmem>>) dst(%dma_wait3A_598 : memref<64x512xf32, #tpu.memory_space<hbm>>)
    %dma_wait3A_599 = arith.constant 3 : i32
    %dma_wait3A_600 = arith.constant 0 : i32
    %dma_wait3A_601 = tpu.memref_slice %arg3[%dma_wait3A_599, %add3A_26, %dma_wait3A_600] : memref<10x16384x512xf32, #tpu.memory_space<hbm>> -> memref<1x64x512xf32, #tpu.memory_space<hbm>>
    %dma_wait3A_602 = tpu.memref_squeeze %dma_wait3A_601 : memref<1x64x512xf32, #tpu.memory_space<hbm>> -> memref<64x512xf32, #tpu.memory_space<hbm>>
    %dma_wait3A_603 = arith.constant 0 : i32
    %dma_wait3A_604 = tpu.memref_slice %arg3[%dma_wait3A_599, %add3A_26, %dma_wait3A_603] : memref<10x16384x512xf32, #tpu.memory_space<hbm>> -> memref<1x64x512xf32, #tpu.memory_space<hbm>>
    %dma_wait3A_605 = tpu.memref_squeeze %dma_wait3A_604 : memref<1x64x512xf32, #tpu.memory_space<hbm>> -> memref<64x512xf32, #tpu.memory_space<hbm>>
    tpu.wait_dma2 semaphore(%arg15 : memref<!tpu.dma_semaphore, #tpu.memory_space<semaphore_mem>>) src(%arg6 : memref<64x512xf32, #tpu.memory_space<vmem>>) dst(%dma_wait3A_605 : memref<64x512xf32, #tpu.memory_space<hbm>>)
    %dma_start3A_606 = arith.constant 2 : i32
    %dma_start3A_607 = arith.constant 0 : i32
    %dma_start3A_608 = tpu.memref_slice %arg3[%dma_start3A_606, %add3A_28, %dma_start3A_607] : memref<10x16384x512xf32, #tpu.memory_space<hbm>> -> memref<1x64x512xf32, #tpu.memory_space<hbm>>
    %dma_start3A_609 = tpu.memref_squeeze %dma_start3A_608 : memref<1x64x512xf32, #tpu.memory_space<hbm>> -> memref<64x512xf32, #tpu.memory_space<hbm>>
    %dma_start3A_610 = arith.constant 0 : i32
    %dma_start3A_611 = tpu.memref_slice %arg3[%dma_start3A_606, %add3A_28, %dma_start3A_610] : memref<10x16384x512xf32, #tpu.memory_space<hbm>> -> memref<1x64x512xf32, #tpu.memory_space<hbm>>
    %dma_start3A_612 = tpu.memref_squeeze %dma_start3A_611 : memref<1x64x512xf32, #tpu.memory_space<hbm>> -> memref<64x512xf32, #tpu.memory_space<hbm>>
    tpu.enqueue_dma source(%arg4 : memref<64x512xf32, #tpu.memory_space<vmem>>) target(%dma_start3A_612 : memref<64x512xf32, #tpu.memory_space<hbm>>) target_semaphore(%arg10 : memref<!tpu.dma_semaphore, #tpu.memory_space<semaphore_mem>>)
    %dma_start3A_613 = arith.constant 3 : i32
    %dma_start3A_614 = arith.constant 0 : i32
    %dma_start3A_615 = tpu.memref_slice %arg3[%dma_start3A_613, %add3A_28, %dma_start3A_614] : memref<10x16384x512xf32, #tpu.memory_space<hbm>> -> memref<1x64x512xf32, #tpu.memory_space<hbm>>
    %dma_start3A_616 = tpu.memref_squeeze %dma_start3A_615 : memref<1x64x512xf32, #tpu.memory_space<hbm>> -> memref<64x512xf32, #tpu.memory_space<hbm>>
    %dma_start3A_617 = arith.constant 0 : i32
    %dma_start3A_618 = tpu.memref_slice %arg3[%dma_start3A_613, %add3A_28, %dma_start3A_617] : memref<10x16384x512xf32, #tpu.memory_space<hbm>> -> memref<1x64x512xf32, #tpu.memory_space<hbm>>
    %dma_start3A_619 = tpu.memref_squeeze %dma_start3A_618 : memref<1x64x512xf32, #tpu.memory_space<hbm>> -> memref<64x512xf32, #tpu.memory_space<hbm>>
    tpu.enqueue_dma source(%arg4 : memref<64x512xf32, #tpu.memory_space<vmem>>) target(%dma_start3A_619 : memref<64x512xf32, #tpu.memory_space<hbm>>) target_semaphore(%arg13 : memref<!tpu.dma_semaphore, #tpu.memory_space<semaphore_mem>>)
    %dma_start3A_620 = arith.constant 1 : i32
    %dma_start3A_621 = arith.constant 0 : i32
    %dma_start3A_622 = tpu.memref_slice %arg2[%dma_start3A_620, %add3A_32, %dma_start3A_621] : memref<5x16384x512xf32, #tpu.memory_space<hbm>> -> memref<1x64x512xf32, #tpu.memory_space<hbm>>
    %dma_start3A_623 = tpu.memref_squeeze %dma_start3A_622 : memref<1x64x512xf32, #tpu.memory_space<hbm>> -> memref<64x512xf32, #tpu.memory_space<hbm>>
    %dma_start3A_624 = arith.constant 0 : i32
    %dma_start3A_625 = tpu.memref_slice %arg2[%dma_start3A_620, %add3A_32, %dma_start3A_624] : memref<5x16384x512xf32, #tpu.memory_space<hbm>> -> memref<1x64x512xf32, #tpu.memory_space<hbm>>
    %dma_start3A_626 = tpu.memref_squeeze %dma_start3A_625 : memref<1x64x512xf32, #tpu.memory_space<hbm>> -> memref<64x512xf32, #tpu.memory_space<hbm>>
    tpu.enqueue_dma source(%dma_start3A_626 : memref<64x512xf32, #tpu.memory_space<hbm>>) target(%arg6 : memref<64x512xf32, #tpu.memory_space<vmem>>) target_semaphore(%arg9 : memref<!tpu.dma_semaphore, #tpu.memory_space<semaphore_mem>>)
    %dma_wait3A_627 = arith.constant 1 : i32
    %dma_wait3A_628 = arith.constant 0 : i32
    %dma_wait3A_629 = tpu.memref_slice %arg2[%dma_wait3A_627, %add3A_30, %dma_wait3A_628] : memref<5x16384x512xf32, #tpu.memory_space<hbm>> -> memref<1x64x512xf32, #tpu.memory_space<hbm>>
    %dma_wait3A_630 = tpu.memref_squeeze %dma_wait3A_629 : memref<1x64x512xf32, #tpu.memory_space<hbm>> -> memref<64x512xf32, #tpu.memory_space<hbm>>
    %dma_wait3A_631 = arith.constant 0 : i32
    %dma_wait3A_632 = tpu.memref_slice %arg2[%dma_wait3A_627, %add3A_30, %dma_wait3A_631] : memref<5x16384x512xf32, #tpu.memory_space<hbm>> -> memref<1x64x512xf32, #tpu.memory_space<hbm>>
    %dma_wait3A_633 = tpu.memref_squeeze %dma_wait3A_632 : memref<1x64x512xf32, #tpu.memory_space<hbm>> -> memref<64x512xf32, #tpu.memory_space<hbm>>
    tpu.wait_dma2 semaphore(%arg8 : memref<!tpu.dma_semaphore, #tpu.memory_space<semaphore_mem>>) src(%dma_wait3A_633 : memref<64x512xf32, #tpu.memory_space<hbm>>) dst(%arg5 : memref<64x512xf32, #tpu.memory_space<vmem>>)
    %dma_wait3A_634 = arith.constant 2 : i32
    %dma_wait3A_635 = arith.constant 0 : i32
    %dma_wait3A_636 = tpu.memref_slice %arg3[%dma_wait3A_634, %add3A_28, %dma_wait3A_635] : memref<10x16384x512xf32, #tpu.memory_space<hbm>> -> memref<1x64x512xf32, #tpu.memory_space<hbm>>
    %dma_wait3A_637 = tpu.memref_squeeze %dma_wait3A_636 : memref<1x64x512xf32, #tpu.memory_space<hbm>> -> memref<64x512xf32, #tpu.memory_space<hbm>>
    %dma_wait3A_638 = arith.constant 0 : i32
    %dma_wait3A_639 = tpu.memref_slice %arg3[%dma_wait3A_634, %add3A_28, %dma_wait3A_638] : memref<10x16384x512xf32, #tpu.memory_space<hbm>> -> memref<1x64x512xf32, #tpu.memory_space<hbm>>
    %dma_wait3A_640 = tpu.memref_squeeze %dma_wait3A_639 : memref<1x64x512xf32, #tpu.memory_space<hbm>> -> memref<64x512xf32, #tpu.memory_space<hbm>>
    tpu.wait_dma2 semaphore(%arg10 : memref<!tpu.dma_semaphore, #tpu.memory_space<semaphore_mem>>) src(%arg4 : memref<64x512xf32, #tpu.memory_space<vmem>>) dst(%dma_wait3A_640 : memref<64x512xf32, #tpu.memory_space<hbm>>)
    %dma_wait3A_641 = arith.constant 3 : i32
    %dma_wait3A_642 = arith.constant 0 : i32
    %dma_wait3A_643 = tpu.memref_slice %arg3[%dma_wait3A_641, %add3A_28, %dma_wait3A_642] : memref<10x16384x512xf32, #tpu.memory_space<hbm>> -> memref<1x64x512xf32, #tpu.memory_space<hbm>>
    %dma_wait3A_644 = tpu.memref_squeeze %dma_wait3A_643 : memref<1x64x512xf32, #tpu.memory_space<hbm>> -> memref<64x512xf32, #tpu.memory_space<hbm>>
    %dma_wait3A_645 = arith.constant 0 : i32
    %dma_wait3A_646 = tpu.memref_slice %arg3[%dma_wait3A_641, %add3A_28, %dma_wait3A_645] : memref<10x16384x512xf32, #tpu.memory_space<hbm>> -> memref<1x64x512xf32, #tpu.memory_space<hbm>>
    %dma_wait3A_647 = tpu.memref_squeeze %dma_wait3A_646 : memref<1x64x512xf32, #tpu.memory_space<hbm>> -> memref<64x512xf32, #tpu.memory_space<hbm>>
    tpu.wait_dma2 semaphore(%arg13 : memref<!tpu.dma_semaphore, #tpu.memory_space<semaphore_mem>>) src(%arg4 : memref<64x512xf32, #tpu.memory_space<vmem>>) dst(%dma_wait3A_647 : memref<64x512xf32, #tpu.memory_space<hbm>>)
    %dma_start3A_648 = arith.constant 2 : i32
    %dma_start3A_649 = arith.constant 0 : i32
    %dma_start3A_650 = tpu.memref_slice %arg3[%dma_start3A_648, %add3A_30, %dma_start3A_649] : memref<10x16384x512xf32, #tpu.memory_space<hbm>> -> memref<1x64x512xf32, #tpu.memory_space<hbm>>
    %dma_start3A_651 = tpu.memref_squeeze %dma_start3A_650 : memref<1x64x512xf32, #tpu.memory_space<hbm>> -> memref<64x512xf32, #tpu.memory_space<hbm>>
    %dma_start3A_652 = arith.constant 0 : i32
    %dma_start3A_653 = tpu.memref_slice %arg3[%dma_start3A_648, %add3A_30, %dma_start3A_652] : memref<10x16384x512xf32, #tpu.memory_space<hbm>> -> memref<1x64x512xf32, #tpu.memory_space<hbm>>
    %dma_start3A_654 = tpu.memref_squeeze %dma_start3A_653 : memref<1x64x512xf32, #tpu.memory_space<hbm>> -> memref<64x512xf32, #tpu.memory_space<hbm>>
    tpu.enqueue_dma source(%arg5 : memref<64x512xf32, #tpu.memory_space<vmem>>) target(%dma_start3A_654 : memref<64x512xf32, #tpu.memory_space<hbm>>) target_semaphore(%arg11 : memref<!tpu.dma_semaphore, #tpu.memory_space<semaphore_mem>>)
    %dma_start3A_655 = arith.constant 3 : i32
    %dma_start3A_656 = arith.constant 0 : i32
    %dma_start3A_657 = tpu.memref_slice %arg3[%dma_start3A_655, %add3A_30, %dma_start3A_656] : memref<10x16384x512xf32, #tpu.memory_space<hbm>> -> memref<1x64x512xf32, #tpu.memory_space<hbm>>
    %dma_start3A_658 = tpu.memref_squeeze %dma_start3A_657 : memref<1x64x512xf32, #tpu.memory_space<hbm>> -> memref<64x512xf32, #tpu.memory_space<hbm>>
    %dma_start3A_659 = arith.constant 0 : i32
    %dma_start3A_660 = tpu.memref_slice %arg3[%dma_start3A_655, %add3A_30, %dma_start3A_659] : memref<10x16384x512xf32, #tpu.memory_space<hbm>> -> memref<1x64x512xf32, #tpu.memory_space<hbm>>
    %dma_start3A_661 = tpu.memref_squeeze %dma_start3A_660 : memref<1x64x512xf32, #tpu.memory_space<hbm>> -> memref<64x512xf32, #tpu.memory_space<hbm>>
    tpu.enqueue_dma source(%arg5 : memref<64x512xf32, #tpu.memory_space<vmem>>) target(%dma_start3A_661 : memref<64x512xf32, #tpu.memory_space<hbm>>) target_semaphore(%arg14 : memref<!tpu.dma_semaphore, #tpu.memory_space<semaphore_mem>>)
    %dma_start3A_662 = arith.constant 1 : i32
    %dma_start3A_663 = arith.constant 0 : i32
    %dma_start3A_664 = tpu.memref_slice %arg2[%dma_start3A_662, %add3A_34, %dma_start3A_663] : memref<5x16384x512xf32, #tpu.memory_space<hbm>> -> memref<1x64x512xf32, #tpu.memory_space<hbm>>
    %dma_start3A_665 = tpu.memref_squeeze %dma_start3A_664 : memref<1x64x512xf32, #tpu.memory_space<hbm>> -> memref<64x512xf32, #tpu.memory_space<hbm>>
    %dma_start3A_666 = arith.constant 0 : i32
    %dma_start3A_667 = tpu.memref_slice %arg2[%dma_start3A_662, %add3A_34, %dma_start3A_666] : memref<5x16384x512xf32, #tpu.memory_space<hbm>> -> memref<1x64x512xf32, #tpu.memory_space<hbm>>
    %dma_start3A_668 = tpu.memref_squeeze %dma_start3A_667 : memref<1x64x512xf32, #tpu.memory_space<hbm>> -> memref<64x512xf32, #tpu.memory_space<hbm>>
    tpu.enqueue_dma source(%dma_start3A_668 : memref<64x512xf32, #tpu.memory_space<hbm>>) target(%arg4 : memref<64x512xf32, #tpu.memory_space<vmem>>) target_semaphore(%arg7 : memref<!tpu.dma_semaphore, #tpu.memory_space<semaphore_mem>>)
    %dma_wait3A_669 = arith.constant 1 : i32
    %dma_wait3A_670 = arith.constant 0 : i32
    %dma_wait3A_671 = tpu.memref_slice %arg2[%dma_wait3A_669, %add3A_32, %dma_wait3A_670] : memref<5x16384x512xf32, #tpu.memory_space<hbm>> -> memref<1x64x512xf32, #tpu.memory_space<hbm>>
    %dma_wait3A_672 = tpu.memref_squeeze %dma_wait3A_671 : memref<1x64x512xf32, #tpu.memory_space<hbm>> -> memref<64x512xf32, #tpu.memory_space<hbm>>
    %dma_wait3A_673 = arith.constant 0 : i32
    %dma_wait3A_674 = tpu.memref_slice %arg2[%dma_wait3A_669, %add3A_32, %dma_wait3A_673] : memref<5x16384x512xf32, #tpu.memory_space<hbm>> -> memref<1x64x512xf32, #tpu.memory_space<hbm>>
    %dma_wait3A_675 = tpu.memref_squeeze %dma_wait3A_674 : memref<1x64x512xf32, #tpu.memory_space<hbm>> -> memref<64x512xf32, #tpu.memory_space<hbm>>
    tpu.wait_dma2 semaphore(%arg9 : memref<!tpu.dma_semaphore, #tpu.memory_space<semaphore_mem>>) src(%dma_wait3A_675 : memref<64x512xf32, #tpu.memory_space<hbm>>) dst(%arg6 : memref<64x512xf32, #tpu.memory_space<vmem>>)
    %dma_wait3A_676 = arith.constant 2 : i32
    %dma_wait3A_677 = arith.constant 0 : i32
    %dma_wait3A_678 = tpu.memref_slice %arg3[%dma_wait3A_676, %add3A_30, %dma_wait3A_677] : memref<10x16384x512xf32, #tpu.memory_space<hbm>> -> memref<1x64x512xf32, #tpu.memory_space<hbm>>
    %dma_wait3A_679 = tpu.memref_squeeze %dma_wait3A_678 : memref<1x64x512xf32, #tpu.memory_space<hbm>> -> memref<64x512xf32, #tpu.memory_space<hbm>>
    %dma_wait3A_680 = arith.constant 0 : i32
    %dma_wait3A_681 = tpu.memref_slice %arg3[%dma_wait3A_676, %add3A_30, %dma_wait3A_680] : memref<10x16384x512xf32, #tpu.memory_space<hbm>> -> memref<1x64x512xf32, #tpu.memory_space<hbm>>
    %dma_wait3A_682 = tpu.memref_squeeze %dma_wait3A_681 : memref<1x64x512xf32, #tpu.memory_space<hbm>> -> memref<64x512xf32, #tpu.memory_space<hbm>>
    tpu.wait_dma2 semaphore(%arg11 : memref<!tpu.dma_semaphore, #tpu.memory_space<semaphore_mem>>) src(%arg5 : memref<64x512xf32, #tpu.memory_space<vmem>>) dst(%dma_wait3A_682 : memref<64x512xf32, #tpu.memory_space<hbm>>)
    %dma_wait3A_683 = arith.constant 3 : i32
    %dma_wait3A_684 = arith.constant 0 : i32
    %dma_wait3A_685 = tpu.memref_slice %arg3[%dma_wait3A_683, %add3A_30, %dma_wait3A_684] : memref<10x16384x512xf32, #tpu.memory_space<hbm>> -> memref<1x64x512xf32, #tpu.memory_space<hbm>>
    %dma_wait3A_686 = tpu.memref_squeeze %dma_wait3A_685 : memref<1x64x512xf32, #tpu.memory_space<hbm>> -> memref<64x512xf32, #tpu.memory_space<hbm>>
    %dma_wait3A_687 = arith.constant 0 : i32
    %dma_wait3A_688 = tpu.memref_slice %arg3[%dma_wait3A_683, %add3A_30, %dma_wait3A_687] : memref<10x16384x512xf32, #tpu.memory_space<hbm>> -> memref<1x64x512xf32, #tpu.memory_space<hbm>>
    %dma_wait3A_689 = tpu.memref_squeeze %dma_wait3A_688 : memref<1x64x512xf32, #tpu.memory_space<hbm>> -> memref<64x512xf32, #tpu.memory_space<hbm>>
    tpu.wait_dma2 semaphore(%arg14 : memref<!tpu.dma_semaphore, #tpu.memory_space<semaphore_mem>>) src(%arg5 : memref<64x512xf32, #tpu.memory_space<vmem>>) dst(%dma_wait3A_689 : memref<64x512xf32, #tpu.memory_space<hbm>>)
    %dma_start3A_690 = arith.constant 2 : i32
    %dma_start3A_691 = arith.constant 0 : i32
    %dma_start3A_692 = tpu.memref_slice %arg3[%dma_start3A_690, %add3A_32, %dma_start3A_691] : memref<10x16384x512xf32, #tpu.memory_space<hbm>> -> memref<1x64x512xf32, #tpu.memory_space<hbm>>
    %dma_start3A_693 = tpu.memref_squeeze %dma_start3A_692 : memref<1x64x512xf32, #tpu.memory_space<hbm>> -> memref<64x512xf32, #tpu.memory_space<hbm>>
    %dma_start3A_694 = arith.constant 0 : i32
    %dma_start3A_695 = tpu.memref_slice %arg3[%dma_start3A_690, %add3A_32, %dma_start3A_694] : memref<10x16384x512xf32, #tpu.memory_space<hbm>> -> memref<1x64x512xf32, #tpu.memory_space<hbm>>
    %dma_start3A_696 = tpu.memref_squeeze %dma_start3A_695 : memref<1x64x512xf32, #tpu.memory_space<hbm>> -> memref<64x512xf32, #tpu.memory_space<hbm>>
    tpu.enqueue_dma source(%arg6 : memref<64x512xf32, #tpu.memory_space<vmem>>) target(%dma_start3A_696 : memref<64x512xf32, #tpu.memory_space<hbm>>) target_semaphore(%arg12 : memref<!tpu.dma_semaphore, #tpu.memory_space<semaphore_mem>>)
    %dma_start3A_697 = arith.constant 3 : i32
    %dma_start3A_698 = arith.constant 0 : i32
    %dma_start3A_699 = tpu.memref_slice %arg3[%dma_start3A_697, %add3A_32, %dma_start3A_698] : memref<10x16384x512xf32, #tpu.memory_space<hbm>> -> memref<1x64x512xf32, #tpu.memory_space<hbm>>
    %dma_start3A_700 = tpu.memref_squeeze %dma_start3A_699 : memref<1x64x512xf32, #tpu.memory_space<hbm>> -> memref<64x512xf32, #tpu.memory_space<hbm>>
    %dma_start3A_701 = arith.constant 0 : i32
    %dma_start3A_702 = tpu.memref_slice %arg3[%dma_start3A_697, %add3A_32, %dma_start3A_701] : memref<10x16384x512xf32, #tpu.memory_space<hbm>> -> memref<1x64x512xf32, #tpu.memory_space<hbm>>
    %dma_start3A_703 = tpu.memref_squeeze %dma_start3A_702 : memref<1x64x512xf32, #tpu.memory_space<hbm>> -> memref<64x512xf32, #tpu.memory_space<hbm>>
    tpu.enqueue_dma source(%arg6 : memref<64x512xf32, #tpu.memory_space<vmem>>) target(%dma_start3A_703 : memref<64x512xf32, #tpu.memory_space<hbm>>) target_semaphore(%arg15 : memref<!tpu.dma_semaphore, #tpu.memory_space<semaphore_mem>>)
    %dma_start3A_704 = arith.constant 2 : i32
    %dma_start3A_705 = arith.constant 0 : i32
    %dma_start3A_706 = tpu.memref_slice %arg2[%dma_start3A_704, %add3A_36, %dma_start3A_705] : memref<5x16384x512xf32, #tpu.memory_space<hbm>> -> memref<1x64x512xf32, #tpu.memory_space<hbm>>
    %dma_start3A_707 = tpu.memref_squeeze %dma_start3A_706 : memref<1x64x512xf32, #tpu.memory_space<hbm>> -> memref<64x512xf32, #tpu.memory_space<hbm>>
    %dma_start3A_708 = arith.constant 0 : i32
    %dma_start3A_709 = tpu.memref_slice %arg2[%dma_start3A_704, %add3A_36, %dma_start3A_708] : memref<5x16384x512xf32, #tpu.memory_space<hbm>> -> memref<1x64x512xf32, #tpu.memory_space<hbm>>
    %dma_start3A_710 = tpu.memref_squeeze %dma_start3A_709 : memref<1x64x512xf32, #tpu.memory_space<hbm>> -> memref<64x512xf32, #tpu.memory_space<hbm>>
    tpu.enqueue_dma source(%dma_start3A_710 : memref<64x512xf32, #tpu.memory_space<hbm>>) target(%arg5 : memref<64x512xf32, #tpu.memory_space<vmem>>) target_semaphore(%arg8 : memref<!tpu.dma_semaphore, #tpu.memory_space<semaphore_mem>>)
    %dma_wait3A_711 = arith.constant 1 : i32
    %dma_wait3A_712 = arith.constant 0 : i32
    %dma_wait3A_713 = tpu.memref_slice %arg2[%dma_wait3A_711, %add3A_34, %dma_wait3A_712] : memref<5x16384x512xf32, #tpu.memory_space<hbm>> -> memref<1x64x512xf32, #tpu.memory_space<hbm>>
    %dma_wait3A_714 = tpu.memref_squeeze %dma_wait3A_713 : memref<1x64x512xf32, #tpu.memory_space<hbm>> -> memref<64x512xf32, #tpu.memory_space<hbm>>
    %dma_wait3A_715 = arith.constant 0 : i32
    %dma_wait3A_716 = tpu.memref_slice %arg2[%dma_wait3A_711, %add3A_34, %dma_wait3A_715] : memref<5x16384x512xf32, #tpu.memory_space<hbm>> -> memref<1x64x512xf32, #tpu.memory_space<hbm>>
    %dma_wait3A_717 = tpu.memref_squeeze %dma_wait3A_716 : memref<1x64x512xf32, #tpu.memory_space<hbm>> -> memref<64x512xf32, #tpu.memory_space<hbm>>
    tpu.wait_dma2 semaphore(%arg7 : memref<!tpu.dma_semaphore, #tpu.memory_space<semaphore_mem>>) src(%dma_wait3A_717 : memref<64x512xf32, #tpu.memory_space<hbm>>) dst(%arg4 : memref<64x512xf32, #tpu.memory_space<vmem>>)
    %dma_wait3A_718 = arith.constant 2 : i32
    %dma_wait3A_719 = arith.constant 0 : i32
    %dma_wait3A_720 = tpu.memref_slice %arg3[%dma_wait3A_718, %add3A_32, %dma_wait3A_719] : memref<10x16384x512xf32, #tpu.memory_space<hbm>> -> memref<1x64x512xf32, #tpu.memory_space<hbm>>
    %dma_wait3A_721 = tpu.memref_squeeze %dma_wait3A_720 : memref<1x64x512xf32, #tpu.memory_space<hbm>> -> memref<64x512xf32, #tpu.memory_space<hbm>>
    %dma_wait3A_722 = arith.constant 0 : i32
    %dma_wait3A_723 = tpu.memref_slice %arg3[%dma_wait3A_718, %add3A_32, %dma_wait3A_722] : memref<10x16384x512xf32, #tpu.memory_space<hbm>> -> memref<1x64x512xf32, #tpu.memory_space<hbm>>
    %dma_wait3A_724 = tpu.memref_squeeze %dma_wait3A_723 : memref<1x64x512xf32, #tpu.memory_space<hbm>> -> memref<64x512xf32, #tpu.memory_space<hbm>>
    tpu.wait_dma2 semaphore(%arg12 : memref<!tpu.dma_semaphore, #tpu.memory_space<semaphore_mem>>) src(%arg6 : memref<64x512xf32, #tpu.memory_space<vmem>>) dst(%dma_wait3A_724 : memref<64x512xf32, #tpu.memory_space<hbm>>)
    %dma_wait3A_725 = arith.constant 3 : i32
    %dma_wait3A_726 = arith.constant 0 : i32
    %dma_wait3A_727 = tpu.memref_slice %arg3[%dma_wait3A_725, %add3A_32, %dma_wait3A_726] : memref<10x16384x512xf32, #tpu.memory_space<hbm>> -> memref<1x64x512xf32, #tpu.memory_space<hbm>>
    %dma_wait3A_728 = tpu.memref_squeeze %dma_wait3A_727 : memref<1x64x512xf32, #tpu.memory_space<hbm>> -> memref<64x512xf32, #tpu.memory_space<hbm>>
    %dma_wait3A_729 = arith.constant 0 : i32
    %dma_wait3A_730 = tpu.memref_slice %arg3[%dma_wait3A_725, %add3A_32, %dma_wait3A_729] : memref<10x16384x512xf32, #tpu.memory_space<hbm>> -> memref<1x64x512xf32, #tpu.memory_space<hbm>>
    %dma_wait3A_731 = tpu.memref_squeeze %dma_wait3A_730 : memref<1x64x512xf32, #tpu.memory_space<hbm>> -> memref<64x512xf32, #tpu.memory_space<hbm>>
    tpu.wait_dma2 semaphore(%arg15 : memref<!tpu.dma_semaphore, #tpu.memory_space<semaphore_mem>>) src(%arg6 : memref<64x512xf32, #tpu.memory_space<vmem>>) dst(%dma_wait3A_731 : memref<64x512xf32, #tpu.memory_space<hbm>>)
    %dma_start3A_732 = arith.constant 2 : i32
    %dma_start3A_733 = arith.constant 0 : i32
    %dma_start3A_734 = tpu.memref_slice %arg3[%dma_start3A_732, %add3A_34, %dma_start3A_733] : memref<10x16384x512xf32, #tpu.memory_space<hbm>> -> memref<1x64x512xf32, #tpu.memory_space<hbm>>
    %dma_start3A_735 = tpu.memref_squeeze %dma_start3A_734 : memref<1x64x512xf32, #tpu.memory_space<hbm>> -> memref<64x512xf32, #tpu.memory_space<hbm>>
    %dma_start3A_736 = arith.constant 0 : i32
    %dma_start3A_737 = tpu.memref_slice %arg3[%dma_start3A_732, %add3A_34, %dma_start3A_736] : memref<10x16384x512xf32, #tpu.memory_space<hbm>> -> memref<1x64x512xf32, #tpu.memory_space<hbm>>
    %dma_start3A_738 = tpu.memref_squeeze %dma_start3A_737 : memref<1x64x512xf32, #tpu.memory_space<hbm>> -> memref<64x512xf32, #tpu.memory_space<hbm>>
    tpu.enqueue_dma source(%arg4 : memref<64x512xf32, #tpu.memory_space<vmem>>) target(%dma_start3A_738 : memref<64x512xf32, #tpu.memory_space<hbm>>) target_semaphore(%arg10 : memref<!tpu.dma_semaphore, #tpu.memory_space<semaphore_mem>>)
    %dma_start3A_739 = arith.constant 3 : i32
    %dma_start3A_740 = arith.constant 0 : i32
    %dma_start3A_741 = tpu.memref_slice %arg3[%dma_start3A_739, %add3A_34, %dma_start3A_740] : memref<10x16384x512xf32, #tpu.memory_space<hbm>> -> memref<1x64x512xf32, #tpu.memory_space<hbm>>
    %dma_start3A_742 = tpu.memref_squeeze %dma_start3A_741 : memref<1x64x512xf32, #tpu.memory_space<hbm>> -> memref<64x512xf32, #tpu.memory_space<hbm>>
    %dma_start3A_743 = arith.constant 0 : i32
    %dma_start3A_744 = tpu.memref_slice %arg3[%dma_start3A_739, %add3A_34, %dma_start3A_743] : memref<10x16384x512xf32, #tpu.memory_space<hbm>> -> memref<1x64x512xf32, #tpu.memory_space<hbm>>
    %dma_start3A_745 = tpu.memref_squeeze %dma_start3A_744 : memref<1x64x512xf32, #tpu.memory_space<hbm>> -> memref<64x512xf32, #tpu.memory_space<hbm>>
    tpu.enqueue_dma source(%arg4 : memref<64x512xf32, #tpu.memory_space<vmem>>) target(%dma_start3A_745 : memref<64x512xf32, #tpu.memory_space<hbm>>) target_semaphore(%arg13 : memref<!tpu.dma_semaphore, #tpu.memory_space<semaphore_mem>>)
    %dma_start3A_746 = arith.constant 2 : i32
    %dma_start3A_747 = arith.constant 0 : i32
    %dma_start3A_748 = tpu.memref_slice %arg2[%dma_start3A_746, %add3A_38, %dma_start3A_747] : memref<5x16384x512xf32, #tpu.memory_space<hbm>> -> memref<1x64x512xf32, #tpu.memory_space<hbm>>
    %dma_start3A_749 = tpu.memref_squeeze %dma_start3A_748 : memref<1x64x512xf32, #tpu.memory_space<hbm>> -> memref<64x512xf32, #tpu.memory_space<hbm>>
    %dma_start3A_750 = arith.constant 0 : i32
    %dma_start3A_751 = tpu.memref_slice %arg2[%dma_start3A_746, %add3A_38, %dma_start3A_750] : memref<5x16384x512xf32, #tpu.memory_space<hbm>> -> memref<1x64x512xf32, #tpu.memory_space<hbm>>
    %dma_start3A_752 = tpu.memref_squeeze %dma_start3A_751 : memref<1x64x512xf32, #tpu.memory_space<hbm>> -> memref<64x512xf32, #tpu.memory_space<hbm>>
    tpu.enqueue_dma source(%dma_start3A_752 : memref<64x512xf32, #tpu.memory_space<hbm>>) target(%arg6 : memref<64x512xf32, #tpu.memory_space<vmem>>) target_semaphore(%arg9 : memref<!tpu.dma_semaphore, #tpu.memory_space<semaphore_mem>>)
    %dma_wait3A_753 = arith.constant 2 : i32
    %dma_wait3A_754 = arith.constant 0 : i32
    %dma_wait3A_755 = tpu.memref_slice %arg2[%dma_wait3A_753, %add3A_36, %dma_wait3A_754] : memref<5x16384x512xf32, #tpu.memory_space<hbm>> -> memref<1x64x512xf32, #tpu.memory_space<hbm>>
    %dma_wait3A_756 = tpu.memref_squeeze %dma_wait3A_755 : memref<1x64x512xf32, #tpu.memory_space<hbm>> -> memref<64x512xf32, #tpu.memory_space<hbm>>
    %dma_wait3A_757 = arith.constant 0 : i32
    %dma_wait3A_758 = tpu.memref_slice %arg2[%dma_wait3A_753, %add3A_36, %dma_wait3A_757] : memref<5x16384x512xf32, #tpu.memory_space<hbm>> -> memref<1x64x512xf32, #tpu.memory_space<hbm>>
    %dma_wait3A_759 = tpu.memref_squeeze %dma_wait3A_758 : memref<1x64x512xf32, #tpu.memory_space<hbm>> -> memref<64x512xf32, #tpu.memory_space<hbm>>
    tpu.wait_dma2 semaphore(%arg8 : memref<!tpu.dma_semaphore, #tpu.memory_space<semaphore_mem>>) src(%dma_wait3A_759 : memref<64x512xf32, #tpu.memory_space<hbm>>) dst(%arg5 : memref<64x512xf32, #tpu.memory_space<vmem>>)
    %dma_wait3A_760 = arith.constant 2 : i32
    %dma_wait3A_761 = arith.constant 0 : i32
    %dma_wait3A_762 = tpu.memref_slice %arg3[%dma_wait3A_760, %add3A_34, %dma_wait3A_761] : memref<10x16384x512xf32, #tpu.memory_space<hbm>> -> memref<1x64x512xf32, #tpu.memory_space<hbm>>
    %dma_wait3A_763 = tpu.memref_squeeze %dma_wait3A_762 : memref<1x64x512xf32, #tpu.memory_space<hbm>> -> memref<64x512xf32, #tpu.memory_space<hbm>>
    %dma_wait3A_764 = arith.constant 0 : i32
    %dma_wait3A_765 = tpu.memref_slice %arg3[%dma_wait3A_760, %add3A_34, %dma_wait3A_764] : memref<10x16384x512xf32, #tpu.memory_space<hbm>> -> memref<1x64x512xf32, #tpu.memory_space<hbm>>
    %dma_wait3A_766 = tpu.memref_squeeze %dma_wait3A_765 : memref<1x64x512xf32, #tpu.memory_space<hbm>> -> memref<64x512xf32, #tpu.memory_space<hbm>>
    tpu.wait_dma2 semaphore(%arg10 : memref<!tpu.dma_semaphore, #tpu.memory_space<semaphore_mem>>) src(%arg4 : memref<64x512xf32, #tpu.memory_space<vmem>>) dst(%dma_wait3A_766 : memref<64x512xf32, #tpu.memory_space<hbm>>)
    %dma_wait3A_767 = arith.constant 3 : i32
    %dma_wait3A_768 = arith.constant 0 : i32
    %dma_wait3A_769 = tpu.memref_slice %arg3[%dma_wait3A_767, %add3A_34, %dma_wait3A_768] : memref<10x16384x512xf32, #tpu.memory_space<hbm>> -> memref<1x64x512xf32, #tpu.memory_space<hbm>>
    %dma_wait3A_770 = tpu.memref_squeeze %dma_wait3A_769 : memref<1x64x512xf32, #tpu.memory_space<hbm>> -> memref<64x512xf32, #tpu.memory_space<hbm>>
    %dma_wait3A_771 = arith.constant 0 : i32
    %dma_wait3A_772 = tpu.memref_slice %arg3[%dma_wait3A_767, %add3A_34, %dma_wait3A_771] : memref<10x16384x512xf32, #tpu.memory_space<hbm>> -> memref<1x64x512xf32, #tpu.memory_space<hbm>>
    %dma_wait3A_773 = tpu.memref_squeeze %dma_wait3A_772 : memref<1x64x512xf32, #tpu.memory_space<hbm>> -> memref<64x512xf32, #tpu.memory_space<hbm>>
    tpu.wait_dma2 semaphore(%arg13 : memref<!tpu.dma_semaphore, #tpu.memory_space<semaphore_mem>>) src(%arg4 : memref<64x512xf32, #tpu.memory_space<vmem>>) dst(%dma_wait3A_773 : memref<64x512xf32, #tpu.memory_space<hbm>>)
    %dma_start3A_774 = arith.constant 4 : i32
    %dma_start3A_775 = arith.constant 0 : i32
    %dma_start3A_776 = tpu.memref_slice %arg3[%dma_start3A_774, %add3A_36, %dma_start3A_775] : memref<10x16384x512xf32, #tpu.memory_space<hbm>> -> memref<1x64x512xf32, #tpu.memory_space<hbm>>
    %dma_start3A_777 = tpu.memref_squeeze %dma_start3A_776 : memref<1x64x512xf32, #tpu.memory_space<hbm>> -> memref<64x512xf32, #tpu.memory_space<hbm>>
    %dma_start3A_778 = arith.constant 0 : i32
    %dma_start3A_779 = tpu.memref_slice %arg3[%dma_start3A_774, %add3A_36, %dma_start3A_778] : memref<10x16384x512xf32, #tpu.memory_space<hbm>> -> memref<1x64x512xf32, #tpu.memory_space<hbm>>
    %dma_start3A_780 = tpu.memref_squeeze %dma_start3A_779 : memref<1x64x512xf32, #tpu.memory_space<hbm>> -> memref<64x512xf32, #tpu.memory_space<hbm>>
    tpu.enqueue_dma source(%arg5 : memref<64x512xf32, #tpu.memory_space<vmem>>) target(%dma_start3A_780 : memref<64x512xf32, #tpu.memory_space<hbm>>) target_semaphore(%arg11 : memref<!tpu.dma_semaphore, #tpu.memory_space<semaphore_mem>>)
    %dma_start3A_781 = arith.constant 5 : i32
    %dma_start3A_782 = arith.constant 0 : i32
    %dma_start3A_783 = tpu.memref_slice %arg3[%dma_start3A_781, %add3A_36, %dma_start3A_782] : memref<10x16384x512xf32, #tpu.memory_space<hbm>> -> memref<1x64x512xf32, #tpu.memory_space<hbm>>
    %dma_start3A_784 = tpu.memref_squeeze %dma_start3A_783 : memref<1x64x512xf32, #tpu.memory_space<hbm>> -> memref<64x512xf32, #tpu.memory_space<hbm>>
    %dma_start3A_785 = arith.constant 0 : i32
    %dma_start3A_786 = tpu.memref_slice %arg3[%dma_start3A_781, %add3A_36, %dma_start3A_785] : memref<10x16384x512xf32, #tpu.memory_space<hbm>> -> memref<1x64x512xf32, #tpu.memory_space<hbm>>
    %dma_start3A_787 = tpu.memref_squeeze %dma_start3A_786 : memref<1x64x512xf32, #tpu.memory_space<hbm>> -> memref<64x512xf32, #tpu.memory_space<hbm>>
    tpu.enqueue_dma source(%arg5 : memref<64x512xf32, #tpu.memory_space<vmem>>) target(%dma_start3A_787 : memref<64x512xf32, #tpu.memory_space<hbm>>) target_semaphore(%arg14 : memref<!tpu.dma_semaphore, #tpu.memory_space<semaphore_mem>>)
    %dma_start3A_788 = arith.constant 2 : i32
    %dma_start3A_789 = arith.constant 0 : i32
    %dma_start3A_790 = tpu.memref_slice %arg2[%dma_start3A_788, %add3A_40, %dma_start3A_789] : memref<5x16384x512xf32, #tpu.memory_space<hbm>> -> memref<1x64x512xf32, #tpu.memory_space<hbm>>
    %dma_start3A_791 = tpu.memref_squeeze %dma_start3A_790 : memref<1x64x512xf32, #tpu.memory_space<hbm>> -> memref<64x512xf32, #tpu.memory_space<hbm>>
    %dma_start3A_792 = arith.constant 0 : i32
    %dma_start3A_793 = tpu.memref_slice %arg2[%dma_start3A_788, %add3A_40, %dma_start3A_792] : memref<5x16384x512xf32, #tpu.memory_space<hbm>> -> memref<1x64x512xf32, #tpu.memory_space<hbm>>
    %dma_start3A_794 = tpu.memref_squeeze %dma_start3A_793 : memref<1x64x512xf32, #tpu.memory_space<hbm>> -> memref<64x512xf32, #tpu.memory_space<hbm>>
    tpu.enqueue_dma source(%dma_start3A_794 : memref<64x512xf32, #tpu.memory_space<hbm>>) target(%arg4 : memref<64x512xf32, #tpu.memory_space<vmem>>) target_semaphore(%arg7 : memref<!tpu.dma_semaphore, #tpu.memory_space<semaphore_mem>>)
    %dma_wait3A_795 = arith.constant 2 : i32
    %dma_wait3A_796 = arith.constant 0 : i32
    %dma_wait3A_797 = tpu.memref_slice %arg2[%dma_wait3A_795, %add3A_38, %dma_wait3A_796] : memref<5x16384x512xf32, #tpu.memory_space<hbm>> -> memref<1x64x512xf32, #tpu.memory_space<hbm>>
    %dma_wait3A_798 = tpu.memref_squeeze %dma_wait3A_797 : memref<1x64x512xf32, #tpu.memory_space<hbm>> -> memref<64x512xf32, #tpu.memory_space<hbm>>
    %dma_wait3A_799 = arith.constant 0 : i32
    %dma_wait3A_800 = tpu.memref_slice %arg2[%dma_wait3A_795, %add3A_38, %dma_wait3A_799] : memref<5x16384x512xf32, #tpu.memory_space<hbm>> -> memref<1x64x512xf32, #tpu.memory_space<hbm>>
    %dma_wait3A_801 = tpu.memref_squeeze %dma_wait3A_800 : memref<1x64x512xf32, #tpu.memory_space<hbm>> -> memref<64x512xf32, #tpu.memory_space<hbm>>
    tpu.wait_dma2 semaphore(%arg9 : memref<!tpu.dma_semaphore, #tpu.memory_space<semaphore_mem>>) src(%dma_wait3A_801 : memref<64x512xf32, #tpu.memory_space<hbm>>) dst(%arg6 : memref<64x512xf32, #tpu.memory_space<vmem>>)
    %dma_wait3A_802 = arith.constant 4 : i32
    %dma_wait3A_803 = arith.constant 0 : i32
    %dma_wait3A_804 = tpu.memref_slice %arg3[%dma_wait3A_802, %add3A_36, %dma_wait3A_803] : memref<10x16384x512xf32, #tpu.memory_space<hbm>> -> memref<1x64x512xf32, #tpu.memory_space<hbm>>
    %dma_wait3A_805 = tpu.memref_squeeze %dma_wait3A_804 : memref<1x64x512xf32, #tpu.memory_space<hbm>> -> memref<64x512xf32, #tpu.memory_space<hbm>>
    %dma_wait3A_806 = arith.constant 0 : i32
    %dma_wait3A_807 = tpu.memref_slice %arg3[%dma_wait3A_802, %add3A_36, %dma_wait3A_806] : memref<10x16384x512xf32, #tpu.memory_space<hbm>> -> memref<1x64x512xf32, #tpu.memory_space<hbm>>
    %dma_wait3A_808 = tpu.memref_squeeze %dma_wait3A_807 : memref<1x64x512xf32, #tpu.memory_space<hbm>> -> memref<64x512xf32, #tpu.memory_space<hbm>>
    tpu.wait_dma2 semaphore(%arg11 : memref<!tpu.dma_semaphore, #tpu.memory_space<semaphore_mem>>) src(%arg5 : memref<64x512xf32, #tpu.memory_space<vmem>>) dst(%dma_wait3A_808 : memref<64x512xf32, #tpu.memory_space<hbm>>)
    %dma_wait3A_809 = arith.constant 5 : i32
    %dma_wait3A_810 = arith.constant 0 : i32
    %dma_wait3A_811 = tpu.memref_slice %arg3[%dma_wait3A_809, %add3A_36, %dma_wait3A_810] : memref<10x16384x512xf32, #tpu.memory_space<hbm>> -> memref<1x64x512xf32, #tpu.memory_space<hbm>>
    %dma_wait3A_812 = tpu.memref_squeeze %dma_wait3A_811 : memref<1x64x512xf32, #tpu.memory_space<hbm>> -> memref<64x512xf32, #tpu.memory_space<hbm>>
    %dma_wait3A_813 = arith.constant 0 : i32
    %dma_wait3A_814 = tpu.memref_slice %arg3[%dma_wait3A_809, %add3A_36, %dma_wait3A_813] : memref<10x16384x512xf32, #tpu.memory_space<hbm>> -> memref<1x64x512xf32, #tpu.memory_space<hbm>>
    %dma_wait3A_815 = tpu.memref_squeeze %dma_wait3A_814 : memref<1x64x512xf32, #tpu.memory_space<hbm>> -> memref<64x512xf32, #tpu.memory_space<hbm>>
    tpu.wait_dma2 semaphore(%arg14 : memref<!tpu.dma_semaphore, #tpu.memory_space<semaphore_mem>>) src(%arg5 : memref<64x512xf32, #tpu.memory_space<vmem>>) dst(%dma_wait3A_815 : memref<64x512xf32, #tpu.memory_space<hbm>>)
    %dma_start3A_816 = arith.constant 4 : i32
    %dma_start3A_817 = arith.constant 0 : i32
    %dma_start3A_818 = tpu.memref_slice %arg3[%dma_start3A_816, %add3A_38, %dma_start3A_817] : memref<10x16384x512xf32, #tpu.memory_space<hbm>> -> memref<1x64x512xf32, #tpu.memory_space<hbm>>
    %dma_start3A_819 = tpu.memref_squeeze %dma_start3A_818 : memref<1x64x512xf32, #tpu.memory_space<hbm>> -> memref<64x512xf32, #tpu.memory_space<hbm>>
    %dma_start3A_820 = arith.constant 0 : i32
    %dma_start3A_821 = tpu.memref_slice %arg3[%dma_start3A_816, %add3A_38, %dma_start3A_820] : memref<10x16384x512xf32, #tpu.memory_space<hbm>> -> memref<1x64x512xf32, #tpu.memory_space<hbm>>
    %dma_start3A_822 = tpu.memref_squeeze %dma_start3A_821 : memref<1x64x512xf32, #tpu.memory_space<hbm>> -> memref<64x512xf32, #tpu.memory_space<hbm>>
    tpu.enqueue_dma source(%arg6 : memref<64x512xf32, #tpu.memory_space<vmem>>) target(%dma_start3A_822 : memref<64x512xf32, #tpu.memory_space<hbm>>) target_semaphore(%arg12 : memref<!tpu.dma_semaphore, #tpu.memory_space<semaphore_mem>>)
    %dma_start3A_823 = arith.constant 5 : i32
    %dma_start3A_824 = arith.constant 0 : i32
    %dma_start3A_825 = tpu.memref_slice %arg3[%dma_start3A_823, %add3A_38, %dma_start3A_824] : memref<10x16384x512xf32, #tpu.memory_space<hbm>> -> memref<1x64x512xf32, #tpu.memory_space<hbm>>
    %dma_start3A_826 = tpu.memref_squeeze %dma_start3A_825 : memref<1x64x512xf32, #tpu.memory_space<hbm>> -> memref<64x512xf32, #tpu.memory_space<hbm>>
    %dma_start3A_827 = arith.constant 0 : i32
    %dma_start3A_828 = tpu.memref_slice %arg3[%dma_start3A_823, %add3A_38, %dma_start3A_827] : memref<10x16384x512xf32, #tpu.memory_space<hbm>> -> memref<1x64x512xf32, #tpu.memory_space<hbm>>
    %dma_start3A_829 = tpu.memref_squeeze %dma_start3A_828 : memref<1x64x512xf32, #tpu.memory_space<hbm>> -> memref<64x512xf32, #tpu.memory_space<hbm>>
    tpu.enqueue_dma source(%arg6 : memref<64x512xf32, #tpu.memory_space<vmem>>) target(%dma_start3A_829 : memref<64x512xf32, #tpu.memory_space<hbm>>) target_semaphore(%arg15 : memref<!tpu.dma_semaphore, #tpu.memory_space<semaphore_mem>>)
    %dma_start3A_830 = arith.constant 2 : i32
    %dma_start3A_831 = arith.constant 0 : i32
    %dma_start3A_832 = tpu.memref_slice %arg2[%dma_start3A_830, %add3A_42, %dma_start3A_831] : memref<5x16384x512xf32, #tpu.memory_space<hbm>> -> memref<1x64x512xf32, #tpu.memory_space<hbm>>
    %dma_start3A_833 = tpu.memref_squeeze %dma_start3A_832 : memref<1x64x512xf32, #tpu.memory_space<hbm>> -> memref<64x512xf32, #tpu.memory_space<hbm>>
    %dma_start3A_834 = arith.constant 0 : i32
    %dma_start3A_835 = tpu.memref_slice %arg2[%dma_start3A_830, %add3A_42, %dma_start3A_834] : memref<5x16384x512xf32, #tpu.memory_space<hbm>> -> memref<1x64x512xf32, #tpu.memory_space<hbm>>
    %dma_start3A_836 = tpu.memref_squeeze %dma_start3A_835 : memref<1x64x512xf32, #tpu.memory_space<hbm>> -> memref<64x512xf32, #tpu.memory_space<hbm>>
    tpu.enqueue_dma source(%dma_start3A_836 : memref<64x512xf32, #tpu.memory_space<hbm>>) target(%arg5 : memref<64x512xf32, #tpu.memory_space<vmem>>) target_semaphore(%arg8 : memref<!tpu.dma_semaphore, #tpu.memory_space<semaphore_mem>>)
    %dma_wait3A_837 = arith.constant 2 : i32
    %dma_wait3A_838 = arith.constant 0 : i32
    %dma_wait3A_839 = tpu.memref_slice %arg2[%dma_wait3A_837, %add3A_40, %dma_wait3A_838] : memref<5x16384x512xf32, #tpu.memory_space<hbm>> -> memref<1x64x512xf32, #tpu.memory_space<hbm>>
    %dma_wait3A_840 = tpu.memref_squeeze %dma_wait3A_839 : memref<1x64x512xf32, #tpu.memory_space<hbm>> -> memref<64x512xf32, #tpu.memory_space<hbm>>
    %dma_wait3A_841 = arith.constant 0 : i32
    %dma_wait3A_842 = tpu.memref_slice %arg2[%dma_wait3A_837, %add3A_40, %dma_wait3A_841] : memref<5x16384x512xf32, #tpu.memory_space<hbm>> -> memref<1x64x512xf32, #tpu.memory_space<hbm>>
    %dma_wait3A_843 = tpu.memref_squeeze %dma_wait3A_842 : memref<1x64x512xf32, #tpu.memory_space<hbm>> -> memref<64x512xf32, #tpu.memory_space<hbm>>
    tpu.wait_dma2 semaphore(%arg7 : memref<!tpu.dma_semaphore, #tpu.memory_space<semaphore_mem>>) src(%dma_wait3A_843 : memref<64x512xf32, #tpu.memory_space<hbm>>) dst(%arg4 : memref<64x512xf32, #tpu.memory_space<vmem>>)
    %dma_wait3A_844 = arith.constant 4 : i32
    %dma_wait3A_845 = arith.constant 0 : i32
    %dma_wait3A_846 = tpu.memref_slice %arg3[%dma_wait3A_844, %add3A_38, %dma_wait3A_845] : memref<10x16384x512xf32, #tpu.memory_space<hbm>> -> memref<1x64x512xf32, #tpu.memory_space<hbm>>
    %dma_wait3A_847 = tpu.memref_squeeze %dma_wait3A_846 : memref<1x64x512xf32, #tpu.memory_space<hbm>> -> memref<64x512xf32, #tpu.memory_space<hbm>>
    %dma_wait3A_848 = arith.constant 0 : i32
    %dma_wait3A_849 = tpu.memref_slice %arg3[%dma_wait3A_844, %add3A_38, %dma_wait3A_848] : memref<10x16384x512xf32, #tpu.memory_space<hbm>> -> memref<1x64x512xf32, #tpu.memory_space<hbm>>
    %dma_wait3A_850 = tpu.memref_squeeze %dma_wait3A_849 : memref<1x64x512xf32, #tpu.memory_space<hbm>> -> memref<64x512xf32, #tpu.memory_space<hbm>>
    tpu.wait_dma2 semaphore(%arg12 : memref<!tpu.dma_semaphore, #tpu.memory_space<semaphore_mem>>) src(%arg6 : memref<64x512xf32, #tpu.memory_space<vmem>>) dst(%dma_wait3A_850 : memref<64x512xf32, #tpu.memory_space<hbm>>)
    %dma_wait3A_851 = arith.constant 5 : i32
    %dma_wait3A_852 = arith.constant 0 : i32
    %dma_wait3A_853 = tpu.memref_slice %arg3[%dma_wait3A_851, %add3A_38, %dma_wait3A_852] : memref<10x16384x512xf32, #tpu.memory_space<hbm>> -> memref<1x64x512xf32, #tpu.memory_space<hbm>>
    %dma_wait3A_854 = tpu.memref_squeeze %dma_wait3A_853 : memref<1x64x512xf32, #tpu.memory_space<hbm>> -> memref<64x512xf32, #tpu.memory_space<hbm>>
    %dma_wait3A_855 = arith.constant 0 : i32
    %dma_wait3A_856 = tpu.memref_slice %arg3[%dma_wait3A_851, %add3A_38, %dma_wait3A_855] : memref<10x16384x512xf32, #tpu.memory_space<hbm>> -> memref<1x64x512xf32, #tpu.memory_space<hbm>>
    %dma_wait3A_857 = tpu.memref_squeeze %dma_wait3A_856 : memref<1x64x512xf32, #tpu.memory_space<hbm>> -> memref<64x512xf32, #tpu.memory_space<hbm>>
    tpu.wait_dma2 semaphore(%arg15 : memref<!tpu.dma_semaphore, #tpu.memory_space<semaphore_mem>>) src(%arg6 : memref<64x512xf32, #tpu.memory_space<vmem>>) dst(%dma_wait3A_857 : memref<64x512xf32, #tpu.memory_space<hbm>>)
    %dma_start3A_858 = arith.constant 4 : i32
    %dma_start3A_859 = arith.constant 0 : i32
    %dma_start3A_860 = tpu.memref_slice %arg3[%dma_start3A_858, %add3A_40, %dma_start3A_859] : memref<10x16384x512xf32, #tpu.memory_space<hbm>> -> memref<1x64x512xf32, #tpu.memory_space<hbm>>
    %dma_start3A_861 = tpu.memref_squeeze %dma_start3A_860 : memref<1x64x512xf32, #tpu.memory_space<hbm>> -> memref<64x512xf32, #tpu.memory_space<hbm>>
    %dma_start3A_862 = arith.constant 0 : i32
    %dma_start3A_863 = tpu.memref_slice %arg3[%dma_start3A_858, %add3A_40, %dma_start3A_862] : memref<10x16384x512xf32, #tpu.memory_space<hbm>> -> memref<1x64x512xf32, #tpu.memory_space<hbm>>
    %dma_start3A_864 = tpu.memref_squeeze %dma_start3A_863 : memref<1x64x512xf32, #tpu.memory_space<hbm>> -> memref<64x512xf32, #tpu.memory_space<hbm>>
    tpu.enqueue_dma source(%arg4 : memref<64x512xf32, #tpu.memory_space<vmem>>) target(%dma_start3A_864 : memref<64x512xf32, #tpu.memory_space<hbm>>) target_semaphore(%arg10 : memref<!tpu.dma_semaphore, #tpu.memory_space<semaphore_mem>>)
    %dma_start3A_865 = arith.constant 5 : i32
    %dma_start3A_866 = arith.constant 0 : i32
    %dma_start3A_867 = tpu.memref_slice %arg3[%dma_start3A_865, %add3A_40, %dma_start3A_866] : memref<10x16384x512xf32, #tpu.memory_space<hbm>> -> memref<1x64x512xf32, #tpu.memory_space<hbm>>
    %dma_start3A_868 = tpu.memref_squeeze %dma_start3A_867 : memref<1x64x512xf32, #tpu.memory_space<hbm>> -> memref<64x512xf32, #tpu.memory_space<hbm>>
    %dma_start3A_869 = arith.constant 0 : i32
    %dma_start3A_870 = tpu.memref_slice %arg3[%dma_start3A_865, %add3A_40, %dma_start3A_869] : memref<10x16384x512xf32, #tpu.memory_space<hbm>> -> memref<1x64x512xf32, #tpu.memory_space<hbm>>
    %dma_start3A_871 = tpu.memref_squeeze %dma_start3A_870 : memref<1x64x512xf32, #tpu.memory_space<hbm>> -> memref<64x512xf32, #tpu.memory_space<hbm>>
    tpu.enqueue_dma source(%arg4 : memref<64x512xf32, #tpu.memory_space<vmem>>) target(%dma_start3A_871 : memref<64x512xf32, #tpu.memory_space<hbm>>) target_semaphore(%arg13 : memref<!tpu.dma_semaphore, #tpu.memory_space<semaphore_mem>>)
    %dma_start3A_872 = arith.constant 2 : i32
    %dma_start3A_873 = arith.constant 0 : i32
    %dma_start3A_874 = tpu.memref_slice %arg2[%dma_start3A_872, %add3A_44, %dma_start3A_873] : memref<5x16384x512xf32, #tpu.memory_space<hbm>> -> memref<1x64x512xf32, #tpu.memory_space<hbm>>
    %dma_start3A_875 = tpu.memref_squeeze %dma_start3A_874 : memref<1x64x512xf32, #tpu.memory_space<hbm>> -> memref<64x512xf32, #tpu.memory_space<hbm>>
    %dma_start3A_876 = arith.constant 0 : i32
    %dma_start3A_877 = tpu.memref_slice %arg2[%dma_start3A_872, %add3A_44, %dma_start3A_876] : memref<5x16384x512xf32, #tpu.memory_space<hbm>> -> memref<1x64x512xf32, #tpu.memory_space<hbm>>
    %dma_start3A_878 = tpu.memref_squeeze %dma_start3A_877 : memref<1x64x512xf32, #tpu.memory_space<hbm>> -> memref<64x512xf32, #tpu.memory_space<hbm>>
    tpu.enqueue_dma source(%dma_start3A_878 : memref<64x512xf32, #tpu.memory_space<hbm>>) target(%arg6 : memref<64x512xf32, #tpu.memory_space<vmem>>) target_semaphore(%arg9 : memref<!tpu.dma_semaphore, #tpu.memory_space<semaphore_mem>>)
    %dma_wait3A_879 = arith.constant 2 : i32
    %dma_wait3A_880 = arith.constant 0 : i32
    %dma_wait3A_881 = tpu.memref_slice %arg2[%dma_wait3A_879, %add3A_42, %dma_wait3A_880] : memref<5x16384x512xf32, #tpu.memory_space<hbm>> -> memref<1x64x512xf32, #tpu.memory_space<hbm>>
    %dma_wait3A_882 = tpu.memref_squeeze %dma_wait3A_881 : memref<1x64x512xf32, #tpu.memory_space<hbm>> -> memref<64x512xf32, #tpu.memory_space<hbm>>
    %dma_wait3A_883 = arith.constant 0 : i32
    %dma_wait3A_884 = tpu.memref_slice %arg2[%dma_wait3A_879, %add3A_42, %dma_wait3A_883] : memref<5x16384x512xf32, #tpu.memory_space<hbm>> -> memref<1x64x512xf32, #tpu.memory_space<hbm>>
    %dma_wait3A_885 = tpu.memref_squeeze %dma_wait3A_884 : memref<1x64x512xf32, #tpu.memory_space<hbm>> -> memref<64x512xf32, #tpu.memory_space<hbm>>
    tpu.wait_dma2 semaphore(%arg8 : memref<!tpu.dma_semaphore, #tpu.memory_space<semaphore_mem>>) src(%dma_wait3A_885 : memref<64x512xf32, #tpu.memory_space<hbm>>) dst(%arg5 : memref<64x512xf32, #tpu.memory_space<vmem>>)
    %dma_wait3A_886 = arith.constant 4 : i32
    %dma_wait3A_887 = arith.constant 0 : i32
    %dma_wait3A_888 = tpu.memref_slice %arg3[%dma_wait3A_886, %add3A_40, %dma_wait3A_887] : memref<10x16384x512xf32, #tpu.memory_space<hbm>> -> memref<1x64x512xf32, #tpu.memory_space<hbm>>
    %dma_wait3A_889 = tpu.memref_squeeze %dma_wait3A_888 : memref<1x64x512xf32, #tpu.memory_space<hbm>> -> memref<64x512xf32, #tpu.memory_space<hbm>>
    %dma_wait3A_890 = arith.constant 0 : i32
    %dma_wait3A_891 = tpu.memref_slice %arg3[%dma_wait3A_886, %add3A_40, %dma_wait3A_890] : memref<10x16384x512xf32, #tpu.memory_space<hbm>> -> memref<1x64x512xf32, #tpu.memory_space<hbm>>
    %dma_wait3A_892 = tpu.memref_squeeze %dma_wait3A_891 : memref<1x64x512xf32, #tpu.memory_space<hbm>> -> memref<64x512xf32, #tpu.memory_space<hbm>>
    tpu.wait_dma2 semaphore(%arg10 : memref<!tpu.dma_semaphore, #tpu.memory_space<semaphore_mem>>) src(%arg4 : memref<64x512xf32, #tpu.memory_space<vmem>>) dst(%dma_wait3A_892 : memref<64x512xf32, #tpu.memory_space<hbm>>)
    %dma_wait3A_893 = arith.constant 5 : i32
    %dma_wait3A_894 = arith.constant 0 : i32
    %dma_wait3A_895 = tpu.memref_slice %arg3[%dma_wait3A_893, %add3A_40, %dma_wait3A_894] : memref<10x16384x512xf32, #tpu.memory_space<hbm>> -> memref<1x64x512xf32, #tpu.memory_space<hbm>>
    %dma_wait3A_896 = tpu.memref_squeeze %dma_wait3A_895 : memref<1x64x512xf32, #tpu.memory_space<hbm>> -> memref<64x512xf32, #tpu.memory_space<hbm>>
    %dma_wait3A_897 = arith.constant 0 : i32
    %dma_wait3A_898 = tpu.memref_slice %arg3[%dma_wait3A_893, %add3A_40, %dma_wait3A_897] : memref<10x16384x512xf32, #tpu.memory_space<hbm>> -> memref<1x64x512xf32, #tpu.memory_space<hbm>>
    %dma_wait3A_899 = tpu.memref_squeeze %dma_wait3A_898 : memref<1x64x512xf32, #tpu.memory_space<hbm>> -> memref<64x512xf32, #tpu.memory_space<hbm>>
    tpu.wait_dma2 semaphore(%arg13 : memref<!tpu.dma_semaphore, #tpu.memory_space<semaphore_mem>>) src(%arg4 : memref<64x512xf32, #tpu.memory_space<vmem>>) dst(%dma_wait3A_899 : memref<64x512xf32, #tpu.memory_space<hbm>>)
    %dma_start3A_900 = arith.constant 4 : i32
    %dma_start3A_901 = arith.constant 0 : i32
    %dma_start3A_902 = tpu.memref_slice %arg3[%dma_start3A_900, %add3A_42, %dma_start3A_901] : memref<10x16384x512xf32, #tpu.memory_space<hbm>> -> memref<1x64x512xf32, #tpu.memory_space<hbm>>
    %dma_start3A_903 = tpu.memref_squeeze %dma_start3A_902 : memref<1x64x512xf32, #tpu.memory_space<hbm>> -> memref<64x512xf32, #tpu.memory_space<hbm>>
    %dma_start3A_904 = arith.constant 0 : i32
    %dma_start3A_905 = tpu.memref_slice %arg3[%dma_start3A_900, %add3A_42, %dma_start3A_904] : memref<10x16384x512xf32, #tpu.memory_space<hbm>> -> memref<1x64x512xf32, #tpu.memory_space<hbm>>
    %dma_start3A_906 = tpu.memref_squeeze %dma_start3A_905 : memref<1x64x512xf32, #tpu.memory_space<hbm>> -> memref<64x512xf32, #tpu.memory_space<hbm>>
    tpu.enqueue_dma source(%arg5 : memref<64x512xf32, #tpu.memory_space<vmem>>) target(%dma_start3A_906 : memref<64x512xf32, #tpu.memory_space<hbm>>) target_semaphore(%arg11 : memref<!tpu.dma_semaphore, #tpu.memory_space<semaphore_mem>>)
    %dma_start3A_907 = arith.constant 5 : i32
    %dma_start3A_908 = arith.constant 0 : i32
    %dma_start3A_909 = tpu.memref_slice %arg3[%dma_start3A_907, %add3A_42, %dma_start3A_908] : memref<10x16384x512xf32, #tpu.memory_space<hbm>> -> memref<1x64x512xf32, #tpu.memory_space<hbm>>
    %dma_start3A_910 = tpu.memref_squeeze %dma_start3A_909 : memref<1x64x512xf32, #tpu.memory_space<hbm>> -> memref<64x512xf32, #tpu.memory_space<hbm>>
    %dma_start3A_911 = arith.constant 0 : i32
    %dma_start3A_912 = tpu.memref_slice %arg3[%dma_start3A_907, %add3A_42, %dma_start3A_911] : memref<10x16384x512xf32, #tpu.memory_space<hbm>> -> memref<1x64x512xf32, #tpu.memory_space<hbm>>
    %dma_start3A_913 = tpu.memref_squeeze %dma_start3A_912 : memref<1x64x512xf32, #tpu.memory_space<hbm>> -> memref<64x512xf32, #tpu.memory_space<hbm>>
    tpu.enqueue_dma source(%arg5 : memref<64x512xf32, #tpu.memory_space<vmem>>) target(%dma_start3A_913 : memref<64x512xf32, #tpu.memory_space<hbm>>) target_semaphore(%arg14 : memref<!tpu.dma_semaphore, #tpu.memory_space<semaphore_mem>>)
    %dma_start3A_914 = arith.constant 2 : i32
    %dma_start3A_915 = arith.constant 0 : i32
    %dma_start3A_916 = tpu.memref_slice %arg2[%dma_start3A_914, %add3A_46, %dma_start3A_915] : memref<5x16384x512xf32, #tpu.memory_space<hbm>> -> memref<1x64x512xf32, #tpu.memory_space<hbm>>
    %dma_start3A_917 = tpu.memref_squeeze %dma_start3A_916 : memref<1x64x512xf32, #tpu.memory_space<hbm>> -> memref<64x512xf32, #tpu.memory_space<hbm>>
    %dma_start3A_918 = arith.constant 0 : i32
    %dma_start3A_919 = tpu.memref_slice %arg2[%dma_start3A_914, %add3A_46, %dma_start3A_918] : memref<5x16384x512xf32, #tpu.memory_space<hbm>> -> memref<1x64x512xf32, #tpu.memory_space<hbm>>
    %dma_start3A_920 = tpu.memref_squeeze %dma_start3A_919 : memref<1x64x512xf32, #tpu.memory_space<hbm>> -> memref<64x512xf32, #tpu.memory_space<hbm>>
    tpu.enqueue_dma source(%dma_start3A_920 : memref<64x512xf32, #tpu.memory_space<hbm>>) target(%arg4 : memref<64x512xf32, #tpu.memory_space<vmem>>) target_semaphore(%arg7 : memref<!tpu.dma_semaphore, #tpu.memory_space<semaphore_mem>>)
    %dma_wait3A_921 = arith.constant 2 : i32
    %dma_wait3A_922 = arith.constant 0 : i32
    %dma_wait3A_923 = tpu.memref_slice %arg2[%dma_wait3A_921, %add3A_44, %dma_wait3A_922] : memref<5x16384x512xf32, #tpu.memory_space<hbm>> -> memref<1x64x512xf32, #tpu.memory_space<hbm>>
    %dma_wait3A_924 = tpu.memref_squeeze %dma_wait3A_923 : memref<1x64x512xf32, #tpu.memory_space<hbm>> -> memref<64x512xf32, #tpu.memory_space<hbm>>
    %dma_wait3A_925 = arith.constant 0 : i32
    %dma_wait3A_926 = tpu.memref_slice %arg2[%dma_wait3A_921, %add3A_44, %dma_wait3A_925] : memref<5x16384x512xf32, #tpu.memory_space<hbm>> -> memref<1x64x512xf32, #tpu.memory_space<hbm>>
    %dma_wait3A_927 = tpu.memref_squeeze %dma_wait3A_926 : memref<1x64x512xf32, #tpu.memory_space<hbm>> -> memref<64x512xf32, #tpu.memory_space<hbm>>
    tpu.wait_dma2 semaphore(%arg9 : memref<!tpu.dma_semaphore, #tpu.memory_space<semaphore_mem>>) src(%dma_wait3A_927 : memref<64x512xf32, #tpu.memory_space<hbm>>) dst(%arg6 : memref<64x512xf32, #tpu.memory_space<vmem>>)
    %dma_wait3A_928 = arith.constant 4 : i32
    %dma_wait3A_929 = arith.constant 0 : i32
    %dma_wait3A_930 = tpu.memref_slice %arg3[%dma_wait3A_928, %add3A_42, %dma_wait3A_929] : memref<10x16384x512xf32, #tpu.memory_space<hbm>> -> memref<1x64x512xf32, #tpu.memory_space<hbm>>
    %dma_wait3A_931 = tpu.memref_squeeze %dma_wait3A_930 : memref<1x64x512xf32, #tpu.memory_space<hbm>> -> memref<64x512xf32, #tpu.memory_space<hbm>>
    %dma_wait3A_932 = arith.constant 0 : i32
    %dma_wait3A_933 = tpu.memref_slice %arg3[%dma_wait3A_928, %add3A_42, %dma_wait3A_932] : memref<10x16384x512xf32, #tpu.memory_space<hbm>> -> memref<1x64x512xf32, #tpu.memory_space<hbm>>
    %dma_wait3A_934 = tpu.memref_squeeze %dma_wait3A_933 : memref<1x64x512xf32, #tpu.memory_space<hbm>> -> memref<64x512xf32, #tpu.memory_space<hbm>>
    tpu.wait_dma2 semaphore(%arg11 : memref<!tpu.dma_semaphore, #tpu.memory_space<semaphore_mem>>) src(%arg5 : memref<64x512xf32, #tpu.memory_space<vmem>>) dst(%dma_wait3A_934 : memref<64x512xf32, #tpu.memory_space<hbm>>)
    %dma_wait3A_935 = arith.constant 5 : i32
    %dma_wait3A_936 = arith.constant 0 : i32
    %dma_wait3A_937 = tpu.memref_slice %arg3[%dma_wait3A_935, %add3A_42, %dma_wait3A_936] : memref<10x16384x512xf32, #tpu.memory_space<hbm>> -> memref<1x64x512xf32, #tpu.memory_space<hbm>>
    %dma_wait3A_938 = tpu.memref_squeeze %dma_wait3A_937 : memref<1x64x512xf32, #tpu.memory_space<hbm>> -> memref<64x512xf32, #tpu.memory_space<hbm>>
    %dma_wait3A_939 = arith.constant 0 : i32
    %dma_wait3A_940 = tpu.memref_slice %arg3[%dma_wait3A_935, %add3A_42, %dma_wait3A_939] : memref<10x16384x512xf32, #tpu.memory_space<hbm>> -> memref<1x64x512xf32, #tpu.memory_space<hbm>>
    %dma_wait3A_941 = tpu.memref_squeeze %dma_wait3A_940 : memref<1x64x512xf32, #tpu.memory_space<hbm>> -> memref<64x512xf32, #tpu.memory_space<hbm>>
    tpu.wait_dma2 semaphore(%arg14 : memref<!tpu.dma_semaphore, #tpu.memory_space<semaphore_mem>>) src(%arg5 : memref<64x512xf32, #tpu.memory_space<vmem>>) dst(%dma_wait3A_941 : memref<64x512xf32, #tpu.memory_space<hbm>>)
    %dma_start3A_942 = arith.constant 4 : i32
    %dma_start3A_943 = arith.constant 0 : i32
    %dma_start3A_944 = tpu.memref_slice %arg3[%dma_start3A_942, %add3A_44, %dma_start3A_943] : memref<10x16384x512xf32, #tpu.memory_space<hbm>> -> memref<1x64x512xf32, #tpu.memory_space<hbm>>
    %dma_start3A_945 = tpu.memref_squeeze %dma_start3A_944 : memref<1x64x512xf32, #tpu.memory_space<hbm>> -> memref<64x512xf32, #tpu.memory_space<hbm>>
    %dma_start3A_946 = arith.constant 0 : i32
    %dma_start3A_947 = tpu.memref_slice %arg3[%dma_start3A_942, %add3A_44, %dma_start3A_946] : memref<10x16384x512xf32, #tpu.memory_space<hbm>> -> memref<1x64x512xf32, #tpu.memory_space<hbm>>
    %dma_start3A_948 = tpu.memref_squeeze %dma_start3A_947 : memref<1x64x512xf32, #tpu.memory_space<hbm>> -> memref<64x512xf32, #tpu.memory_space<hbm>>
    tpu.enqueue_dma source(%arg6 : memref<64x512xf32, #tpu.memory_space<vmem>>) target(%dma_start3A_948 : memref<64x512xf32, #tpu.memory_space<hbm>>) target_semaphore(%arg12 : memref<!tpu.dma_semaphore, #tpu.memory_space<semaphore_mem>>)
    %dma_start3A_949 = arith.constant 5 : i32
    %dma_start3A_950 = arith.constant 0 : i32
    %dma_start3A_951 = tpu.memref_slice %arg3[%dma_start3A_949, %add3A_44, %dma_start3A_950] : memref<10x16384x512xf32, #tpu.memory_space<hbm>> -> memref<1x64x512xf32, #tpu.memory_space<hbm>>
    %dma_start3A_952 = tpu.memref_squeeze %dma_start3A_951 : memref<1x64x512xf32, #tpu.memory_space<hbm>> -> memref<64x512xf32, #tpu.memory_space<hbm>>
    %dma_start3A_953 = arith.constant 0 : i32
    %dma_start3A_954 = tpu.memref_slice %arg3[%dma_start3A_949, %add3A_44, %dma_start3A_953] : memref<10x16384x512xf32, #tpu.memory_space<hbm>> -> memref<1x64x512xf32, #tpu.memory_space<hbm>>
    %dma_start3A_955 = tpu.memref_squeeze %dma_start3A_954 : memref<1x64x512xf32, #tpu.memory_space<hbm>> -> memref<64x512xf32, #tpu.memory_space<hbm>>
    tpu.enqueue_dma source(%arg6 : memref<64x512xf32, #tpu.memory_space<vmem>>) target(%dma_start3A_955 : memref<64x512xf32, #tpu.memory_space<hbm>>) target_semaphore(%arg15 : memref<!tpu.dma_semaphore, #tpu.memory_space<semaphore_mem>>)
    %dma_start3A_956 = arith.constant 2 : i32
    %dma_start3A_957 = arith.constant 0 : i32
    %dma_start3A_958 = tpu.memref_slice %arg2[%dma_start3A_956, %add3A_48, %dma_start3A_957] : memref<5x16384x512xf32, #tpu.memory_space<hbm>> -> memref<1x64x512xf32, #tpu.memory_space<hbm>>
    %dma_start3A_959 = tpu.memref_squeeze %dma_start3A_958 : memref<1x64x512xf32, #tpu.memory_space<hbm>> -> memref<64x512xf32, #tpu.memory_space<hbm>>
    %dma_start3A_960 = arith.constant 0 : i32
    %dma_start3A_961 = tpu.memref_slice %arg2[%dma_start3A_956, %add3A_48, %dma_start3A_960] : memref<5x16384x512xf32, #tpu.memory_space<hbm>> -> memref<1x64x512xf32, #tpu.memory_space<hbm>>
    %dma_start3A_962 = tpu.memref_squeeze %dma_start3A_961 : memref<1x64x512xf32, #tpu.memory_space<hbm>> -> memref<64x512xf32, #tpu.memory_space<hbm>>
    tpu.enqueue_dma source(%dma_start3A_962 : memref<64x512xf32, #tpu.memory_space<hbm>>) target(%arg5 : memref<64x512xf32, #tpu.memory_space<vmem>>) target_semaphore(%arg8 : memref<!tpu.dma_semaphore, #tpu.memory_space<semaphore_mem>>)
    %dma_wait3A_963 = arith.constant 2 : i32
    %dma_wait3A_964 = arith.constant 0 : i32
    %dma_wait3A_965 = tpu.memref_slice %arg2[%dma_wait3A_963, %add3A_46, %dma_wait3A_964] : memref<5x16384x512xf32, #tpu.memory_space<hbm>> -> memref<1x64x512xf32, #tpu.memory_space<hbm>>
    %dma_wait3A_966 = tpu.memref_squeeze %dma_wait3A_965 : memref<1x64x512xf32, #tpu.memory_space<hbm>> -> memref<64x512xf32, #tpu.memory_space<hbm>>
    %dma_wait3A_967 = arith.constant 0 : i32
    %dma_wait3A_968 = tpu.memref_slice %arg2[%dma_wait3A_963, %add3A_46, %dma_wait3A_967] : memref<5x16384x512xf32, #tpu.memory_space<hbm>> -> memref<1x64x512xf32, #tpu.memory_space<hbm>>
    %dma_wait3A_969 = tpu.memref_squeeze %dma_wait3A_968 : memref<1x64x512xf32, #tpu.memory_space<hbm>> -> memref<64x512xf32, #tpu.memory_space<hbm>>
    tpu.wait_dma2 semaphore(%arg7 : memref<!tpu.dma_semaphore, #tpu.memory_space<semaphore_mem>>) src(%dma_wait3A_969 : memref<64x512xf32, #tpu.memory_space<hbm>>) dst(%arg4 : memref<64x512xf32, #tpu.memory_space<vmem>>)
    %dma_wait3A_970 = arith.constant 4 : i32
    %dma_wait3A_971 = arith.constant 0 : i32
    %dma_wait3A_972 = tpu.memref_slice %arg3[%dma_wait3A_970, %add3A_44, %dma_wait3A_971] : memref<10x16384x512xf32, #tpu.memory_space<hbm>> -> memref<1x64x512xf32, #tpu.memory_space<hbm>>
    %dma_wait3A_973 = tpu.memref_squeeze %dma_wait3A_972 : memref<1x64x512xf32, #tpu.memory_space<hbm>> -> memref<64x512xf32, #tpu.memory_space<hbm>>
    %dma_wait3A_974 = arith.constant 0 : i32
    %dma_wait3A_975 = tpu.memref_slice %arg3[%dma_wait3A_970, %add3A_44, %dma_wait3A_974] : memref<10x16384x512xf32, #tpu.memory_space<hbm>> -> memref<1x64x512xf32, #tpu.memory_space<hbm>>
    %dma_wait3A_976 = tpu.memref_squeeze %dma_wait3A_975 : memref<1x64x512xf32, #tpu.memory_space<hbm>> -> memref<64x512xf32, #tpu.memory_space<hbm>>
    tpu.wait_dma2 semaphore(%arg12 : memref<!tpu.dma_semaphore, #tpu.memory_space<semaphore_mem>>) src(%arg6 : memref<64x512xf32, #tpu.memory_space<vmem>>) dst(%dma_wait3A_976 : memref<64x512xf32, #tpu.memory_space<hbm>>)
    %dma_wait3A_977 = arith.constant 5 : i32
    %dma_wait3A_978 = arith.constant 0 : i32
    %dma_wait3A_979 = tpu.memref_slice %arg3[%dma_wait3A_977, %add3A_44, %dma_wait3A_978] : memref<10x16384x512xf32, #tpu.memory_space<hbm>> -> memref<1x64x512xf32, #tpu.memory_space<hbm>>
    %dma_wait3A_980 = tpu.memref_squeeze %dma_wait3A_979 : memref<1x64x512xf32, #tpu.memory_space<hbm>> -> memref<64x512xf32, #tpu.memory_space<hbm>>
    %dma_wait3A_981 = arith.constant 0 : i32
    %dma_wait3A_982 = tpu.memref_slice %arg3[%dma_wait3A_977, %add3A_44, %dma_wait3A_981] : memref<10x16384x512xf32, #tpu.memory_space<hbm>> -> memref<1x64x512xf32, #tpu.memory_space<hbm>>
    %dma_wait3A_983 = tpu.memref_squeeze %dma_wait3A_982 : memref<1x64x512xf32, #tpu.memory_space<hbm>> -> memref<64x512xf32, #tpu.memory_space<hbm>>
    tpu.wait_dma2 semaphore(%arg15 : memref<!tpu.dma_semaphore, #tpu.memory_space<semaphore_mem>>) src(%arg6 : memref<64x512xf32, #tpu.memory_space<vmem>>) dst(%dma_wait3A_983 : memref<64x512xf32, #tpu.memory_space<hbm>>)
    %dma_start3A_984 = arith.constant 4 : i32
    %dma_start3A_985 = arith.constant 0 : i32
    %dma_start3A_986 = tpu.memref_slice %arg3[%dma_start3A_984, %add3A_46, %dma_start3A_985] : memref<10x16384x512xf32, #tpu.memory_space<hbm>> -> memref<1x64x512xf32, #tpu.memory_space<hbm>>
    %dma_start3A_987 = tpu.memref_squeeze %dma_start3A_986 : memref<1x64x512xf32, #tpu.memory_space<hbm>> -> memref<64x512xf32, #tpu.memory_space<hbm>>
    %dma_start3A_988 = arith.constant 0 : i32
    %dma_start3A_989 = tpu.memref_slice %arg3[%dma_start3A_984, %add3A_46, %dma_start3A_988] : memref<10x16384x512xf32, #tpu.memory_space<hbm>> -> memref<1x64x512xf32, #tpu.memory_space<hbm>>
    %dma_start3A_990 = tpu.memref_squeeze %dma_start3A_989 : memref<1x64x512xf32, #tpu.memory_space<hbm>> -> memref<64x512xf32, #tpu.memory_space<hbm>>
    tpu.enqueue_dma source(%arg4 : memref<64x512xf32, #tpu.memory_space<vmem>>) target(%dma_start3A_990 : memref<64x512xf32, #tpu.memory_space<hbm>>) target_semaphore(%arg10 : memref<!tpu.dma_semaphore, #tpu.memory_space<semaphore_mem>>)
    %dma_start3A_991 = arith.constant 5 : i32
    %dma_start3A_992 = arith.constant 0 : i32
    %dma_start3A_993 = tpu.memref_slice %arg3[%dma_start3A_991, %add3A_46, %dma_start3A_992] : memref<10x16384x512xf32, #tpu.memory_space<hbm>> -> memref<1x64x512xf32, #tpu.memory_space<hbm>>
    %dma_start3A_994 = tpu.memref_squeeze %dma_start3A_993 : memref<1x64x512xf32, #tpu.memory_space<hbm>> -> memref<64x512xf32, #tpu.memory_space<hbm>>
    %dma_start3A_995 = arith.constant 0 : i32
    %dma_start3A_996 = tpu.memref_slice %arg3[%dma_start3A_991, %add3A_46, %dma_start3A_995] : memref<10x16384x512xf32, #tpu.memory_space<hbm>> -> memref<1x64x512xf32, #tpu.memory_space<hbm>>
    %dma_start3A_997 = tpu.memref_squeeze %dma_start3A_996 : memref<1x64x512xf32, #tpu.memory_space<hbm>> -> memref<64x512xf32, #tpu.memory_space<hbm>>
    tpu.enqueue_dma source(%arg4 : memref<64x512xf32, #tpu.memory_space<vmem>>) target(%dma_start3A_997 : memref<64x512xf32, #tpu.memory_space<hbm>>) target_semaphore(%arg13 : memref<!tpu.dma_semaphore, #tpu.memory_space<semaphore_mem>>)
    %dma_start3A_998 = arith.constant 2 : i32
    %dma_start3A_999 = arith.constant 0 : i32
    %dma_start3A_1000 = tpu.memref_slice %arg2[%dma_start3A_998, %add3A_50, %dma_start3A_999] : memref<5x16384x512xf32, #tpu.memory_space<hbm>> -> memref<1x64x512xf32, #tpu.memory_space<hbm>>
    %dma_start3A_1001 = tpu.memref_squeeze %dma_start3A_1000 : memref<1x64x512xf32, #tpu.memory_space<hbm>> -> memref<64x512xf32, #tpu.memory_space<hbm>>
    %dma_start3A_1002 = arith.constant 0 : i32
    %dma_start3A_1003 = tpu.memref_slice %arg2[%dma_start3A_998, %add3A_50, %dma_start3A_1002] : memref<5x16384x512xf32, #tpu.memory_space<hbm>> -> memref<1x64x512xf32, #tpu.memory_space<hbm>>
    %dma_start3A_1004 = tpu.memref_squeeze %dma_start3A_1003 : memref<1x64x512xf32, #tpu.memory_space<hbm>> -> memref<64x512xf32, #tpu.memory_space<hbm>>
    tpu.enqueue_dma source(%dma_start3A_1004 : memref<64x512xf32, #tpu.memory_space<hbm>>) target(%arg6 : memref<64x512xf32, #tpu.memory_space<vmem>>) target_semaphore(%arg9 : memref<!tpu.dma_semaphore, #tpu.memory_space<semaphore_mem>>)
    %dma_wait3A_1005 = arith.constant 2 : i32
    %dma_wait3A_1006 = arith.constant 0 : i32
    %dma_wait3A_1007 = tpu.memref_slice %arg2[%dma_wait3A_1005, %add3A_48, %dma_wait3A_1006] : memref<5x16384x512xf32, #tpu.memory_space<hbm>> -> memref<1x64x512xf32, #tpu.memory_space<hbm>>
    %dma_wait3A_1008 = tpu.memref_squeeze %dma_wait3A_1007 : memref<1x64x512xf32, #tpu.memory_space<hbm>> -> memref<64x512xf32, #tpu.memory_space<hbm>>
    %dma_wait3A_1009 = arith.constant 0 : i32
    %dma_wait3A_1010 = tpu.memref_slice %arg2[%dma_wait3A_1005, %add3A_48, %dma_wait3A_1009] : memref<5x16384x512xf32, #tpu.memory_space<hbm>> -> memref<1x64x512xf32, #tpu.memory_space<hbm>>
    %dma_wait3A_1011 = tpu.memref_squeeze %dma_wait3A_1010 : memref<1x64x512xf32, #tpu.memory_space<hbm>> -> memref<64x512xf32, #tpu.memory_space<hbm>>
    tpu.wait_dma2 semaphore(%arg8 : memref<!tpu.dma_semaphore, #tpu.memory_space<semaphore_mem>>) src(%dma_wait3A_1011 : memref<64x512xf32, #tpu.memory_space<hbm>>) dst(%arg5 : memref<64x512xf32, #tpu.memory_space<vmem>>)
    %dma_wait3A_1012 = arith.constant 4 : i32
    %dma_wait3A_1013 = arith.constant 0 : i32
    %dma_wait3A_1014 = tpu.memref_slice %arg3[%dma_wait3A_1012, %add3A_46, %dma_wait3A_1013] : memref<10x16384x512xf32, #tpu.memory_space<hbm>> -> memref<1x64x512xf32, #tpu.memory_space<hbm>>
    %dma_wait3A_1015 = tpu.memref_squeeze %dma_wait3A_1014 : memref<1x64x512xf32, #tpu.memory_space<hbm>> -> memref<64x512xf32, #tpu.memory_space<hbm>>
    %dma_wait3A_1016 = arith.constant 0 : i32
    %dma_wait3A_1017 = tpu.memref_slice %arg3[%dma_wait3A_1012, %add3A_46, %dma_wait3A_1016] : memref<10x16384x512xf32, #tpu.memory_space<hbm>> -> memref<1x64x512xf32, #tpu.memory_space<hbm>>
    %dma_wait3A_1018 = tpu.memref_squeeze %dma_wait3A_1017 : memref<1x64x512xf32, #tpu.memory_space<hbm>> -> memref<64x512xf32, #tpu.memory_space<hbm>>
    tpu.wait_dma2 semaphore(%arg10 : memref<!tpu.dma_semaphore, #tpu.memory_space<semaphore_mem>>) src(%arg4 : memref<64x512xf32, #tpu.memory_space<vmem>>) dst(%dma_wait3A_1018 : memref<64x512xf32, #tpu.memory_space<hbm>>)
    %dma_wait3A_1019 = arith.constant 5 : i32
    %dma_wait3A_1020 = arith.constant 0 : i32
    %dma_wait3A_1021 = tpu.memref_slice %arg3[%dma_wait3A_1019, %add3A_46, %dma_wait3A_1020] : memref<10x16384x512xf32, #tpu.memory_space<hbm>> -> memref<1x64x512xf32, #tpu.memory_space<hbm>>
    %dma_wait3A_1022 = tpu.memref_squeeze %dma_wait3A_1021 : memref<1x64x512xf32, #tpu.memory_space<hbm>> -> memref<64x512xf32, #tpu.memory_space<hbm>>
    %dma_wait3A_1023 = arith.constant 0 : i32
    %dma_wait3A_1024 = tpu.memref_slice %arg3[%dma_wait3A_1019, %add3A_46, %dma_wait3A_1023] : memref<10x16384x512xf32, #tpu.memory_space<hbm>> -> memref<1x64x512xf32, #tpu.memory_space<hbm>>
    %dma_wait3A_1025 = tpu.memref_squeeze %dma_wait3A_1024 : memref<1x64x512xf32, #tpu.memory_space<hbm>> -> memref<64x512xf32, #tpu.memory_space<hbm>>
    tpu.wait_dma2 semaphore(%arg13 : memref<!tpu.dma_semaphore, #tpu.memory_space<semaphore_mem>>) src(%arg4 : memref<64x512xf32, #tpu.memory_space<vmem>>) dst(%dma_wait3A_1025 : memref<64x512xf32, #tpu.memory_space<hbm>>)
    %dma_start3A_1026 = arith.constant 4 : i32
    %dma_start3A_1027 = arith.constant 0 : i32
    %dma_start3A_1028 = tpu.memref_slice %arg3[%dma_start3A_1026, %add3A_48, %dma_start3A_1027] : memref<10x16384x512xf32, #tpu.memory_space<hbm>> -> memref<1x64x512xf32, #tpu.memory_space<hbm>>
    %dma_start3A_1029 = tpu.memref_squeeze %dma_start3A_1028 : memref<1x64x512xf32, #tpu.memory_space<hbm>> -> memref<64x512xf32, #tpu.memory_space<hbm>>
    %dma_start3A_1030 = arith.constant 0 : i32
    %dma_start3A_1031 = tpu.memref_slice %arg3[%dma_start3A_1026, %add3A_48, %dma_start3A_1030] : memref<10x16384x512xf32, #tpu.memory_space<hbm>> -> memref<1x64x512xf32, #tpu.memory_space<hbm>>
    %dma_start3A_1032 = tpu.memref_squeeze %dma_start3A_1031 : memref<1x64x512xf32, #tpu.memory_space<hbm>> -> memref<64x512xf32, #tpu.memory_space<hbm>>
    tpu.enqueue_dma source(%arg5 : memref<64x512xf32, #tpu.memory_space<vmem>>) target(%dma_start3A_1032 : memref<64x512xf32, #tpu.memory_space<hbm>>) target_semaphore(%arg11 : memref<!tpu.dma_semaphore, #tpu.memory_space<semaphore_mem>>)
    %dma_start3A_1033 = arith.constant 5 : i32
    %dma_start3A_1034 = arith.constant 0 : i32
    %dma_start3A_1035 = tpu.memref_slice %arg3[%dma_start3A_1033, %add3A_48, %dma_start3A_1034] : memref<10x16384x512xf32, #tpu.memory_space<hbm>> -> memref<1x64x512xf32, #tpu.memory_space<hbm>>
    %dma_start3A_1036 = tpu.memref_squeeze %dma_start3A_1035 : memref<1x64x512xf32, #tpu.memory_space<hbm>> -> memref<64x512xf32, #tpu.memory_space<hbm>>
    %dma_start3A_1037 = arith.constant 0 : i32
    %dma_start3A_1038 = tpu.memref_slice %arg3[%dma_start3A_1033, %add3A_48, %dma_start3A_1037] : memref<10x16384x512xf32, #tpu.memory_space<hbm>> -> memref<1x64x512xf32, #tpu.memory_space<hbm>>
    %dma_start3A_1039 = tpu.memref_squeeze %dma_start3A_1038 : memref<1x64x512xf32, #tpu.memory_space<hbm>> -> memref<64x512xf32, #tpu.memory_space<hbm>>
    tpu.enqueue_dma source(%arg5 : memref<64x512xf32, #tpu.memory_space<vmem>>) target(%dma_start3A_1039 : memref<64x512xf32, #tpu.memory_space<hbm>>) target_semaphore(%arg14 : memref<!tpu.dma_semaphore, #tpu.memory_space<semaphore_mem>>)
    %dma_start3A_1040 = arith.constant 3 : i32
    %dma_start3A_1041 = arith.constant 0 : i32
    %dma_start3A_1042 = tpu.memref_slice %arg2[%dma_start3A_1040, %add3A_52, %dma_start3A_1041] : memref<5x16384x512xf32, #tpu.memory_space<hbm>> -> memref<1x64x512xf32, #tpu.memory_space<hbm>>
    %dma_start3A_1043 = tpu.memref_squeeze %dma_start3A_1042 : memref<1x64x512xf32, #tpu.memory_space<hbm>> -> memref<64x512xf32, #tpu.memory_space<hbm>>
    %dma_start3A_1044 = arith.constant 0 : i32
    %dma_start3A_1045 = tpu.memref_slice %arg2[%dma_start3A_1040, %add3A_52, %dma_start3A_1044] : memref<5x16384x512xf32, #tpu.memory_space<hbm>> -> memref<1x64x512xf32, #tpu.memory_space<hbm>>
    %dma_start3A_1046 = tpu.memref_squeeze %dma_start3A_1045 : memref<1x64x512xf32, #tpu.memory_space<hbm>> -> memref<64x512xf32, #tpu.memory_space<hbm>>
    tpu.enqueue_dma source(%dma_start3A_1046 : memref<64x512xf32, #tpu.memory_space<hbm>>) target(%arg4 : memref<64x512xf32, #tpu.memory_space<vmem>>) target_semaphore(%arg7 : memref<!tpu.dma_semaphore, #tpu.memory_space<semaphore_mem>>)
    %dma_wait3A_1047 = arith.constant 2 : i32
    %dma_wait3A_1048 = arith.constant 0 : i32
    %dma_wait3A_1049 = tpu.memref_slice %arg2[%dma_wait3A_1047, %add3A_50, %dma_wait3A_1048] : memref<5x16384x512xf32, #tpu.memory_space<hbm>> -> memref<1x64x512xf32, #tpu.memory_space<hbm>>
    %dma_wait3A_1050 = tpu.memref_squeeze %dma_wait3A_1049 : memref<1x64x512xf32, #tpu.memory_space<hbm>> -> memref<64x512xf32, #tpu.memory_space<hbm>>
    %dma_wait3A_1051 = arith.constant 0 : i32
    %dma_wait3A_1052 = tpu.memref_slice %arg2[%dma_wait3A_1047, %add3A_50, %dma_wait3A_1051] : memref<5x16384x512xf32, #tpu.memory_space<hbm>> -> memref<1x64x512xf32, #tpu.memory_space<hbm>>
    %dma_wait3A_1053 = tpu.memref_squeeze %dma_wait3A_1052 : memref<1x64x512xf32, #tpu.memory_space<hbm>> -> memref<64x512xf32, #tpu.memory_space<hbm>>
    tpu.wait_dma2 semaphore(%arg9 : memref<!tpu.dma_semaphore, #tpu.memory_space<semaphore_mem>>) src(%dma_wait3A_1053 : memref<64x512xf32, #tpu.memory_space<hbm>>) dst(%arg6 : memref<64x512xf32, #tpu.memory_space<vmem>>)
    %dma_wait3A_1054 = arith.constant 4 : i32
    %dma_wait3A_1055 = arith.constant 0 : i32
    %dma_wait3A_1056 = tpu.memref_slice %arg3[%dma_wait3A_1054, %add3A_48, %dma_wait3A_1055] : memref<10x16384x512xf32, #tpu.memory_space<hbm>> -> memref<1x64x512xf32, #tpu.memory_space<hbm>>
    %dma_wait3A_1057 = tpu.memref_squeeze %dma_wait3A_1056 : memref<1x64x512xf32, #tpu.memory_space<hbm>> -> memref<64x512xf32, #tpu.memory_space<hbm>>
    %dma_wait3A_1058 = arith.constant 0 : i32
    %dma_wait3A_1059 = tpu.memref_slice %arg3[%dma_wait3A_1054, %add3A_48, %dma_wait3A_1058] : memref<10x16384x512xf32, #tpu.memory_space<hbm>> -> memref<1x64x512xf32, #tpu.memory_space<hbm>>
    %dma_wait3A_1060 = tpu.memref_squeeze %dma_wait3A_1059 : memref<1x64x512xf32, #tpu.memory_space<hbm>> -> memref<64x512xf32, #tpu.memory_space<hbm>>
    tpu.wait_dma2 semaphore(%arg11 : memref<!tpu.dma_semaphore, #tpu.memory_space<semaphore_mem>>) src(%arg5 : memref<64x512xf32, #tpu.memory_space<vmem>>) dst(%dma_wait3A_1060 : memref<64x512xf32, #tpu.memory_space<hbm>>)
    %dma_wait3A_1061 = arith.constant 5 : i32
    %dma_wait3A_1062 = arith.constant 0 : i32
    %dma_wait3A_1063 = tpu.memref_slice %arg3[%dma_wait3A_1061, %add3A_48, %dma_wait3A_1062] : memref<10x16384x512xf32, #tpu.memory_space<hbm>> -> memref<1x64x512xf32, #tpu.memory_space<hbm>>
    %dma_wait3A_1064 = tpu.memref_squeeze %dma_wait3A_1063 : memref<1x64x512xf32, #tpu.memory_space<hbm>> -> memref<64x512xf32, #tpu.memory_space<hbm>>
    %dma_wait3A_1065 = arith.constant 0 : i32
    %dma_wait3A_1066 = tpu.memref_slice %arg3[%dma_wait3A_1061, %add3A_48, %dma_wait3A_1065] : memref<10x16384x512xf32, #tpu.memory_space<hbm>> -> memref<1x64x512xf32, #tpu.memory_space<hbm>>
    %dma_wait3A_1067 = tpu.memref_squeeze %dma_wait3A_1066 : memref<1x64x512xf32, #tpu.memory_space<hbm>> -> memref<64x512xf32, #tpu.memory_space<hbm>>
    tpu.wait_dma2 semaphore(%arg14 : memref<!tpu.dma_semaphore, #tpu.memory_space<semaphore_mem>>) src(%arg5 : memref<64x512xf32, #tpu.memory_space<vmem>>) dst(%dma_wait3A_1067 : memref<64x512xf32, #tpu.memory_space<hbm>>)
    %dma_start3A_1068 = arith.constant 4 : i32
    %dma_start3A_1069 = arith.constant 0 : i32
    %dma_start3A_1070 = tpu.memref_slice %arg3[%dma_start3A_1068, %add3A_50, %dma_start3A_1069] : memref<10x16384x512xf32, #tpu.memory_space<hbm>> -> memref<1x64x512xf32, #tpu.memory_space<hbm>>
    %dma_start3A_1071 = tpu.memref_squeeze %dma_start3A_1070 : memref<1x64x512xf32, #tpu.memory_space<hbm>> -> memref<64x512xf32, #tpu.memory_space<hbm>>
    %dma_start3A_1072 = arith.constant 0 : i32
    %dma_start3A_1073 = tpu.memref_slice %arg3[%dma_start3A_1068, %add3A_50, %dma_start3A_1072] : memref<10x16384x512xf32, #tpu.memory_space<hbm>> -> memref<1x64x512xf32, #tpu.memory_space<hbm>>
    %dma_start3A_1074 = tpu.memref_squeeze %dma_start3A_1073 : memref<1x64x512xf32, #tpu.memory_space<hbm>> -> memref<64x512xf32, #tpu.memory_space<hbm>>
    tpu.enqueue_dma source(%arg6 : memref<64x512xf32, #tpu.memory_space<vmem>>) target(%dma_start3A_1074 : memref<64x512xf32, #tpu.memory_space<hbm>>) target_semaphore(%arg12 : memref<!tpu.dma_semaphore, #tpu.memory_space<semaphore_mem>>)
    %dma_start3A_1075 = arith.constant 5 : i32
    %dma_start3A_1076 = arith.constant 0 : i32
    %dma_start3A_1077 = tpu.memref_slice %arg3[%dma_start3A_1075, %add3A_50, %dma_start3A_1076] : memref<10x16384x512xf32, #tpu.memory_space<hbm>> -> memref<1x64x512xf32, #tpu.memory_space<hbm>>
    %dma_start3A_1078 = tpu.memref_squeeze %dma_start3A_1077 : memref<1x64x512xf32, #tpu.memory_space<hbm>> -> memref<64x512xf32, #tpu.memory_space<hbm>>
    %dma_start3A_1079 = arith.constant 0 : i32
    %dma_start3A_1080 = tpu.memref_slice %arg3[%dma_start3A_1075, %add3A_50, %dma_start3A_1079] : memref<10x16384x512xf32, #tpu.memory_space<hbm>> -> memref<1x64x512xf32, #tpu.memory_space<hbm>>
    %dma_start3A_1081 = tpu.memref_squeeze %dma_start3A_1080 : memref<1x64x512xf32, #tpu.memory_space<hbm>> -> memref<64x512xf32, #tpu.memory_space<hbm>>
    tpu.enqueue_dma source(%arg6 : memref<64x512xf32, #tpu.memory_space<vmem>>) target(%dma_start3A_1081 : memref<64x512xf32, #tpu.memory_space<hbm>>) target_semaphore(%arg15 : memref<!tpu.dma_semaphore, #tpu.memory_space<semaphore_mem>>)
    %dma_start3A_1082 = arith.constant 3 : i32
    %dma_start3A_1083 = arith.constant 0 : i32
    %dma_start3A_1084 = tpu.memref_slice %arg2[%dma_start3A_1082, %add3A_54, %dma_start3A_1083] : memref<5x16384x512xf32, #tpu.memory_space<hbm>> -> memref<1x64x512xf32, #tpu.memory_space<hbm>>
    %dma_start3A_1085 = tpu.memref_squeeze %dma_start3A_1084 : memref<1x64x512xf32, #tpu.memory_space<hbm>> -> memref<64x512xf32, #tpu.memory_space<hbm>>
    %dma_start3A_1086 = arith.constant 0 : i32
    %dma_start3A_1087 = tpu.memref_slice %arg2[%dma_start3A_1082, %add3A_54, %dma_start3A_1086] : memref<5x16384x512xf32, #tpu.memory_space<hbm>> -> memref<1x64x512xf32, #tpu.memory_space<hbm>>
    %dma_start3A_1088 = tpu.memref_squeeze %dma_start3A_1087 : memref<1x64x512xf32, #tpu.memory_space<hbm>> -> memref<64x512xf32, #tpu.memory_space<hbm>>
    tpu.enqueue_dma source(%dma_start3A_1088 : memref<64x512xf32, #tpu.memory_space<hbm>>) target(%arg5 : memref<64x512xf32, #tpu.memory_space<vmem>>) target_semaphore(%arg8 : memref<!tpu.dma_semaphore, #tpu.memory_space<semaphore_mem>>)
    %dma_wait3A_1089 = arith.constant 3 : i32
    %dma_wait3A_1090 = arith.constant 0 : i32
    %dma_wait3A_1091 = tpu.memref_slice %arg2[%dma_wait3A_1089, %add3A_52, %dma_wait3A_1090] : memref<5x16384x512xf32, #tpu.memory_space<hbm>> -> memref<1x64x512xf32, #tpu.memory_space<hbm>>
    %dma_wait3A_1092 = tpu.memref_squeeze %dma_wait3A_1091 : memref<1x64x512xf32, #tpu.memory_space<hbm>> -> memref<64x512xf32, #tpu.memory_space<hbm>>
    %dma_wait3A_1093 = arith.constant 0 : i32
    %dma_wait3A_1094 = tpu.memref_slice %arg2[%dma_wait3A_1089, %add3A_52, %dma_wait3A_1093] : memref<5x16384x512xf32, #tpu.memory_space<hbm>> -> memref<1x64x512xf32, #tpu.memory_space<hbm>>
    %dma_wait3A_1095 = tpu.memref_squeeze %dma_wait3A_1094 : memref<1x64x512xf32, #tpu.memory_space<hbm>> -> memref<64x512xf32, #tpu.memory_space<hbm>>
    tpu.wait_dma2 semaphore(%arg7 : memref<!tpu.dma_semaphore, #tpu.memory_space<semaphore_mem>>) src(%dma_wait3A_1095 : memref<64x512xf32, #tpu.memory_space<hbm>>) dst(%arg4 : memref<64x512xf32, #tpu.memory_space<vmem>>)
    %dma_wait3A_1096 = arith.constant 4 : i32
    %dma_wait3A_1097 = arith.constant 0 : i32
    %dma_wait3A_1098 = tpu.memref_slice %arg3[%dma_wait3A_1096, %add3A_50, %dma_wait3A_1097] : memref<10x16384x512xf32, #tpu.memory_space<hbm>> -> memref<1x64x512xf32, #tpu.memory_space<hbm>>
    %dma_wait3A_1099 = tpu.memref_squeeze %dma_wait3A_1098 : memref<1x64x512xf32, #tpu.memory_space<hbm>> -> memref<64x512xf32, #tpu.memory_space<hbm>>
    %dma_wait3A_1100 = arith.constant 0 : i32
    %dma_wait3A_1101 = tpu.memref_slice %arg3[%dma_wait3A_1096, %add3A_50, %dma_wait3A_1100] : memref<10x16384x512xf32, #tpu.memory_space<hbm>> -> memref<1x64x512xf32, #tpu.memory_space<hbm>>
    %dma_wait3A_1102 = tpu.memref_squeeze %dma_wait3A_1101 : memref<1x64x512xf32, #tpu.memory_space<hbm>> -> memref<64x512xf32, #tpu.memory_space<hbm>>
    tpu.wait_dma2 semaphore(%arg12 : memref<!tpu.dma_semaphore, #tpu.memory_space<semaphore_mem>>) src(%arg6 : memref<64x512xf32, #tpu.memory_space<vmem>>) dst(%dma_wait3A_1102 : memref<64x512xf32, #tpu.memory_space<hbm>>)
    %dma_wait3A_1103 = arith.constant 5 : i32
    %dma_wait3A_1104 = arith.constant 0 : i32
    %dma_wait3A_1105 = tpu.memref_slice %arg3[%dma_wait3A_1103, %add3A_50, %dma_wait3A_1104] : memref<10x16384x512xf32, #tpu.memory_space<hbm>> -> memref<1x64x512xf32, #tpu.memory_space<hbm>>
    %dma_wait3A_1106 = tpu.memref_squeeze %dma_wait3A_1105 : memref<1x64x512xf32, #tpu.memory_space<hbm>> -> memref<64x512xf32, #tpu.memory_space<hbm>>
    %dma_wait3A_1107 = arith.constant 0 : i32
    %dma_wait3A_1108 = tpu.memref_slice %arg3[%dma_wait3A_1103, %add3A_50, %dma_wait3A_1107] : memref<10x16384x512xf32, #tpu.memory_space<hbm>> -> memref<1x64x512xf32, #tpu.memory_space<hbm>>
    %dma_wait3A_1109 = tpu.memref_squeeze %dma_wait3A_1108 : memref<1x64x512xf32, #tpu.memory_space<hbm>> -> memref<64x512xf32, #tpu.memory_space<hbm>>
    tpu.wait_dma2 semaphore(%arg15 : memref<!tpu.dma_semaphore, #tpu.memory_space<semaphore_mem>>) src(%arg6 : memref<64x512xf32, #tpu.memory_space<vmem>>) dst(%dma_wait3A_1109 : memref<64x512xf32, #tpu.memory_space<hbm>>)
    %dma_start3A_1110 = arith.constant 6 : i32
    %dma_start3A_1111 = arith.constant 0 : i32
    %dma_start3A_1112 = tpu.memref_slice %arg3[%dma_start3A_1110, %add3A_52, %dma_start3A_1111] : memref<10x16384x512xf32, #tpu.memory_space<hbm>> -> memref<1x64x512xf32, #tpu.memory_space<hbm>>
    %dma_start3A_1113 = tpu.memref_squeeze %dma_start3A_1112 : memref<1x64x512xf32, #tpu.memory_space<hbm>> -> memref<64x512xf32, #tpu.memory_space<hbm>>
    %dma_start3A_1114 = arith.constant 0 : i32
    %dma_start3A_1115 = tpu.memref_slice %arg3[%dma_start3A_1110, %add3A_52, %dma_start3A_1114] : memref<10x16384x512xf32, #tpu.memory_space<hbm>> -> memref<1x64x512xf32, #tpu.memory_space<hbm>>
    %dma_start3A_1116 = tpu.memref_squeeze %dma_start3A_1115 : memref<1x64x512xf32, #tpu.memory_space<hbm>> -> memref<64x512xf32, #tpu.memory_space<hbm>>
    tpu.enqueue_dma source(%arg4 : memref<64x512xf32, #tpu.memory_space<vmem>>) target(%dma_start3A_1116 : memref<64x512xf32, #tpu.memory_space<hbm>>) target_semaphore(%arg10 : memref<!tpu.dma_semaphore, #tpu.memory_space<semaphore_mem>>)
    %dma_start3A_1117 = arith.constant 7 : i32
    %dma_start3A_1118 = arith.constant 0 : i32
    %dma_start3A_1119 = tpu.memref_slice %arg3[%dma_start3A_1117, %add3A_52, %dma_start3A_1118] : memref<10x16384x512xf32, #tpu.memory_space<hbm>> -> memref<1x64x512xf32, #tpu.memory_space<hbm>>
    %dma_start3A_1120 = tpu.memref_squeeze %dma_start3A_1119 : memref<1x64x512xf32, #tpu.memory_space<hbm>> -> memref<64x512xf32, #tpu.memory_space<hbm>>
    %dma_start3A_1121 = arith.constant 0 : i32
    %dma_start3A_1122 = tpu.memref_slice %arg3[%dma_start3A_1117, %add3A_52, %dma_start3A_1121] : memref<10x16384x512xf32, #tpu.memory_space<hbm>> -> memref<1x64x512xf32, #tpu.memory_space<hbm>>
    %dma_start3A_1123 = tpu.memref_squeeze %dma_start3A_1122 : memref<1x64x512xf32, #tpu.memory_space<hbm>> -> memref<64x512xf32, #tpu.memory_space<hbm>>
    tpu.enqueue_dma source(%arg4 : memref<64x512xf32, #tpu.memory_space<vmem>>) target(%dma_start3A_1123 : memref<64x512xf32, #tpu.memory_space<hbm>>) target_semaphore(%arg13 : memref<!tpu.dma_semaphore, #tpu.memory_space<semaphore_mem>>)
    %dma_start3A_1124 = arith.constant 3 : i32
    %dma_start3A_1125 = arith.constant 0 : i32
    %dma_start3A_1126 = tpu.memref_slice %arg2[%dma_start3A_1124, %add3A_56, %dma_start3A_1125] : memref<5x16384x512xf32, #tpu.memory_space<hbm>> -> memref<1x64x512xf32, #tpu.memory_space<hbm>>
    %dma_start3A_1127 = tpu.memref_squeeze %dma_start3A_1126 : memref<1x64x512xf32, #tpu.memory_space<hbm>> -> memref<64x512xf32, #tpu.memory_space<hbm>>
    %dma_start3A_1128 = arith.constant 0 : i32
    %dma_start3A_1129 = tpu.memref_slice %arg2[%dma_start3A_1124, %add3A_56, %dma_start3A_1128] : memref<5x16384x512xf32, #tpu.memory_space<hbm>> -> memref<1x64x512xf32, #tpu.memory_space<hbm>>
    %dma_start3A_1130 = tpu.memref_squeeze %dma_start3A_1129 : memref<1x64x512xf32, #tpu.memory_space<hbm>> -> memref<64x512xf32, #tpu.memory_space<hbm>>
    tpu.enqueue_dma source(%dma_start3A_1130 : memref<64x512xf32, #tpu.memory_space<hbm>>) target(%arg6 : memref<64x512xf32, #tpu.memory_space<vmem>>) target_semaphore(%arg9 : memref<!tpu.dma_semaphore, #tpu.memory_space<semaphore_mem>>)
    %dma_wait3A_1131 = arith.constant 3 : i32
    %dma_wait3A_1132 = arith.constant 0 : i32
    %dma_wait3A_1133 = tpu.memref_slice %arg2[%dma_wait3A_1131, %add3A_54, %dma_wait3A_1132] : memref<5x16384x512xf32, #tpu.memory_space<hbm>> -> memref<1x64x512xf32, #tpu.memory_space<hbm>>
    %dma_wait3A_1134 = tpu.memref_squeeze %dma_wait3A_1133 : memref<1x64x512xf32, #tpu.memory_space<hbm>> -> memref<64x512xf32, #tpu.memory_space<hbm>>
    %dma_wait3A_1135 = arith.constant 0 : i32
    %dma_wait3A_1136 = tpu.memref_slice %arg2[%dma_wait3A_1131, %add3A_54, %dma_wait3A_1135] : memref<5x16384x512xf32, #tpu.memory_space<hbm>> -> memref<1x64x512xf32, #tpu.memory_space<hbm>>
    %dma_wait3A_1137 = tpu.memref_squeeze %dma_wait3A_1136 : memref<1x64x512xf32, #tpu.memory_space<hbm>> -> memref<64x512xf32, #tpu.memory_space<hbm>>
    tpu.wait_dma2 semaphore(%arg8 : memref<!tpu.dma_semaphore, #tpu.memory_space<semaphore_mem>>) src(%dma_wait3A_1137 : memref<64x512xf32, #tpu.memory_space<hbm>>) dst(%arg5 : memref<64x512xf32, #tpu.memory_space<vmem>>)
    %dma_wait3A_1138 = arith.constant 6 : i32
    %dma_wait3A_1139 = arith.constant 0 : i32
    %dma_wait3A_1140 = tpu.memref_slice %arg3[%dma_wait3A_1138, %add3A_52, %dma_wait3A_1139] : memref<10x16384x512xf32, #tpu.memory_space<hbm>> -> memref<1x64x512xf32, #tpu.memory_space<hbm>>
    %dma_wait3A_1141 = tpu.memref_squeeze %dma_wait3A_1140 : memref<1x64x512xf32, #tpu.memory_space<hbm>> -> memref<64x512xf32, #tpu.memory_space<hbm>>
    %dma_wait3A_1142 = arith.constant 0 : i32
    %dma_wait3A_1143 = tpu.memref_slice %arg3[%dma_wait3A_1138, %add3A_52, %dma_wait3A_1142] : memref<10x16384x512xf32, #tpu.memory_space<hbm>> -> memref<1x64x512xf32, #tpu.memory_space<hbm>>
    %dma_wait3A_1144 = tpu.memref_squeeze %dma_wait3A_1143 : memref<1x64x512xf32, #tpu.memory_space<hbm>> -> memref<64x512xf32, #tpu.memory_space<hbm>>
    tpu.wait_dma2 semaphore(%arg10 : memref<!tpu.dma_semaphore, #tpu.memory_space<semaphore_mem>>) src(%arg4 : memref<64x512xf32, #tpu.memory_space<vmem>>) dst(%dma_wait3A_1144 : memref<64x512xf32, #tpu.memory_space<hbm>>)
    %dma_wait3A_1145 = arith.constant 7 : i32
    %dma_wait3A_1146 = arith.constant 0 : i32
    %dma_wait3A_1147 = tpu.memref_slice %arg3[%dma_wait3A_1145, %add3A_52, %dma_wait3A_1146] : memref<10x16384x512xf32, #tpu.memory_space<hbm>> -> memref<1x64x512xf32, #tpu.memory_space<hbm>>
    %dma_wait3A_1148 = tpu.memref_squeeze %dma_wait3A_1147 : memref<1x64x512xf32, #tpu.memory_space<hbm>> -> memref<64x512xf32, #tpu.memory_space<hbm>>
    %dma_wait3A_1149 = arith.constant 0 : i32
    %dma_wait3A_1150 = tpu.memref_slice %arg3[%dma_wait3A_1145, %add3A_52, %dma_wait3A_1149] : memref<10x16384x512xf32, #tpu.memory_space<hbm>> -> memref<1x64x512xf32, #tpu.memory_space<hbm>>
    %dma_wait3A_1151 = tpu.memref_squeeze %dma_wait3A_1150 : memref<1x64x512xf32, #tpu.memory_space<hbm>> -> memref<64x512xf32, #tpu.memory_space<hbm>>
    tpu.wait_dma2 semaphore(%arg13 : memref<!tpu.dma_semaphore, #tpu.memory_space<semaphore_mem>>) src(%arg4 : memref<64x512xf32, #tpu.memory_space<vmem>>) dst(%dma_wait3A_1151 : memref<64x512xf32, #tpu.memory_space<hbm>>)
    %dma_start3A_1152 = arith.constant 6 : i32
    %dma_start3A_1153 = arith.constant 0 : i32
    %dma_start3A_1154 = tpu.memref_slice %arg3[%dma_start3A_1152, %add3A_54, %dma_start3A_1153] : memref<10x16384x512xf32, #tpu.memory_space<hbm>> -> memref<1x64x512xf32, #tpu.memory_space<hbm>>
    %dma_start3A_1155 = tpu.memref_squeeze %dma_start3A_1154 : memref<1x64x512xf32, #tpu.memory_space<hbm>> -> memref<64x512xf32, #tpu.memory_space<hbm>>
    %dma_start3A_1156 = arith.constant 0 : i32
    %dma_start3A_1157 = tpu.memref_slice %arg3[%dma_start3A_1152, %add3A_54, %dma_start3A_1156] : memref<10x16384x512xf32, #tpu.memory_space<hbm>> -> memref<1x64x512xf32, #tpu.memory_space<hbm>>
    %dma_start3A_1158 = tpu.memref_squeeze %dma_start3A_1157 : memref<1x64x512xf32, #tpu.memory_space<hbm>> -> memref<64x512xf32, #tpu.memory_space<hbm>>
    tpu.enqueue_dma source(%arg5 : memref<64x512xf32, #tpu.memory_space<vmem>>) target(%dma_start3A_1158 : memref<64x512xf32, #tpu.memory_space<hbm>>) target_semaphore(%arg11 : memref<!tpu.dma_semaphore, #tpu.memory_space<semaphore_mem>>)
    %dma_start3A_1159 = arith.constant 7 : i32
    %dma_start3A_1160 = arith.constant 0 : i32
    %dma_start3A_1161 = tpu.memref_slice %arg3[%dma_start3A_1159, %add3A_54, %dma_start3A_1160] : memref<10x16384x512xf32, #tpu.memory_space<hbm>> -> memref<1x64x512xf32, #tpu.memory_space<hbm>>
    %dma_start3A_1162 = tpu.memref_squeeze %dma_start3A_1161 : memref<1x64x512xf32, #tpu.memory_space<hbm>> -> memref<64x512xf32, #tpu.memory_space<hbm>>
    %dma_start3A_1163 = arith.constant 0 : i32
    %dma_start3A_1164 = tpu.memref_slice %arg3[%dma_start3A_1159, %add3A_54, %dma_start3A_1163] : memref<10x16384x512xf32, #tpu.memory_space<hbm>> -> memref<1x64x512xf32, #tpu.memory_space<hbm>>
    %dma_start3A_1165 = tpu.memref_squeeze %dma_start3A_1164 : memref<1x64x512xf32, #tpu.memory_space<hbm>> -> memref<64x512xf32, #tpu.memory_space<hbm>>
    tpu.enqueue_dma source(%arg5 : memref<64x512xf32, #tpu.memory_space<vmem>>) target(%dma_start3A_1165 : memref<64x512xf32, #tpu.memory_space<hbm>>) target_semaphore(%arg14 : memref<!tpu.dma_semaphore, #tpu.memory_space<semaphore_mem>>)
    %dma_start3A_1166 = arith.constant 3 : i32
    %dma_start3A_1167 = arith.constant 0 : i32
    %dma_start3A_1168 = tpu.memref_slice %arg2[%dma_start3A_1166, %add3A_58, %dma_start3A_1167] : memref<5x16384x512xf32, #tpu.memory_space<hbm>> -> memref<1x64x512xf32, #tpu.memory_space<hbm>>
    %dma_start3A_1169 = tpu.memref_squeeze %dma_start3A_1168 : memref<1x64x512xf32, #tpu.memory_space<hbm>> -> memref<64x512xf32, #tpu.memory_space<hbm>>
    %dma_start3A_1170 = arith.constant 0 : i32
    %dma_start3A_1171 = tpu.memref_slice %arg2[%dma_start3A_1166, %add3A_58, %dma_start3A_1170] : memref<5x16384x512xf32, #tpu.memory_space<hbm>> -> memref<1x64x512xf32, #tpu.memory_space<hbm>>
    %dma_start3A_1172 = tpu.memref_squeeze %dma_start3A_1171 : memref<1x64x512xf32, #tpu.memory_space<hbm>> -> memref<64x512xf32, #tpu.memory_space<hbm>>
    tpu.enqueue_dma source(%dma_start3A_1172 : memref<64x512xf32, #tpu.memory_space<hbm>>) target(%arg4 : memref<64x512xf32, #tpu.memory_space<vmem>>) target_semaphore(%arg7 : memref<!tpu.dma_semaphore, #tpu.memory_space<semaphore_mem>>)
    %dma_wait3A_1173 = arith.constant 3 : i32
    %dma_wait3A_1174 = arith.constant 0 : i32
    %dma_wait3A_1175 = tpu.memref_slice %arg2[%dma_wait3A_1173, %add3A_56, %dma_wait3A_1174] : memref<5x16384x512xf32, #tpu.memory_space<hbm>> -> memref<1x64x512xf32, #tpu.memory_space<hbm>>
    %dma_wait3A_1176 = tpu.memref_squeeze %dma_wait3A_1175 : memref<1x64x512xf32, #tpu.memory_space<hbm>> -> memref<64x512xf32, #tpu.memory_space<hbm>>
    %dma_wait3A_1177 = arith.constant 0 : i32
    %dma_wait3A_1178 = tpu.memref_slice %arg2[%dma_wait3A_1173, %add3A_56, %dma_wait3A_1177] : memref<5x16384x512xf32, #tpu.memory_space<hbm>> -> memref<1x64x512xf32, #tpu.memory_space<hbm>>
    %dma_wait3A_1179 = tpu.memref_squeeze %dma_wait3A_1178 : memref<1x64x512xf32, #tpu.memory_space<hbm>> -> memref<64x512xf32, #tpu.memory_space<hbm>>
    tpu.wait_dma2 semaphore(%arg9 : memref<!tpu.dma_semaphore, #tpu.memory_space<semaphore_mem>>) src(%dma_wait3A_1179 : memref<64x512xf32, #tpu.memory_space<hbm>>) dst(%arg6 : memref<64x512xf32, #tpu.memory_space<vmem>>)
    %dma_wait3A_1180 = arith.constant 6 : i32
    %dma_wait3A_1181 = arith.constant 0 : i32
    %dma_wait3A_1182 = tpu.memref_slice %arg3[%dma_wait3A_1180, %add3A_54, %dma_wait3A_1181] : memref<10x16384x512xf32, #tpu.memory_space<hbm>> -> memref<1x64x512xf32, #tpu.memory_space<hbm>>
    %dma_wait3A_1183 = tpu.memref_squeeze %dma_wait3A_1182 : memref<1x64x512xf32, #tpu.memory_space<hbm>> -> memref<64x512xf32, #tpu.memory_space<hbm>>
    %dma_wait3A_1184 = arith.constant 0 : i32
    %dma_wait3A_1185 = tpu.memref_slice %arg3[%dma_wait3A_1180, %add3A_54, %dma_wait3A_1184] : memref<10x16384x512xf32, #tpu.memory_space<hbm>> -> memref<1x64x512xf32, #tpu.memory_space<hbm>>
    %dma_wait3A_1186 = tpu.memref_squeeze %dma_wait3A_1185 : memref<1x64x512xf32, #tpu.memory_space<hbm>> -> memref<64x512xf32, #tpu.memory_space<hbm>>
    tpu.wait_dma2 semaphore(%arg11 : memref<!tpu.dma_semaphore, #tpu.memory_space<semaphore_mem>>) src(%arg5 : memref<64x512xf32, #tpu.memory_space<vmem>>) dst(%dma_wait3A_1186 : memref<64x512xf32, #tpu.memory_space<hbm>>)
    %dma_wait3A_1187 = arith.constant 7 : i32
    %dma_wait3A_1188 = arith.constant 0 : i32
    %dma_wait3A_1189 = tpu.memref_slice %arg3[%dma_wait3A_1187, %add3A_54, %dma_wait3A_1188] : memref<10x16384x512xf32, #tpu.memory_space<hbm>> -> memref<1x64x512xf32, #tpu.memory_space<hbm>>
    %dma_wait3A_1190 = tpu.memref_squeeze %dma_wait3A_1189 : memref<1x64x512xf32, #tpu.memory_space<hbm>> -> memref<64x512xf32, #tpu.memory_space<hbm>>
    %dma_wait3A_1191 = arith.constant 0 : i32
    %dma_wait3A_1192 = tpu.memref_slice %arg3[%dma_wait3A_1187, %add3A_54, %dma_wait3A_1191] : memref<10x16384x512xf32, #tpu.memory_space<hbm>> -> memref<1x64x512xf32, #tpu.memory_space<hbm>>
    %dma_wait3A_1193 = tpu.memref_squeeze %dma_wait3A_1192 : memref<1x64x512xf32, #tpu.memory_space<hbm>> -> memref<64x512xf32, #tpu.memory_space<hbm>>
    tpu.wait_dma2 semaphore(%arg14 : memref<!tpu.dma_semaphore, #tpu.memory_space<semaphore_mem>>) src(%arg5 : memref<64x512xf32, #tpu.memory_space<vmem>>) dst(%dma_wait3A_1193 : memref<64x512xf32, #tpu.memory_space<hbm>>)
    %dma_start3A_1194 = arith.constant 6 : i32
    %dma_start3A_1195 = arith.constant 0 : i32
    %dma_start3A_1196 = tpu.memref_slice %arg3[%dma_start3A_1194, %add3A_56, %dma_start3A_1195] : memref<10x16384x512xf32, #tpu.memory_space<hbm>> -> memref<1x64x512xf32, #tpu.memory_space<hbm>>
    %dma_start3A_1197 = tpu.memref_squeeze %dma_start3A_1196 : memref<1x64x512xf32, #tpu.memory_space<hbm>> -> memref<64x512xf32, #tpu.memory_space<hbm>>
    %dma_start3A_1198 = arith.constant 0 : i32
    %dma_start3A_1199 = tpu.memref_slice %arg3[%dma_start3A_1194, %add3A_56, %dma_start3A_1198] : memref<10x16384x512xf32, #tpu.memory_space<hbm>> -> memref<1x64x512xf32, #tpu.memory_space<hbm>>
    %dma_start3A_1200 = tpu.memref_squeeze %dma_start3A_1199 : memref<1x64x512xf32, #tpu.memory_space<hbm>> -> memref<64x512xf32, #tpu.memory_space<hbm>>
    tpu.enqueue_dma source(%arg6 : memref<64x512xf32, #tpu.memory_space<vmem>>) target(%dma_start3A_1200 : memref<64x512xf32, #tpu.memory_space<hbm>>) target_semaphore(%arg12 : memref<!tpu.dma_semaphore, #tpu.memory_space<semaphore_mem>>)
    %dma_start3A_1201 = arith.constant 7 : i32
    %dma_start3A_1202 = arith.constant 0 : i32
    %dma_start3A_1203 = tpu.memref_slice %arg3[%dma_start3A_1201, %add3A_56, %dma_start3A_1202] : memref<10x16384x512xf32, #tpu.memory_space<hbm>> -> memref<1x64x512xf32, #tpu.memory_space<hbm>>
    %dma_start3A_1204 = tpu.memref_squeeze %dma_start3A_1203 : memref<1x64x512xf32, #tpu.memory_space<hbm>> -> memref<64x512xf32, #tpu.memory_space<hbm>>
    %dma_start3A_1205 = arith.constant 0 : i32
    %dma_start3A_1206 = tpu.memref_slice %arg3[%dma_start3A_1201, %add3A_56, %dma_start3A_1205] : memref<10x16384x512xf32, #tpu.memory_space<hbm>> -> memref<1x64x512xf32, #tpu.memory_space<hbm>>
    %dma_start3A_1207 = tpu.memref_squeeze %dma_start3A_1206 : memref<1x64x512xf32, #tpu.memory_space<hbm>> -> memref<64x512xf32, #tpu.memory_space<hbm>>
    tpu.enqueue_dma source(%arg6 : memref<64x512xf32, #tpu.memory_space<vmem>>) target(%dma_start3A_1207 : memref<64x512xf32, #tpu.memory_space<hbm>>) target_semaphore(%arg15 : memref<!tpu.dma_semaphore, #tpu.memory_space<semaphore_mem>>)
    %dma_start3A_1208 = arith.constant 3 : i32
    %dma_start3A_1209 = arith.constant 0 : i32
    %dma_start3A_1210 = tpu.memref_slice %arg2[%dma_start3A_1208, %add3A_60, %dma_start3A_1209] : memref<5x16384x512xf32, #tpu.memory_space<hbm>> -> memref<1x64x512xf32, #tpu.memory_space<hbm>>
    %dma_start3A_1211 = tpu.memref_squeeze %dma_start3A_1210 : memref<1x64x512xf32, #tpu.memory_space<hbm>> -> memref<64x512xf32, #tpu.memory_space<hbm>>
    %dma_start3A_1212 = arith.constant 0 : i32
    %dma_start3A_1213 = tpu.memref_slice %arg2[%dma_start3A_1208, %add3A_60, %dma_start3A_1212] : memref<5x16384x512xf32, #tpu.memory_space<hbm>> -> memref<1x64x512xf32, #tpu.memory_space<hbm>>
    %dma_start3A_1214 = tpu.memref_squeeze %dma_start3A_1213 : memref<1x64x512xf32, #tpu.memory_space<hbm>> -> memref<64x512xf32, #tpu.memory_space<hbm>>
    tpu.enqueue_dma source(%dma_start3A_1214 : memref<64x512xf32, #tpu.memory_space<hbm>>) target(%arg5 : memref<64x512xf32, #tpu.memory_space<vmem>>) target_semaphore(%arg8 : memref<!tpu.dma_semaphore, #tpu.memory_space<semaphore_mem>>)
    %dma_wait3A_1215 = arith.constant 3 : i32
    %dma_wait3A_1216 = arith.constant 0 : i32
    %dma_wait3A_1217 = tpu.memref_slice %arg2[%dma_wait3A_1215, %add3A_58, %dma_wait3A_1216] : memref<5x16384x512xf32, #tpu.memory_space<hbm>> -> memref<1x64x512xf32, #tpu.memory_space<hbm>>
    %dma_wait3A_1218 = tpu.memref_squeeze %dma_wait3A_1217 : memref<1x64x512xf32, #tpu.memory_space<hbm>> -> memref<64x512xf32, #tpu.memory_space<hbm>>
    %dma_wait3A_1219 = arith.constant 0 : i32
    %dma_wait3A_1220 = tpu.memref_slice %arg2[%dma_wait3A_1215, %add3A_58, %dma_wait3A_1219] : memref<5x16384x512xf32, #tpu.memory_space<hbm>> -> memref<1x64x512xf32, #tpu.memory_space<hbm>>
    %dma_wait3A_1221 = tpu.memref_squeeze %dma_wait3A_1220 : memref<1x64x512xf32, #tpu.memory_space<hbm>> -> memref<64x512xf32, #tpu.memory_space<hbm>>
    tpu.wait_dma2 semaphore(%arg7 : memref<!tpu.dma_semaphore, #tpu.memory_space<semaphore_mem>>) src(%dma_wait3A_1221 : memref<64x512xf32, #tpu.memory_space<hbm>>) dst(%arg4 : memref<64x512xf32, #tpu.memory_space<vmem>>)
    %dma_wait3A_1222 = arith.constant 6 : i32
    %dma_wait3A_1223 = arith.constant 0 : i32
    %dma_wait3A_1224 = tpu.memref_slice %arg3[%dma_wait3A_1222, %add3A_56, %dma_wait3A_1223] : memref<10x16384x512xf32, #tpu.memory_space<hbm>> -> memref<1x64x512xf32, #tpu.memory_space<hbm>>
    %dma_wait3A_1225 = tpu.memref_squeeze %dma_wait3A_1224 : memref<1x64x512xf32, #tpu.memory_space<hbm>> -> memref<64x512xf32, #tpu.memory_space<hbm>>
    %dma_wait3A_1226 = arith.constant 0 : i32
    %dma_wait3A_1227 = tpu.memref_slice %arg3[%dma_wait3A_1222, %add3A_56, %dma_wait3A_1226] : memref<10x16384x512xf32, #tpu.memory_space<hbm>> -> memref<1x64x512xf32, #tpu.memory_space<hbm>>
    %dma_wait3A_1228 = tpu.memref_squeeze %dma_wait3A_1227 : memref<1x64x512xf32, #tpu.memory_space<hbm>> -> memref<64x512xf32, #tpu.memory_space<hbm>>
    tpu.wait_dma2 semaphore(%arg12 : memref<!tpu.dma_semaphore, #tpu.memory_space<semaphore_mem>>) src(%arg6 : memref<64x512xf32, #tpu.memory_space<vmem>>) dst(%dma_wait3A_1228 : memref<64x512xf32, #tpu.memory_space<hbm>>)
    %dma_wait3A_1229 = arith.constant 7 : i32
    %dma_wait3A_1230 = arith.constant 0 : i32
    %dma_wait3A_1231 = tpu.memref_slice %arg3[%dma_wait3A_1229, %add3A_56, %dma_wait3A_1230] : memref<10x16384x512xf32, #tpu.memory_space<hbm>> -> memref<1x64x512xf32, #tpu.memory_space<hbm>>
    %dma_wait3A_1232 = tpu.memref_squeeze %dma_wait3A_1231 : memref<1x64x512xf32, #tpu.memory_space<hbm>> -> memref<64x512xf32, #tpu.memory_space<hbm>>
    %dma_wait3A_1233 = arith.constant 0 : i32
    %dma_wait3A_1234 = tpu.memref_slice %arg3[%dma_wait3A_1229, %add3A_56, %dma_wait3A_1233] : memref<10x16384x512xf32, #tpu.memory_space<hbm>> -> memref<1x64x512xf32, #tpu.memory_space<hbm>>
    %dma_wait3A_1235 = tpu.memref_squeeze %dma_wait3A_1234 : memref<1x64x512xf32, #tpu.memory_space<hbm>> -> memref<64x512xf32, #tpu.memory_space<hbm>>
    tpu.wait_dma2 semaphore(%arg15 : memref<!tpu.dma_semaphore, #tpu.memory_space<semaphore_mem>>) src(%arg6 : memref<64x512xf32, #tpu.memory_space<vmem>>) dst(%dma_wait3A_1235 : memref<64x512xf32, #tpu.memory_space<hbm>>)
    %dma_start3A_1236 = arith.constant 6 : i32
    %dma_start3A_1237 = arith.constant 0 : i32
    %dma_start3A_1238 = tpu.memref_slice %arg3[%dma_start3A_1236, %add3A_58, %dma_start3A_1237] : memref<10x16384x512xf32, #tpu.memory_space<hbm>> -> memref<1x64x512xf32, #tpu.memory_space<hbm>>
    %dma_start3A_1239 = tpu.memref_squeeze %dma_start3A_1238 : memref<1x64x512xf32, #tpu.memory_space<hbm>> -> memref<64x512xf32, #tpu.memory_space<hbm>>
    %dma_start3A_1240 = arith.constant 0 : i32
    %dma_start3A_1241 = tpu.memref_slice %arg3[%dma_start3A_1236, %add3A_58, %dma_start3A_1240] : memref<10x16384x512xf32, #tpu.memory_space<hbm>> -> memref<1x64x512xf32, #tpu.memory_space<hbm>>
    %dma_start3A_1242 = tpu.memref_squeeze %dma_start3A_1241 : memref<1x64x512xf32, #tpu.memory_space<hbm>> -> memref<64x512xf32, #tpu.memory_space<hbm>>
    tpu.enqueue_dma source(%arg4 : memref<64x512xf32, #tpu.memory_space<vmem>>) target(%dma_start3A_1242 : memref<64x512xf32, #tpu.memory_space<hbm>>) target_semaphore(%arg10 : memref<!tpu.dma_semaphore, #tpu.memory_space<semaphore_mem>>)
    %dma_start3A_1243 = arith.constant 7 : i32
    %dma_start3A_1244 = arith.constant 0 : i32
    %dma_start3A_1245 = tpu.memref_slice %arg3[%dma_start3A_1243, %add3A_58, %dma_start3A_1244] : memref<10x16384x512xf32, #tpu.memory_space<hbm>> -> memref<1x64x512xf32, #tpu.memory_space<hbm>>
    %dma_start3A_1246 = tpu.memref_squeeze %dma_start3A_1245 : memref<1x64x512xf32, #tpu.memory_space<hbm>> -> memref<64x512xf32, #tpu.memory_space<hbm>>
    %dma_start3A_1247 = arith.constant 0 : i32
    %dma_start3A_1248 = tpu.memref_slice %arg3[%dma_start3A_1243, %add3A_58, %dma_start3A_1247] : memref<10x16384x512xf32, #tpu.memory_space<hbm>> -> memref<1x64x512xf32, #tpu.memory_space<hbm>>
    %dma_start3A_1249 = tpu.memref_squeeze %dma_start3A_1248 : memref<1x64x512xf32, #tpu.memory_space<hbm>> -> memref<64x512xf32, #tpu.memory_space<hbm>>
    tpu.enqueue_dma source(%arg4 : memref<64x512xf32, #tpu.memory_space<vmem>>) target(%dma_start3A_1249 : memref<64x512xf32, #tpu.memory_space<hbm>>) target_semaphore(%arg13 : memref<!tpu.dma_semaphore, #tpu.memory_space<semaphore_mem>>)
    %dma_start3A_1250 = arith.constant 3 : i32
    %dma_start3A_1251 = arith.constant 0 : i32
    %dma_start3A_1252 = tpu.memref_slice %arg2[%dma_start3A_1250, %add3A_62, %dma_start3A_1251] : memref<5x16384x512xf32, #tpu.memory_space<hbm>> -> memref<1x64x512xf32, #tpu.memory_space<hbm>>
    %dma_start3A_1253 = tpu.memref_squeeze %dma_start3A_1252 : memref<1x64x512xf32, #tpu.memory_space<hbm>> -> memref<64x512xf32, #tpu.memory_space<hbm>>
    %dma_start3A_1254 = arith.constant 0 : i32
    %dma_start3A_1255 = tpu.memref_slice %arg2[%dma_start3A_1250, %add3A_62, %dma_start3A_1254] : memref<5x16384x512xf32, #tpu.memory_space<hbm>> -> memref<1x64x512xf32, #tpu.memory_space<hbm>>
    %dma_start3A_1256 = tpu.memref_squeeze %dma_start3A_1255 : memref<1x64x512xf32, #tpu.memory_space<hbm>> -> memref<64x512xf32, #tpu.memory_space<hbm>>
    tpu.enqueue_dma source(%dma_start3A_1256 : memref<64x512xf32, #tpu.memory_space<hbm>>) target(%arg6 : memref<64x512xf32, #tpu.memory_space<vmem>>) target_semaphore(%arg9 : memref<!tpu.dma_semaphore, #tpu.memory_space<semaphore_mem>>)
    %dma_wait3A_1257 = arith.constant 3 : i32
    %dma_wait3A_1258 = arith.constant 0 : i32
    %dma_wait3A_1259 = tpu.memref_slice %arg2[%dma_wait3A_1257, %add3A_60, %dma_wait3A_1258] : memref<5x16384x512xf32, #tpu.memory_space<hbm>> -> memref<1x64x512xf32, #tpu.memory_space<hbm>>
    %dma_wait3A_1260 = tpu.memref_squeeze %dma_wait3A_1259 : memref<1x64x512xf32, #tpu.memory_space<hbm>> -> memref<64x512xf32, #tpu.memory_space<hbm>>
    %dma_wait3A_1261 = arith.constant 0 : i32
    %dma_wait3A_1262 = tpu.memref_slice %arg2[%dma_wait3A_1257, %add3A_60, %dma_wait3A_1261] : memref<5x16384x512xf32, #tpu.memory_space<hbm>> -> memref<1x64x512xf32, #tpu.memory_space<hbm>>
    %dma_wait3A_1263 = tpu.memref_squeeze %dma_wait3A_1262 : memref<1x64x512xf32, #tpu.memory_space<hbm>> -> memref<64x512xf32, #tpu.memory_space<hbm>>
    tpu.wait_dma2 semaphore(%arg8 : memref<!tpu.dma_semaphore, #tpu.memory_space<semaphore_mem>>) src(%dma_wait3A_1263 : memref<64x512xf32, #tpu.memory_space<hbm>>) dst(%arg5 : memref<64x512xf32, #tpu.memory_space<vmem>>)
    %dma_wait3A_1264 = arith.constant 6 : i32
    %dma_wait3A_1265 = arith.constant 0 : i32
    %dma_wait3A_1266 = tpu.memref_slice %arg3[%dma_wait3A_1264, %add3A_58, %dma_wait3A_1265] : memref<10x16384x512xf32, #tpu.memory_space<hbm>> -> memref<1x64x512xf32, #tpu.memory_space<hbm>>
    %dma_wait3A_1267 = tpu.memref_squeeze %dma_wait3A_1266 : memref<1x64x512xf32, #tpu.memory_space<hbm>> -> memref<64x512xf32, #tpu.memory_space<hbm>>
    %dma_wait3A_1268 = arith.constant 0 : i32
    %dma_wait3A_1269 = tpu.memref_slice %arg3[%dma_wait3A_1264, %add3A_58, %dma_wait3A_1268] : memref<10x16384x512xf32, #tpu.memory_space<hbm>> -> memref<1x64x512xf32, #tpu.memory_space<hbm>>
    %dma_wait3A_1270 = tpu.memref_squeeze %dma_wait3A_1269 : memref<1x64x512xf32, #tpu.memory_space<hbm>> -> memref<64x512xf32, #tpu.memory_space<hbm>>
    tpu.wait_dma2 semaphore(%arg10 : memref<!tpu.dma_semaphore, #tpu.memory_space<semaphore_mem>>) src(%arg4 : memref<64x512xf32, #tpu.memory_space<vmem>>) dst(%dma_wait3A_1270 : memref<64x512xf32, #tpu.memory_space<hbm>>)
    %dma_wait3A_1271 = arith.constant 7 : i32
    %dma_wait3A_1272 = arith.constant 0 : i32
    %dma_wait3A_1273 = tpu.memref_slice %arg3[%dma_wait3A_1271, %add3A_58, %dma_wait3A_1272] : memref<10x16384x512xf32, #tpu.memory_space<hbm>> -> memref<1x64x512xf32, #tpu.memory_space<hbm>>
    %dma_wait3A_1274 = tpu.memref_squeeze %dma_wait3A_1273 : memref<1x64x512xf32, #tpu.memory_space<hbm>> -> memref<64x512xf32, #tpu.memory_space<hbm>>
    %dma_wait3A_1275 = arith.constant 0 : i32
    %dma_wait3A_1276 = tpu.memref_slice %arg3[%dma_wait3A_1271, %add3A_58, %dma_wait3A_1275] : memref<10x16384x512xf32, #tpu.memory_space<hbm>> -> memref<1x64x512xf32, #tpu.memory_space<hbm>>
    %dma_wait3A_1277 = tpu.memref_squeeze %dma_wait3A_1276 : memref<1x64x512xf32, #tpu.memory_space<hbm>> -> memref<64x512xf32, #tpu.memory_space<hbm>>
    tpu.wait_dma2 semaphore(%arg13 : memref<!tpu.dma_semaphore, #tpu.memory_space<semaphore_mem>>) src(%arg4 : memref<64x512xf32, #tpu.memory_space<vmem>>) dst(%dma_wait3A_1277 : memref<64x512xf32, #tpu.memory_space<hbm>>)
    %dma_start3A_1278 = arith.constant 6 : i32
    %dma_start3A_1279 = arith.constant 0 : i32
    %dma_start3A_1280 = tpu.memref_slice %arg3[%dma_start3A_1278, %add3A_60, %dma_start3A_1279] : memref<10x16384x512xf32, #tpu.memory_space<hbm>> -> memref<1x64x512xf32, #tpu.memory_space<hbm>>
    %dma_start3A_1281 = tpu.memref_squeeze %dma_start3A_1280 : memref<1x64x512xf32, #tpu.memory_space<hbm>> -> memref<64x512xf32, #tpu.memory_space<hbm>>
    %dma_start3A_1282 = arith.constant 0 : i32
    %dma_start3A_1283 = tpu.memref_slice %arg3[%dma_start3A_1278, %add3A_60, %dma_start3A_1282] : memref<10x16384x512xf32, #tpu.memory_space<hbm>> -> memref<1x64x512xf32, #tpu.memory_space<hbm>>
    %dma_start3A_1284 = tpu.memref_squeeze %dma_start3A_1283 : memref<1x64x512xf32, #tpu.memory_space<hbm>> -> memref<64x512xf32, #tpu.memory_space<hbm>>
    tpu.enqueue_dma source(%arg5 : memref<64x512xf32, #tpu.memory_space<vmem>>) target(%dma_start3A_1284 : memref<64x512xf32, #tpu.memory_space<hbm>>) target_semaphore(%arg11 : memref<!tpu.dma_semaphore, #tpu.memory_space<semaphore_mem>>)
    %dma_start3A_1285 = arith.constant 7 : i32
    %dma_start3A_1286 = arith.constant 0 : i32
    %dma_start3A_1287 = tpu.memref_slice %arg3[%dma_start3A_1285, %add3A_60, %dma_start3A_1286] : memref<10x16384x512xf32, #tpu.memory_space<hbm>> -> memref<1x64x512xf32, #tpu.memory_space<hbm>>
    %dma_start3A_1288 = tpu.memref_squeeze %dma_start3A_1287 : memref<1x64x512xf32, #tpu.memory_space<hbm>> -> memref<64x512xf32, #tpu.memory_space<hbm>>
    %dma_start3A_1289 = arith.constant 0 : i32
    %dma_start3A_1290 = tpu.memref_slice %arg3[%dma_start3A_1285, %add3A_60, %dma_start3A_1289] : memref<10x16384x512xf32, #tpu.memory_space<hbm>> -> memref<1x64x512xf32, #tpu.memory_space<hbm>>
    %dma_start3A_1291 = tpu.memref_squeeze %dma_start3A_1290 : memref<1x64x512xf32, #tpu.memory_space<hbm>> -> memref<64x512xf32, #tpu.memory_space<hbm>>
    tpu.enqueue_dma source(%arg5 : memref<64x512xf32, #tpu.memory_space<vmem>>) target(%dma_start3A_1291 : memref<64x512xf32, #tpu.memory_space<hbm>>) target_semaphore(%arg14 : memref<!tpu.dma_semaphore, #tpu.memory_space<semaphore_mem>>)
    %dma_start3A_1292 = arith.constant 3 : i32
    %dma_start3A_1293 = arith.constant 0 : i32
    %dma_start3A_1294 = tpu.memref_slice %arg2[%dma_start3A_1292, %add3A_64, %dma_start3A_1293] : memref<5x16384x512xf32, #tpu.memory_space<hbm>> -> memref<1x64x512xf32, #tpu.memory_space<hbm>>
    %dma_start3A_1295 = tpu.memref_squeeze %dma_start3A_1294 : memref<1x64x512xf32, #tpu.memory_space<hbm>> -> memref<64x512xf32, #tpu.memory_space<hbm>>
    %dma_start3A_1296 = arith.constant 0 : i32
    %dma_start3A_1297 = tpu.memref_slice %arg2[%dma_start3A_1292, %add3A_64, %dma_start3A_1296] : memref<5x16384x512xf32, #tpu.memory_space<hbm>> -> memref<1x64x512xf32, #tpu.memory_space<hbm>>
    %dma_start3A_1298 = tpu.memref_squeeze %dma_start3A_1297 : memref<1x64x512xf32, #tpu.memory_space<hbm>> -> memref<64x512xf32, #tpu.memory_space<hbm>>
    tpu.enqueue_dma source(%dma_start3A_1298 : memref<64x512xf32, #tpu.memory_space<hbm>>) target(%arg4 : memref<64x512xf32, #tpu.memory_space<vmem>>) target_semaphore(%arg7 : memref<!tpu.dma_semaphore, #tpu.memory_space<semaphore_mem>>)
    %dma_wait3A_1299 = arith.constant 3 : i32
    %dma_wait3A_1300 = arith.constant 0 : i32
    %dma_wait3A_1301 = tpu.memref_slice %arg2[%dma_wait3A_1299, %add3A_62, %dma_wait3A_1300] : memref<5x16384x512xf32, #tpu.memory_space<hbm>> -> memref<1x64x512xf32, #tpu.memory_space<hbm>>
    %dma_wait3A_1302 = tpu.memref_squeeze %dma_wait3A_1301 : memref<1x64x512xf32, #tpu.memory_space<hbm>> -> memref<64x512xf32, #tpu.memory_space<hbm>>
    %dma_wait3A_1303 = arith.constant 0 : i32
    %dma_wait3A_1304 = tpu.memref_slice %arg2[%dma_wait3A_1299, %add3A_62, %dma_wait3A_1303] : memref<5x16384x512xf32, #tpu.memory_space<hbm>> -> memref<1x64x512xf32, #tpu.memory_space<hbm>>
    %dma_wait3A_1305 = tpu.memref_squeeze %dma_wait3A_1304 : memref<1x64x512xf32, #tpu.memory_space<hbm>> -> memref<64x512xf32, #tpu.memory_space<hbm>>
    tpu.wait_dma2 semaphore(%arg9 : memref<!tpu.dma_semaphore, #tpu.memory_space<semaphore_mem>>) src(%dma_wait3A_1305 : memref<64x512xf32, #tpu.memory_space<hbm>>) dst(%arg6 : memref<64x512xf32, #tpu.memory_space<vmem>>)
    %dma_wait3A_1306 = arith.constant 6 : i32
    %dma_wait3A_1307 = arith.constant 0 : i32
    %dma_wait3A_1308 = tpu.memref_slice %arg3[%dma_wait3A_1306, %add3A_60, %dma_wait3A_1307] : memref<10x16384x512xf32, #tpu.memory_space<hbm>> -> memref<1x64x512xf32, #tpu.memory_space<hbm>>
    %dma_wait3A_1309 = tpu.memref_squeeze %dma_wait3A_1308 : memref<1x64x512xf32, #tpu.memory_space<hbm>> -> memref<64x512xf32, #tpu.memory_space<hbm>>
    %dma_wait3A_1310 = arith.constant 0 : i32
    %dma_wait3A_1311 = tpu.memref_slice %arg3[%dma_wait3A_1306, %add3A_60, %dma_wait3A_1310] : memref<10x16384x512xf32, #tpu.memory_space<hbm>> -> memref<1x64x512xf32, #tpu.memory_space<hbm>>
    %dma_wait3A_1312 = tpu.memref_squeeze %dma_wait3A_1311 : memref<1x64x512xf32, #tpu.memory_space<hbm>> -> memref<64x512xf32, #tpu.memory_space<hbm>>
    tpu.wait_dma2 semaphore(%arg11 : memref<!tpu.dma_semaphore, #tpu.memory_space<semaphore_mem>>) src(%arg5 : memref<64x512xf32, #tpu.memory_space<vmem>>) dst(%dma_wait3A_1312 : memref<64x512xf32, #tpu.memory_space<hbm>>)
    %dma_wait3A_1313 = arith.constant 7 : i32
    %dma_wait3A_1314 = arith.constant 0 : i32
    %dma_wait3A_1315 = tpu.memref_slice %arg3[%dma_wait3A_1313, %add3A_60, %dma_wait3A_1314] : memref<10x16384x512xf32, #tpu.memory_space<hbm>> -> memref<1x64x512xf32, #tpu.memory_space<hbm>>
    %dma_wait3A_1316 = tpu.memref_squeeze %dma_wait3A_1315 : memref<1x64x512xf32, #tpu.memory_space<hbm>> -> memref<64x512xf32, #tpu.memory_space<hbm>>
    %dma_wait3A_1317 = arith.constant 0 : i32
    %dma_wait3A_1318 = tpu.memref_slice %arg3[%dma_wait3A_1313, %add3A_60, %dma_wait3A_1317] : memref<10x16384x512xf32, #tpu.memory_space<hbm>> -> memref<1x64x512xf32, #tpu.memory_space<hbm>>
    %dma_wait3A_1319 = tpu.memref_squeeze %dma_wait3A_1318 : memref<1x64x512xf32, #tpu.memory_space<hbm>> -> memref<64x512xf32, #tpu.memory_space<hbm>>
    tpu.wait_dma2 semaphore(%arg14 : memref<!tpu.dma_semaphore, #tpu.memory_space<semaphore_mem>>) src(%arg5 : memref<64x512xf32, #tpu.memory_space<vmem>>) dst(%dma_wait3A_1319 : memref<64x512xf32, #tpu.memory_space<hbm>>)
    %dma_start3A_1320 = arith.constant 6 : i32
    %dma_start3A_1321 = arith.constant 0 : i32
    %dma_start3A_1322 = tpu.memref_slice %arg3[%dma_start3A_1320, %add3A_62, %dma_start3A_1321] : memref<10x16384x512xf32, #tpu.memory_space<hbm>> -> memref<1x64x512xf32, #tpu.memory_space<hbm>>
    %dma_start3A_1323 = tpu.memref_squeeze %dma_start3A_1322 : memref<1x64x512xf32, #tpu.memory_space<hbm>> -> memref<64x512xf32, #tpu.memory_space<hbm>>
    %dma_start3A_1324 = arith.constant 0 : i32
    %dma_start3A_1325 = tpu.memref_slice %arg3[%dma_start3A_1320, %add3A_62, %dma_start3A_1324] : memref<10x16384x512xf32, #tpu.memory_space<hbm>> -> memref<1x64x512xf32, #tpu.memory_space<hbm>>
    %dma_start3A_1326 = tpu.memref_squeeze %dma_start3A_1325 : memref<1x64x512xf32, #tpu.memory_space<hbm>> -> memref<64x512xf32, #tpu.memory_space<hbm>>
    tpu.enqueue_dma source(%arg6 : memref<64x512xf32, #tpu.memory_space<vmem>>) target(%dma_start3A_1326 : memref<64x512xf32, #tpu.memory_space<hbm>>) target_semaphore(%arg12 : memref<!tpu.dma_semaphore, #tpu.memory_space<semaphore_mem>>)
    %dma_start3A_1327 = arith.constant 7 : i32
    %dma_start3A_1328 = arith.constant 0 : i32
    %dma_start3A_1329 = tpu.memref_slice %arg3[%dma_start3A_1327, %add3A_62, %dma_start3A_1328] : memref<10x16384x512xf32, #tpu.memory_space<hbm>> -> memref<1x64x512xf32, #tpu.memory_space<hbm>>
    %dma_start3A_1330 = tpu.memref_squeeze %dma_start3A_1329 : memref<1x64x512xf32, #tpu.memory_space<hbm>> -> memref<64x512xf32, #tpu.memory_space<hbm>>
    %dma_start3A_1331 = arith.constant 0 : i32
    %dma_start3A_1332 = tpu.memref_slice %arg3[%dma_start3A_1327, %add3A_62, %dma_start3A_1331] : memref<10x16384x512xf32, #tpu.memory_space<hbm>> -> memref<1x64x512xf32, #tpu.memory_space<hbm>>
    %dma_start3A_1333 = tpu.memref_squeeze %dma_start3A_1332 : memref<1x64x512xf32, #tpu.memory_space<hbm>> -> memref<64x512xf32, #tpu.memory_space<hbm>>
    tpu.enqueue_dma source(%arg6 : memref<64x512xf32, #tpu.memory_space<vmem>>) target(%dma_start3A_1333 : memref<64x512xf32, #tpu.memory_space<hbm>>) target_semaphore(%arg15 : memref<!tpu.dma_semaphore, #tpu.memory_space<semaphore_mem>>)
    %dma_start3A_1334 = arith.constant 3 : i32
    %dma_start3A_1335 = arith.constant 0 : i32
    %dma_start3A_1336 = tpu.memref_slice %arg2[%dma_start3A_1334, %add3A_66, %dma_start3A_1335] : memref<5x16384x512xf32, #tpu.memory_space<hbm>> -> memref<1x64x512xf32, #tpu.memory_space<hbm>>
    %dma_start3A_1337 = tpu.memref_squeeze %dma_start3A_1336 : memref<1x64x512xf32, #tpu.memory_space<hbm>> -> memref<64x512xf32, #tpu.memory_space<hbm>>
    %dma_start3A_1338 = arith.constant 0 : i32
    %dma_start3A_1339 = tpu.memref_slice %arg2[%dma_start3A_1334, %add3A_66, %dma_start3A_1338] : memref<5x16384x512xf32, #tpu.memory_space<hbm>> -> memref<1x64x512xf32, #tpu.memory_space<hbm>>
    %dma_start3A_1340 = tpu.memref_squeeze %dma_start3A_1339 : memref<1x64x512xf32, #tpu.memory_space<hbm>> -> memref<64x512xf32, #tpu.memory_space<hbm>>
    tpu.enqueue_dma source(%dma_start3A_1340 : memref<64x512xf32, #tpu.memory_space<hbm>>) target(%arg5 : memref<64x512xf32, #tpu.memory_space<vmem>>) target_semaphore(%arg8 : memref<!tpu.dma_semaphore, #tpu.memory_space<semaphore_mem>>)
    %dma_wait3A_1341 = arith.constant 3 : i32
    %dma_wait3A_1342 = arith.constant 0 : i32
    %dma_wait3A_1343 = tpu.memref_slice %arg2[%dma_wait3A_1341, %add3A_64, %dma_wait3A_1342] : memref<5x16384x512xf32, #tpu.memory_space<hbm>> -> memref<1x64x512xf32, #tpu.memory_space<hbm>>
    %dma_wait3A_1344 = tpu.memref_squeeze %dma_wait3A_1343 : memref<1x64x512xf32, #tpu.memory_space<hbm>> -> memref<64x512xf32, #tpu.memory_space<hbm>>
    %dma_wait3A_1345 = arith.constant 0 : i32
    %dma_wait3A_1346 = tpu.memref_slice %arg2[%dma_wait3A_1341, %add3A_64, %dma_wait3A_1345] : memref<5x16384x512xf32, #tpu.memory_space<hbm>> -> memref<1x64x512xf32, #tpu.memory_space<hbm>>
    %dma_wait3A_1347 = tpu.memref_squeeze %dma_wait3A_1346 : memref<1x64x512xf32, #tpu.memory_space<hbm>> -> memref<64x512xf32, #tpu.memory_space<hbm>>
    tpu.wait_dma2 semaphore(%arg7 : memref<!tpu.dma_semaphore, #tpu.memory_space<semaphore_mem>>) src(%dma_wait3A_1347 : memref<64x512xf32, #tpu.memory_space<hbm>>) dst(%arg4 : memref<64x512xf32, #tpu.memory_space<vmem>>)
    %dma_wait3A_1348 = arith.constant 6 : i32
    %dma_wait3A_1349 = arith.constant 0 : i32
    %dma_wait3A_1350 = tpu.memref_slice %arg3[%dma_wait3A_1348, %add3A_62, %dma_wait3A_1349] : memref<10x16384x512xf32, #tpu.memory_space<hbm>> -> memref<1x64x512xf32, #tpu.memory_space<hbm>>
    %dma_wait3A_1351 = tpu.memref_squeeze %dma_wait3A_1350 : memref<1x64x512xf32, #tpu.memory_space<hbm>> -> memref<64x512xf32, #tpu.memory_space<hbm>>
    %dma_wait3A_1352 = arith.constant 0 : i32
    %dma_wait3A_1353 = tpu.memref_slice %arg3[%dma_wait3A_1348, %add3A_62, %dma_wait3A_1352] : memref<10x16384x512xf32, #tpu.memory_space<hbm>> -> memref<1x64x512xf32, #tpu.memory_space<hbm>>
    %dma_wait3A_1354 = tpu.memref_squeeze %dma_wait3A_1353 : memref<1x64x512xf32, #tpu.memory_space<hbm>> -> memref<64x512xf32, #tpu.memory_space<hbm>>
    tpu.wait_dma2 semaphore(%arg12 : memref<!tpu.dma_semaphore, #tpu.memory_space<semaphore_mem>>) src(%arg6 : memref<64x512xf32, #tpu.memory_space<vmem>>) dst(%dma_wait3A_1354 : memref<64x512xf32, #tpu.memory_space<hbm>>)
    %dma_wait3A_1355 = arith.constant 7 : i32
    %dma_wait3A_1356 = arith.constant 0 : i32
    %dma_wait3A_1357 = tpu.memref_slice %arg3[%dma_wait3A_1355, %add3A_62, %dma_wait3A_1356] : memref<10x16384x512xf32, #tpu.memory_space<hbm>> -> memref<1x64x512xf32, #tpu.memory_space<hbm>>
    %dma_wait3A_1358 = tpu.memref_squeeze %dma_wait3A_1357 : memref<1x64x512xf32, #tpu.memory_space<hbm>> -> memref<64x512xf32, #tpu.memory_space<hbm>>
    %dma_wait3A_1359 = arith.constant 0 : i32
    %dma_wait3A_1360 = tpu.memref_slice %arg3[%dma_wait3A_1355, %add3A_62, %dma_wait3A_1359] : memref<10x16384x512xf32, #tpu.memory_space<hbm>> -> memref<1x64x512xf32, #tpu.memory_space<hbm>>
    %dma_wait3A_1361 = tpu.memref_squeeze %dma_wait3A_1360 : memref<1x64x512xf32, #tpu.memory_space<hbm>> -> memref<64x512xf32, #tpu.memory_space<hbm>>
    tpu.wait_dma2 semaphore(%arg15 : memref<!tpu.dma_semaphore, #tpu.memory_space<semaphore_mem>>) src(%arg6 : memref<64x512xf32, #tpu.memory_space<vmem>>) dst(%dma_wait3A_1361 : memref<64x512xf32, #tpu.memory_space<hbm>>)
    %dma_start3A_1362 = arith.constant 6 : i32
    %dma_start3A_1363 = arith.constant 0 : i32
    %dma_start3A_1364 = tpu.memref_slice %arg3[%dma_start3A_1362, %add3A_64, %dma_start3A_1363] : memref<10x16384x512xf32, #tpu.memory_space<hbm>> -> memref<1x64x512xf32, #tpu.memory_space<hbm>>
    %dma_start3A_1365 = tpu.memref_squeeze %dma_start3A_1364 : memref<1x64x512xf32, #tpu.memory_space<hbm>> -> memref<64x512xf32, #tpu.memory_space<hbm>>
    %dma_start3A_1366 = arith.constant 0 : i32
    %dma_start3A_1367 = tpu.memref_slice %arg3[%dma_start3A_1362, %add3A_64, %dma_start3A_1366] : memref<10x16384x512xf32, #tpu.memory_space<hbm>> -> memref<1x64x512xf32, #tpu.memory_space<hbm>>
    %dma_start3A_1368 = tpu.memref_squeeze %dma_start3A_1367 : memref<1x64x512xf32, #tpu.memory_space<hbm>> -> memref<64x512xf32, #tpu.memory_space<hbm>>
    tpu.enqueue_dma source(%arg4 : memref<64x512xf32, #tpu.memory_space<vmem>>) target(%dma_start3A_1368 : memref<64x512xf32, #tpu.memory_space<hbm>>) target_semaphore(%arg10 : memref<!tpu.dma_semaphore, #tpu.memory_space<semaphore_mem>>)
    %dma_start3A_1369 = arith.constant 7 : i32
    %dma_start3A_1370 = arith.constant 0 : i32
    %dma_start3A_1371 = tpu.memref_slice %arg3[%dma_start3A_1369, %add3A_64, %dma_start3A_1370] : memref<10x16384x512xf32, #tpu.memory_space<hbm>> -> memref<1x64x512xf32, #tpu.memory_space<hbm>>
    %dma_start3A_1372 = tpu.memref_squeeze %dma_start3A_1371 : memref<1x64x512xf32, #tpu.memory_space<hbm>> -> memref<64x512xf32, #tpu.memory_space<hbm>>
    %dma_start3A_1373 = arith.constant 0 : i32
    %dma_start3A_1374 = tpu.memref_slice %arg3[%dma_start3A_1369, %add3A_64, %dma_start3A_1373] : memref<10x16384x512xf32, #tpu.memory_space<hbm>> -> memref<1x64x512xf32, #tpu.memory_space<hbm>>
    %dma_start3A_1375 = tpu.memref_squeeze %dma_start3A_1374 : memref<1x64x512xf32, #tpu.memory_space<hbm>> -> memref<64x512xf32, #tpu.memory_space<hbm>>
    tpu.enqueue_dma source(%arg4 : memref<64x512xf32, #tpu.memory_space<vmem>>) target(%dma_start3A_1375 : memref<64x512xf32, #tpu.memory_space<hbm>>) target_semaphore(%arg13 : memref<!tpu.dma_semaphore, #tpu.memory_space<semaphore_mem>>)
    %dma_start3A_1376 = arith.constant 4 : i32
    %dma_start3A_1377 = arith.constant 0 : i32
    %dma_start3A_1378 = tpu.memref_slice %arg2[%dma_start3A_1376, %add3A_68, %dma_start3A_1377] : memref<5x16384x512xf32, #tpu.memory_space<hbm>> -> memref<1x64x512xf32, #tpu.memory_space<hbm>>
    %dma_start3A_1379 = tpu.memref_squeeze %dma_start3A_1378 : memref<1x64x512xf32, #tpu.memory_space<hbm>> -> memref<64x512xf32, #tpu.memory_space<hbm>>
    %dma_start3A_1380 = arith.constant 0 : i32
    %dma_start3A_1381 = tpu.memref_slice %arg2[%dma_start3A_1376, %add3A_68, %dma_start3A_1380] : memref<5x16384x512xf32, #tpu.memory_space<hbm>> -> memref<1x64x512xf32, #tpu.memory_space<hbm>>
    %dma_start3A_1382 = tpu.memref_squeeze %dma_start3A_1381 : memref<1x64x512xf32, #tpu.memory_space<hbm>> -> memref<64x512xf32, #tpu.memory_space<hbm>>
    tpu.enqueue_dma source(%dma_start3A_1382 : memref<64x512xf32, #tpu.memory_space<hbm>>) target(%arg6 : memref<64x512xf32, #tpu.memory_space<vmem>>) target_semaphore(%arg9 : memref<!tpu.dma_semaphore, #tpu.memory_space<semaphore_mem>>)
    %dma_wait3A_1383 = arith.constant 3 : i32
    %dma_wait3A_1384 = arith.constant 0 : i32
    %dma_wait3A_1385 = tpu.memref_slice %arg2[%dma_wait3A_1383, %add3A_66, %dma_wait3A_1384] : memref<5x16384x512xf32, #tpu.memory_space<hbm>> -> memref<1x64x512xf32, #tpu.memory_space<hbm>>
    %dma_wait3A_1386 = tpu.memref_squeeze %dma_wait3A_1385 : memref<1x64x512xf32, #tpu.memory_space<hbm>> -> memref<64x512xf32, #tpu.memory_space<hbm>>
    %dma_wait3A_1387 = arith.constant 0 : i32
    %dma_wait3A_1388 = tpu.memref_slice %arg2[%dma_wait3A_1383, %add3A_66, %dma_wait3A_1387] : memref<5x16384x512xf32, #tpu.memory_space<hbm>> -> memref<1x64x512xf32, #tpu.memory_space<hbm>>
    %dma_wait3A_1389 = tpu.memref_squeeze %dma_wait3A_1388 : memref<1x64x512xf32, #tpu.memory_space<hbm>> -> memref<64x512xf32, #tpu.memory_space<hbm>>
    tpu.wait_dma2 semaphore(%arg8 : memref<!tpu.dma_semaphore, #tpu.memory_space<semaphore_mem>>) src(%dma_wait3A_1389 : memref<64x512xf32, #tpu.memory_space<hbm>>) dst(%arg5 : memref<64x512xf32, #tpu.memory_space<vmem>>)
    %dma_wait3A_1390 = arith.constant 6 : i32
    %dma_wait3A_1391 = arith.constant 0 : i32
    %dma_wait3A_1392 = tpu.memref_slice %arg3[%dma_wait3A_1390, %add3A_64, %dma_wait3A_1391] : memref<10x16384x512xf32, #tpu.memory_space<hbm>> -> memref<1x64x512xf32, #tpu.memory_space<hbm>>
    %dma_wait3A_1393 = tpu.memref_squeeze %dma_wait3A_1392 : memref<1x64x512xf32, #tpu.memory_space<hbm>> -> memref<64x512xf32, #tpu.memory_space<hbm>>
    %dma_wait3A_1394 = arith.constant 0 : i32
    %dma_wait3A_1395 = tpu.memref_slice %arg3[%dma_wait3A_1390, %add3A_64, %dma_wait3A_1394] : memref<10x16384x512xf32, #tpu.memory_space<hbm>> -> memref<1x64x512xf32, #tpu.memory_space<hbm>>
    %dma_wait3A_1396 = tpu.memref_squeeze %dma_wait3A_1395 : memref<1x64x512xf32, #tpu.memory_space<hbm>> -> memref<64x512xf32, #tpu.memory_space<hbm>>
    tpu.wait_dma2 semaphore(%arg10 : memref<!tpu.dma_semaphore, #tpu.memory_space<semaphore_mem>>) src(%arg4 : memref<64x512xf32, #tpu.memory_space<vmem>>) dst(%dma_wait3A_1396 : memref<64x512xf32, #tpu.memory_space<hbm>>)
    %dma_wait3A_1397 = arith.constant 7 : i32
    %dma_wait3A_1398 = arith.constant 0 : i32
    %dma_wait3A_1399 = tpu.memref_slice %arg3[%dma_wait3A_1397, %add3A_64, %dma_wait3A_1398] : memref<10x16384x512xf32, #tpu.memory_space<hbm>> -> memref<1x64x512xf32, #tpu.memory_space<hbm>>
    %dma_wait3A_1400 = tpu.memref_squeeze %dma_wait3A_1399 : memref<1x64x512xf32, #tpu.memory_space<hbm>> -> memref<64x512xf32, #tpu.memory_space<hbm>>
    %dma_wait3A_1401 = arith.constant 0 : i32
    %dma_wait3A_1402 = tpu.memref_slice %arg3[%dma_wait3A_1397, %add3A_64, %dma_wait3A_1401] : memref<10x16384x512xf32, #tpu.memory_space<hbm>> -> memref<1x64x512xf32, #tpu.memory_space<hbm>>
    %dma_wait3A_1403 = tpu.memref_squeeze %dma_wait3A_1402 : memref<1x64x512xf32, #tpu.memory_space<hbm>> -> memref<64x512xf32, #tpu.memory_space<hbm>>
    tpu.wait_dma2 semaphore(%arg13 : memref<!tpu.dma_semaphore, #tpu.memory_space<semaphore_mem>>) src(%arg4 : memref<64x512xf32, #tpu.memory_space<vmem>>) dst(%dma_wait3A_1403 : memref<64x512xf32, #tpu.memory_space<hbm>>)
    %dma_start3A_1404 = arith.constant 6 : i32
    %dma_start3A_1405 = arith.constant 0 : i32
    %dma_start3A_1406 = tpu.memref_slice %arg3[%dma_start3A_1404, %add3A_66, %dma_start3A_1405] : memref<10x16384x512xf32, #tpu.memory_space<hbm>> -> memref<1x64x512xf32, #tpu.memory_space<hbm>>
    %dma_start3A_1407 = tpu.memref_squeeze %dma_start3A_1406 : memref<1x64x512xf32, #tpu.memory_space<hbm>> -> memref<64x512xf32, #tpu.memory_space<hbm>>
    %dma_start3A_1408 = arith.constant 0 : i32
    %dma_start3A_1409 = tpu.memref_slice %arg3[%dma_start3A_1404, %add3A_66, %dma_start3A_1408] : memref<10x16384x512xf32, #tpu.memory_space<hbm>> -> memref<1x64x512xf32, #tpu.memory_space<hbm>>
    %dma_start3A_1410 = tpu.memref_squeeze %dma_start3A_1409 : memref<1x64x512xf32, #tpu.memory_space<hbm>> -> memref<64x512xf32, #tpu.memory_space<hbm>>
    tpu.enqueue_dma source(%arg5 : memref<64x512xf32, #tpu.memory_space<vmem>>) target(%dma_start3A_1410 : memref<64x512xf32, #tpu.memory_space<hbm>>) target_semaphore(%arg11 : memref<!tpu.dma_semaphore, #tpu.memory_space<semaphore_mem>>)
    %dma_start3A_1411 = arith.constant 7 : i32
    %dma_start3A_1412 = arith.constant 0 : i32
    %dma_start3A_1413 = tpu.memref_slice %arg3[%dma_start3A_1411, %add3A_66, %dma_start3A_1412] : memref<10x16384x512xf32, #tpu.memory_space<hbm>> -> memref<1x64x512xf32, #tpu.memory_space<hbm>>
    %dma_start3A_1414 = tpu.memref_squeeze %dma_start3A_1413 : memref<1x64x512xf32, #tpu.memory_space<hbm>> -> memref<64x512xf32, #tpu.memory_space<hbm>>
    %dma_start3A_1415 = arith.constant 0 : i32
    %dma_start3A_1416 = tpu.memref_slice %arg3[%dma_start3A_1411, %add3A_66, %dma_start3A_1415] : memref<10x16384x512xf32, #tpu.memory_space<hbm>> -> memref<1x64x512xf32, #tpu.memory_space<hbm>>
    %dma_start3A_1417 = tpu.memref_squeeze %dma_start3A_1416 : memref<1x64x512xf32, #tpu.memory_space<hbm>> -> memref<64x512xf32, #tpu.memory_space<hbm>>
    tpu.enqueue_dma source(%arg5 : memref<64x512xf32, #tpu.memory_space<vmem>>) target(%dma_start3A_1417 : memref<64x512xf32, #tpu.memory_space<hbm>>) target_semaphore(%arg14 : memref<!tpu.dma_semaphore, #tpu.memory_space<semaphore_mem>>)
    %dma_start3A_1418 = arith.constant 4 : i32
    %dma_start3A_1419 = arith.constant 0 : i32
    %dma_start3A_1420 = tpu.memref_slice %arg2[%dma_start3A_1418, %add3A_70, %dma_start3A_1419] : memref<5x16384x512xf32, #tpu.memory_space<hbm>> -> memref<1x64x512xf32, #tpu.memory_space<hbm>>
    %dma_start3A_1421 = tpu.memref_squeeze %dma_start3A_1420 : memref<1x64x512xf32, #tpu.memory_space<hbm>> -> memref<64x512xf32, #tpu.memory_space<hbm>>
    %dma_start3A_1422 = arith.constant 0 : i32
    %dma_start3A_1423 = tpu.memref_slice %arg2[%dma_start3A_1418, %add3A_70, %dma_start3A_1422] : memref<5x16384x512xf32, #tpu.memory_space<hbm>> -> memref<1x64x512xf32, #tpu.memory_space<hbm>>
    %dma_start3A_1424 = tpu.memref_squeeze %dma_start3A_1423 : memref<1x64x512xf32, #tpu.memory_space<hbm>> -> memref<64x512xf32, #tpu.memory_space<hbm>>
    tpu.enqueue_dma source(%dma_start3A_1424 : memref<64x512xf32, #tpu.memory_space<hbm>>) target(%arg4 : memref<64x512xf32, #tpu.memory_space<vmem>>) target_semaphore(%arg7 : memref<!tpu.dma_semaphore, #tpu.memory_space<semaphore_mem>>)
    %dma_wait3A_1425 = arith.constant 4 : i32
    %dma_wait3A_1426 = arith.constant 0 : i32
    %dma_wait3A_1427 = tpu.memref_slice %arg2[%dma_wait3A_1425, %add3A_68, %dma_wait3A_1426] : memref<5x16384x512xf32, #tpu.memory_space<hbm>> -> memref<1x64x512xf32, #tpu.memory_space<hbm>>
    %dma_wait3A_1428 = tpu.memref_squeeze %dma_wait3A_1427 : memref<1x64x512xf32, #tpu.memory_space<hbm>> -> memref<64x512xf32, #tpu.memory_space<hbm>>
    %dma_wait3A_1429 = arith.constant 0 : i32
    %dma_wait3A_1430 = tpu.memref_slice %arg2[%dma_wait3A_1425, %add3A_68, %dma_wait3A_1429] : memref<5x16384x512xf32, #tpu.memory_space<hbm>> -> memref<1x64x512xf32, #tpu.memory_space<hbm>>
    %dma_wait3A_1431 = tpu.memref_squeeze %dma_wait3A_1430 : memref<1x64x512xf32, #tpu.memory_space<hbm>> -> memref<64x512xf32, #tpu.memory_space<hbm>>
    tpu.wait_dma2 semaphore(%arg9 : memref<!tpu.dma_semaphore, #tpu.memory_space<semaphore_mem>>) src(%dma_wait3A_1431 : memref<64x512xf32, #tpu.memory_space<hbm>>) dst(%arg6 : memref<64x512xf32, #tpu.memory_space<vmem>>)
    %dma_wait3A_1432 = arith.constant 6 : i32
    %dma_wait3A_1433 = arith.constant 0 : i32
    %dma_wait3A_1434 = tpu.memref_slice %arg3[%dma_wait3A_1432, %add3A_66, %dma_wait3A_1433] : memref<10x16384x512xf32, #tpu.memory_space<hbm>> -> memref<1x64x512xf32, #tpu.memory_space<hbm>>
    %dma_wait3A_1435 = tpu.memref_squeeze %dma_wait3A_1434 : memref<1x64x512xf32, #tpu.memory_space<hbm>> -> memref<64x512xf32, #tpu.memory_space<hbm>>
    %dma_wait3A_1436 = arith.constant 0 : i32
    %dma_wait3A_1437 = tpu.memref_slice %arg3[%dma_wait3A_1432, %add3A_66, %dma_wait3A_1436] : memref<10x16384x512xf32, #tpu.memory_space<hbm>> -> memref<1x64x512xf32, #tpu.memory_space<hbm>>
    %dma_wait3A_1438 = tpu.memref_squeeze %dma_wait3A_1437 : memref<1x64x512xf32, #tpu.memory_space<hbm>> -> memref<64x512xf32, #tpu.memory_space<hbm>>
    tpu.wait_dma2 semaphore(%arg11 : memref<!tpu.dma_semaphore, #tpu.memory_space<semaphore_mem>>) src(%arg5 : memref<64x512xf32, #tpu.memory_space<vmem>>) dst(%dma_wait3A_1438 : memref<64x512xf32, #tpu.memory_space<hbm>>)
    %dma_wait3A_1439 = arith.constant 7 : i32
    %dma_wait3A_1440 = arith.constant 0 : i32
    %dma_wait3A_1441 = tpu.memref_slice %arg3[%dma_wait3A_1439, %add3A_66, %dma_wait3A_1440] : memref<10x16384x512xf32, #tpu.memory_space<hbm>> -> memref<1x64x512xf32, #tpu.memory_space<hbm>>
    %dma_wait3A_1442 = tpu.memref_squeeze %dma_wait3A_1441 : memref<1x64x512xf32, #tpu.memory_space<hbm>> -> memref<64x512xf32, #tpu.memory_space<hbm>>
    %dma_wait3A_1443 = arith.constant 0 : i32
    %dma_wait3A_1444 = tpu.memref_slice %arg3[%dma_wait3A_1439, %add3A_66, %dma_wait3A_1443] : memref<10x16384x512xf32, #tpu.memory_space<hbm>> -> memref<1x64x512xf32, #tpu.memory_space<hbm>>
    %dma_wait3A_1445 = tpu.memref_squeeze %dma_wait3A_1444 : memref<1x64x512xf32, #tpu.memory_space<hbm>> -> memref<64x512xf32, #tpu.memory_space<hbm>>
    tpu.wait_dma2 semaphore(%arg14 : memref<!tpu.dma_semaphore, #tpu.memory_space<semaphore_mem>>) src(%arg5 : memref<64x512xf32, #tpu.memory_space<vmem>>) dst(%dma_wait3A_1445 : memref<64x512xf32, #tpu.memory_space<hbm>>)
    %dma_start3A_1446 = arith.constant 8 : i32
    %dma_start3A_1447 = arith.constant 0 : i32
    %dma_start3A_1448 = tpu.memref_slice %arg3[%dma_start3A_1446, %add3A_68, %dma_start3A_1447] : memref<10x16384x512xf32, #tpu.memory_space<hbm>> -> memref<1x64x512xf32, #tpu.memory_space<hbm>>
    %dma_start3A_1449 = tpu.memref_squeeze %dma_start3A_1448 : memref<1x64x512xf32, #tpu.memory_space<hbm>> -> memref<64x512xf32, #tpu.memory_space<hbm>>
    %dma_start3A_1450 = arith.constant 0 : i32
    %dma_start3A_1451 = tpu.memref_slice %arg3[%dma_start3A_1446, %add3A_68, %dma_start3A_1450] : memref<10x16384x512xf32, #tpu.memory_space<hbm>> -> memref<1x64x512xf32, #tpu.memory_space<hbm>>
    %dma_start3A_1452 = tpu.memref_squeeze %dma_start3A_1451 : memref<1x64x512xf32, #tpu.memory_space<hbm>> -> memref<64x512xf32, #tpu.memory_space<hbm>>
    tpu.enqueue_dma source(%arg6 : memref<64x512xf32, #tpu.memory_space<vmem>>) target(%dma_start3A_1452 : memref<64x512xf32, #tpu.memory_space<hbm>>) target_semaphore(%arg12 : memref<!tpu.dma_semaphore, #tpu.memory_space<semaphore_mem>>)
    %dma_start3A_1453 = arith.constant 9 : i32
    %dma_start3A_1454 = arith.constant 0 : i32
    %dma_start3A_1455 = tpu.memref_slice %arg3[%dma_start3A_1453, %add3A_68, %dma_start3A_1454] : memref<10x16384x512xf32, #tpu.memory_space<hbm>> -> memref<1x64x512xf32, #tpu.memory_space<hbm>>
    %dma_start3A_1456 = tpu.memref_squeeze %dma_start3A_1455 : memref<1x64x512xf32, #tpu.memory_space<hbm>> -> memref<64x512xf32, #tpu.memory_space<hbm>>
    %dma_start3A_1457 = arith.constant 0 : i32
    %dma_start3A_1458 = tpu.memref_slice %arg3[%dma_start3A_1453, %add3A_68, %dma_start3A_1457] : memref<10x16384x512xf32, #tpu.memory_space<hbm>> -> memref<1x64x512xf32, #tpu.memory_space<hbm>>
    %dma_start3A_1459 = tpu.memref_squeeze %dma_start3A_1458 : memref<1x64x512xf32, #tpu.memory_space<hbm>> -> memref<64x512xf32, #tpu.memory_space<hbm>>
    tpu.enqueue_dma source(%arg6 : memref<64x512xf32, #tpu.memory_space<vmem>>) target(%dma_start3A_1459 : memref<64x512xf32, #tpu.memory_space<hbm>>) target_semaphore(%arg15 : memref<!tpu.dma_semaphore, #tpu.memory_space<semaphore_mem>>)
    %dma_start3A_1460 = arith.constant 4 : i32
    %dma_start3A_1461 = arith.constant 0 : i32
    %dma_start3A_1462 = tpu.memref_slice %arg2[%dma_start3A_1460, %add3A_72, %dma_start3A_1461] : memref<5x16384x512xf32, #tpu.memory_space<hbm>> -> memref<1x64x512xf32, #tpu.memory_space<hbm>>
    %dma_start3A_1463 = tpu.memref_squeeze %dma_start3A_1462 : memref<1x64x512xf32, #tpu.memory_space<hbm>> -> memref<64x512xf32, #tpu.memory_space<hbm>>
    %dma_start3A_1464 = arith.constant 0 : i32
    %dma_start3A_1465 = tpu.memref_slice %arg2[%dma_start3A_1460, %add3A_72, %dma_start3A_1464] : memref<5x16384x512xf32, #tpu.memory_space<hbm>> -> memref<1x64x512xf32, #tpu.memory_space<hbm>>
    %dma_start3A_1466 = tpu.memref_squeeze %dma_start3A_1465 : memref<1x64x512xf32, #tpu.memory_space<hbm>> -> memref<64x512xf32, #tpu.memory_space<hbm>>
    tpu.enqueue_dma source(%dma_start3A_1466 : memref<64x512xf32, #tpu.memory_space<hbm>>) target(%arg5 : memref<64x512xf32, #tpu.memory_space<vmem>>) target_semaphore(%arg8 : memref<!tpu.dma_semaphore, #tpu.memory_space<semaphore_mem>>)
    %dma_wait3A_1467 = arith.constant 4 : i32
    %dma_wait3A_1468 = arith.constant 0 : i32
    %dma_wait3A_1469 = tpu.memref_slice %arg2[%dma_wait3A_1467, %add3A_70, %dma_wait3A_1468] : memref<5x16384x512xf32, #tpu.memory_space<hbm>> -> memref<1x64x512xf32, #tpu.memory_space<hbm>>
    %dma_wait3A_1470 = tpu.memref_squeeze %dma_wait3A_1469 : memref<1x64x512xf32, #tpu.memory_space<hbm>> -> memref<64x512xf32, #tpu.memory_space<hbm>>
    %dma_wait3A_1471 = arith.constant 0 : i32
    %dma_wait3A_1472 = tpu.memref_slice %arg2[%dma_wait3A_1467, %add3A_70, %dma_wait3A_1471] : memref<5x16384x512xf32, #tpu.memory_space<hbm>> -> memref<1x64x512xf32, #tpu.memory_space<hbm>>
    %dma_wait3A_1473 = tpu.memref_squeeze %dma_wait3A_1472 : memref<1x64x512xf32, #tpu.memory_space<hbm>> -> memref<64x512xf32, #tpu.memory_space<hbm>>
    tpu.wait_dma2 semaphore(%arg7 : memref<!tpu.dma_semaphore, #tpu.memory_space<semaphore_mem>>) src(%dma_wait3A_1473 : memref<64x512xf32, #tpu.memory_space<hbm>>) dst(%arg4 : memref<64x512xf32, #tpu.memory_space<vmem>>)
    %dma_wait3A_1474 = arith.constant 8 : i32
    %dma_wait3A_1475 = arith.constant 0 : i32
    %dma_wait3A_1476 = tpu.memref_slice %arg3[%dma_wait3A_1474, %add3A_68, %dma_wait3A_1475] : memref<10x16384x512xf32, #tpu.memory_space<hbm>> -> memref<1x64x512xf32, #tpu.memory_space<hbm>>
    %dma_wait3A_1477 = tpu.memref_squeeze %dma_wait3A_1476 : memref<1x64x512xf32, #tpu.memory_space<hbm>> -> memref<64x512xf32, #tpu.memory_space<hbm>>
    %dma_wait3A_1478 = arith.constant 0 : i32
    %dma_wait3A_1479 = tpu.memref_slice %arg3[%dma_wait3A_1474, %add3A_68, %dma_wait3A_1478] : memref<10x16384x512xf32, #tpu.memory_space<hbm>> -> memref<1x64x512xf32, #tpu.memory_space<hbm>>
    %dma_wait3A_1480 = tpu.memref_squeeze %dma_wait3A_1479 : memref<1x64x512xf32, #tpu.memory_space<hbm>> -> memref<64x512xf32, #tpu.memory_space<hbm>>
    tpu.wait_dma2 semaphore(%arg12 : memref<!tpu.dma_semaphore, #tpu.memory_space<semaphore_mem>>) src(%arg6 : memref<64x512xf32, #tpu.memory_space<vmem>>) dst(%dma_wait3A_1480 : memref<64x512xf32, #tpu.memory_space<hbm>>)
    %dma_wait3A_1481 = arith.constant 9 : i32
    %dma_wait3A_1482 = arith.constant 0 : i32
    %dma_wait3A_1483 = tpu.memref_slice %arg3[%dma_wait3A_1481, %add3A_68, %dma_wait3A_1482] : memref<10x16384x512xf32, #tpu.memory_space<hbm>> -> memref<1x64x512xf32, #tpu.memory_space<hbm>>
    %dma_wait3A_1484 = tpu.memref_squeeze %dma_wait3A_1483 : memref<1x64x512xf32, #tpu.memory_space<hbm>> -> memref<64x512xf32, #tpu.memory_space<hbm>>
    %dma_wait3A_1485 = arith.constant 0 : i32
    %dma_wait3A_1486 = tpu.memref_slice %arg3[%dma_wait3A_1481, %add3A_68, %dma_wait3A_1485] : memref<10x16384x512xf32, #tpu.memory_space<hbm>> -> memref<1x64x512xf32, #tpu.memory_space<hbm>>
    %dma_wait3A_1487 = tpu.memref_squeeze %dma_wait3A_1486 : memref<1x64x512xf32, #tpu.memory_space<hbm>> -> memref<64x512xf32, #tpu.memory_space<hbm>>
    tpu.wait_dma2 semaphore(%arg15 : memref<!tpu.dma_semaphore, #tpu.memory_space<semaphore_mem>>) src(%arg6 : memref<64x512xf32, #tpu.memory_space<vmem>>) dst(%dma_wait3A_1487 : memref<64x512xf32, #tpu.memory_space<hbm>>)
    %dma_start3A_1488 = arith.constant 8 : i32
    %dma_start3A_1489 = arith.constant 0 : i32
    %dma_start3A_1490 = tpu.memref_slice %arg3[%dma_start3A_1488, %add3A_70, %dma_start3A_1489] : memref<10x16384x512xf32, #tpu.memory_space<hbm>> -> memref<1x64x512xf32, #tpu.memory_space<hbm>>
    %dma_start3A_1491 = tpu.memref_squeeze %dma_start3A_1490 : memref<1x64x512xf32, #tpu.memory_space<hbm>> -> memref<64x512xf32, #tpu.memory_space<hbm>>
    %dma_start3A_1492 = arith.constant 0 : i32
    %dma_start3A_1493 = tpu.memref_slice %arg3[%dma_start3A_1488, %add3A_70, %dma_start3A_1492] : memref<10x16384x512xf32, #tpu.memory_space<hbm>> -> memref<1x64x512xf32, #tpu.memory_space<hbm>>
    %dma_start3A_1494 = tpu.memref_squeeze %dma_start3A_1493 : memref<1x64x512xf32, #tpu.memory_space<hbm>> -> memref<64x512xf32, #tpu.memory_space<hbm>>
    tpu.enqueue_dma source(%arg4 : memref<64x512xf32, #tpu.memory_space<vmem>>) target(%dma_start3A_1494 : memref<64x512xf32, #tpu.memory_space<hbm>>) target_semaphore(%arg10 : memref<!tpu.dma_semaphore, #tpu.memory_space<semaphore_mem>>)
    %dma_start3A_1495 = arith.constant 9 : i32
    %dma_start3A_1496 = arith.constant 0 : i32
    %dma_start3A_1497 = tpu.memref_slice %arg3[%dma_start3A_1495, %add3A_70, %dma_start3A_1496] : memref<10x16384x512xf32, #tpu.memory_space<hbm>> -> memref<1x64x512xf32, #tpu.memory_space<hbm>>
    %dma_start3A_1498 = tpu.memref_squeeze %dma_start3A_1497 : memref<1x64x512xf32, #tpu.memory_space<hbm>> -> memref<64x512xf32, #tpu.memory_space<hbm>>
    %dma_start3A_1499 = arith.constant 0 : i32
    %dma_start3A_1500 = tpu.memref_slice %arg3[%dma_start3A_1495, %add3A_70, %dma_start3A_1499] : memref<10x16384x512xf32, #tpu.memory_space<hbm>> -> memref<1x64x512xf32, #tpu.memory_space<hbm>>
    %dma_start3A_1501 = tpu.memref_squeeze %dma_start3A_1500 : memref<1x64x512xf32, #tpu.memory_space<hbm>> -> memref<64x512xf32, #tpu.memory_space<hbm>>
    tpu.enqueue_dma source(%arg4 : memref<64x512xf32, #tpu.memory_space<vmem>>) target(%dma_start3A_1501 : memref<64x512xf32, #tpu.memory_space<hbm>>) target_semaphore(%arg13 : memref<!tpu.dma_semaphore, #tpu.memory_space<semaphore_mem>>)
    %dma_start3A_1502 = arith.constant 4 : i32
    %dma_start3A_1503 = arith.constant 0 : i32
    %dma_start3A_1504 = tpu.memref_slice %arg2[%dma_start3A_1502, %add3A_74, %dma_start3A_1503] : memref<5x16384x512xf32, #tpu.memory_space<hbm>> -> memref<1x64x512xf32, #tpu.memory_space<hbm>>
    %dma_start3A_1505 = tpu.memref_squeeze %dma_start3A_1504 : memref<1x64x512xf32, #tpu.memory_space<hbm>> -> memref<64x512xf32, #tpu.memory_space<hbm>>
    %dma_start3A_1506 = arith.constant 0 : i32
    %dma_start3A_1507 = tpu.memref_slice %arg2[%dma_start3A_1502, %add3A_74, %dma_start3A_1506] : memref<5x16384x512xf32, #tpu.memory_space<hbm>> -> memref<1x64x512xf32, #tpu.memory_space<hbm>>
    %dma_start3A_1508 = tpu.memref_squeeze %dma_start3A_1507 : memref<1x64x512xf32, #tpu.memory_space<hbm>> -> memref<64x512xf32, #tpu.memory_space<hbm>>
    tpu.enqueue_dma source(%dma_start3A_1508 : memref<64x512xf32, #tpu.memory_space<hbm>>) target(%arg6 : memref<64x512xf32, #tpu.memory_space<vmem>>) target_semaphore(%arg9 : memref<!tpu.dma_semaphore, #tpu.memory_space<semaphore_mem>>)
    %dma_wait3A_1509 = arith.constant 4 : i32
    %dma_wait3A_1510 = arith.constant 0 : i32
    %dma_wait3A_1511 = tpu.memref_slice %arg2[%dma_wait3A_1509, %add3A_72, %dma_wait3A_1510] : memref<5x16384x512xf32, #tpu.memory_space<hbm>> -> memref<1x64x512xf32, #tpu.memory_space<hbm>>
    %dma_wait3A_1512 = tpu.memref_squeeze %dma_wait3A_1511 : memref<1x64x512xf32, #tpu.memory_space<hbm>> -> memref<64x512xf32, #tpu.memory_space<hbm>>
    %dma_wait3A_1513 = arith.constant 0 : i32
    %dma_wait3A_1514 = tpu.memref_slice %arg2[%dma_wait3A_1509, %add3A_72, %dma_wait3A_1513] : memref<5x16384x512xf32, #tpu.memory_space<hbm>> -> memref<1x64x512xf32, #tpu.memory_space<hbm>>
    %dma_wait3A_1515 = tpu.memref_squeeze %dma_wait3A_1514 : memref<1x64x512xf32, #tpu.memory_space<hbm>> -> memref<64x512xf32, #tpu.memory_space<hbm>>
    tpu.wait_dma2 semaphore(%arg8 : memref<!tpu.dma_semaphore, #tpu.memory_space<semaphore_mem>>) src(%dma_wait3A_1515 : memref<64x512xf32, #tpu.memory_space<hbm>>) dst(%arg5 : memref<64x512xf32, #tpu.memory_space<vmem>>)
    %dma_wait3A_1516 = arith.constant 8 : i32
    %dma_wait3A_1517 = arith.constant 0 : i32
    %dma_wait3A_1518 = tpu.memref_slice %arg3[%dma_wait3A_1516, %add3A_70, %dma_wait3A_1517] : memref<10x16384x512xf32, #tpu.memory_space<hbm>> -> memref<1x64x512xf32, #tpu.memory_space<hbm>>
    %dma_wait3A_1519 = tpu.memref_squeeze %dma_wait3A_1518 : memref<1x64x512xf32, #tpu.memory_space<hbm>> -> memref<64x512xf32, #tpu.memory_space<hbm>>
    %dma_wait3A_1520 = arith.constant 0 : i32
    %dma_wait3A_1521 = tpu.memref_slice %arg3[%dma_wait3A_1516, %add3A_70, %dma_wait3A_1520] : memref<10x16384x512xf32, #tpu.memory_space<hbm>> -> memref<1x64x512xf32, #tpu.memory_space<hbm>>
    %dma_wait3A_1522 = tpu.memref_squeeze %dma_wait3A_1521 : memref<1x64x512xf32, #tpu.memory_space<hbm>> -> memref<64x512xf32, #tpu.memory_space<hbm>>
    tpu.wait_dma2 semaphore(%arg10 : memref<!tpu.dma_semaphore, #tpu.memory_space<semaphore_mem>>) src(%arg4 : memref<64x512xf32, #tpu.memory_space<vmem>>) dst(%dma_wait3A_1522 : memref<64x512xf32, #tpu.memory_space<hbm>>)
    %dma_wait3A_1523 = arith.constant 9 : i32
    %dma_wait3A_1524 = arith.constant 0 : i32
    %dma_wait3A_1525 = tpu.memref_slice %arg3[%dma_wait3A_1523, %add3A_70, %dma_wait3A_1524] : memref<10x16384x512xf32, #tpu.memory_space<hbm>> -> memref<1x64x512xf32, #tpu.memory_space<hbm>>
    %dma_wait3A_1526 = tpu.memref_squeeze %dma_wait3A_1525 : memref<1x64x512xf32, #tpu.memory_space<hbm>> -> memref<64x512xf32, #tpu.memory_space<hbm>>
    %dma_wait3A_1527 = arith.constant 0 : i32
    %dma_wait3A_1528 = tpu.memref_slice %arg3[%dma_wait3A_1523, %add3A_70, %dma_wait3A_1527] : memref<10x16384x512xf32, #tpu.memory_space<hbm>> -> memref<1x64x512xf32, #tpu.memory_space<hbm>>
    %dma_wait3A_1529 = tpu.memref_squeeze %dma_wait3A_1528 : memref<1x64x512xf32, #tpu.memory_space<hbm>> -> memref<64x512xf32, #tpu.memory_space<hbm>>
    tpu.wait_dma2 semaphore(%arg13 : memref<!tpu.dma_semaphore, #tpu.memory_space<semaphore_mem>>) src(%arg4 : memref<64x512xf32, #tpu.memory_space<vmem>>) dst(%dma_wait3A_1529 : memref<64x512xf32, #tpu.memory_space<hbm>>)
    %dma_start3A_1530 = arith.constant 8 : i32
    %dma_start3A_1531 = arith.constant 0 : i32
    %dma_start3A_1532 = tpu.memref_slice %arg3[%dma_start3A_1530, %add3A_72, %dma_start3A_1531] : memref<10x16384x512xf32, #tpu.memory_space<hbm>> -> memref<1x64x512xf32, #tpu.memory_space<hbm>>
    %dma_start3A_1533 = tpu.memref_squeeze %dma_start3A_1532 : memref<1x64x512xf32, #tpu.memory_space<hbm>> -> memref<64x512xf32, #tpu.memory_space<hbm>>
    %dma_start3A_1534 = arith.constant 0 : i32
    %dma_start3A_1535 = tpu.memref_slice %arg3[%dma_start3A_1530, %add3A_72, %dma_start3A_1534] : memref<10x16384x512xf32, #tpu.memory_space<hbm>> -> memref<1x64x512xf32, #tpu.memory_space<hbm>>
    %dma_start3A_1536 = tpu.memref_squeeze %dma_start3A_1535 : memref<1x64x512xf32, #tpu.memory_space<hbm>> -> memref<64x512xf32, #tpu.memory_space<hbm>>
    tpu.enqueue_dma source(%arg5 : memref<64x512xf32, #tpu.memory_space<vmem>>) target(%dma_start3A_1536 : memref<64x512xf32, #tpu.memory_space<hbm>>) target_semaphore(%arg11 : memref<!tpu.dma_semaphore, #tpu.memory_space<semaphore_mem>>)
    %dma_start3A_1537 = arith.constant 9 : i32
    %dma_start3A_1538 = arith.constant 0 : i32
    %dma_start3A_1539 = tpu.memref_slice %arg3[%dma_start3A_1537, %add3A_72, %dma_start3A_1538] : memref<10x16384x512xf32, #tpu.memory_space<hbm>> -> memref<1x64x512xf32, #tpu.memory_space<hbm>>
    %dma_start3A_1540 = tpu.memref_squeeze %dma_start3A_1539 : memref<1x64x512xf32, #tpu.memory_space<hbm>> -> memref<64x512xf32, #tpu.memory_space<hbm>>
    %dma_start3A_1541 = arith.constant 0 : i32
    %dma_start3A_1542 = tpu.memref_slice %arg3[%dma_start3A_1537, %add3A_72, %dma_start3A_1541] : memref<10x16384x512xf32, #tpu.memory_space<hbm>> -> memref<1x64x512xf32, #tpu.memory_space<hbm>>
    %dma_start3A_1543 = tpu.memref_squeeze %dma_start3A_1542 : memref<1x64x512xf32, #tpu.memory_space<hbm>> -> memref<64x512xf32, #tpu.memory_space<hbm>>
    tpu.enqueue_dma source(%arg5 : memref<64x512xf32, #tpu.memory_space<vmem>>) target(%dma_start3A_1543 : memref<64x512xf32, #tpu.memory_space<hbm>>) target_semaphore(%arg14 : memref<!tpu.dma_semaphore, #tpu.memory_space<semaphore_mem>>)
    %dma_start3A_1544 = arith.constant 4 : i32
    %dma_start3A_1545 = arith.constant 0 : i32
    %dma_start3A_1546 = tpu.memref_slice %arg2[%dma_start3A_1544, %add3A_76, %dma_start3A_1545] : memref<5x16384x512xf32, #tpu.memory_space<hbm>> -> memref<1x64x512xf32, #tpu.memory_space<hbm>>
    %dma_start3A_1547 = tpu.memref_squeeze %dma_start3A_1546 : memref<1x64x512xf32, #tpu.memory_space<hbm>> -> memref<64x512xf32, #tpu.memory_space<hbm>>
    %dma_start3A_1548 = arith.constant 0 : i32
    %dma_start3A_1549 = tpu.memref_slice %arg2[%dma_start3A_1544, %add3A_76, %dma_start3A_1548] : memref<5x16384x512xf32, #tpu.memory_space<hbm>> -> memref<1x64x512xf32, #tpu.memory_space<hbm>>
    %dma_start3A_1550 = tpu.memref_squeeze %dma_start3A_1549 : memref<1x64x512xf32, #tpu.memory_space<hbm>> -> memref<64x512xf32, #tpu.memory_space<hbm>>
    tpu.enqueue_dma source(%dma_start3A_1550 : memref<64x512xf32, #tpu.memory_space<hbm>>) target(%arg4 : memref<64x512xf32, #tpu.memory_space<vmem>>) target_semaphore(%arg7 : memref<!tpu.dma_semaphore, #tpu.memory_space<semaphore_mem>>)
    %dma_wait3A_1551 = arith.constant 4 : i32
    %dma_wait3A_1552 = arith.constant 0 : i32
    %dma_wait3A_1553 = tpu.memref_slice %arg2[%dma_wait3A_1551, %add3A_74, %dma_wait3A_1552] : memref<5x16384x512xf32, #tpu.memory_space<hbm>> -> memref<1x64x512xf32, #tpu.memory_space<hbm>>
    %dma_wait3A_1554 = tpu.memref_squeeze %dma_wait3A_1553 : memref<1x64x512xf32, #tpu.memory_space<hbm>> -> memref<64x512xf32, #tpu.memory_space<hbm>>
    %dma_wait3A_1555 = arith.constant 0 : i32
    %dma_wait3A_1556 = tpu.memref_slice %arg2[%dma_wait3A_1551, %add3A_74, %dma_wait3A_1555] : memref<5x16384x512xf32, #tpu.memory_space<hbm>> -> memref<1x64x512xf32, #tpu.memory_space<hbm>>
    %dma_wait3A_1557 = tpu.memref_squeeze %dma_wait3A_1556 : memref<1x64x512xf32, #tpu.memory_space<hbm>> -> memref<64x512xf32, #tpu.memory_space<hbm>>
    tpu.wait_dma2 semaphore(%arg9 : memref<!tpu.dma_semaphore, #tpu.memory_space<semaphore_mem>>) src(%dma_wait3A_1557 : memref<64x512xf32, #tpu.memory_space<hbm>>) dst(%arg6 : memref<64x512xf32, #tpu.memory_space<vmem>>)
    %dma_wait3A_1558 = arith.constant 8 : i32
    %dma_wait3A_1559 = arith.constant 0 : i32
    %dma_wait3A_1560 = tpu.memref_slice %arg3[%dma_wait3A_1558, %add3A_72, %dma_wait3A_1559] : memref<10x16384x512xf32, #tpu.memory_space<hbm>> -> memref<1x64x512xf32, #tpu.memory_space<hbm>>
    %dma_wait3A_1561 = tpu.memref_squeeze %dma_wait3A_1560 : memref<1x64x512xf32, #tpu.memory_space<hbm>> -> memref<64x512xf32, #tpu.memory_space<hbm>>
    %dma_wait3A_1562 = arith.constant 0 : i32
    %dma_wait3A_1563 = tpu.memref_slice %arg3[%dma_wait3A_1558, %add3A_72, %dma_wait3A_1562] : memref<10x16384x512xf32, #tpu.memory_space<hbm>> -> memref<1x64x512xf32, #tpu.memory_space<hbm>>
    %dma_wait3A_1564 = tpu.memref_squeeze %dma_wait3A_1563 : memref<1x64x512xf32, #tpu.memory_space<hbm>> -> memref<64x512xf32, #tpu.memory_space<hbm>>
    tpu.wait_dma2 semaphore(%arg11 : memref<!tpu.dma_semaphore, #tpu.memory_space<semaphore_mem>>) src(%arg5 : memref<64x512xf32, #tpu.memory_space<vmem>>) dst(%dma_wait3A_1564 : memref<64x512xf32, #tpu.memory_space<hbm>>)
    %dma_wait3A_1565 = arith.constant 9 : i32
    %dma_wait3A_1566 = arith.constant 0 : i32
    %dma_wait3A_1567 = tpu.memref_slice %arg3[%dma_wait3A_1565, %add3A_72, %dma_wait3A_1566] : memref<10x16384x512xf32, #tpu.memory_space<hbm>> -> memref<1x64x512xf32, #tpu.memory_space<hbm>>
    %dma_wait3A_1568 = tpu.memref_squeeze %dma_wait3A_1567 : memref<1x64x512xf32, #tpu.memory_space<hbm>> -> memref<64x512xf32, #tpu.memory_space<hbm>>
    %dma_wait3A_1569 = arith.constant 0 : i32
    %dma_wait3A_1570 = tpu.memref_slice %arg3[%dma_wait3A_1565, %add3A_72, %dma_wait3A_1569] : memref<10x16384x512xf32, #tpu.memory_space<hbm>> -> memref<1x64x512xf32, #tpu.memory_space<hbm>>
    %dma_wait3A_1571 = tpu.memref_squeeze %dma_wait3A_1570 : memref<1x64x512xf32, #tpu.memory_space<hbm>> -> memref<64x512xf32, #tpu.memory_space<hbm>>
    tpu.wait_dma2 semaphore(%arg14 : memref<!tpu.dma_semaphore, #tpu.memory_space<semaphore_mem>>) src(%arg5 : memref<64x512xf32, #tpu.memory_space<vmem>>) dst(%dma_wait3A_1571 : memref<64x512xf32, #tpu.memory_space<hbm>>)
    %dma_start3A_1572 = arith.constant 8 : i32
    %dma_start3A_1573 = arith.constant 0 : i32
    %dma_start3A_1574 = tpu.memref_slice %arg3[%dma_start3A_1572, %add3A_74, %dma_start3A_1573] : memref<10x16384x512xf32, #tpu.memory_space<hbm>> -> memref<1x64x512xf32, #tpu.memory_space<hbm>>
    %dma_start3A_1575 = tpu.memref_squeeze %dma_start3A_1574 : memref<1x64x512xf32, #tpu.memory_space<hbm>> -> memref<64x512xf32, #tpu.memory_space<hbm>>
    %dma_start3A_1576 = arith.constant 0 : i32
    %dma_start3A_1577 = tpu.memref_slice %arg3[%dma_start3A_1572, %add3A_74, %dma_start3A_1576] : memref<10x16384x512xf32, #tpu.memory_space<hbm>> -> memref<1x64x512xf32, #tpu.memory_space<hbm>>
    %dma_start3A_1578 = tpu.memref_squeeze %dma_start3A_1577 : memref<1x64x512xf32, #tpu.memory_space<hbm>> -> memref<64x512xf32, #tpu.memory_space<hbm>>
    tpu.enqueue_dma source(%arg6 : memref<64x512xf32, #tpu.memory_space<vmem>>) target(%dma_start3A_1578 : memref<64x512xf32, #tpu.memory_space<hbm>>) target_semaphore(%arg12 : memref<!tpu.dma_semaphore, #tpu.memory_space<semaphore_mem>>)
    %dma_start3A_1579 = arith.constant 9 : i32
    %dma_start3A_1580 = arith.constant 0 : i32
    %dma_start3A_1581 = tpu.memref_slice %arg3[%dma_start3A_1579, %add3A_74, %dma_start3A_1580] : memref<10x16384x512xf32, #tpu.memory_space<hbm>> -> memref<1x64x512xf32, #tpu.memory_space<hbm>>
    %dma_start3A_1582 = tpu.memref_squeeze %dma_start3A_1581 : memref<1x64x512xf32, #tpu.memory_space<hbm>> -> memref<64x512xf32, #tpu.memory_space<hbm>>
    %dma_start3A_1583 = arith.constant 0 : i32
    %dma_start3A_1584 = tpu.memref_slice %arg3[%dma_start3A_1579, %add3A_74, %dma_start3A_1583] : memref<10x16384x512xf32, #tpu.memory_space<hbm>> -> memref<1x64x512xf32, #tpu.memory_space<hbm>>
    %dma_start3A_1585 = tpu.memref_squeeze %dma_start3A_1584 : memref<1x64x512xf32, #tpu.memory_space<hbm>> -> memref<64x512xf32, #tpu.memory_space<hbm>>
    tpu.enqueue_dma source(%arg6 : memref<64x512xf32, #tpu.memory_space<vmem>>) target(%dma_start3A_1585 : memref<64x512xf32, #tpu.memory_space<hbm>>) target_semaphore(%arg15 : memref<!tpu.dma_semaphore, #tpu.memory_space<semaphore_mem>>)
    %dma_start3A_1586 = arith.constant 4 : i32
    %dma_start3A_1587 = arith.constant 0 : i32
    %dma_start3A_1588 = tpu.memref_slice %arg2[%dma_start3A_1586, %add3A_78, %dma_start3A_1587] : memref<5x16384x512xf32, #tpu.memory_space<hbm>> -> memref<1x64x512xf32, #tpu.memory_space<hbm>>
    %dma_start3A_1589 = tpu.memref_squeeze %dma_start3A_1588 : memref<1x64x512xf32, #tpu.memory_space<hbm>> -> memref<64x512xf32, #tpu.memory_space<hbm>>
    %dma_start3A_1590 = arith.constant 0 : i32
    %dma_start3A_1591 = tpu.memref_slice %arg2[%dma_start3A_1586, %add3A_78, %dma_start3A_1590] : memref<5x16384x512xf32, #tpu.memory_space<hbm>> -> memref<1x64x512xf32, #tpu.memory_space<hbm>>
    %dma_start3A_1592 = tpu.memref_squeeze %dma_start3A_1591 : memref<1x64x512xf32, #tpu.memory_space<hbm>> -> memref<64x512xf32, #tpu.memory_space<hbm>>
    tpu.enqueue_dma source(%dma_start3A_1592 : memref<64x512xf32, #tpu.memory_space<hbm>>) target(%arg5 : memref<64x512xf32, #tpu.memory_space<vmem>>) target_semaphore(%arg8 : memref<!tpu.dma_semaphore, #tpu.memory_space<semaphore_mem>>)
    %dma_wait3A_1593 = arith.constant 4 : i32
    %dma_wait3A_1594 = arith.constant 0 : i32
    %dma_wait3A_1595 = tpu.memref_slice %arg2[%dma_wait3A_1593, %add3A_76, %dma_wait3A_1594] : memref<5x16384x512xf32, #tpu.memory_space<hbm>> -> memref<1x64x512xf32, #tpu.memory_space<hbm>>
    %dma_wait3A_1596 = tpu.memref_squeeze %dma_wait3A_1595 : memref<1x64x512xf32, #tpu.memory_space<hbm>> -> memref<64x512xf32, #tpu.memory_space<hbm>>
    %dma_wait3A_1597 = arith.constant 0 : i32
    %dma_wait3A_1598 = tpu.memref_slice %arg2[%dma_wait3A_1593, %add3A_76, %dma_wait3A_1597] : memref<5x16384x512xf32, #tpu.memory_space<hbm>> -> memref<1x64x512xf32, #tpu.memory_space<hbm>>
    %dma_wait3A_1599 = tpu.memref_squeeze %dma_wait3A_1598 : memref<1x64x512xf32, #tpu.memory_space<hbm>> -> memref<64x512xf32, #tpu.memory_space<hbm>>
    tpu.wait_dma2 semaphore(%arg7 : memref<!tpu.dma_semaphore, #tpu.memory_space<semaphore_mem>>) src(%dma_wait3A_1599 : memref<64x512xf32, #tpu.memory_space<hbm>>) dst(%arg4 : memref<64x512xf32, #tpu.memory_space<vmem>>)
    %dma_wait3A_1600 = arith.constant 8 : i32
    %dma_wait3A_1601 = arith.constant 0 : i32
    %dma_wait3A_1602 = tpu.memref_slice %arg3[%dma_wait3A_1600, %add3A_74, %dma_wait3A_1601] : memref<10x16384x512xf32, #tpu.memory_space<hbm>> -> memref<1x64x512xf32, #tpu.memory_space<hbm>>
    %dma_wait3A_1603 = tpu.memref_squeeze %dma_wait3A_1602 : memref<1x64x512xf32, #tpu.memory_space<hbm>> -> memref<64x512xf32, #tpu.memory_space<hbm>>
    %dma_wait3A_1604 = arith.constant 0 : i32
    %dma_wait3A_1605 = tpu.memref_slice %arg3[%dma_wait3A_1600, %add3A_74, %dma_wait3A_1604] : memref<10x16384x512xf32, #tpu.memory_space<hbm>> -> memref<1x64x512xf32, #tpu.memory_space<hbm>>
    %dma_wait3A_1606 = tpu.memref_squeeze %dma_wait3A_1605 : memref<1x64x512xf32, #tpu.memory_space<hbm>> -> memref<64x512xf32, #tpu.memory_space<hbm>>
    tpu.wait_dma2 semaphore(%arg12 : memref<!tpu.dma_semaphore, #tpu.memory_space<semaphore_mem>>) src(%arg6 : memref<64x512xf32, #tpu.memory_space<vmem>>) dst(%dma_wait3A_1606 : memref<64x512xf32, #tpu.memory_space<hbm>>)
    %dma_wait3A_1607 = arith.constant 9 : i32
    %dma_wait3A_1608 = arith.constant 0 : i32
    %dma_wait3A_1609 = tpu.memref_slice %arg3[%dma_wait3A_1607, %add3A_74, %dma_wait3A_1608] : memref<10x16384x512xf32, #tpu.memory_space<hbm>> -> memref<1x64x512xf32, #tpu.memory_space<hbm>>
    %dma_wait3A_1610 = tpu.memref_squeeze %dma_wait3A_1609 : memref<1x64x512xf32, #tpu.memory_space<hbm>> -> memref<64x512xf32, #tpu.memory_space<hbm>>
    %dma_wait3A_1611 = arith.constant 0 : i32
    %dma_wait3A_1612 = tpu.memref_slice %arg3[%dma_wait3A_1607, %add3A_74, %dma_wait3A_1611] : memref<10x16384x512xf32, #tpu.memory_space<hbm>> -> memref<1x64x512xf32, #tpu.memory_space<hbm>>
    %dma_wait3A_1613 = tpu.memref_squeeze %dma_wait3A_1612 : memref<1x64x512xf32, #tpu.memory_space<hbm>> -> memref<64x512xf32, #tpu.memory_space<hbm>>
    tpu.wait_dma2 semaphore(%arg15 : memref<!tpu.dma_semaphore, #tpu.memory_space<semaphore_mem>>) src(%arg6 : memref<64x512xf32, #tpu.memory_space<vmem>>) dst(%dma_wait3A_1613 : memref<64x512xf32, #tpu.memory_space<hbm>>)
    %dma_start3A_1614 = arith.constant 8 : i32
    %dma_start3A_1615 = arith.constant 0 : i32
    %dma_start3A_1616 = tpu.memref_slice %arg3[%dma_start3A_1614, %add3A_76, %dma_start3A_1615] : memref<10x16384x512xf32, #tpu.memory_space<hbm>> -> memref<1x64x512xf32, #tpu.memory_space<hbm>>
    %dma_start3A_1617 = tpu.memref_squeeze %dma_start3A_1616 : memref<1x64x512xf32, #tpu.memory_space<hbm>> -> memref<64x512xf32, #tpu.memory_space<hbm>>
    %dma_start3A_1618 = arith.constant 0 : i32
    %dma_start3A_1619 = tpu.memref_slice %arg3[%dma_start3A_1614, %add3A_76, %dma_start3A_1618] : memref<10x16384x512xf32, #tpu.memory_space<hbm>> -> memref<1x64x512xf32, #tpu.memory_space<hbm>>
    %dma_start3A_1620 = tpu.memref_squeeze %dma_start3A_1619 : memref<1x64x512xf32, #tpu.memory_space<hbm>> -> memref<64x512xf32, #tpu.memory_space<hbm>>
    tpu.enqueue_dma source(%arg4 : memref<64x512xf32, #tpu.memory_space<vmem>>) target(%dma_start3A_1620 : memref<64x512xf32, #tpu.memory_space<hbm>>) target_semaphore(%arg10 : memref<!tpu.dma_semaphore, #tpu.memory_space<semaphore_mem>>)
    %dma_start3A_1621 = arith.constant 9 : i32
    %dma_start3A_1622 = arith.constant 0 : i32
    %dma_start3A_1623 = tpu.memref_slice %arg3[%dma_start3A_1621, %add3A_76, %dma_start3A_1622] : memref<10x16384x512xf32, #tpu.memory_space<hbm>> -> memref<1x64x512xf32, #tpu.memory_space<hbm>>
    %dma_start3A_1624 = tpu.memref_squeeze %dma_start3A_1623 : memref<1x64x512xf32, #tpu.memory_space<hbm>> -> memref<64x512xf32, #tpu.memory_space<hbm>>
    %dma_start3A_1625 = arith.constant 0 : i32
    %dma_start3A_1626 = tpu.memref_slice %arg3[%dma_start3A_1621, %add3A_76, %dma_start3A_1625] : memref<10x16384x512xf32, #tpu.memory_space<hbm>> -> memref<1x64x512xf32, #tpu.memory_space<hbm>>
    %dma_start3A_1627 = tpu.memref_squeeze %dma_start3A_1626 : memref<1x64x512xf32, #tpu.memory_space<hbm>> -> memref<64x512xf32, #tpu.memory_space<hbm>>
    tpu.enqueue_dma source(%arg4 : memref<64x512xf32, #tpu.memory_space<vmem>>) target(%dma_start3A_1627 : memref<64x512xf32, #tpu.memory_space<hbm>>) target_semaphore(%arg13 : memref<!tpu.dma_semaphore, #tpu.memory_space<semaphore_mem>>)
    %dma_start3A_1628 = arith.constant 4 : i32
    %dma_start3A_1629 = arith.constant 0 : i32
    %dma_start3A_1630 = tpu.memref_slice %arg2[%dma_start3A_1628, %add3A_80, %dma_start3A_1629] : memref<5x16384x512xf32, #tpu.memory_space<hbm>> -> memref<1x64x512xf32, #tpu.memory_space<hbm>>
    %dma_start3A_1631 = tpu.memref_squeeze %dma_start3A_1630 : memref<1x64x512xf32, #tpu.memory_space<hbm>> -> memref<64x512xf32, #tpu.memory_space<hbm>>
    %dma_start3A_1632 = arith.constant 0 : i32
    %dma_start3A_1633 = tpu.memref_slice %arg2[%dma_start3A_1628, %add3A_80, %dma_start3A_1632] : memref<5x16384x512xf32, #tpu.memory_space<hbm>> -> memref<1x64x512xf32, #tpu.memory_space<hbm>>
    %dma_start3A_1634 = tpu.memref_squeeze %dma_start3A_1633 : memref<1x64x512xf32, #tpu.memory_space<hbm>> -> memref<64x512xf32, #tpu.memory_space<hbm>>
    tpu.enqueue_dma source(%dma_start3A_1634 : memref<64x512xf32, #tpu.memory_space<hbm>>) target(%arg6 : memref<64x512xf32, #tpu.memory_space<vmem>>) target_semaphore(%arg9 : memref<!tpu.dma_semaphore, #tpu.memory_space<semaphore_mem>>)
    %dma_wait3A_1635 = arith.constant 4 : i32
    %dma_wait3A_1636 = arith.constant 0 : i32
    %dma_wait3A_1637 = tpu.memref_slice %arg2[%dma_wait3A_1635, %add3A_78, %dma_wait3A_1636] : memref<5x16384x512xf32, #tpu.memory_space<hbm>> -> memref<1x64x512xf32, #tpu.memory_space<hbm>>
    %dma_wait3A_1638 = tpu.memref_squeeze %dma_wait3A_1637 : memref<1x64x512xf32, #tpu.memory_space<hbm>> -> memref<64x512xf32, #tpu.memory_space<hbm>>
    %dma_wait3A_1639 = arith.constant 0 : i32
    %dma_wait3A_1640 = tpu.memref_slice %arg2[%dma_wait3A_1635, %add3A_78, %dma_wait3A_1639] : memref<5x16384x512xf32, #tpu.memory_space<hbm>> -> memref<1x64x512xf32, #tpu.memory_space<hbm>>
    %dma_wait3A_1641 = tpu.memref_squeeze %dma_wait3A_1640 : memref<1x64x512xf32, #tpu.memory_space<hbm>> -> memref<64x512xf32, #tpu.memory_space<hbm>>
    tpu.wait_dma2 semaphore(%arg8 : memref<!tpu.dma_semaphore, #tpu.memory_space<semaphore_mem>>) src(%dma_wait3A_1641 : memref<64x512xf32, #tpu.memory_space<hbm>>) dst(%arg5 : memref<64x512xf32, #tpu.memory_space<vmem>>)
    %dma_wait3A_1642 = arith.constant 8 : i32
    %dma_wait3A_1643 = arith.constant 0 : i32
    %dma_wait3A_1644 = tpu.memref_slice %arg3[%dma_wait3A_1642, %add3A_76, %dma_wait3A_1643] : memref<10x16384x512xf32, #tpu.memory_space<hbm>> -> memref<1x64x512xf32, #tpu.memory_space<hbm>>
    %dma_wait3A_1645 = tpu.memref_squeeze %dma_wait3A_1644 : memref<1x64x512xf32, #tpu.memory_space<hbm>> -> memref<64x512xf32, #tpu.memory_space<hbm>>
    %dma_wait3A_1646 = arith.constant 0 : i32
    %dma_wait3A_1647 = tpu.memref_slice %arg3[%dma_wait3A_1642, %add3A_76, %dma_wait3A_1646] : memref<10x16384x512xf32, #tpu.memory_space<hbm>> -> memref<1x64x512xf32, #tpu.memory_space<hbm>>
    %dma_wait3A_1648 = tpu.memref_squeeze %dma_wait3A_1647 : memref<1x64x512xf32, #tpu.memory_space<hbm>> -> memref<64x512xf32, #tpu.memory_space<hbm>>
    tpu.wait_dma2 semaphore(%arg10 : memref<!tpu.dma_semaphore, #tpu.memory_space<semaphore_mem>>) src(%arg4 : memref<64x512xf32, #tpu.memory_space<vmem>>) dst(%dma_wait3A_1648 : memref<64x512xf32, #tpu.memory_space<hbm>>)
    %dma_wait3A_1649 = arith.constant 9 : i32
    %dma_wait3A_1650 = arith.constant 0 : i32
    %dma_wait3A_1651 = tpu.memref_slice %arg3[%dma_wait3A_1649, %add3A_76, %dma_wait3A_1650] : memref<10x16384x512xf32, #tpu.memory_space<hbm>> -> memref<1x64x512xf32, #tpu.memory_space<hbm>>
    %dma_wait3A_1652 = tpu.memref_squeeze %dma_wait3A_1651 : memref<1x64x512xf32, #tpu.memory_space<hbm>> -> memref<64x512xf32, #tpu.memory_space<hbm>>
    %dma_wait3A_1653 = arith.constant 0 : i32
    %dma_wait3A_1654 = tpu.memref_slice %arg3[%dma_wait3A_1649, %add3A_76, %dma_wait3A_1653] : memref<10x16384x512xf32, #tpu.memory_space<hbm>> -> memref<1x64x512xf32, #tpu.memory_space<hbm>>
    %dma_wait3A_1655 = tpu.memref_squeeze %dma_wait3A_1654 : memref<1x64x512xf32, #tpu.memory_space<hbm>> -> memref<64x512xf32, #tpu.memory_space<hbm>>
    tpu.wait_dma2 semaphore(%arg13 : memref<!tpu.dma_semaphore, #tpu.memory_space<semaphore_mem>>) src(%arg4 : memref<64x512xf32, #tpu.memory_space<vmem>>) dst(%dma_wait3A_1655 : memref<64x512xf32, #tpu.memory_space<hbm>>)
    %dma_start3A_1656 = arith.constant 8 : i32
    %dma_start3A_1657 = arith.constant 0 : i32
    %dma_start3A_1658 = tpu.memref_slice %arg3[%dma_start3A_1656, %add3A_78, %dma_start3A_1657] : memref<10x16384x512xf32, #tpu.memory_space<hbm>> -> memref<1x64x512xf32, #tpu.memory_space<hbm>>
    %dma_start3A_1659 = tpu.memref_squeeze %dma_start3A_1658 : memref<1x64x512xf32, #tpu.memory_space<hbm>> -> memref<64x512xf32, #tpu.memory_space<hbm>>
    %dma_start3A_1660 = arith.constant 0 : i32
    %dma_start3A_1661 = tpu.memref_slice %arg3[%dma_start3A_1656, %add3A_78, %dma_start3A_1660] : memref<10x16384x512xf32, #tpu.memory_space<hbm>> -> memref<1x64x512xf32, #tpu.memory_space<hbm>>
    %dma_start3A_1662 = tpu.memref_squeeze %dma_start3A_1661 : memref<1x64x512xf32, #tpu.memory_space<hbm>> -> memref<64x512xf32, #tpu.memory_space<hbm>>
    tpu.enqueue_dma source(%arg5 : memref<64x512xf32, #tpu.memory_space<vmem>>) target(%dma_start3A_1662 : memref<64x512xf32, #tpu.memory_space<hbm>>) target_semaphore(%arg11 : memref<!tpu.dma_semaphore, #tpu.memory_space<semaphore_mem>>)
    %dma_start3A_1663 = arith.constant 9 : i32
    %dma_start3A_1664 = arith.constant 0 : i32
    %dma_start3A_1665 = tpu.memref_slice %arg3[%dma_start3A_1663, %add3A_78, %dma_start3A_1664] : memref<10x16384x512xf32, #tpu.memory_space<hbm>> -> memref<1x64x512xf32, #tpu.memory_space<hbm>>
    %dma_start3A_1666 = tpu.memref_squeeze %dma_start3A_1665 : memref<1x64x512xf32, #tpu.memory_space<hbm>> -> memref<64x512xf32, #tpu.memory_space<hbm>>
    %dma_start3A_1667 = arith.constant 0 : i32
    %dma_start3A_1668 = tpu.memref_slice %arg3[%dma_start3A_1663, %add3A_78, %dma_start3A_1667] : memref<10x16384x512xf32, #tpu.memory_space<hbm>> -> memref<1x64x512xf32, #tpu.memory_space<hbm>>
    %dma_start3A_1669 = tpu.memref_squeeze %dma_start3A_1668 : memref<1x64x512xf32, #tpu.memory_space<hbm>> -> memref<64x512xf32, #tpu.memory_space<hbm>>
    tpu.enqueue_dma source(%arg5 : memref<64x512xf32, #tpu.memory_space<vmem>>) target(%dma_start3A_1669 : memref<64x512xf32, #tpu.memory_space<hbm>>) target_semaphore(%arg14 : memref<!tpu.dma_semaphore, #tpu.memory_space<semaphore_mem>>)
    %dma_start3A_1670 = arith.constant 4 : i32
    %dma_start3A_1671 = arith.constant 0 : i32
    %dma_start3A_1672 = tpu.memref_slice %arg2[%dma_start3A_1670, %add3A_82, %dma_start3A_1671] : memref<5x16384x512xf32, #tpu.memory_space<hbm>> -> memref<1x64x512xf32, #tpu.memory_space<hbm>>
    %dma_start3A_1673 = tpu.memref_squeeze %dma_start3A_1672 : memref<1x64x512xf32, #tpu.memory_space<hbm>> -> memref<64x512xf32, #tpu.memory_space<hbm>>
    %dma_start3A_1674 = arith.constant 0 : i32
    %dma_start3A_1675 = tpu.memref_slice %arg2[%dma_start3A_1670, %add3A_82, %dma_start3A_1674] : memref<5x16384x512xf32, #tpu.memory_space<hbm>> -> memref<1x64x512xf32, #tpu.memory_space<hbm>>
    %dma_start3A_1676 = tpu.memref_squeeze %dma_start3A_1675 : memref<1x64x512xf32, #tpu.memory_space<hbm>> -> memref<64x512xf32, #tpu.memory_space<hbm>>
    tpu.enqueue_dma source(%dma_start3A_1676 : memref<64x512xf32, #tpu.memory_space<hbm>>) target(%arg4 : memref<64x512xf32, #tpu.memory_space<vmem>>) target_semaphore(%arg7 : memref<!tpu.dma_semaphore, #tpu.memory_space<semaphore_mem>>)
    %dma_wait3A_1677 = arith.constant 4 : i32
    %dma_wait3A_1678 = arith.constant 0 : i32
    %dma_wait3A_1679 = tpu.memref_slice %arg2[%dma_wait3A_1677, %add3A_80, %dma_wait3A_1678] : memref<5x16384x512xf32, #tpu.memory_space<hbm>> -> memref<1x64x512xf32, #tpu.memory_space<hbm>>
    %dma_wait3A_1680 = tpu.memref_squeeze %dma_wait3A_1679 : memref<1x64x512xf32, #tpu.memory_space<hbm>> -> memref<64x512xf32, #tpu.memory_space<hbm>>
    %dma_wait3A_1681 = arith.constant 0 : i32
    %dma_wait3A_1682 = tpu.memref_slice %arg2[%dma_wait3A_1677, %add3A_80, %dma_wait3A_1681] : memref<5x16384x512xf32, #tpu.memory_space<hbm>> -> memref<1x64x512xf32, #tpu.memory_space<hbm>>
    %dma_wait3A_1683 = tpu.memref_squeeze %dma_wait3A_1682 : memref<1x64x512xf32, #tpu.memory_space<hbm>> -> memref<64x512xf32, #tpu.memory_space<hbm>>
    tpu.wait_dma2 semaphore(%arg9 : memref<!tpu.dma_semaphore, #tpu.memory_space<semaphore_mem>>) src(%dma_wait3A_1683 : memref<64x512xf32, #tpu.memory_space<hbm>>) dst(%arg6 : memref<64x512xf32, #tpu.memory_space<vmem>>)
    %dma_wait3A_1684 = arith.constant 8 : i32
    %dma_wait3A_1685 = arith.constant 0 : i32
    %dma_wait3A_1686 = tpu.memref_slice %arg3[%dma_wait3A_1684, %add3A_78, %dma_wait3A_1685] : memref<10x16384x512xf32, #tpu.memory_space<hbm>> -> memref<1x64x512xf32, #tpu.memory_space<hbm>>
    %dma_wait3A_1687 = tpu.memref_squeeze %dma_wait3A_1686 : memref<1x64x512xf32, #tpu.memory_space<hbm>> -> memref<64x512xf32, #tpu.memory_space<hbm>>
    %dma_wait3A_1688 = arith.constant 0 : i32
    %dma_wait3A_1689 = tpu.memref_slice %arg3[%dma_wait3A_1684, %add3A_78, %dma_wait3A_1688] : memref<10x16384x512xf32, #tpu.memory_space<hbm>> -> memref<1x64x512xf32, #tpu.memory_space<hbm>>
    %dma_wait3A_1690 = tpu.memref_squeeze %dma_wait3A_1689 : memref<1x64x512xf32, #tpu.memory_space<hbm>> -> memref<64x512xf32, #tpu.memory_space<hbm>>
    tpu.wait_dma2 semaphore(%arg11 : memref<!tpu.dma_semaphore, #tpu.memory_space<semaphore_mem>>) src(%arg5 : memref<64x512xf32, #tpu.memory_space<vmem>>) dst(%dma_wait3A_1690 : memref<64x512xf32, #tpu.memory_space<hbm>>)
    %dma_wait3A_1691 = arith.constant 9 : i32
    %dma_wait3A_1692 = arith.constant 0 : i32
    %dma_wait3A_1693 = tpu.memref_slice %arg3[%dma_wait3A_1691, %add3A_78, %dma_wait3A_1692] : memref<10x16384x512xf32, #tpu.memory_space<hbm>> -> memref<1x64x512xf32, #tpu.memory_space<hbm>>
    %dma_wait3A_1694 = tpu.memref_squeeze %dma_wait3A_1693 : memref<1x64x512xf32, #tpu.memory_space<hbm>> -> memref<64x512xf32, #tpu.memory_space<hbm>>
    %dma_wait3A_1695 = arith.constant 0 : i32
    %dma_wait3A_1696 = tpu.memref_slice %arg3[%dma_wait3A_1691, %add3A_78, %dma_wait3A_1695] : memref<10x16384x512xf32, #tpu.memory_space<hbm>> -> memref<1x64x512xf32, #tpu.memory_space<hbm>>
    %dma_wait3A_1697 = tpu.memref_squeeze %dma_wait3A_1696 : memref<1x64x512xf32, #tpu.memory_space<hbm>> -> memref<64x512xf32, #tpu.memory_space<hbm>>
    tpu.wait_dma2 semaphore(%arg14 : memref<!tpu.dma_semaphore, #tpu.memory_space<semaphore_mem>>) src(%arg5 : memref<64x512xf32, #tpu.memory_space<vmem>>) dst(%dma_wait3A_1697 : memref<64x512xf32, #tpu.memory_space<hbm>>)
    %dma_start3A_1698 = arith.constant 8 : i32
    %dma_start3A_1699 = arith.constant 0 : i32
    %dma_start3A_1700 = tpu.memref_slice %arg3[%dma_start3A_1698, %add3A_80, %dma_start3A_1699] : memref<10x16384x512xf32, #tpu.memory_space<hbm>> -> memref<1x64x512xf32, #tpu.memory_space<hbm>>
    %dma_start3A_1701 = tpu.memref_squeeze %dma_start3A_1700 : memref<1x64x512xf32, #tpu.memory_space<hbm>> -> memref<64x512xf32, #tpu.memory_space<hbm>>
    %dma_start3A_1702 = arith.constant 0 : i32
    %dma_start3A_1703 = tpu.memref_slice %arg3[%dma_start3A_1698, %add3A_80, %dma_start3A_1702] : memref<10x16384x512xf32, #tpu.memory_space<hbm>> -> memref<1x64x512xf32, #tpu.memory_space<hbm>>
    %dma_start3A_1704 = tpu.memref_squeeze %dma_start3A_1703 : memref<1x64x512xf32, #tpu.memory_space<hbm>> -> memref<64x512xf32, #tpu.memory_space<hbm>>
    tpu.enqueue_dma source(%arg6 : memref<64x512xf32, #tpu.memory_space<vmem>>) target(%dma_start3A_1704 : memref<64x512xf32, #tpu.memory_space<hbm>>) target_semaphore(%arg12 : memref<!tpu.dma_semaphore, #tpu.memory_space<semaphore_mem>>)
    %dma_start3A_1705 = arith.constant 9 : i32
    %dma_start3A_1706 = arith.constant 0 : i32
    %dma_start3A_1707 = tpu.memref_slice %arg3[%dma_start3A_1705, %add3A_80, %dma_start3A_1706] : memref<10x16384x512xf32, #tpu.memory_space<hbm>> -> memref<1x64x512xf32, #tpu.memory_space<hbm>>
    %dma_start3A_1708 = tpu.memref_squeeze %dma_start3A_1707 : memref<1x64x512xf32, #tpu.memory_space<hbm>> -> memref<64x512xf32, #tpu.memory_space<hbm>>
    %dma_start3A_1709 = arith.constant 0 : i32
    %dma_start3A_1710 = tpu.memref_slice %arg3[%dma_start3A_1705, %add3A_80, %dma_start3A_1709] : memref<10x16384x512xf32, #tpu.memory_space<hbm>> -> memref<1x64x512xf32, #tpu.memory_space<hbm>>
    %dma_start3A_1711 = tpu.memref_squeeze %dma_start3A_1710 : memref<1x64x512xf32, #tpu.memory_space<hbm>> -> memref<64x512xf32, #tpu.memory_space<hbm>>
    tpu.enqueue_dma source(%arg6 : memref<64x512xf32, #tpu.memory_space<vmem>>) target(%dma_start3A_1711 : memref<64x512xf32, #tpu.memory_space<hbm>>) target_semaphore(%arg15 : memref<!tpu.dma_semaphore, #tpu.memory_space<semaphore_mem>>)
    %dma_wait3A_1712 = arith.constant 4 : i32
    %dma_wait3A_1713 = arith.constant 0 : i32
    %dma_wait3A_1714 = tpu.memref_slice %arg2[%dma_wait3A_1712, %add3A_82, %dma_wait3A_1713] : memref<5x16384x512xf32, #tpu.memory_space<hbm>> -> memref<1x64x512xf32, #tpu.memory_space<hbm>>
    %dma_wait3A_1715 = tpu.memref_squeeze %dma_wait3A_1714 : memref<1x64x512xf32, #tpu.memory_space<hbm>> -> memref<64x512xf32, #tpu.memory_space<hbm>>
    %dma_wait3A_1716 = arith.constant 0 : i32
    %dma_wait3A_1717 = tpu.memref_slice %arg2[%dma_wait3A_1712, %add3A_82, %dma_wait3A_1716] : memref<5x16384x512xf32, #tpu.memory_space<hbm>> -> memref<1x64x512xf32, #tpu.memory_space<hbm>>
    %dma_wait3A_1718 = tpu.memref_squeeze %dma_wait3A_1717 : memref<1x64x512xf32, #tpu.memory_space<hbm>> -> memref<64x512xf32, #tpu.memory_space<hbm>>
    tpu.wait_dma2 semaphore(%arg7 : memref<!tpu.dma_semaphore, #tpu.memory_space<semaphore_mem>>) src(%dma_wait3A_1718 : memref<64x512xf32, #tpu.memory_space<hbm>>) dst(%arg4 : memref<64x512xf32, #tpu.memory_space<vmem>>)
    %dma_wait3A_1719 = arith.constant 8 : i32
    %dma_wait3A_1720 = arith.constant 0 : i32
    %dma_wait3A_1721 = tpu.memref_slice %arg3[%dma_wait3A_1719, %add3A_80, %dma_wait3A_1720] : memref<10x16384x512xf32, #tpu.memory_space<hbm>> -> memref<1x64x512xf32, #tpu.memory_space<hbm>>
    %dma_wait3A_1722 = tpu.memref_squeeze %dma_wait3A_1721 : memref<1x64x512xf32, #tpu.memory_space<hbm>> -> memref<64x512xf32, #tpu.memory_space<hbm>>
    %dma_wait3A_1723 = arith.constant 0 : i32
    %dma_wait3A_1724 = tpu.memref_slice %arg3[%dma_wait3A_1719, %add3A_80, %dma_wait3A_1723] : memref<10x16384x512xf32, #tpu.memory_space<hbm>> -> memref<1x64x512xf32, #tpu.memory_space<hbm>>
    %dma_wait3A_1725 = tpu.memref_squeeze %dma_wait3A_1724 : memref<1x64x512xf32, #tpu.memory_space<hbm>> -> memref<64x512xf32, #tpu.memory_space<hbm>>
    tpu.wait_dma2 semaphore(%arg12 : memref<!tpu.dma_semaphore, #tpu.memory_space<semaphore_mem>>) src(%arg6 : memref<64x512xf32, #tpu.memory_space<vmem>>) dst(%dma_wait3A_1725 : memref<64x512xf32, #tpu.memory_space<hbm>>)
    %dma_wait3A_1726 = arith.constant 9 : i32
    %dma_wait3A_1727 = arith.constant 0 : i32
    %dma_wait3A_1728 = tpu.memref_slice %arg3[%dma_wait3A_1726, %add3A_80, %dma_wait3A_1727] : memref<10x16384x512xf32, #tpu.memory_space<hbm>> -> memref<1x64x512xf32, #tpu.memory_space<hbm>>
    %dma_wait3A_1729 = tpu.memref_squeeze %dma_wait3A_1728 : memref<1x64x512xf32, #tpu.memory_space<hbm>> -> memref<64x512xf32, #tpu.memory_space<hbm>>
    %dma_wait3A_1730 = arith.constant 0 : i32
    %dma_wait3A_1731 = tpu.memref_slice %arg3[%dma_wait3A_1726, %add3A_80, %dma_wait3A_1730] : memref<10x16384x512xf32, #tpu.memory_space<hbm>> -> memref<1x64x512xf32, #tpu.memory_space<hbm>>
    %dma_wait3A_1732 = tpu.memref_squeeze %dma_wait3A_1731 : memref<1x64x512xf32, #tpu.memory_space<hbm>> -> memref<64x512xf32, #tpu.memory_space<hbm>>
    tpu.wait_dma2 semaphore(%arg15 : memref<!tpu.dma_semaphore, #tpu.memory_space<semaphore_mem>>) src(%arg6 : memref<64x512xf32, #tpu.memory_space<vmem>>) dst(%dma_wait3A_1732 : memref<64x512xf32, #tpu.memory_space<hbm>>)
    %dma_start3A_1733 = arith.constant 8 : i32
    %dma_start3A_1734 = arith.constant 0 : i32
    %dma_start3A_1735 = tpu.memref_slice %arg3[%dma_start3A_1733, %add3A_82, %dma_start3A_1734] : memref<10x16384x512xf32, #tpu.memory_space<hbm>> -> memref<1x64x512xf32, #tpu.memory_space<hbm>>
    %dma_start3A_1736 = tpu.memref_squeeze %dma_start3A_1735 : memref<1x64x512xf32, #tpu.memory_space<hbm>> -> memref<64x512xf32, #tpu.memory_space<hbm>>
    %dma_start3A_1737 = arith.constant 0 : i32
    %dma_start3A_1738 = tpu.memref_slice %arg3[%dma_start3A_1733, %add3A_82, %dma_start3A_1737] : memref<10x16384x512xf32, #tpu.memory_space<hbm>> -> memref<1x64x512xf32, #tpu.memory_space<hbm>>
    %dma_start3A_1739 = tpu.memref_squeeze %dma_start3A_1738 : memref<1x64x512xf32, #tpu.memory_space<hbm>> -> memref<64x512xf32, #tpu.memory_space<hbm>>
    tpu.enqueue_dma source(%arg4 : memref<64x512xf32, #tpu.memory_space<vmem>>) target(%dma_start3A_1739 : memref<64x512xf32, #tpu.memory_space<hbm>>) target_semaphore(%arg10 : memref<!tpu.dma_semaphore, #tpu.memory_space<semaphore_mem>>)
    %dma_start3A_1740 = arith.constant 9 : i32
    %dma_start3A_1741 = arith.constant 0 : i32
    %dma_start3A_1742 = tpu.memref_slice %arg3[%dma_start3A_1740, %add3A_82, %dma_start3A_1741] : memref<10x16384x512xf32, #tpu.memory_space<hbm>> -> memref<1x64x512xf32, #tpu.memory_space<hbm>>
    %dma_start3A_1743 = tpu.memref_squeeze %dma_start3A_1742 : memref<1x64x512xf32, #tpu.memory_space<hbm>> -> memref<64x512xf32, #tpu.memory_space<hbm>>
    %dma_start3A_1744 = arith.constant 0 : i32
    %dma_start3A_1745 = tpu.memref_slice %arg3[%dma_start3A_1740, %add3A_82, %dma_start3A_1744] : memref<10x16384x512xf32, #tpu.memory_space<hbm>> -> memref<1x64x512xf32, #tpu.memory_space<hbm>>
    %dma_start3A_1746 = tpu.memref_squeeze %dma_start3A_1745 : memref<1x64x512xf32, #tpu.memory_space<hbm>> -> memref<64x512xf32, #tpu.memory_space<hbm>>
    tpu.enqueue_dma source(%arg4 : memref<64x512xf32, #tpu.memory_space<vmem>>) target(%dma_start3A_1746 : memref<64x512xf32, #tpu.memory_space<hbm>>) target_semaphore(%arg13 : memref<!tpu.dma_semaphore, #tpu.memory_space<semaphore_mem>>)
    %dma_wait3A_1747 = arith.constant 8 : i32
    %dma_wait3A_1748 = arith.constant 0 : i32
    %dma_wait3A_1749 = tpu.memref_slice %arg3[%dma_wait3A_1747, %add3A_82, %dma_wait3A_1748] : memref<10x16384x512xf32, #tpu.memory_space<hbm>> -> memref<1x64x512xf32, #tpu.memory_space<hbm>>
    %dma_wait3A_1750 = tpu.memref_squeeze %dma_wait3A_1749 : memref<1x64x512xf32, #tpu.memory_space<hbm>> -> memref<64x512xf32, #tpu.memory_space<hbm>>
    %dma_wait3A_1751 = arith.constant 0 : i32
    %dma_wait3A_1752 = tpu.memref_slice %arg3[%dma_wait3A_1747, %add3A_82, %dma_wait3A_1751] : memref<10x16384x512xf32, #tpu.memory_space<hbm>> -> memref<1x64x512xf32, #tpu.memory_space<hbm>>
    %dma_wait3A_1753 = tpu.memref_squeeze %dma_wait3A_1752 : memref<1x64x512xf32, #tpu.memory_space<hbm>> -> memref<64x512xf32, #tpu.memory_space<hbm>>
    tpu.wait_dma2 semaphore(%arg10 : memref<!tpu.dma_semaphore, #tpu.memory_space<semaphore_mem>>) src(%arg4 : memref<64x512xf32, #tpu.memory_space<vmem>>) dst(%dma_wait3A_1753 : memref<64x512xf32, #tpu.memory_space<hbm>>)
    %dma_wait3A_1754 = arith.constant 9 : i32
    %dma_wait3A_1755 = arith.constant 0 : i32
    %dma_wait3A_1756 = tpu.memref_slice %arg3[%dma_wait3A_1754, %add3A_82, %dma_wait3A_1755] : memref<10x16384x512xf32, #tpu.memory_space<hbm>> -> memref<1x64x512xf32, #tpu.memory_space<hbm>>
    %dma_wait3A_1757 = tpu.memref_squeeze %dma_wait3A_1756 : memref<1x64x512xf32, #tpu.memory_space<hbm>> -> memref<64x512xf32, #tpu.memory_space<hbm>>
    %dma_wait3A_1758 = arith.constant 0 : i32
    %dma_wait3A_1759 = tpu.memref_slice %arg3[%dma_wait3A_1754, %add3A_82, %dma_wait3A_1758] : memref<10x16384x512xf32, #tpu.memory_space<hbm>> -> memref<1x64x512xf32, #tpu.memory_space<hbm>>
    %dma_wait3A_1760 = tpu.memref_squeeze %dma_wait3A_1759 : memref<1x64x512xf32, #tpu.memory_space<hbm>> -> memref<64x512xf32, #tpu.memory_space<hbm>>
    tpu.wait_dma2 semaphore(%arg13 : memref<!tpu.dma_semaphore, #tpu.memory_space<semaphore_mem>>) src(%arg4 : memref<64x512xf32, #tpu.memory_space<vmem>>) dst(%dma_wait3A_1760 : memref<64x512xf32, #tpu.memory_space<hbm>>)
    return
  }
}

</mosaic_0001>

<sc_bundles>
// kernel: kernel.3.cloned.1.call-start
scs
__scs_entry_jumppad:
0x0: {  	(pc) =	sbr.rel $0x88, $3  }
0x1: {  	(tag) =	ssettag $0x0;
	lr =	simm.s32 $0x1  }
0x2: {  	[smem:$0x3FA0] =	sst lr;
	_ =	strace $0xD0000000  }
0x3: {  	_ = 	snop  }
0x4: {  	_ = 	snop  }
0x5: {  	_ = 	snop  }
0x6: {  	_ = 	snop  }
0x7: {  	_ = 	snop  }
__scs_overlays_trampoline_lowered:
0x8: {  	[smem:$0x3FAF] =	sst s0  }
0x9: {  	[smem:$0x3FB0] =	sst s1  }
0xa: {  	[smem:$0x3FB1] =	sst s2  }
0xb: {  	[smem:$0x3FB2] =	sst s3  }
0xc: {  	[smem:$0x3FB3] =	sst s4  }
0xd: {  	[smem:$0x3FB4] =	sst s5  }
0xe: {  	[smem:$0x3FB5] =	sst s6  }
0xf: {  	[smem:$0x3FB6] =	sst s7  }
0x10: {  	[smem:$0x3FB7] =	sst s8  }
0x11: {  	[smem:$0x3FB8] =	sst s9;
	s0 =	simm.s32 @!p0 $0x0  }
0x12: {  	s1 =	sld [smem:$0x3F9E];
	s0 =	simm.s32 @p0 $0x1  }
0x13: {  	[smem:$0x3FB9] =	sst s0;
	s0 =	simm.s32 @!p1 $0x0  }
0x14: {  	s2 =	sld [smem:$0x3F9D];
	s0 =	simm.s32 @p1 $0x1  }
0x15: {  	[smem:$0x3FBA] =	sst s0;
	s0 =	simm.s32 @!p2 $0x0  }
0x16: {  	s3 =	sld [smem:$0x3FDB];
	s0 =	simm.s32 @p2 $0x1  }
0x17: {  	s4 =	simm.s32 $0x1BF5;
	[smem:$0x3FBC] =	sst s0  }
0x18: {  	s0 =	sld [smem:$0x3F9F];
	_ =	swait.ge [sflag:s4], $0x0  }
0x19: {  	s7 =	sld [smem:$0x3FA0]  }
0x1a: {  	s8 =	sadd.s32 $0xFFFFE003, lr  }
0x1b: {  	s9 =	sadd.s32 $0xFFFFFEF7, lr;
	s5 =	simm.s32 $0xFFFFFFFF;
	p2 =	slt.u32 s8, $0xFFFFF086  }
0x1c: {  	p1 =	slt.u32 s9, $0xF7A;
	s5 =	simm.s32 @!p2 $0x0  }
0x1d: {  	s5 =	simm.s32 @p1 $0x1;
	p0 =	seq.s32 s7, s2  }
0x1e: {  	s7 =	smul.u32 @!p0 $0xF7A, s2;
	p2 =	seq.s32 @!p0 s5, $0x0  }
0x1f: {  	s9 =	smul.u32 $0xF7A, s1;
	s8 =	simm.s32 @!p0 $0x1BF5;
	p2 =	por !p2, p0  }
0x20: {  	[sflag:s8] =	ssyncset.s32 @!p0 $0xFFFFF086;
	s6 =	sadd.s32 @!p0 s3, s7;
	s7 =	simm.s32 @!p0 $0x108  }
0x21: {  	s3 =	sadd.s32 s3, s9;
	s6 =	sadd.s32 @!p0 $0x88, s6;
	s7 =	simm.s32 @p2 $0x1082  }
0x22: {  	[simem:s7], [sflag:s8] =	dma.local @!p0 [hbm:s6], $0xF7A  }
0x23: {  	s9 =	sor.u32 $0xD0000000, s2;
	s6 =	simm.s32 $0x108;
	_ =	swait.ge @!p0 [sflag:s8], $0x0  }
0x24: {  	s3 =	sadd.s32 $0x88, s3;
	s6 =	simm.s32 @!p1 $0x1082;
	[sflag:s4] =	ssyncset.s32 $0xFFFFF086  }
0x25: {  	[simem:s6], [sflag:s4] =	dma.local [hbm:s3], $0xF7A  }
0x26: {  	[smem:$0x3FA0] =	sst s1;
	(tag) =	ssettag s2;
	_ =	strace s9  }
0x27: {  	s1 =	sld [smem:$0x3FB0]  }
0x28: {  	s2 =	sld [smem:$0x3FB1]  }
0x29: {  	s4 =	sld [smem:$0x3FB3]  }
0x2a: {  	p0 =	seq.s32 s5, $0x0;
	s5 =	sld [smem:$0x3FB4]  }
0x2b: {  	s6 =	sld [smem:$0x3FB5]  }
0x2c: {  	s7 =	sld [smem:$0x3FB6]  }
0x2d: {  	s3 =	simm.s32 $0x108;
	s8 =	sld [smem:$0x3FB7]  }
0x2e: {  	s3 =	simm.s32 @!p0 $0x1082;
	s9 =	sld [smem:$0x3FB8]  }
0x2f: {  	lr =	sadd.s32 s0, s3;
	s0 =	sld [smem:$0x3FAF]  }
0x30: {  	s3 =	sld [smem:$0x3FB2]  }
0x31: {  	[smem:$0x3FBB] =	sst s10  }
0x32: {  	s10 =	sld [smem:$0x3FB9];
	_ =	sdelay $0x3  }
0x33: {  	p0 =	seq.s32 s10, $0x1;
	s10 =	sld [smem:$0x3FBB];
	_ =	sdelay $0x3  }
0x34: {  	[smem:$0x3FBB] =	sst s10  }
0x35: {  	s10 =	sld [smem:$0x3FBA];
	_ =	sdelay $0x3  }
0x36: {  	p1 =	seq.s32 s10, $0x1;
	s10 =	sld [smem:$0x3FBB];
	_ =	sdelay $0x3  }
0x37: {  	[smem:$0x3FBB] =	sst s10  }
0x38: {  	s10 =	sld [smem:$0x3FBC]  }
0x39: {  	_ = 	snop;
	(pc) =	sbr.ind lr, $3  }
0x3a: {  	_ = 	snop  }
0x3b: {  	_ = 	snop  }
0x3c: {  	p2 =	seq.s32 s10, $0x1;
	s10 =	sld [smem:$0x3FBB]  }
0x3d: {  	_ =	shalt  }
0x3e: {  	_ =	shalt  }
0x3f: {  	_ =	shalt  }
0x40: {  	_ =	shalt  }
0x41: {  	_ =	shalt  }
0x42: {  	_ =	shalt  }
0x43: {  	_ =	shalt  }
0x44: {  	_ =	shalt  }
0x45: {  	_ =	shalt  }
0x46: {  	_ =	shalt  }
0x47: {  	_ =	shalt  }
0x48: {  	_ =	shalt  }
0x49: {  	_ =	shalt  }
0x4a: {  	_ =	shalt  }
0x4b: {  	_ =	shalt  }
0x4c: {  	_ =	shalt  }
0x4d: {  	_ =	shalt  }
0x4e: {  	_ =	shalt  }
0x4f: {  	_ =	shalt  }
0x50: {  	_ =	shalt  }
0x51: {  	_ =	shalt  }
0x52: {  	_ =	shalt  }
0x53: {  	_ =	shalt  }
0x54: {  	_ =	shalt  }
0x55: {  	_ =	shalt  }
0x56: {  	_ =	shalt  }
0x57: {  	_ =	shalt  }
0x58: {  	_ =	shalt  }
0x59: {  	_ =	shalt  }
0x5a: {  	_ =	shalt  }
0x5b: {  	_ =	shalt  }
0x5c: {  	_ =	shalt  }
0x5d: {  	_ =	shalt  }
0x5e: {  	_ =	shalt  }
0x5f: {  	_ =	shalt  }
0x60: {  	_ =	shalt  }
0x61: {  	_ =	shalt  }
0x62: {  	_ =	shalt  }
0x63: {  	_ =	shalt  }
0x64: {  	_ =	shalt  }
0x65: {  	_ =	shalt  }
0x66: {  	_ =	shalt  }
0x67: {  	_ =	shalt  }
0x68: {  	_ =	shalt  }
0x69: {  	_ =	shalt  }
0x6a: {  	_ =	shalt  }
0x6b: {  	_ =	shalt  }
0x6c: {  	_ =	shalt  }
0x6d: {  	_ =	shalt  }
0x6e: {  	_ =	shalt  }
0x6f: {  	_ =	shalt  }
0x70: {  	_ =	shalt  }
0x71: {  	_ =	shalt  }
0x72: {  	_ =	shalt  }
0x73: {  	_ =	shalt  }
0x74: {  	_ =	shalt  }
0x75: {  	_ =	shalt  }
0x76: {  	_ =	shalt  }
0x77: {  	_ =	shalt  }
0x78: {  	_ =	shalt  }
0x79: {  	_ =	shalt  }
0x7a: {  	_ =	shalt  }
0x7b: {  	_ =	shalt  }
0x7c: {  	_ =	shalt  }
0x7d: {  	_ =	shalt  }
0x7e: {  	_ =	shalt  }
0x7f: {  	_ =	shalt  }
0x80: {  	_ =	shalt  }
0x81: {  	_ =	shalt  }
0x82: {  	_ =	shalt  }
0x83: {  	_ =	shalt  }
0x84: {  	_ =	shalt  }
0x85: {  	_ =	shalt  }
0x86: {  	_ =	shalt  }
0x87: {  	_ =	shalt  }
.Lfunc_end0:
.L_simem_size_0:
called_computation_lowered:
.L_overlay_start_0:
0x88: {  	s2 =	sld [smem:$0x3FD9]  }
0x89: {  	s3 =	sld [smem:$0x3FFE];
	_ =	sdelay $0x1  }
0x8a: {  	s1 =	srdreg.scid  }
0x8b: {  	s0 =	sand.u32 $0x1, s1  }
0x8c: {  	s18 =	sshll.u32 s0, $0xA;
	s2 =	sadd.s32 s3, s2  }
0x8d: {  	s2 =	sadd.s32 s2, s18  }
0x8e: {  	[smem:$0x3FC7] =	sst s2  }
0x8f: {  	_ = 	snop  }
0x90: {  	s2 =	sld [smem:$0x3FC9]  }
0x91: {  	s19 =	sld [smem:$0x3FD0];
	(tm) =	ssettm $0x1  }
0x92: {  	s4 =	sld [smem:$0x3FFB];
	_ =	sdelay $0x3  }
0x93: {  	_ =	strace s4  }
0x94: {  	s4 =	sld [smem:$0x3FFC];
	_ =	sdelay $0x3  }
0x95: {  	_ =	strace s4  }
0x96: {  	s4 =	sld [smem:$0x3FFD];
	_ =	sdelay $0x3  }
0x97: {  	_ =	strace s4  }
0x98: {  	_ =	strace $0x8FFFFFFF  }
0x99: {  	s20 =	sld [smem:$0x3FDB];
	_ =	sdelay $0x1  }
0x9a: {  	s5 =	simm.s32 $_scs_section_size  }
0x9b: {  	s6 =	simm.s32 $_size__tile_overlayer_lowered;
	s7 =	simm.s32 $_tile_overlayer_lowered  }
0x9c: {  	s23 =	simm.s32 $0x1BFF;
	s22 =	sshll.u32 s7, $0x1;
	s4 =	sadd.s32 s5, s20  }
0x9d: {  	s8 =	simm.s32 $0x0;
	s21 =	sshll.u32 s6, $0x1;
	s6 =	sadd.s32 s22, s4  }
0x9e: {  	[timem:s8], [sflag:s23] =	dma.local [hbm:s6], s21  }
0x9f: {  	_ =	swait.ge [sflag:s23], s21  }
0xa0: {  	s5 =	ssub.s32 $0x0, s21;
	[sflag:s23] =	ssyncset.done $0x0  }
0xa1: {  	[sflag:s23] =	ssyncadd.s32 s5;
	_ =	sdelay $0x1  }
0xa2: {  	s24 =	simm.s32 $0x1B8B  }
0xa3: {  	_ =	swait.ge [sflag:s24], $0x1  }
0xa4: {  	[sflag:s24] =	ssyncset.done $0x0  }
0xa5: {  	s25 =	simm.s32 $0x1B8E;
	[sflag:s24] =	ssyncadd.s32 $0xFFFFFFFF  }
0xa6: {  	s26 =	simm.s32 $execute0_lowered;
	[smem:$0x3FD2] =	sst s25  }
0xa7: {  	s5 =	sshll.u32 s26, $0x1;
	_ =	strace $0x80000046;
	[dreg:$0x1] =	wrdreg $0xFFFFFFFF  }
0xa8: {  	s28 =	simm.s32 $_size_execute0_lowered;
	s4 =	sadd.s32 s4, s5;
	[dreg:$0x0] =	wrdreg $0x0  }
0xa9: {  	s5 =	sshll.u32 s28, $0x1;
	[dreg:$0x2] =	wrdreg s4  }
0xaa: {  	[dreg:$0x3] =	wrdreg s5  }
0xab: {  	[dreg:$0x4] =	wrdreg $0xC0  }
0xac: {  	_ =	task [dreg:s8], $0x5FFFF  }
0xad: {  	[dreg:$0x1] =	wrdreg $0xFFFFFFFF  }
0xae: {  	[dreg:$0x0] =	wrdreg $0x60  }
0xaf: {  	[dreg:$0x2] =	wrdreg s2  }
0xb0: {  	[dreg:$0x3] =	wrdreg s19  }
0xb1: {  	[dreg:$0x4] =	wrdreg $0x9  }
0xb2: {  	_ =	task.clear_ibuf [dreg:s8], $0x5FFFF;
	_ =	strace $0x90000046  }
0xb3: {  	s29 =	simm.s32 $0x9;
	_ =	strace $0x80000048  }
0xb4: {  	_ =	swait.ge [sflag:s29], $0x1  }
0xb5: {  	[sflag:s29] =	ssyncadd.s32 $0xFFFFFFFF  }
0xb6: {  	_ =	strace $0x90000048  }
0xb7: {  	_ =	sfence  }
0xb8: {  	s30 =	sld [smem:$0x0];
	_ =	sdelay $0x2  }
0xb9: {  	s31 =	sshll.u32 s1, $0xD;
	s1 =	sshrl.u32 s1, $0x2  }
0xba: {  	s3 =	sand.u32 $0x4000, s31;
	s1 =	sadd.s32 s1, s30  }
0xbb: {  	s0 =	sor.u32 s3, s0;
	s1 =	sshll.u32 s1, $0x11  }
0xbc: {  	s0 =	sor.u32 s1, s0  }
0xbd: {  	s0 =	sadd.s32 $0x8F2B, s0  }
0xbe: {  	[sflag:s0] =	ssyncadd.remote.s32 $0x1  }
0xbf: {  	_ =	sfence.sel $0xFFFF  }
0xc0: {  	[dreg:$0x0] =	wrdreg $0xFFFFFFFF;
	(pc) =	sbr.abs _section_cstart, $3  }
0xc1: {  	[dreg:$0x1] =	wrdreg $0xFFFFFFFF  }
0xc2: {  	_ =	task.clear_ibuf [dreg:s8], $0x2FFFF;
	_ =	strace $0x9FFFFFFF  }
0xc3: {  	(tm) =	ssettm $0x7FFFFFFF  }
tec
execute0_lowered:
.L_overlay_start_1:
0x0: {  	(tag) =	ssettag $0x1  }
0x1: {  	s0 =	rddreg [dreg:$0x0];
	s1 =	srdreg.scid  }
0x2: {  	s4 =	rddreg [dreg:$0x1];
	s5 =	stileid.u32;
	s3 =	sand.u32 $0x1, s1  }
0x3: {  	s2 =	simm.s32 $0x0;
	s22 =	sshll.u32 s5, $0x10;
	s23 =	sshll.u32 s3, $0xF  }
0x4: {  	[smem:$0x7FF] =	sst s2;
	s5 =	sor.u32 s23, s22  }
0x5: {  	_ =	strace $0x80000047;
	s1 =	sadd.s32 s0, s5;
	s6 =	sor.u32 $0x1000, s5  }
0x6: {  	s7 =	sor.u32 $0x100000, s5;
	[dreg:$0x3] =	wrdreg s1;
	s24 =	sadd.s32 s0, s6  }
0x7: {  	s8 =	sor.u32 $0x2000, s5;
	s25 =	sadd.s32 s4, s7;
	[dreg:$0x4] =	wrdreg s24  }
0x8: {  	s26 =	sadd.s32 s0, s8;
	[dreg:$0x5] =	wrdreg s25  }
0x9: {  	s9 =	sadd.s32 s4, s6;
	[dreg:$0x6] =	wrdreg s26  }
0xa: {  	s12 =	sadd.s32 s4, s8;
	[dreg:$0x7] =	wrdreg s9  }
0xb: {  	s6 =	sor.u32 $0x101000, s5;
	[dreg:$0xa] =	wrdreg s12  }
0xc: {  	s8 =	sor.u32 $0x102000, s5;
	s10 =	sadd.s32 s4, s6;
	s1 =	rddreg [dreg:$0x3]  }
0xd: {  	s13 =	sadd.s32 s4, s8;
	[dreg:$0x8] =	wrdreg s10  }
0xe: {  	s9 =	sor.u32 $0x3000, s5;
	s26 =	sadd.s32 s0, s7;
	[dreg:$0xb] =	wrdreg s13  }
0xf: {  	s11 =	sadd.s32 s0, s9;
	[dreg:$0x18] =	wrdreg s26  }
0x10: {  	s12 =	sor.u32 $0x6000, s5;
	s15 =	sadd.s32 s4, s9;
	[dreg:$0x9] =	wrdreg s11  }
0x11: {  	s20 =	sadd.s32 s0, s12;
	[dreg:$0xd] =	wrdreg s15  }
0x12: {  	s10 =	sor.u32 $0x4000, s5;
	s24 =	sadd.s32 s4, s12;
	[dreg:$0x12] =	wrdreg s20  }
0x13: {  	s9 =	sor.u32 $0x103000, s5;
	s14 =	sadd.s32 s0, s10;
	[dreg:$0x16] =	wrdreg s24  }
0x14: {  	s16 =	sadd.s32 s4, s9;
	[dreg:$0xc] =	wrdreg s14  }
0x15: {  	s13 =	sor.u32 $0x7000, s5;
	s18 =	sadd.s32 s4, s10;
	[dreg:$0xe] =	wrdreg s16  }
0x16: {  	s12 =	sor.u32 $0x106000, s5;
	s23 =	sadd.s32 s0, s13;
	[dreg:$0x10] =	wrdreg s18  }
0x17: {  	s25 =	sadd.s32 s4, s12;
	[dreg:$0x15] =	wrdreg s23  }
0x18: {  	s7 =	sadd.s32 s4, s13;
	[dreg:$0x17] =	wrdreg s25  }
0x19: {  	s11 =	sor.u32 $0x5000, s5;
	s15 =	sadd.s32 s0, s6;
	[dreg:$0x19] =	wrdreg s7  }
0x1a: {  	s10 =	sor.u32 $0x104000, s5;
	s17 =	sadd.s32 s0, s11;
	[dreg:$0x1b] =	wrdreg s15  }
0x1b: {  	s19 =	sadd.s32 s4, s10;
	[dreg:$0xf] =	wrdreg s17  }
0x1c: {  	s13 =	sor.u32 $0x107000, s5;
	s21 =	sadd.s32 s4, s11;
	[dreg:$0x11] =	wrdreg s19  }
0x1d: {  	s14 =	sadd.s32 s4, s13;
	[dreg:$0x13] =	wrdreg s21  }
0x1e: {  	s18 =	sadd.s32 s0, s8;
	[dreg:$0x1a] =	wrdreg s14  }
0x1f: {  	s11 =	sor.u32 $0x105000, s5;
	s24 =	sadd.s32 s0, s10;
	[dreg:$0x1e] =	wrdreg s18  }
0x20: {  	s6 =	sor.u32 $0x300000, s5;
	s22 =	sadd.s32 s4, s11;
	[smem:$0x7B8] =	sst s24  }
0x21: {  	s15 =	sor.u32 $0x201000, s5;
	s17 =	sadd.s32 s4, s6;
	[dreg:$0x14] =	wrdreg s22  }
0x22: {  	s7 =	sor.u32 $0x301000, s5;
	s19 =	sadd.s32 s4, s15;
	[dreg:$0x1d] =	wrdreg s17  }
0x23: {  	s20 =	sadd.s32 s4, s7;
	[dreg:$0x1f] =	wrdreg s19  }
0x24: {  	s8 =	sor.u32 $0x302000, s5;
	s21 =	sadd.s32 s0, s9;
	[smem:$0x7B4] =	sst s20  }
0x25: {  	s23 =	sadd.s32 s4, s8;
	[smem:$0x7B5] =	sst s21  }
0x26: {  	s10 =	sadd.s32 s0, s11;
	[smem:$0x7B7] =	sst s23  }
0x27: {  	s14 =	sor.u32 $0x200000, s5;
	s7 =	sadd.s32 s0, s7;
	[smem:$0x7BB] =	sst s10  }
0x28: {  	s9 =	sor.u32 $0x303000, s5;
	s16 =	sadd.s32 s4, s14;
	[smem:$0x7DF] =	sst s7  }
0x29: {  	s18 =	sor.u32 $0x204000, s5;
	s26 =	sadd.s32 s4, s9;
	[dreg:$0x1c] =	wrdreg s16  }
0x2a: {  	s11 =	sadd.s32 s4, s18;
	[smem:$0x7BA] =	sst s26  }
0x2b: {  	s20 =	sadd.s32 s0, s12;
	[smem:$0x7BC] =	sst s11  }
0x2c: {  	s17 =	sor.u32 $0x203000, s5;
	s23 =	sadd.s32 s0, s13;
	[smem:$0x7BE] =	sst s20  }
0x2d: {  	s10 =	sor.u32 $0x304000, s5;
	s25 =	sadd.s32 s4, s17;
	[smem:$0x7C1] =	sst s23  }
0x2e: {  	s19 =	sadd.s32 s4, s10;
	[smem:$0x7B9] =	sst s25  }
0x2f: {  	s26 =	sadd.s32 s0, s14;
	[smem:$0x7BD] =	sst s19  }
0x30: {  	s23 =	sadd.s32 s0, s15;
	[smem:$0x7C4] =	sst s26  }
0x31: {  	s16 =	sor.u32 $0x202000, s5;
	s7 =	sadd.s32 s0, s10;
	[smem:$0x7C7] =	sst s23  }
0x32: {  	s20 =	sor.u32 $0x206000, s5;
	s22 =	sadd.s32 s4, s16;
	[smem:$0x7E8] =	sst s7  }
0x33: {  	s12 =	sor.u32 $0x306000, s5;
	s24 =	sadd.s32 s4, s20;
	[smem:$0x7B6] =	sst s22  }
0x34: {  	s25 =	sadd.s32 s4, s12;
	[smem:$0x7C2] =	sst s24  }
0x35: {  	s26 =	sadd.s32 s0, s16;
	[smem:$0x7C3] =	sst s25  }
0x36: {  	s11 =	sor.u32 $0x305000, s5;
	s23 =	sadd.s32 s0, s17;
	[smem:$0x7CA] =	sst s26  }
0x37: {  	s31 =	sadd.s32 s4, s5;
	s10 =	sadd.s32 s0, s11;
	[smem:$0x7CD] =	sst s23  }
0x38: {  	s19 =	sor.u32 $0x205000, s5;
	s7 =	sadd.s32 $0x607000, s31;
	[smem:$0x7EB] =	sst s10  }
0x39: {  	s21 =	sadd.s32 s4, s19;
	[smem:$0x7F5] =	sst s7  }
0x3a: {  	s22 =	sadd.s32 s4, s11;
	[smem:$0x7BF] =	sst s21  }
0x3b: {  	s16 =	sor.u32 $0x401000, s5;
	s25 =	sadd.s32 $0x500000, s31;
	[smem:$0x7C0] =	sst s22  }
0x3c: {  	s15 =	sadd.s32 s4, s16;
	[smem:$0x7C9] =	sst s25  }
0x3d: {  	s26 =	sadd.s32 s0, s18;
	[smem:$0x7CB] =	sst s15  }
0x3e: {  	s23 =	sadd.s32 s0, s19;
	[smem:$0x7D0] =	sst s26  }
0x3f: {  	s11 =	sadd.s32 $0x604000, s31;
	[smem:$0x7D3] =	sst s23  }
0x40: {  	s14 =	sor.u32 $0x307000, s5;
	s10 =	sadd.s32 $0x800000, s31;
	[smem:$0x7EC] =	sst s11  }
0x41: {  	s22 =	sadd.s32 s4, s14;
	[smem:$0x7F8] =	sst s10  }
0x42: {  	s25 =	sadd.s32 $0x502000, s31;
	[smem:$0x7C6] =	sst s22  }
0x43: {  	s19 =	sor.u32 $0x405000, s5;
	s26 =	sadd.s32 s0, s20;
	[smem:$0x7CF] =	sst s25  }
0x44: {  	s20 =	sadd.s32 s4, s19;
	[smem:$0x7D6] =	sst s26  }
0x45: {  	s21 =	sor.u32 $0x207000, s5;
	s11 =	sadd.s32 $0x900000, s31;
	[smem:$0x7D7] =	sst s20  }
0x46: {  	s13 =	sadd.s32 s4, s21;
	[smem:$0x7F9] =	sst s11  }
0x47: {  	s15 =	sor.u32 $0x403000, s5;
	s22 =	sadd.s32 $0x501000, s31;
	[smem:$0x7C5] =	sst s13  }
0x48: {  	s18 =	sadd.s32 s4, s15;
	[smem:$0x7CC] =	sst s22  }
0x49: {  	s25 =	sadd.s32 $0x504000, s31;
	[smem:$0x7D1] =	sst s18  }
0x4a: {  	s23 =	sadd.s32 s0, s21;
	[smem:$0x7D5] =	sst s25  }
0x4b: {  	s26 =	sadd.s32 s0, s6;
	[smem:$0x7D9] =	sst s23  }
0x4c: {  	s6 =	sadd.s32 $0x507000, s31;
	[smem:$0x7DC] =	sst s26  }
0x4d: {  	s21 =	sadd.s32 $0x600000, s31;
	[smem:$0x7DE] =	sst s6  }
0x4e: {  	s22 =	sadd.s32 $0x503000, s31;
	[smem:$0x7E0] =	sst s21  }
0x4f: {  	s25 =	sadd.s32 $0x506000, s31;
	[smem:$0x7D2] =	sst s22  }
0x50: {  	p0 =	por $0x0, $0x0;
	s23 =	sadd.s32 s0, s8;
	[smem:$0x7DB] =	sst s25  }
0x51: {  	s3 =	ssub.s32 $0x2, s3;
	s26 =	sadd.s32 s0, s9;
	[smem:$0x7E2] =	sst s23  }
0x52: {  	s28 =	sadd.s32 $0x802000, s31;
	s6 =	sadd.s32 $0x702000, s31;
	[smem:$0x7E5] =	sst s26  }
0x53: {  	s29 =	sadd.s32 $0x902000, s31;
	s8 =	sadd.s32 $0x603000, s31;
	[smem:$0x7E7] =	sst s6  }
0x54: {  	s17 =	sor.u32 $0x402000, s5;
	s9 =	sadd.s32 $0x703000, s31;
	[smem:$0x7E9] =	sst s8  }
0x55: {  	s13 =	sor.u32 $0x400000, s5;
	s21 =	sadd.s32 $0x704000, s31;
	[smem:$0x7EA] =	sst s9  }
0x56: {  	s7 =	sadd.s32 $0x806000, s31;
	s24 =	sadd.s32 s4, s13;
	[smem:$0x7ED] =	sst s21  }
0x57: {  	s10 =	simm.s32 $0x10000;
	s22 =	sadd.s32 $0x505000, s31;
	[smem:$0x7C8] =	sst s24  }
0x58: {  	s20 =	sor.u32 $0x406000, s5;
	s25 =	sadd.s32 $0x701000, s31;
	[smem:$0x7D8] =	sst s22  }
0x59: {  	s11 =	simm.s32 $0x9;
	s23 =	sadd.s32 $0x605000, s31;
	[smem:$0x7E4] =	sst s25  }
0x5a: {  	s18 =	sor.u32 $0x404000, s5;
	s26 =	sadd.s32 $0x606000, s31;
	[smem:$0x7EF] =	sst s23  }
0x5b: {  	s5 =	sor.u32 $0x407000, s5;
	s6 =	sadd.s32 s0, s13;
	[smem:$0x7F2] =	sst s26  }
0x5c: {  	s8 =	sadd.s32 $0x707000, s31;
	s9 =	sadd.s32 s0, s16;
	[smem:$0x7F4] =	sst s6  }
0x5d: {  	s13 =	sadd.s32 $0x801000, s31;
	s16 =	sadd.s32 $0x901000, s31;
	[smem:$0x7F6] =	sst s8  }
0x5e: {  	s21 =	sadd.s32 s0, s15;
	s30 =	sadd.s32 s0, s18;
	[smem:$0x7F7] =	sst s9  }
0x5f: {  	s15 =	simm.s32 $0x6;
	s24 =	sadd.s32 s4, s17;
	[smem:$0x7FB] =	sst s13  }
0x60: {  	s22 =	sadd.s32 $0x700000, s31;
	s25 =	sadd.s32 s0, s14;
	[smem:$0x7FC] =	sst s16  }
0x61: {  	s14 =	sshrl.u32 s3, $0x1;
	[smem:$0x7FD] =	sst s21;
	s23 =	sadd.s32 $0x803000, s31  }
0x62: {  	s13 =	sadd.s32 $0x905000, s31;
	s8 =	sadd.s32 $0x906000, s31;
	s16 =	simm.s32 $0x8000  }
0x63: {  	s9 =	simm.s32 $0x1;
	s26 =	simm.s32 $0x2;
	[smem:$0x7CE] =	sst s24  }
0x64: {  	s6 =	simm.s32 $0x7;
	s21 =	simm.s32 $0x5;
	[smem:$0x7E1] =	sst s22  }
0x65: {  	s24 =	sadd.s32 s4, s18;
	s22 =	sadd.s32 s0, s12;
	[smem:$0x7F1] =	sst s25  }
0x66: {  	s12 =	sadd.s32 s0, s17;
	s17 =	ssub.s32 s3, s14;
	s25 =	sadd.s32 s0, s19  }
0x67: {  	s18 =	sadd.s32 $0x804000, s31;
	s19 =	sadd.s32 $0x904000, s31;
	[smem:$0x7D4] =	sst s24  }
0x68: {  	s14 =	sadd.s32 s0, s5;
	s3 =	sadd.s32 $0x807000, s31;
	[smem:$0x7EE] =	sst s22  }
0x69: {  	s24 =	sadd.s32 s4, s20;
	s4 =	sadd.s32 s4, s5;
	[smem:$0x7FA] =	sst s12  }
0x6a: {  	s20 =	sadd.s32 s0, s20;
	s12 =	sadd.s32 $0x805000, s31;
	s22 =	smax.u32 s17, $0x1  }
0x6b: {  	s5 =	simm.s32 $0x4;
	[smem:$0x7DA] =	sst s24;
	p1 =	sne.s32 s22, $0x1  }
.Ltmp0:
0x6c: {  	[smem:$0x7DD] =	sst s4;
	s24 =	sadd.s32 $0x601000, s31;
	(pc) =	sbr.rel @!p1 .LBB2_5-.Ltmp0, $4  }
0x6d: {  	s17 =	simm.s32 $0x8;
	s4 =	sadd.s32 $0x602000, s31;
	[smem:$0x7E3] =	sst s24  }
0x6e: {  	s0 =	sadd.s32 $0xFFFFFFFF, s22;
	[smem:$0x7E6] =	sst s4;
	s24 =	sadd.s32 $0x705000, s31  }
0x6f: {  	s22 =	simm.s32 $0x3;
	s4 =	sadd.s32 $0x706000, s31;
	[smem:$0x7F0] =	sst s24  }
0x70: {  	[smem:$0x7F3] =	sst s4;
	s24 =	sadd.s32 $0x903000, s31;
	s4 =	sadd.s32 $0x907000, s31  }
0x71: {  	[smem:$0x7B2] =	sst s0  }
0x72: {  	[tilespmem:s2], [sflag:$0x1] =	stream.linear.gather [hbm4b:s1+s2], $0x8000, $0x38;
	[tilespmem:$0x18000] =	vst v63  }
0x73: {  	s0 =	rddreg [dreg:$0x4]  }
0x74: {  	[tilespmem:s16], [sflag:$0x2] =	stream.linear.gather [hbm4b:s0+s2], $0x8000, $0x38;
	[tilespmem:$0x18000] =	vst v63  }
0x75: {  	_ =	swait.ge [sflag:s9], $0x8000  }
0x76: {  	[sflag:s9] =	ssyncset.done $0x0  }
0x77: {  	[sflag:s9] =	ssyncadd.s32 $0xFFFF8000  }
0x78: {  	[hbm4b:s31+s2] =	stream.linear.scatter [tilespmem:s2], [sflag:$0x4], $0x8000, $0x38;
	[tilespmem:$0x18000] =	vst v63  }
0x79: {  	s0 =	rddreg [dreg:$0x5]  }
0x7a: {  	[hbm4b:s0+s2] =	stream.linear.scatter [tilespmem:s2], [sflag:$0x7], $0x8000, $0x38;
	[tilespmem:$0x18000] =	vst v63  }
0x7b: {  	s1 =	rddreg [dreg:$0x6]  }
0x7c: {  	[tilespmem:s10], [sflag:$0x3] =	stream.linear.gather [hbm4b:s1+s2], $0x8000, $0x38;
	[tilespmem:$0x18000] =	vst v63  }
0x7d: {  	_ =	swait.ge [sflag:s26], $0x8000  }
0x7e: {  	[sflag:s26] =	ssyncset.done $0x0  }
0x7f: {  	[sflag:s26] =	ssyncadd.s32 $0xFFFF8000  }
0x80: {  	_ =	swait.ge [sflag:s5], $0x8000  }
0x81: {  	[sflag:s5] =	ssyncset.done $0x0  }
0x82: {  	[sflag:s5] =	ssyncadd.s32 $0xFFFF8000  }
0x83: {  	_ =	swait.ge [sflag:s6], $0x8000  }
0x84: {  	[sflag:s6] =	ssyncset.done $0x0  }
0x85: {  	s0 =	rddreg [dreg:$0x7];
	[sflag:s6] =	ssyncadd.s32 $0xFFFF8000  }
0x86: {  	[hbm4b:s0+s2] =	stream.linear.scatter [tilespmem:s16], [sflag:$0x5], $0x8000, $0x38;
	[tilespmem:$0x18000] =	vst v63  }
0x87: {  	s1 =	rddreg [dreg:$0x8]  }
0x88: {  	[hbm4b:s1+s2] =	stream.linear.scatter [tilespmem:s16], [sflag:$0x8], $0x8000, $0x38;
	[tilespmem:$0x18000] =	vst v63  }
0x89: {  	s0 =	rddreg [dreg:$0x9]  }
0x8a: {  	[tilespmem:s2], [sflag:$0x1] =	stream.linear.gather [hbm4b:s0+s2], $0x8000, $0x38;
	[tilespmem:$0x18000] =	vst v63  }
0x8b: {  	_ =	swait.ge [sflag:s22], $0x8000  }
0x8c: {  	[sflag:s22] =	ssyncset.done $0x0  }
0x8d: {  	[sflag:s22] =	ssyncadd.s32 $0xFFFF8000  }
0x8e: {  	_ =	swait.ge [sflag:s21], $0x8000  }
0x8f: {  	[sflag:s21] =	ssyncset.done $0x0  }
0x90: {  	[sflag:s21] =	ssyncadd.s32 $0xFFFF8000  }
0x91: {  	_ =	swait.ge [sflag:s17], $0x8000  }
0x92: {  	[sflag:s17] =	ssyncset.done $0x0  }
0x93: {  	s0 =	rddreg [dreg:$0xa];
	[sflag:s17] =	ssyncadd.s32 $0xFFFF8000  }
0x94: {  	[hbm4b:s0+s2] =	stream.linear.scatter [tilespmem:s10], [sflag:$0x6], $0x8000, $0x38;
	[tilespmem:$0x18000] =	vst v63  }
0x95: {  	s1 =	rddreg [dreg:$0xb]  }
0x96: {  	[hbm4b:s1+s2] =	stream.linear.scatter [tilespmem:s10], [sflag:$0x9], $0x8000, $0x38;
	[tilespmem:$0x18000] =	vst v63  }
0x97: {  	s0 =	rddreg [dreg:$0xc]  }
0x98: {  	[tilespmem:s16], [sflag:$0x2] =	stream.linear.gather [hbm4b:s0+s2], $0x8000, $0x38;
	[tilespmem:$0x18000] =	vst v63  }
0x99: {  	_ =	swait.ge [sflag:s9], $0x8000  }
0x9a: {  	[sflag:s9] =	ssyncset.done $0x0  }
0x9b: {  	[sflag:s9] =	ssyncadd.s32 $0xFFFF8000  }
0x9c: {  	_ =	swait.ge [sflag:s15], $0x8000  }
0x9d: {  	[sflag:s15] =	ssyncset.done $0x0  }
0x9e: {  	[sflag:s15] =	ssyncadd.s32 $0xFFFF8000  }
0x9f: {  	_ =	swait.ge [sflag:s11], $0x8000  }
0xa0: {  	[sflag:s11] =	ssyncset.done $0x0  }
0xa1: {  	s0 =	rddreg [dreg:$0xd];
	[sflag:s11] =	ssyncadd.s32 $0xFFFF8000  }
0xa2: {  	[hbm4b:s0+s2] =	stream.linear.scatter [tilespmem:s2], [sflag:$0x4], $0x8000, $0x38;
	[tilespmem:$0x18000] =	vst v63  }
0xa3: {  	s1 =	rddreg [dreg:$0xe]  }
0xa4: {  	[hbm4b:s1+s2] =	stream.linear.scatter [tilespmem:s2], [sflag:$0x7], $0x8000, $0x38;
	[tilespmem:$0x18000] =	vst v63  }
0xa5: {  	s0 =	rddreg [dreg:$0xf]  }
0xa6: {  	[tilespmem:s10], [sflag:$0x3] =	stream.linear.gather [hbm4b:s0+s2], $0x8000, $0x38;
	[tilespmem:$0x18000] =	vst v63  }
0xa7: {  	_ =	swait.ge [sflag:s26], $0x8000  }
0xa8: {  	[sflag:s26] =	ssyncset.done $0x0  }
0xa9: {  	[sflag:s26] =	ssyncadd.s32 $0xFFFF8000  }
0xaa: {  	_ =	swait.ge [sflag:s5], $0x8000  }
0xab: {  	[sflag:s5] =	ssyncset.done $0x0  }
0xac: {  	[sflag:s5] =	ssyncadd.s32 $0xFFFF8000  }
0xad: {  	_ =	swait.ge [sflag:s6], $0x8000  }
0xae: {  	[sflag:s6] =	ssyncset.done $0x0  }
0xaf: {  	s0 =	rddreg [dreg:$0x10];
	[sflag:s6] =	ssyncadd.s32 $0xFFFF8000  }
0xb0: {  	[hbm4b:s0+s2] =	stream.linear.scatter [tilespmem:s16], [sflag:$0x5], $0x8000, $0x38;
	[tilespmem:$0x18000] =	vst v63  }
0xb1: {  	s1 =	rddreg [dreg:$0x11]  }
0xb2: {  	[hbm4b:s1+s2] =	stream.linear.scatter [tilespmem:s16], [sflag:$0x8], $0x8000, $0x38;
	[tilespmem:$0x18000] =	vst v63  }
0xb3: {  	s0 =	rddreg [dreg:$0x12]  }
0xb4: {  	[tilespmem:s2], [sflag:$0x1] =	stream.linear.gather [hbm4b:s0+s2], $0x8000, $0x38;
	[tilespmem:$0x18000] =	vst v63  }
0xb5: {  	_ =	swait.ge [sflag:s22], $0x8000  }
0xb6: {  	[sflag:s22] =	ssyncset.done $0x0  }
0xb7: {  	[sflag:s22] =	ssyncadd.s32 $0xFFFF8000  }
0xb8: {  	_ =	swait.ge [sflag:s21], $0x8000  }
0xb9: {  	[sflag:s21] =	ssyncset.done $0x0  }
0xba: {  	[sflag:s21] =	ssyncadd.s32 $0xFFFF8000  }
0xbb: {  	_ =	swait.ge [sflag:s17], $0x8000  }
0xbc: {  	[sflag:s17] =	ssyncset.done $0x0  }
0xbd: {  	s0 =	rddreg [dreg:$0x13];
	[sflag:s17] =	ssyncadd.s32 $0xFFFF8000  }
0xbe: {  	[hbm4b:s0+s2] =	stream.linear.scatter [tilespmem:s10], [sflag:$0x6], $0x8000, $0x38;
	[tilespmem:$0x18000] =	vst v63  }
0xbf: {  	s1 =	rddreg [dreg:$0x14]  }
0xc0: {  	[hbm4b:s1+s2] =	stream.linear.scatter [tilespmem:s10], [sflag:$0x9], $0x8000, $0x38;
	[tilespmem:$0x18000] =	vst v63  }
0xc1: {  	s0 =	rddreg [dreg:$0x15]  }
0xc2: {  	[tilespmem:s16], [sflag:$0x2] =	stream.linear.gather [hbm4b:s0+s2], $0x8000, $0x38;
	[tilespmem:$0x18000] =	vst v63  }
0xc3: {  	_ =	swait.ge [sflag:s9], $0x8000  }
0xc4: {  	[sflag:s9] =	ssyncset.done $0x0  }
0xc5: {  	[sflag:s9] =	ssyncadd.s32 $0xFFFF8000  }
0xc6: {  	_ =	swait.ge [sflag:s15], $0x8000  }
0xc7: {  	[sflag:s15] =	ssyncset.done $0x0  }
0xc8: {  	[sflag:s15] =	ssyncadd.s32 $0xFFFF8000  }
0xc9: {  	_ =	swait.ge [sflag:s11], $0x8000  }
0xca: {  	[sflag:s11] =	ssyncset.done $0x0  }
0xcb: {  	s0 =	rddreg [dreg:$0x16];
	[sflag:s11] =	ssyncadd.s32 $0xFFFF8000  }
0xcc: {  	[hbm4b:s0+s2] =	stream.linear.scatter [tilespmem:s2], [sflag:$0x4], $0x8000, $0x38;
	[tilespmem:$0x18000] =	vst v63  }
0xcd: {  	s1 =	rddreg [dreg:$0x17]  }
0xce: {  	[hbm4b:s1+s2] =	stream.linear.scatter [tilespmem:s2], [sflag:$0x7], $0x8000, $0x38;
	[tilespmem:$0x18000] =	vst v63  }
0xcf: {  	s0 =	rddreg [dreg:$0x18]  }
0xd0: {  	[tilespmem:s10], [sflag:$0x3] =	stream.linear.gather [hbm4b:s0+s2], $0x8000, $0x38;
	[tilespmem:$0x18000] =	vst v63  }
0xd1: {  	_ =	swait.ge [sflag:s26], $0x8000  }
0xd2: {  	[sflag:s26] =	ssyncset.done $0x0  }
0xd3: {  	[sflag:s26] =	ssyncadd.s32 $0xFFFF8000  }
0xd4: {  	_ =	swait.ge [sflag:s5], $0x8000  }
0xd5: {  	[sflag:s5] =	ssyncset.done $0x0  }
0xd6: {  	[sflag:s5] =	ssyncadd.s32 $0xFFFF8000  }
0xd7: {  	_ =	swait.ge [sflag:s6], $0x8000  }
0xd8: {  	[sflag:s6] =	ssyncset.done $0x0  }
0xd9: {  	s0 =	rddreg [dreg:$0x19];
	[sflag:s6] =	ssyncadd.s32 $0xFFFF8000  }
0xda: {  	[hbm4b:s0+s2] =	stream.linear.scatter [tilespmem:s16], [sflag:$0x5], $0x8000, $0x38;
	[tilespmem:$0x18000] =	vst v63  }
0xdb: {  	s1 =	rddreg [dreg:$0x1a]  }
0xdc: {  	[hbm4b:s1+s2] =	stream.linear.scatter [tilespmem:s16], [sflag:$0x8], $0x8000, $0x38;
	[tilespmem:$0x18000] =	vst v63  }
0xdd: {  	s0 =	rddreg [dreg:$0x1b]  }
0xde: {  	[tilespmem:s2], [sflag:$0x1] =	stream.linear.gather [hbm4b:s0+s2], $0x8000, $0x38;
	[tilespmem:$0x18000] =	vst v63  }
0xdf: {  	_ =	swait.ge [sflag:s22], $0x8000  }
0xe0: {  	[sflag:s22] =	ssyncset.done $0x0  }
0xe1: {  	[sflag:s22] =	ssyncadd.s32 $0xFFFF8000  }
0xe2: {  	_ =	swait.ge [sflag:s21], $0x8000  }
0xe3: {  	[sflag:s21] =	ssyncset.done $0x0  }
0xe4: {  	[sflag:s21] =	ssyncadd.s32 $0xFFFF8000  }
0xe5: {  	_ =	swait.ge [sflag:s17], $0x8000  }
0xe6: {  	[sflag:s17] =	ssyncset.done $0x0  }
0xe7: {  	s0 =	rddreg [dreg:$0x1c];
	[sflag:s17] =	ssyncadd.s32 $0xFFFF8000  }
0xe8: {  	[hbm4b:s0+s2] =	stream.linear.scatter [tilespmem:s10], [sflag:$0x6], $0x8000, $0x38;
	[tilespmem:$0x18000] =	vst v63  }
0xe9: {  	s1 =	rddreg [dreg:$0x1d]  }
0xea: {  	[hbm4b:s1+s2] =	stream.linear.scatter [tilespmem:s10], [sflag:$0x9], $0x8000, $0x38;
	[tilespmem:$0x18000] =	vst v63  }
0xeb: {  	s0 =	rddreg [dreg:$0x1e]  }
0xec: {  	[tilespmem:s16], [sflag:$0x2] =	stream.linear.gather [hbm4b:s0+s2], $0x8000, $0x38;
	[tilespmem:$0x18000] =	vst v63  }
0xed: {  	_ =	swait.ge [sflag:s9], $0x8000  }
0xee: {  	[sflag:s9] =	ssyncset.done $0x0  }
0xef: {  	[sflag:s9] =	ssyncadd.s32 $0xFFFF8000  }
0xf0: {  	_ =	swait.ge [sflag:s15], $0x8000  }
0xf1: {  	[sflag:s15] =	ssyncset.done $0x0  }
0xf2: {  	[sflag:s15] =	ssyncadd.s32 $0xFFFF8000  }
0xf3: {  	_ =	swait.ge [sflag:s11], $0x8000  }
0xf4: {  	s0 =	rddreg [dreg:$0x1f];
	[sflag:s11] =	ssyncset.done $0x0  }
0xf5: {  	s1 =	sld [smem:$0x7B4];
	[sflag:s11] =	ssyncadd.s32 $0xFFFF8000  }
0xf6: {  	[hbm4b:s0+s2] =	stream.linear.scatter [tilespmem:s2], [sflag:$0x4], $0x8000, $0x38;
	[tilespmem:$0x18000] =	vst v63  }
0xf7: {  	s0 =	sld [smem:$0x7B5]  }
0xf8: {  	[hbm4b:s1+s2] =	stream.linear.scatter [tilespmem:s2], [sflag:$0x7], $0x8000, $0x38;
	[tilespmem:$0x18000] =	vst v63  }
0xf9: {  	_ = 	snop  }
0xfa: {  	[tilespmem:s10], [sflag:$0x3] =	stream.linear.gather [hbm4b:s0+s2], $0x8000, $0x38;
	[tilespmem:$0x18000] =	vst v63  }
0xfb: {  	_ =	swait.ge [sflag:s26], $0x8000  }
0xfc: {  	[sflag:s26] =	ssyncset.done $0x0  }
0xfd: {  	[sflag:s26] =	ssyncadd.s32 $0xFFFF8000  }
0xfe: {  	_ =	swait.ge [sflag:s5], $0x8000  }
0xff: {  	[sflag:s5] =	ssyncset.done $0x0  }
0x100: {  	[sflag:s5] =	ssyncadd.s32 $0xFFFF8000  }
0x101: {  	_ =	swait.ge [sflag:s6], $0x8000  }
0x102: {  	s0 =	sld [smem:$0x7B6]  }
0x103: {  	[sflag:s6] =	ssyncset.done $0x0  }
0x104: {  	s1 =	sld [smem:$0x7B7];
	[sflag:s6] =	ssyncadd.s32 $0xFFFF8000  }
0x105: {  	[hbm4b:s0+s2] =	stream.linear.scatter [tilespmem:s16], [sflag:$0x5], $0x8000, $0x38;
	[tilespmem:$0x18000] =	vst v63  }
0x106: {  	s0 =	sld [smem:$0x7B8]  }
0x107: {  	[hbm4b:s1+s2] =	stream.linear.scatter [tilespmem:s16], [sflag:$0x8], $0x8000, $0x38;
	[tilespmem:$0x18000] =	vst v63  }
0x108: {  	_ = 	snop  }
0x109: {  	[tilespmem:s2], [sflag:$0x1] =	stream.linear.gather [hbm4b:s0+s2], $0x8000, $0x38;
	[tilespmem:$0x18000] =	vst v63  }
0x10a: {  	_ =	swait.ge [sflag:s22], $0x8000  }
0x10b: {  	[sflag:s22] =	ssyncset.done $0x0  }
0x10c: {  	[sflag:s22] =	ssyncadd.s32 $0xFFFF8000  }
0x10d: {  	_ =	swait.ge [sflag:s21], $0x8000  }
0x10e: {  	[sflag:s21] =	ssyncset.done $0x0  }
0x10f: {  	[sflag:s21] =	ssyncadd.s32 $0xFFFF8000  }
0x110: {  	_ =	swait.ge [sflag:s17], $0x8000  }
0x111: {  	s0 =	sld [smem:$0x7B9]  }
0x112: {  	[sflag:s17] =	ssyncset.done $0x0  }
0x113: {  	s1 =	sld [smem:$0x7BA];
	[sflag:s17] =	ssyncadd.s32 $0xFFFF8000  }
0x114: {  	[hbm4b:s0+s2] =	stream.linear.scatter [tilespmem:s10], [sflag:$0x6], $0x8000, $0x38;
	[tilespmem:$0x18000] =	vst v63  }
0x115: {  	s0 =	sld [smem:$0x7BB]  }
0x116: {  	[hbm4b:s1+s2] =	stream.linear.scatter [tilespmem:s10], [sflag:$0x9], $0x8000, $0x38;
	[tilespmem:$0x18000] =	vst v63  }
0x117: {  	_ = 	snop  }
0x118: {  	[tilespmem:s16], [sflag:$0x2] =	stream.linear.gather [hbm4b:s0+s2], $0x8000, $0x38;
	[tilespmem:$0x18000] =	vst v63  }
0x119: {  	_ =	swait.ge [sflag:s9], $0x8000  }
0x11a: {  	[sflag:s9] =	ssyncset.done $0x0  }
0x11b: {  	[sflag:s9] =	ssyncadd.s32 $0xFFFF8000  }
0x11c: {  	_ =	swait.ge [sflag:s15], $0x8000  }
0x11d: {  	[sflag:s15] =	ssyncset.done $0x0  }
0x11e: {  	[sflag:s15] =	ssyncadd.s32 $0xFFFF8000  }
0x11f: {  	_ =	swait.ge [sflag:s11], $0x8000  }
0x120: {  	s0 =	sld [smem:$0x7BC]  }
0x121: {  	[sflag:s11] =	ssyncset.done $0x0  }
0x122: {  	s1 =	sld [smem:$0x7BD];
	[sflag:s11] =	ssyncadd.s32 $0xFFFF8000  }
0x123: {  	[hbm4b:s0+s2] =	stream.linear.scatter [tilespmem:s2], [sflag:$0x4], $0x8000, $0x38;
	[tilespmem:$0x18000] =	vst v63  }
0x124: {  	s0 =	sld [smem:$0x7BE]  }
0x125: {  	[hbm4b:s1+s2] =	stream.linear.scatter [tilespmem:s2], [sflag:$0x7], $0x8000, $0x38;
	[tilespmem:$0x18000] =	vst v63  }
0x126: {  	_ = 	snop  }
0x127: {  	[tilespmem:s10], [sflag:$0x3] =	stream.linear.gather [hbm4b:s0+s2], $0x8000, $0x38;
	[tilespmem:$0x18000] =	vst v63  }
0x128: {  	_ =	swait.ge [sflag:s26], $0x8000  }
0x129: {  	[sflag:s26] =	ssyncset.done $0x0  }
0x12a: {  	[sflag:s26] =	ssyncadd.s32 $0xFFFF8000  }
0x12b: {  	_ =	swait.ge [sflag:s5], $0x8000  }
0x12c: {  	[sflag:s5] =	ssyncset.done $0x0  }
0x12d: {  	[sflag:s5] =	ssyncadd.s32 $0xFFFF8000  }
0x12e: {  	_ =	swait.ge [sflag:s6], $0x8000  }
0x12f: {  	s0 =	sld [smem:$0x7BF]  }
0x130: {  	[sflag:s6] =	ssyncset.done $0x0  }
0x131: {  	s1 =	sld [smem:$0x7C0];
	[sflag:s6] =	ssyncadd.s32 $0xFFFF8000  }
0x132: {  	[hbm4b:s0+s2] =	stream.linear.scatter [tilespmem:s16], [sflag:$0x5], $0x8000, $0x38;
	[tilespmem:$0x18000] =	vst v63  }
0x133: {  	s0 =	sld [smem:$0x7C1]  }
0x134: {  	[hbm4b:s1+s2] =	stream.linear.scatter [tilespmem:s16], [sflag:$0x8], $0x8000, $0x38;
	[tilespmem:$0x18000] =	vst v63  }
0x135: {  	_ = 	snop  }
0x136: {  	[tilespmem:s2], [sflag:$0x1] =	stream.linear.gather [hbm4b:s0+s2], $0x8000, $0x38;
	[tilespmem:$0x18000] =	vst v63  }
0x137: {  	_ =	swait.ge [sflag:s22], $0x8000  }
0x138: {  	[sflag:s22] =	ssyncset.done $0x0  }
0x139: {  	[sflag:s22] =	ssyncadd.s32 $0xFFFF8000  }
0x13a: {  	_ =	swait.ge [sflag:s21], $0x8000  }
0x13b: {  	[sflag:s21] =	ssyncset.done $0x0  }
0x13c: {  	[sflag:s21] =	ssyncadd.s32 $0xFFFF8000  }
0x13d: {  	_ =	swait.ge [sflag:s17], $0x8000  }
0x13e: {  	s0 =	sld [smem:$0x7C2]  }
0x13f: {  	[sflag:s17] =	ssyncset.done $0x0  }
0x140: {  	s1 =	sld [smem:$0x7C3];
	[sflag:s17] =	ssyncadd.s32 $0xFFFF8000  }
0x141: {  	[hbm4b:s0+s2] =	stream.linear.scatter [tilespmem:s10], [sflag:$0x6], $0x8000, $0x38;
	[tilespmem:$0x18000] =	vst v63  }
0x142: {  	s0 =	sld [smem:$0x7C4]  }
0x143: {  	[hbm4b:s1+s2] =	stream.linear.scatter [tilespmem:s10], [sflag:$0x9], $0x8000, $0x38;
	[tilespmem:$0x18000] =	vst v63  }
0x144: {  	_ = 	snop  }
0x145: {  	[tilespmem:s16], [sflag:$0x2] =	stream.linear.gather [hbm4b:s0+s2], $0x8000, $0x38;
	[tilespmem:$0x18000] =	vst v63  }
0x146: {  	_ =	swait.ge [sflag:s9], $0x8000  }
0x147: {  	[sflag:s9] =	ssyncset.done $0x0  }
0x148: {  	[sflag:s9] =	ssyncadd.s32 $0xFFFF8000  }
0x149: {  	_ =	swait.ge [sflag:s15], $0x8000  }
0x14a: {  	[sflag:s15] =	ssyncset.done $0x0  }
0x14b: {  	[sflag:s15] =	ssyncadd.s32 $0xFFFF8000  }
0x14c: {  	_ =	swait.ge [sflag:s11], $0x8000  }
0x14d: {  	s0 =	sld [smem:$0x7C5]  }
0x14e: {  	[sflag:s11] =	ssyncset.done $0x0  }
0x14f: {  	s1 =	sld [smem:$0x7C6];
	[sflag:s11] =	ssyncadd.s32 $0xFFFF8000  }
0x150: {  	[hbm4b:s0+s2] =	stream.linear.scatter [tilespmem:s2], [sflag:$0x4], $0x8000, $0x38;
	[tilespmem:$0x18000] =	vst v63  }
0x151: {  	s0 =	sld [smem:$0x7C7]  }
0x152: {  	[hbm4b:s1+s2] =	stream.linear.scatter [tilespmem:s2], [sflag:$0x7], $0x8000, $0x38;
	[tilespmem:$0x18000] =	vst v63  }
0x153: {  	_ = 	snop  }
0x154: {  	[tilespmem:s10], [sflag:$0x3] =	stream.linear.gather [hbm4b:s0+s2], $0x8000, $0x38;
	[tilespmem:$0x18000] =	vst v63  }
0x155: {  	_ =	swait.ge [sflag:s26], $0x8000  }
0x156: {  	[sflag:s26] =	ssyncset.done $0x0  }
0x157: {  	[sflag:s26] =	ssyncadd.s32 $0xFFFF8000  }
0x158: {  	_ =	swait.ge [sflag:s5], $0x8000  }
0x159: {  	[sflag:s5] =	ssyncset.done $0x0  }
0x15a: {  	[sflag:s5] =	ssyncadd.s32 $0xFFFF8000  }
0x15b: {  	_ =	swait.ge [sflag:s6], $0x8000  }
0x15c: {  	s0 =	sld [smem:$0x7C8]  }
0x15d: {  	[sflag:s6] =	ssyncset.done $0x0  }
0x15e: {  	s1 =	sld [smem:$0x7C9];
	[sflag:s6] =	ssyncadd.s32 $0xFFFF8000  }
0x15f: {  	[hbm4b:s0+s2] =	stream.linear.scatter [tilespmem:s16], [sflag:$0x5], $0x8000, $0x38;
	[tilespmem:$0x18000] =	vst v63  }
0x160: {  	s0 =	sld [smem:$0x7CA]  }
0x161: {  	[hbm4b:s1+s2] =	stream.linear.scatter [tilespmem:s16], [sflag:$0x8], $0x8000, $0x38;
	[tilespmem:$0x18000] =	vst v63  }
0x162: {  	_ = 	snop  }
0x163: {  	[tilespmem:s2], [sflag:$0x1] =	stream.linear.gather [hbm4b:s0+s2], $0x8000, $0x38;
	[tilespmem:$0x18000] =	vst v63  }
0x164: {  	_ =	swait.ge [sflag:s22], $0x8000  }
0x165: {  	[sflag:s22] =	ssyncset.done $0x0  }
0x166: {  	[sflag:s22] =	ssyncadd.s32 $0xFFFF8000  }
0x167: {  	_ =	swait.ge [sflag:s21], $0x8000  }
0x168: {  	[sflag:s21] =	ssyncset.done $0x0  }
0x169: {  	[sflag:s21] =	ssyncadd.s32 $0xFFFF8000  }
0x16a: {  	_ =	swait.ge [sflag:s17], $0x8000  }
0x16b: {  	s0 =	sld [smem:$0x7CB]  }
0x16c: {  	[sflag:s17] =	ssyncset.done $0x0  }
0x16d: {  	s1 =	sld [smem:$0x7CC];
	[sflag:s17] =	ssyncadd.s32 $0xFFFF8000  }
0x16e: {  	[hbm4b:s0+s2] =	stream.linear.scatter [tilespmem:s10], [sflag:$0x6], $0x8000, $0x38;
	[tilespmem:$0x18000] =	vst v63  }
0x16f: {  	s0 =	sld [smem:$0x7CD]  }
0x170: {  	[hbm4b:s1+s2] =	stream.linear.scatter [tilespmem:s10], [sflag:$0x9], $0x8000, $0x38;
	[tilespmem:$0x18000] =	vst v63  }
0x171: {  	_ = 	snop  }
0x172: {  	[tilespmem:s16], [sflag:$0x2] =	stream.linear.gather [hbm4b:s0+s2], $0x8000, $0x38;
	[tilespmem:$0x18000] =	vst v63  }
0x173: {  	_ =	swait.ge [sflag:s9], $0x8000  }
0x174: {  	[sflag:s9] =	ssyncset.done $0x0  }
0x175: {  	[sflag:s9] =	ssyncadd.s32 $0xFFFF8000  }
0x176: {  	_ =	swait.ge [sflag:s15], $0x8000  }
0x177: {  	[sflag:s15] =	ssyncset.done $0x0  }
0x178: {  	[sflag:s15] =	ssyncadd.s32 $0xFFFF8000  }
0x179: {  	_ =	swait.ge [sflag:s11], $0x8000  }
0x17a: {  	s0 =	sld [smem:$0x7CE]  }
0x17b: {  	[sflag:s11] =	ssyncset.done $0x0  }
0x17c: {  	s1 =	sld [smem:$0x7CF];
	[sflag:s11] =	ssyncadd.s32 $0xFFFF8000  }
0x17d: {  	[hbm4b:s0+s2] =	stream.linear.scatter [tilespmem:s2], [sflag:$0x4], $0x8000, $0x38;
	[tilespmem:$0x18000] =	vst v63  }
0x17e: {  	s0 =	sld [smem:$0x7D0]  }
0x17f: {  	[hbm4b:s1+s2] =	stream.linear.scatter [tilespmem:s2], [sflag:$0x7], $0x8000, $0x38;
	[tilespmem:$0x18000] =	vst v63  }
0x180: {  	_ = 	snop  }
0x181: {  	[tilespmem:s10], [sflag:$0x3] =	stream.linear.gather [hbm4b:s0+s2], $0x8000, $0x38;
	[tilespmem:$0x18000] =	vst v63  }
0x182: {  	_ =	swait.ge [sflag:s26], $0x8000  }
0x183: {  	[sflag:s26] =	ssyncset.done $0x0  }
0x184: {  	[sflag:s26] =	ssyncadd.s32 $0xFFFF8000  }
0x185: {  	_ =	swait.ge [sflag:s5], $0x8000  }
0x186: {  	[sflag:s5] =	ssyncset.done $0x0  }
0x187: {  	[sflag:s5] =	ssyncadd.s32 $0xFFFF8000  }
0x188: {  	_ =	swait.ge [sflag:s6], $0x8000  }
0x189: {  	s0 =	sld [smem:$0x7D1]  }
0x18a: {  	[sflag:s6] =	ssyncset.done $0x0  }
0x18b: {  	s1 =	sld [smem:$0x7D2];
	[sflag:s6] =	ssyncadd.s32 $0xFFFF8000  }
0x18c: {  	[hbm4b:s0+s2] =	stream.linear.scatter [tilespmem:s16], [sflag:$0x5], $0x8000, $0x38;
	[tilespmem:$0x18000] =	vst v63  }
0x18d: {  	s0 =	sld [smem:$0x7D3]  }
0x18e: {  	[hbm4b:s1+s2] =	stream.linear.scatter [tilespmem:s16], [sflag:$0x8], $0x8000, $0x38;
	[tilespmem:$0x18000] =	vst v63  }
0x18f: {  	_ = 	snop  }
0x190: {  	[tilespmem:s2], [sflag:$0x1] =	stream.linear.gather [hbm4b:s0+s2], $0x8000, $0x38;
	[tilespmem:$0x18000] =	vst v63  }
0x191: {  	_ =	swait.ge [sflag:s22], $0x8000  }
0x192: {  	[sflag:s22] =	ssyncset.done $0x0  }
0x193: {  	[sflag:s22] =	ssyncadd.s32 $0xFFFF8000  }
0x194: {  	_ =	swait.ge [sflag:s21], $0x8000  }
0x195: {  	[sflag:s21] =	ssyncset.done $0x0  }
0x196: {  	[sflag:s21] =	ssyncadd.s32 $0xFFFF8000  }
0x197: {  	_ =	swait.ge [sflag:s17], $0x8000  }
0x198: {  	s0 =	sld [smem:$0x7D4]  }
0x199: {  	[sflag:s17] =	ssyncset.done $0x0  }
0x19a: {  	s1 =	sld [smem:$0x7D5];
	[sflag:s17] =	ssyncadd.s32 $0xFFFF8000  }
0x19b: {  	[hbm4b:s0+s2] =	stream.linear.scatter [tilespmem:s10], [sflag:$0x6], $0x8000, $0x38;
	[tilespmem:$0x18000] =	vst v63  }
0x19c: {  	s0 =	sld [smem:$0x7D6]  }
0x19d: {  	[hbm4b:s1+s2] =	stream.linear.scatter [tilespmem:s10], [sflag:$0x9], $0x8000, $0x38;
	[tilespmem:$0x18000] =	vst v63  }
0x19e: {  	_ = 	snop  }
0x19f: {  	[tilespmem:s16], [sflag:$0x2] =	stream.linear.gather [hbm4b:s0+s2], $0x8000, $0x38;
	[tilespmem:$0x18000] =	vst v63  }
0x1a0: {  	_ =	swait.ge [sflag:s9], $0x8000  }
0x1a1: {  	[sflag:s9] =	ssyncset.done $0x0  }
0x1a2: {  	[sflag:s9] =	ssyncadd.s32 $0xFFFF8000  }
0x1a3: {  	_ =	swait.ge [sflag:s15], $0x8000  }
0x1a4: {  	[sflag:s15] =	ssyncset.done $0x0  }
0x1a5: {  	[sflag:s15] =	ssyncadd.s32 $0xFFFF8000  }
0x1a6: {  	_ =	swait.ge [sflag:s11], $0x8000  }
0x1a7: {  	s0 =	sld [smem:$0x7D7]  }
0x1a8: {  	[sflag:s11] =	ssyncset.done $0x0  }
0x1a9: {  	s1 =	sld [smem:$0x7D8];
	[sflag:s11] =	ssyncadd.s32 $0xFFFF8000  }
0x1aa: {  	[hbm4b:s0+s2] =	stream.linear.scatter [tilespmem:s2], [sflag:$0x4], $0x8000, $0x38;
	[tilespmem:$0x18000] =	vst v63  }
0x1ab: {  	s0 =	sld [smem:$0x7D9]  }
0x1ac: {  	[hbm4b:s1+s2] =	stream.linear.scatter [tilespmem:s2], [sflag:$0x7], $0x8000, $0x38;
	[tilespmem:$0x18000] =	vst v63  }
0x1ad: {  	_ = 	snop  }
0x1ae: {  	[tilespmem:s10], [sflag:$0x3] =	stream.linear.gather [hbm4b:s0+s2], $0x8000, $0x38;
	[tilespmem:$0x18000] =	vst v63  }
0x1af: {  	_ =	swait.ge [sflag:s26], $0x8000  }
0x1b0: {  	[sflag:s26] =	ssyncset.done $0x0  }
0x1b1: {  	[sflag:s26] =	ssyncadd.s32 $0xFFFF8000  }
0x1b2: {  	_ =	swait.ge [sflag:s5], $0x8000  }
0x1b3: {  	[sflag:s5] =	ssyncset.done $0x0  }
0x1b4: {  	[sflag:s5] =	ssyncadd.s32 $0xFFFF8000  }
0x1b5: {  	_ =	swait.ge [sflag:s6], $0x8000  }
0x1b6: {  	s0 =	sld [smem:$0x7DA]  }
0x1b7: {  	[sflag:s6] =	ssyncset.done $0x0  }
0x1b8: {  	s1 =	sld [smem:$0x7DB];
	[sflag:s6] =	ssyncadd.s32 $0xFFFF8000  }
0x1b9: {  	[hbm4b:s0+s2] =	stream.linear.scatter [tilespmem:s16], [sflag:$0x5], $0x8000, $0x38;
	[tilespmem:$0x18000] =	vst v63  }
0x1ba: {  	s0 =	sld [smem:$0x7DC]  }
0x1bb: {  	[hbm4b:s1+s2] =	stream.linear.scatter [tilespmem:s16], [sflag:$0x8], $0x8000, $0x38;
	[tilespmem:$0x18000] =	vst v63  }
0x1bc: {  	_ = 	snop  }
0x1bd: {  	[tilespmem:s2], [sflag:$0x1] =	stream.linear.gather [hbm4b:s0+s2], $0x8000, $0x38;
	[tilespmem:$0x18000] =	vst v63  }
0x1be: {  	_ =	swait.ge [sflag:s22], $0x8000  }
0x1bf: {  	[sflag:s22] =	ssyncset.done $0x0  }
0x1c0: {  	[sflag:s22] =	ssyncadd.s32 $0xFFFF8000  }
0x1c1: {  	_ =	swait.ge [sflag:s21], $0x8000  }
0x1c2: {  	[sflag:s21] =	ssyncset.done $0x0  }
0x1c3: {  	[sflag:s21] =	ssyncadd.s32 $0xFFFF8000  }
0x1c4: {  	_ =	swait.ge [sflag:s17], $0x8000  }
0x1c5: {  	s0 =	sld [smem:$0x7DD]  }
0x1c6: {  	[sflag:s17] =	ssyncset.done $0x0  }
0x1c7: {  	s1 =	sld [smem:$0x7DE];
	[sflag:s17] =	ssyncadd.s32 $0xFFFF8000  }
0x1c8: {  	[hbm4b:s0+s2] =	stream.linear.scatter [tilespmem:s10], [sflag:$0x6], $0x8000, $0x38;
	[tilespmem:$0x18000] =	vst v63  }
0x1c9: {  	s0 =	sld [smem:$0x7DF]  }
0x1ca: {  	[hbm4b:s1+s2] =	stream.linear.scatter [tilespmem:s10], [sflag:$0x9], $0x8000, $0x38;
	[tilespmem:$0x18000] =	vst v63  }
0x1cb: {  	_ = 	snop  }
0x1cc: {  	[tilespmem:s16], [sflag:$0x2] =	stream.linear.gather [hbm4b:s0+s2], $0x8000, $0x38;
	[tilespmem:$0x18000] =	vst v63  }
0x1cd: {  	_ =	swait.ge [sflag:s9], $0x8000  }
0x1ce: {  	[sflag:s9] =	ssyncset.done $0x0  }
0x1cf: {  	[sflag:s9] =	ssyncadd.s32 $0xFFFF8000  }
0x1d0: {  	_ =	swait.ge [sflag:s15], $0x8000  }
0x1d1: {  	[sflag:s15] =	ssyncset.done $0x0  }
0x1d2: {  	[sflag:s15] =	ssyncadd.s32 $0xFFFF8000  }
0x1d3: {  	_ =	swait.ge [sflag:s11], $0x8000  }
0x1d4: {  	s0 =	sld [smem:$0x7E0]  }
0x1d5: {  	[sflag:s11] =	ssyncset.done $0x0  }
0x1d6: {  	s1 =	sld [smem:$0x7E1];
	[sflag:s11] =	ssyncadd.s32 $0xFFFF8000  }
0x1d7: {  	[hbm4b:s0+s2] =	stream.linear.scatter [tilespmem:s2], [sflag:$0x4], $0x8000, $0x38;
	[tilespmem:$0x18000] =	vst v63  }
0x1d8: {  	s0 =	sld [smem:$0x7E2]  }
0x1d9: {  	[hbm4b:s1+s2] =	stream.linear.scatter [tilespmem:s2], [sflag:$0x7], $0x8000, $0x38;
	[tilespmem:$0x18000] =	vst v63  }
0x1da: {  	_ = 	snop  }
0x1db: {  	[tilespmem:s10], [sflag:$0x3] =	stream.linear.gather [hbm4b:s0+s2], $0x8000, $0x38;
	[tilespmem:$0x18000] =	vst v63  }
0x1dc: {  	_ =	swait.ge [sflag:s26], $0x8000  }
0x1dd: {  	[sflag:s26] =	ssyncset.done $0x0  }
0x1de: {  	[sflag:s26] =	ssyncadd.s32 $0xFFFF8000  }
0x1df: {  	_ =	swait.ge [sflag:s5], $0x8000  }
0x1e0: {  	[sflag:s5] =	ssyncset.done $0x0  }
0x1e1: {  	[sflag:s5] =	ssyncadd.s32 $0xFFFF8000  }
0x1e2: {  	_ =	swait.ge [sflag:s6], $0x8000  }
0x1e3: {  	s0 =	sld [smem:$0x7E3]  }
0x1e4: {  	[sflag:s6] =	ssyncset.done $0x0  }
0x1e5: {  	s1 =	sld [smem:$0x7E4];
	[sflag:s6] =	ssyncadd.s32 $0xFFFF8000  }
0x1e6: {  	[hbm4b:s0+s2] =	stream.linear.scatter [tilespmem:s16], [sflag:$0x5], $0x8000, $0x38;
	[tilespmem:$0x18000] =	vst v63  }
0x1e7: {  	s0 =	sld [smem:$0x7E5]  }
0x1e8: {  	[hbm4b:s1+s2] =	stream.linear.scatter [tilespmem:s16], [sflag:$0x8], $0x8000, $0x38;
	[tilespmem:$0x18000] =	vst v63  }
0x1e9: {  	_ = 	snop  }
0x1ea: {  	[tilespmem:s2], [sflag:$0x1] =	stream.linear.gather [hbm4b:s0+s2], $0x8000, $0x38;
	[tilespmem:$0x18000] =	vst v63  }
0x1eb: {  	_ =	swait.ge [sflag:s22], $0x8000  }
0x1ec: {  	[sflag:s22] =	ssyncset.done $0x0  }
0x1ed: {  	[sflag:s22] =	ssyncadd.s32 $0xFFFF8000  }
0x1ee: {  	_ =	swait.ge [sflag:s21], $0x8000  }
0x1ef: {  	[sflag:s21] =	ssyncset.done $0x0  }
0x1f0: {  	[sflag:s21] =	ssyncadd.s32 $0xFFFF8000  }
0x1f1: {  	_ =	swait.ge [sflag:s17], $0x8000  }
0x1f2: {  	s0 =	sld [smem:$0x7E6]  }
0x1f3: {  	[sflag:s17] =	ssyncset.done $0x0  }
0x1f4: {  	s1 =	sld [smem:$0x7E7];
	[sflag:s17] =	ssyncadd.s32 $0xFFFF8000  }
0x1f5: {  	[hbm4b:s0+s2] =	stream.linear.scatter [tilespmem:s10], [sflag:$0x6], $0x8000, $0x38;
	[tilespmem:$0x18000] =	vst v63  }
0x1f6: {  	s0 =	sld [smem:$0x7E8]  }
0x1f7: {  	[hbm4b:s1+s2] =	stream.linear.scatter [tilespmem:s10], [sflag:$0x9], $0x8000, $0x38;
	[tilespmem:$0x18000] =	vst v63  }
0x1f8: {  	_ = 	snop  }
0x1f9: {  	[tilespmem:s16], [sflag:$0x2] =	stream.linear.gather [hbm4b:s0+s2], $0x8000, $0x38;
	[tilespmem:$0x18000] =	vst v63  }
0x1fa: {  	_ =	swait.ge [sflag:s9], $0x8000  }
0x1fb: {  	[sflag:s9] =	ssyncset.done $0x0  }
0x1fc: {  	[sflag:s9] =	ssyncadd.s32 $0xFFFF8000  }
0x1fd: {  	_ =	swait.ge [sflag:s15], $0x8000  }
0x1fe: {  	[sflag:s15] =	ssyncset.done $0x0  }
0x1ff: {  	[sflag:s15] =	ssyncadd.s32 $0xFFFF8000  }
0x200: {  	_ =	swait.ge [sflag:s11], $0x8000  }
0x201: {  	s0 =	sld [smem:$0x7E9]  }
0x202: {  	[sflag:s11] =	ssyncset.done $0x0  }
0x203: {  	s1 =	sld [smem:$0x7EA];
	[sflag:s11] =	ssyncadd.s32 $0xFFFF8000  }
0x204: {  	[hbm4b:s0+s2] =	stream.linear.scatter [tilespmem:s2], [sflag:$0x4], $0x8000, $0x38;
	[tilespmem:$0x18000] =	vst v63  }
0x205: {  	s0 =	sld [smem:$0x7EB]  }
0x206: {  	[hbm4b:s1+s2] =	stream.linear.scatter [tilespmem:s2], [sflag:$0x7], $0x8000, $0x38;
	[tilespmem:$0x18000] =	vst v63  }
0x207: {  	_ = 	snop  }
0x208: {  	[tilespmem:s10], [sflag:$0x3] =	stream.linear.gather [hbm4b:s0+s2], $0x8000, $0x38;
	[tilespmem:$0x18000] =	vst v63  }
0x209: {  	_ =	swait.ge [sflag:s26], $0x8000  }
0x20a: {  	[sflag:s26] =	ssyncset.done $0x0  }
0x20b: {  	[sflag:s26] =	ssyncadd.s32 $0xFFFF8000  }
0x20c: {  	_ =	swait.ge [sflag:s5], $0x8000  }
0x20d: {  	[sflag:s5] =	ssyncset.done $0x0  }
0x20e: {  	[sflag:s5] =	ssyncadd.s32 $0xFFFF8000  }
0x20f: {  	_ =	swait.ge [sflag:s6], $0x8000  }
0x210: {  	s0 =	sld [smem:$0x7EC]  }
0x211: {  	[sflag:s6] =	ssyncset.done $0x0  }
0x212: {  	s1 =	sld [smem:$0x7ED];
	[sflag:s6] =	ssyncadd.s32 $0xFFFF8000  }
0x213: {  	[hbm4b:s0+s2] =	stream.linear.scatter [tilespmem:s16], [sflag:$0x5], $0x8000, $0x38;
	[tilespmem:$0x18000] =	vst v63  }
0x214: {  	s0 =	sld [smem:$0x7EE]  }
0x215: {  	[hbm4b:s1+s2] =	stream.linear.scatter [tilespmem:s16], [sflag:$0x8], $0x8000, $0x38;
	[tilespmem:$0x18000] =	vst v63  }
0x216: {  	_ = 	snop  }
0x217: {  	[tilespmem:s2], [sflag:$0x1] =	stream.linear.gather [hbm4b:s0+s2], $0x8000, $0x38;
	[tilespmem:$0x18000] =	vst v63  }
0x218: {  	_ =	swait.ge [sflag:s22], $0x8000  }
0x219: {  	[sflag:s22] =	ssyncset.done $0x0  }
0x21a: {  	[sflag:s22] =	ssyncadd.s32 $0xFFFF8000  }
0x21b: {  	_ =	swait.ge [sflag:s21], $0x8000  }
0x21c: {  	[sflag:s21] =	ssyncset.done $0x0  }
0x21d: {  	[sflag:s21] =	ssyncadd.s32 $0xFFFF8000  }
0x21e: {  	_ =	swait.ge [sflag:s17], $0x8000  }
0x21f: {  	s0 =	sld [smem:$0x7EF]  }
0x220: {  	[sflag:s17] =	ssyncset.done $0x0  }
0x221: {  	s1 =	sld [smem:$0x7F0];
	[sflag:s17] =	ssyncadd.s32 $0xFFFF8000  }
0x222: {  	[hbm4b:s0+s2] =	stream.linear.scatter [tilespmem:s10], [sflag:$0x6], $0x8000, $0x38;
	[tilespmem:$0x18000] =	vst v63  }
0x223: {  	s0 =	sld [smem:$0x7F1]  }
0x224: {  	[hbm4b:s1+s2] =	stream.linear.scatter [tilespmem:s10], [sflag:$0x9], $0x8000, $0x38;
	[tilespmem:$0x18000] =	vst v63  }
0x225: {  	_ = 	snop  }
0x226: {  	[tilespmem:s16], [sflag:$0x2] =	stream.linear.gather [hbm4b:s0+s2], $0x8000, $0x38;
	[tilespmem:$0x18000] =	vst v63  }
0x227: {  	_ =	swait.ge [sflag:s9], $0x8000  }
0x228: {  	[sflag:s9] =	ssyncset.done $0x0  }
0x229: {  	[sflag:s9] =	ssyncadd.s32 $0xFFFF8000  }
0x22a: {  	_ =	swait.ge [sflag:s15], $0x8000  }
0x22b: {  	[sflag:s15] =	ssyncset.done $0x0  }
0x22c: {  	[sflag:s15] =	ssyncadd.s32 $0xFFFF8000  }
0x22d: {  	_ =	swait.ge [sflag:s11], $0x8000  }
0x22e: {  	s0 =	sld [smem:$0x7F2]  }
0x22f: {  	[sflag:s11] =	ssyncset.done $0x0  }
0x230: {  	s1 =	sld [smem:$0x7F3];
	[sflag:s11] =	ssyncadd.s32 $0xFFFF8000  }
0x231: {  	[hbm4b:s0+s2] =	stream.linear.scatter [tilespmem:s2], [sflag:$0x4], $0x8000, $0x38;
	[tilespmem:$0x18000] =	vst v63  }
0x232: {  	s0 =	sld [smem:$0x7F4]  }
0x233: {  	[hbm4b:s1+s2] =	stream.linear.scatter [tilespmem:s2], [sflag:$0x7], $0x8000, $0x38;
	[tilespmem:$0x18000] =	vst v63  }
0x234: {  	_ = 	snop  }
0x235: {  	[tilespmem:s10], [sflag:$0x3] =	stream.linear.gather [hbm4b:s0+s2], $0x8000, $0x38;
	[tilespmem:$0x18000] =	vst v63  }
0x236: {  	_ =	swait.ge [sflag:s26], $0x8000  }
0x237: {  	[sflag:s26] =	ssyncset.done $0x0  }
0x238: {  	[sflag:s26] =	ssyncadd.s32 $0xFFFF8000  }
0x239: {  	_ =	swait.ge [sflag:s5], $0x8000  }
0x23a: {  	[sflag:s5] =	ssyncset.done $0x0  }
0x23b: {  	[sflag:s5] =	ssyncadd.s32 $0xFFFF8000  }
0x23c: {  	_ =	swait.ge [sflag:s6], $0x8000  }
0x23d: {  	s0 =	sld [smem:$0x7F5]  }
0x23e: {  	[sflag:s6] =	ssyncset.done $0x0  }
0x23f: {  	s1 =	sld [smem:$0x7F6];
	[sflag:s6] =	ssyncadd.s32 $0xFFFF8000  }
0x240: {  	[hbm4b:s0+s2] =	stream.linear.scatter [tilespmem:s16], [sflag:$0x5], $0x8000, $0x38;
	[tilespmem:$0x18000] =	vst v63  }
0x241: {  	s0 =	sld [smem:$0x7F7]  }
0x242: {  	[hbm4b:s1+s2] =	stream.linear.scatter [tilespmem:s16], [sflag:$0x8], $0x8000, $0x38;
	[tilespmem:$0x18000] =	vst v63  }
0x243: {  	_ = 	snop  }
0x244: {  	[tilespmem:s2], [sflag:$0x1] =	stream.linear.gather [hbm4b:s0+s2], $0x8000, $0x38;
	[tilespmem:$0x18000] =	vst v63  }
0x245: {  	_ =	swait.ge [sflag:s22], $0x8000  }
0x246: {  	[sflag:s22] =	ssyncset.done $0x0  }
0x247: {  	[sflag:s22] =	ssyncadd.s32 $0xFFFF8000  }
0x248: {  	_ =	swait.ge [sflag:s21], $0x8000  }
0x249: {  	[sflag:s21] =	ssyncset.done $0x0  }
0x24a: {  	[sflag:s21] =	ssyncadd.s32 $0xFFFF8000  }
0x24b: {  	_ =	swait.ge [sflag:s17], $0x8000  }
0x24c: {  	s0 =	sld [smem:$0x7F8]  }
0x24d: {  	[sflag:s17] =	ssyncset.done $0x0  }
0x24e: {  	s1 =	sld [smem:$0x7F9];
	[sflag:s17] =	ssyncadd.s32 $0xFFFF8000  }
0x24f: {  	[hbm4b:s0+s2] =	stream.linear.scatter [tilespmem:s10], [sflag:$0x6], $0x8000, $0x38;
	[tilespmem:$0x18000] =	vst v63  }
0x250: {  	s0 =	sld [smem:$0x7FA]  }
0x251: {  	[hbm4b:s1+s2] =	stream.linear.scatter [tilespmem:s10], [sflag:$0x9], $0x8000, $0x38;
	[tilespmem:$0x18000] =	vst v63  }
0x252: {  	_ = 	snop  }
0x253: {  	[tilespmem:s16], [sflag:$0x2] =	stream.linear.gather [hbm4b:s0+s2], $0x8000, $0x38;
	[tilespmem:$0x18000] =	vst v63  }
0x254: {  	_ =	swait.ge [sflag:s9], $0x8000  }
0x255: {  	[sflag:s9] =	ssyncset.done $0x0  }
0x256: {  	[sflag:s9] =	ssyncadd.s32 $0xFFFF8000  }
0x257: {  	_ =	swait.ge [sflag:s15], $0x8000  }
0x258: {  	[sflag:s15] =	ssyncset.done $0x0  }
0x259: {  	[sflag:s15] =	ssyncadd.s32 $0xFFFF8000  }
0x25a: {  	_ =	swait.ge [sflag:s11], $0x8000  }
0x25b: {  	s0 =	sld [smem:$0x7FB]  }
0x25c: {  	[sflag:s11] =	ssyncset.done $0x0  }
0x25d: {  	s1 =	sld [smem:$0x7FC];
	[sflag:s11] =	ssyncadd.s32 $0xFFFF8000  }
0x25e: {  	[hbm4b:s0+s2] =	stream.linear.scatter [tilespmem:s2], [sflag:$0x4], $0x8000, $0x38;
	[tilespmem:$0x18000] =	vst v63  }
0x25f: {  	s0 =	sld [smem:$0x7FD]  }
0x260: {  	[hbm4b:s1+s2] =	stream.linear.scatter [tilespmem:s2], [sflag:$0x7], $0x8000, $0x38;
	[tilespmem:$0x18000] =	vst v63  }
0x261: {  	_ = 	snop  }
0x262: {  	[tilespmem:s10], [sflag:$0x3] =	stream.linear.gather [hbm4b:s0+s2], $0x8000, $0x38;
	[tilespmem:$0x18000] =	vst v63  }
0x263: {  	_ =	swait.ge [sflag:s26], $0x8000  }
0x264: {  	[sflag:s26] =	ssyncset.done $0x0  }
0x265: {  	[sflag:s26] =	ssyncadd.s32 $0xFFFF8000  }
0x266: {  	_ =	swait.ge [sflag:s5], $0x8000  }
0x267: {  	[sflag:s5] =	ssyncset.done $0x0  }
0x268: {  	[sflag:s5] =	ssyncadd.s32 $0xFFFF8000  }
0x269: {  	_ =	swait.ge [sflag:s6], $0x8000  }
0x26a: {  	[sflag:s6] =	ssyncset.done $0x0  }
0x26b: {  	[sflag:s6] =	ssyncadd.s32 $0xFFFF8000  }
0x26c: {  	[hbm4b:s28+s2] =	stream.linear.scatter [tilespmem:s16], [sflag:$0x5], $0x8000, $0x38;
	[tilespmem:$0x18000] =	vst v63  }
0x26d: {  	_ = 	snop  }
0x26e: {  	[hbm4b:s29+s2] =	stream.linear.scatter [tilespmem:s16], [sflag:$0x8], $0x8000, $0x38;
	[tilespmem:$0x18000] =	vst v63  }
0x26f: {  	_ = 	snop  }
0x270: {  	[tilespmem:s2], [sflag:$0x1] =	stream.linear.gather [hbm4b:s30+s2], $0x8000, $0x38;
	[tilespmem:$0x18000] =	vst v63  }
0x271: {  	_ =	swait.ge [sflag:s22], $0x8000  }
0x272: {  	[sflag:s22] =	ssyncset.done $0x0  }
0x273: {  	[sflag:s22] =	ssyncadd.s32 $0xFFFF8000  }
0x274: {  	_ =	swait.ge [sflag:s21], $0x8000  }
0x275: {  	[sflag:s21] =	ssyncset.done $0x0  }
0x276: {  	[sflag:s21] =	ssyncadd.s32 $0xFFFF8000  }
0x277: {  	_ =	swait.ge [sflag:s17], $0x8000  }
0x278: {  	[sflag:s17] =	ssyncset.done $0x0  }
0x279: {  	[sflag:s17] =	ssyncadd.s32 $0xFFFF8000  }
0x27a: {  	[hbm4b:s23+s2] =	stream.linear.scatter [tilespmem:s10], [sflag:$0x6], $0x8000, $0x38;
	[tilespmem:$0x18000] =	vst v63  }
0x27b: {  	_ = 	snop  }
0x27c: {  	[hbm4b:s24+s2] =	stream.linear.scatter [tilespmem:s10], [sflag:$0x9], $0x8000, $0x38;
	[tilespmem:$0x18000] =	vst v63  }
0x27d: {  	_ = 	snop  }
0x27e: {  	[tilespmem:s16], [sflag:$0x2] =	stream.linear.gather [hbm4b:s25+s2], $0x8000, $0x38;
	[tilespmem:$0x18000] =	vst v63  }
0x27f: {  	_ =	swait.ge [sflag:s9], $0x8000  }
0x280: {  	[sflag:s9] =	ssyncset.done $0x0  }
0x281: {  	[sflag:s9] =	ssyncadd.s32 $0xFFFF8000  }
0x282: {  	_ =	swait.ge [sflag:s15], $0x8000  }
0x283: {  	[sflag:s15] =	ssyncset.done $0x0  }
0x284: {  	[sflag:s15] =	ssyncadd.s32 $0xFFFF8000  }
0x285: {  	_ =	swait.ge [sflag:s11], $0x8000  }
0x286: {  	[sflag:s11] =	ssyncset.done $0x0  }
0x287: {  	[sflag:s11] =	ssyncadd.s32 $0xFFFF8000  }
0x288: {  	[hbm4b:s18+s2] =	stream.linear.scatter [tilespmem:s2], [sflag:$0x4], $0x8000, $0x38;
	[tilespmem:$0x18000] =	vst v63  }
0x289: {  	_ = 	snop  }
0x28a: {  	[hbm4b:s19+s2] =	stream.linear.scatter [tilespmem:s2], [sflag:$0x7], $0x8000, $0x38;
	[tilespmem:$0x18000] =	vst v63  }
0x28b: {  	_ = 	snop  }
0x28c: {  	[tilespmem:s10], [sflag:$0x3] =	stream.linear.gather [hbm4b:s20+s2], $0x8000, $0x38;
	[tilespmem:$0x18000] =	vst v63  }
0x28d: {  	_ =	swait.ge [sflag:s26], $0x8000  }
0x28e: {  	[sflag:s26] =	ssyncset.done $0x0  }
0x28f: {  	[sflag:s26] =	ssyncadd.s32 $0xFFFF8000  }
0x290: {  	_ =	swait.ge [sflag:s5], $0x8000  }
0x291: {  	[sflag:s5] =	ssyncset.done $0x0  }
0x292: {  	[sflag:s5] =	ssyncadd.s32 $0xFFFF8000  }
0x293: {  	_ =	swait.ge [sflag:s6], $0x8000  }
0x294: {  	[sflag:s6] =	ssyncset.done $0x0  }
0x295: {  	[sflag:s6] =	ssyncadd.s32 $0xFFFF8000  }
0x296: {  	[hbm4b:s12+s2] =	stream.linear.scatter [tilespmem:s16], [sflag:$0x5], $0x8000, $0x38;
	[tilespmem:$0x18000] =	vst v63  }
0x297: {  	_ = 	snop  }
0x298: {  	[hbm4b:s13+s2] =	stream.linear.scatter [tilespmem:s16], [sflag:$0x8], $0x8000, $0x38;
	[tilespmem:$0x18000] =	vst v63  }
0x299: {  	_ = 	snop  }
0x29a: {  	[tilespmem:s2], [sflag:$0x1] =	stream.linear.gather [hbm4b:s14+s2], $0x8000, $0x38;
	[tilespmem:$0x18000] =	vst v63  }
0x29b: {  	_ =	swait.ge [sflag:s22], $0x8000  }
0x29c: {  	[sflag:s22] =	ssyncset.done $0x0  }
0x29d: {  	[sflag:s22] =	ssyncadd.s32 $0xFFFF8000  }
0x29e: {  	_ =	swait.ge [sflag:s21], $0x8000  }
0x29f: {  	[sflag:s21] =	ssyncset.done $0x0  }
0x2a0: {  	[sflag:s21] =	ssyncadd.s32 $0xFFFF8000  }
0x2a1: {  	_ =	swait.ge [sflag:s17], $0x8000  }
0x2a2: {  	[sflag:s17] =	ssyncset.done $0x0  }
0x2a3: {  	[sflag:s17] =	ssyncadd.s32 $0xFFFF8000  }
0x2a4: {  	[hbm4b:s7+s2] =	stream.linear.scatter [tilespmem:s10], [sflag:$0x6], $0x8000, $0x38;
	[tilespmem:$0x18000] =	vst v63  }
0x2a5: {  	_ = 	snop  }
0x2a6: {  	[hbm4b:s8+s2] =	stream.linear.scatter [tilespmem:s10], [sflag:$0x9], $0x8000, $0x38;
	[tilespmem:$0x18000] =	vst v63  }
0x2a7: {  	_ =	swait.ge [sflag:s9], $0x8000  }
0x2a8: {  	[sflag:s9] =	ssyncset.done $0x0  }
0x2a9: {  	[sflag:s9] =	ssyncadd.s32 $0xFFFF8000  }
0x2aa: {  	_ =	swait.ge [sflag:s15], $0x8000  }
0x2ab: {  	[sflag:s15] =	ssyncset.done $0x0  }
0x2ac: {  	[sflag:s15] =	ssyncadd.s32 $0xFFFF8000  }
0x2ad: {  	_ =	swait.ge [sflag:s11], $0x8000  }
0x2ae: {  	[sflag:s11] =	ssyncset.done $0x0  }
0x2af: {  	[sflag:s11] =	ssyncadd.s32 $0xFFFF8000  }
0x2b0: {  	[hbm4b:s3+s2] =	stream.linear.scatter [tilespmem:s2], [sflag:$0x4], $0x8000, $0x38;
	[tilespmem:$0x18000] =	vst v63  }
0x2b1: {  	_ = 	snop  }
0x2b2: {  	[hbm4b:s4+s2] =	stream.linear.scatter [tilespmem:s2], [sflag:$0x7], $0x8000, $0x38;
	[tilespmem:$0x18000] =	vst v63  }
0x2b3: {  	_ =	swait.ge [sflag:s5], $0x8000  }
0x2b4: {  	s1 =	sld [smem:$0x7B2];
	_ =	sdelay $0x2  }
0x2b5: {  	p1 =	sne.s32 s1, $0x1  }
.Ltmp1:
0x2b6: {  	[sflag:s5] =	ssyncset.done $0x0;
	(pc) =	sbr.rel @!p1 .LBB2_2-.Ltmp1, $4  }
0x2b7: {  	[sflag:s5] =	ssyncadd.s32 $0xFFFF8000  }
0x2b8: {  	_ =	swait.ge [sflag:s6], $0x8000  }
0x2b9: {  	s0 =	sadd.s32 $0xFFFFFFFF, s1;
	s1 =	rddreg [dreg:$0x3]  }
0x2ba: {  	p0 =	por $0x1, $0x1;
	[sflag:s6] =	ssyncset.done $0x0;
	[smem:$0x7B3] =	sst s31  }
.LBB2_3:
0x2bb: {  	[sflag:s6] =	ssyncadd.s32 $0xFFFF8000;
	s31 =	smov.u32 s30;
	s30 =	smov.u32 s29  }
0x2bc: {  	s29 =	smov.u32 s28;
	s28 =	smov.u32 s25;
	s25 =	smov.u32 s24  }
0x2bd: {  	s24 =	smov.u32 s23;
	s23 =	smov.u32 s20;
	s20 =	smov.u32 s19  }
0x2be: {  	s19 =	smov.u32 s18;
	s18 =	smov.u32 s14;
	s14 =	smov.u32 s13  }
0x2bf: {  	s13 =	smov.u32 s12;
	s12 =	smov.u32 s8;
	s8 =	smov.u32 s7  }
0x2c0: {  	[tilespmem:s2], [sflag:$0x1] =	stream.linear.gather [hbm4b:s1+s2], $0x8000, $0x38;
	[tilespmem:$0x18000] =	vst v63  }
0x2c1: {  	s7 =	smov.u32 s4;
	s4 =	smov.u32 s3;
	s3 =	rddreg [dreg:$0x4]  }
0x2c2: {  	[tilespmem:s16], [sflag:$0x2] =	stream.linear.gather [hbm4b:s3+s2], $0x8000, $0x38;
	[tilespmem:$0x18000] =	vst v63  }
0x2c3: {  	_ =	swait.ge [sflag:s9], $0x8000  }
0x2c4: {  	s3 =	sld [smem:$0x7B3]  }
0x2c5: {  	[sflag:s9] =	ssyncset.done $0x0  }
0x2c6: {  	[sflag:s9] =	ssyncadd.s32 $0xFFFF8000  }
0x2c7: {  	[hbm4b:s3+s2] =	stream.linear.scatter [tilespmem:s2], [sflag:$0x4], $0x8000, $0x38;
	[tilespmem:$0x18000] =	vst v63  }
0x2c8: {  	s1 =	rddreg [dreg:$0x5]  }
0x2c9: {  	[hbm4b:s1+s2] =	stream.linear.scatter [tilespmem:s2], [sflag:$0x7], $0x8000, $0x38;
	[tilespmem:$0x18000] =	vst v63  }
0x2ca: {  	s3 =	rddreg [dreg:$0x6]  }
0x2cb: {  	[tilespmem:s10], [sflag:$0x3] =	stream.linear.gather [hbm4b:s3+s2], $0x8000, $0x38;
	[tilespmem:$0x18000] =	vst v63  }
0x2cc: {  	_ =	swait.ge [sflag:s26], $0x8000  }
0x2cd: {  	[sflag:s26] =	ssyncset.done $0x0  }
0x2ce: {  	[sflag:s26] =	ssyncadd.s32 $0xFFFF8000  }
0x2cf: {  	_ =	swait.ge [sflag:s5], $0x8000  }
0x2d0: {  	[sflag:s5] =	ssyncset.done $0x0  }
0x2d1: {  	[sflag:s5] =	ssyncadd.s32 $0xFFFF8000  }
0x2d2: {  	_ =	swait.ge [sflag:s6], $0x8000  }
0x2d3: {  	[sflag:s6] =	ssyncset.done $0x0  }
0x2d4: {  	s1 =	rddreg [dreg:$0x7];
	[sflag:s6] =	ssyncadd.s32 $0xFFFF8000  }
0x2d5: {  	[hbm4b:s1+s2] =	stream.linear.scatter [tilespmem:s16], [sflag:$0x5], $0x8000, $0x38;
	[tilespmem:$0x18000] =	vst v63  }
0x2d6: {  	s3 =	rddreg [dreg:$0x8]  }
0x2d7: {  	[hbm4b:s3+s2] =	stream.linear.scatter [tilespmem:s16], [sflag:$0x8], $0x8000, $0x38;
	[tilespmem:$0x18000] =	vst v63  }
0x2d8: {  	s1 =	rddreg [dreg:$0x9]  }
0x2d9: {  	[tilespmem:s2], [sflag:$0x1] =	stream.linear.gather [hbm4b:s1+s2], $0x8000, $0x38;
	[tilespmem:$0x18000] =	vst v63  }
0x2da: {  	_ =	swait.ge [sflag:s22], $0x8000  }
0x2db: {  	[sflag:s22] =	ssyncset.done $0x0  }
0x2dc: {  	[sflag:s22] =	ssyncadd.s32 $0xFFFF8000  }
0x2dd: {  	_ =	swait.ge [sflag:s21], $0x8000  }
0x2de: {  	[sflag:s21] =	ssyncset.done $0x0  }
0x2df: {  	[sflag:s21] =	ssyncadd.s32 $0xFFFF8000  }
0x2e0: {  	_ =	swait.ge [sflag:s17], $0x8000  }
0x2e1: {  	[sflag:s17] =	ssyncset.done $0x0  }
0x2e2: {  	s1 =	rddreg [dreg:$0xa];
	[sflag:s17] =	ssyncadd.s32 $0xFFFF8000  }
0x2e3: {  	[hbm4b:s1+s2] =	stream.linear.scatter [tilespmem:s10], [sflag:$0x6], $0x8000, $0x38;
	[tilespmem:$0x18000] =	vst v63  }
0x2e4: {  	s3 =	rddreg [dreg:$0xb]  }
0x2e5: {  	[hbm4b:s3+s2] =	stream.linear.scatter [tilespmem:s10], [sflag:$0x9], $0x8000, $0x38;
	[tilespmem:$0x18000] =	vst v63  }
0x2e6: {  	s1 =	rddreg [dreg:$0xc]  }
0x2e7: {  	[tilespmem:s16], [sflag:$0x2] =	stream.linear.gather [hbm4b:s1+s2], $0x8000, $0x38;
	[tilespmem:$0x18000] =	vst v63  }
0x2e8: {  	_ =	swait.ge [sflag:s9], $0x8000  }
0x2e9: {  	[sflag:s9] =	ssyncset.done $0x0  }
0x2ea: {  	[sflag:s9] =	ssyncadd.s32 $0xFFFF8000  }
0x2eb: {  	_ =	swait.ge [sflag:s15], $0x8000  }
0x2ec: {  	[sflag:s15] =	ssyncset.done $0x0  }
0x2ed: {  	[sflag:s15] =	ssyncadd.s32 $0xFFFF8000  }
0x2ee: {  	_ =	swait.ge [sflag:s11], $0x8000  }
0x2ef: {  	[sflag:s11] =	ssyncset.done $0x0  }
0x2f0: {  	s1 =	rddreg [dreg:$0xd];
	[sflag:s11] =	ssyncadd.s32 $0xFFFF8000  }
0x2f1: {  	[hbm4b:s1+s2] =	stream.linear.scatter [tilespmem:s2], [sflag:$0x4], $0x8000, $0x38;
	[tilespmem:$0x18000] =	vst v63  }
0x2f2: {  	s3 =	rddreg [dreg:$0xe]  }
0x2f3: {  	[hbm4b:s3+s2] =	stream.linear.scatter [tilespmem:s2], [sflag:$0x7], $0x8000, $0x38;
	[tilespmem:$0x18000] =	vst v63  }
0x2f4: {  	s1 =	rddreg [dreg:$0xf]  }
0x2f5: {  	[tilespmem:s10], [sflag:$0x3] =	stream.linear.gather [hbm4b:s1+s2], $0x8000, $0x38;
	[tilespmem:$0x18000] =	vst v63  }
0x2f6: {  	_ =	swait.ge [sflag:s26], $0x8000  }
0x2f7: {  	[sflag:s26] =	ssyncset.done $0x0  }
0x2f8: {  	[sflag:s26] =	ssyncadd.s32 $0xFFFF8000  }
0x2f9: {  	_ =	swait.ge [sflag:s5], $0x8000  }
0x2fa: {  	[sflag:s5] =	ssyncset.done $0x0  }
0x2fb: {  	[sflag:s5] =	ssyncadd.s32 $0xFFFF8000  }
0x2fc: {  	_ =	swait.ge [sflag:s6], $0x8000  }
0x2fd: {  	[sflag:s6] =	ssyncset.done $0x0  }
0x2fe: {  	s1 =	rddreg [dreg:$0x10];
	[sflag:s6] =	ssyncadd.s32 $0xFFFF8000  }
0x2ff: {  	[hbm4b:s1+s2] =	stream.linear.scatter [tilespmem:s16], [sflag:$0x5], $0x8000, $0x38;
	[tilespmem:$0x18000] =	vst v63  }
0x300: {  	s3 =	rddreg [dreg:$0x11]  }
0x301: {  	[hbm4b:s3+s2] =	stream.linear.scatter [tilespmem:s16], [sflag:$0x8], $0x8000, $0x38;
	[tilespmem:$0x18000] =	vst v63  }
0x302: {  	s1 =	rddreg [dreg:$0x12]  }
0x303: {  	[tilespmem:s2], [sflag:$0x1] =	stream.linear.gather [hbm4b:s1+s2], $0x8000, $0x38;
	[tilespmem:$0x18000] =	vst v63  }
0x304: {  	_ =	swait.ge [sflag:s22], $0x8000  }
0x305: {  	[sflag:s22] =	ssyncset.done $0x0  }
0x306: {  	[sflag:s22] =	ssyncadd.s32 $0xFFFF8000  }
0x307: {  	_ =	swait.ge [sflag:s21], $0x8000  }
0x308: {  	[sflag:s21] =	ssyncset.done $0x0  }
0x309: {  	[sflag:s21] =	ssyncadd.s32 $0xFFFF8000  }
0x30a: {  	_ =	swait.ge [sflag:s17], $0x8000  }
0x30b: {  	[sflag:s17] =	ssyncset.done $0x0  }
0x30c: {  	s1 =	rddreg [dreg:$0x13];
	[sflag:s17] =	ssyncadd.s32 $0xFFFF8000  }
0x30d: {  	[hbm4b:s1+s2] =	stream.linear.scatter [tilespmem:s10], [sflag:$0x6], $0x8000, $0x38;
	[tilespmem:$0x18000] =	vst v63  }
0x30e: {  	s3 =	rddreg [dreg:$0x14]  }
0x30f: {  	[hbm4b:s3+s2] =	stream.linear.scatter [tilespmem:s10], [sflag:$0x9], $0x8000, $0x38;
	[tilespmem:$0x18000] =	vst v63  }
0x310: {  	s1 =	rddreg [dreg:$0x15]  }
0x311: {  	[tilespmem:s16], [sflag:$0x2] =	stream.linear.gather [hbm4b:s1+s2], $0x8000, $0x38;
	[tilespmem:$0x18000] =	vst v63  }
0x312: {  	_ =	swait.ge [sflag:s9], $0x8000  }
0x313: {  	[sflag:s9] =	ssyncset.done $0x0  }
0x314: {  	[sflag:s9] =	ssyncadd.s32 $0xFFFF8000  }
0x315: {  	_ =	swait.ge [sflag:s15], $0x8000  }
0x316: {  	[sflag:s15] =	ssyncset.done $0x0  }
0x317: {  	[sflag:s15] =	ssyncadd.s32 $0xFFFF8000  }
0x318: {  	_ =	swait.ge [sflag:s11], $0x8000  }
0x319: {  	[sflag:s11] =	ssyncset.done $0x0  }
0x31a: {  	s1 =	rddreg [dreg:$0x16];
	[sflag:s11] =	ssyncadd.s32 $0xFFFF8000  }
0x31b: {  	[hbm4b:s1+s2] =	stream.linear.scatter [tilespmem:s2], [sflag:$0x4], $0x8000, $0x38;
	[tilespmem:$0x18000] =	vst v63  }
0x31c: {  	s3 =	rddreg [dreg:$0x17]  }
0x31d: {  	[hbm4b:s3+s2] =	stream.linear.scatter [tilespmem:s2], [sflag:$0x7], $0x8000, $0x38;
	[tilespmem:$0x18000] =	vst v63  }
0x31e: {  	s1 =	rddreg [dreg:$0x18]  }
0x31f: {  	[tilespmem:s10], [sflag:$0x3] =	stream.linear.gather [hbm4b:s1+s2], $0x8000, $0x38;
	[tilespmem:$0x18000] =	vst v63  }
0x320: {  	_ =	swait.ge [sflag:s26], $0x8000  }
0x321: {  	[sflag:s26] =	ssyncset.done $0x0  }
0x322: {  	[sflag:s26] =	ssyncadd.s32 $0xFFFF8000  }
0x323: {  	_ =	swait.ge [sflag:s5], $0x8000  }
0x324: {  	[sflag:s5] =	ssyncset.done $0x0  }
0x325: {  	[sflag:s5] =	ssyncadd.s32 $0xFFFF8000  }
0x326: {  	_ =	swait.ge [sflag:s6], $0x8000  }
0x327: {  	[sflag:s6] =	ssyncset.done $0x0  }
0x328: {  	s1 =	rddreg [dreg:$0x19];
	[sflag:s6] =	ssyncadd.s32 $0xFFFF8000  }
0x329: {  	[hbm4b:s1+s2] =	stream.linear.scatter [tilespmem:s16], [sflag:$0x5], $0x8000, $0x38;
	[tilespmem:$0x18000] =	vst v63  }
0x32a: {  	s3 =	rddreg [dreg:$0x1a]  }
0x32b: {  	[hbm4b:s3+s2] =	stream.linear.scatter [tilespmem:s16], [sflag:$0x8], $0x8000, $0x38;
	[tilespmem:$0x18000] =	vst v63  }
0x32c: {  	s1 =	rddreg [dreg:$0x1b]  }
0x32d: {  	[tilespmem:s2], [sflag:$0x1] =	stream.linear.gather [hbm4b:s1+s2], $0x8000, $0x38;
	[tilespmem:$0x18000] =	vst v63  }
0x32e: {  	_ =	swait.ge [sflag:s22], $0x8000  }
0x32f: {  	[sflag:s22] =	ssyncset.done $0x0  }
0x330: {  	[sflag:s22] =	ssyncadd.s32 $0xFFFF8000  }
0x331: {  	_ =	swait.ge [sflag:s21], $0x8000  }
0x332: {  	[sflag:s21] =	ssyncset.done $0x0  }
0x333: {  	[sflag:s21] =	ssyncadd.s32 $0xFFFF8000  }
0x334: {  	_ =	swait.ge [sflag:s17], $0x8000  }
0x335: {  	[sflag:s17] =	ssyncset.done $0x0  }
0x336: {  	s1 =	rddreg [dreg:$0x1c];
	[sflag:s17] =	ssyncadd.s32 $0xFFFF8000  }
0x337: {  	[hbm4b:s1+s2] =	stream.linear.scatter [tilespmem:s10], [sflag:$0x6], $0x8000, $0x38;
	[tilespmem:$0x18000] =	vst v63  }
0x338: {  	s3 =	rddreg [dreg:$0x1d]  }
0x339: {  	[hbm4b:s3+s2] =	stream.linear.scatter [tilespmem:s10], [sflag:$0x9], $0x8000, $0x38;
	[tilespmem:$0x18000] =	vst v63  }
0x33a: {  	s1 =	rddreg [dreg:$0x1e]  }
0x33b: {  	[tilespmem:s16], [sflag:$0x2] =	stream.linear.gather [hbm4b:s1+s2], $0x8000, $0x38;
	[tilespmem:$0x18000] =	vst v63  }
0x33c: {  	_ =	swait.ge [sflag:s9], $0x8000  }
0x33d: {  	[sflag:s9] =	ssyncset.done $0x0  }
0x33e: {  	[sflag:s9] =	ssyncadd.s32 $0xFFFF8000  }
0x33f: {  	_ =	swait.ge [sflag:s15], $0x8000  }
0x340: {  	[sflag:s15] =	ssyncset.done $0x0  }
0x341: {  	[sflag:s15] =	ssyncadd.s32 $0xFFFF8000  }
0x342: {  	_ =	swait.ge [sflag:s11], $0x8000  }
0x343: {  	s1 =	rddreg [dreg:$0x1f];
	[sflag:s11] =	ssyncset.done $0x0  }
0x344: {  	s3 =	sld [smem:$0x7B4];
	[sflag:s11] =	ssyncadd.s32 $0xFFFF8000  }
0x345: {  	[hbm4b:s1+s2] =	stream.linear.scatter [tilespmem:s2], [sflag:$0x4], $0x8000, $0x38;
	[tilespmem:$0x18000] =	vst v63  }
0x346: {  	s1 =	sld [smem:$0x7B5]  }
0x347: {  	[hbm4b:s3+s2] =	stream.linear.scatter [tilespmem:s2], [sflag:$0x7], $0x8000, $0x38;
	[tilespmem:$0x18000] =	vst v63  }
0x348: {  	_ = 	snop  }
0x349: {  	[tilespmem:s10], [sflag:$0x3] =	stream.linear.gather [hbm4b:s1+s2], $0x8000, $0x38;
	[tilespmem:$0x18000] =	vst v63  }
0x34a: {  	_ =	swait.ge [sflag:s26], $0x8000  }
0x34b: {  	[sflag:s26] =	ssyncset.done $0x0  }
0x34c: {  	[sflag:s26] =	ssyncadd.s32 $0xFFFF8000  }
0x34d: {  	_ =	swait.ge [sflag:s5], $0x8000  }
0x34e: {  	[sflag:s5] =	ssyncset.done $0x0  }
0x34f: {  	[sflag:s5] =	ssyncadd.s32 $0xFFFF8000  }
0x350: {  	_ =	swait.ge [sflag:s6], $0x8000  }
0x351: {  	s1 =	sld [smem:$0x7B6]  }
0x352: {  	[sflag:s6] =	ssyncset.done $0x0  }
0x353: {  	s3 =	sld [smem:$0x7B7];
	[sflag:s6] =	ssyncadd.s32 $0xFFFF8000  }
0x354: {  	[hbm4b:s1+s2] =	stream.linear.scatter [tilespmem:s16], [sflag:$0x5], $0x8000, $0x38;
	[tilespmem:$0x18000] =	vst v63  }
0x355: {  	s1 =	sld [smem:$0x7B8]  }
0x356: {  	[hbm4b:s3+s2] =	stream.linear.scatter [tilespmem:s16], [sflag:$0x8], $0x8000, $0x38;
	[tilespmem:$0x18000] =	vst v63  }
0x357: {  	_ = 	snop  }
0x358: {  	[tilespmem:s2], [sflag:$0x1] =	stream.linear.gather [hbm4b:s1+s2], $0x8000, $0x38;
	[tilespmem:$0x18000] =	vst v63  }
0x359: {  	_ =	swait.ge [sflag:s22], $0x8000  }
0x35a: {  	[sflag:s22] =	ssyncset.done $0x0  }
0x35b: {  	[sflag:s22] =	ssyncadd.s32 $0xFFFF8000  }
0x35c: {  	_ =	swait.ge [sflag:s21], $0x8000  }
0x35d: {  	[sflag:s21] =	ssyncset.done $0x0  }
0x35e: {  	[sflag:s21] =	ssyncadd.s32 $0xFFFF8000  }
0x35f: {  	_ =	swait.ge [sflag:s17], $0x8000  }
0x360: {  	s1 =	sld [smem:$0x7B9]  }
0x361: {  	[sflag:s17] =	ssyncset.done $0x0  }
0x362: {  	s3 =	sld [smem:$0x7BA];
	[sflag:s17] =	ssyncadd.s32 $0xFFFF8000  }
0x363: {  	[hbm4b:s1+s2] =	stream.linear.scatter [tilespmem:s10], [sflag:$0x6], $0x8000, $0x38;
	[tilespmem:$0x18000] =	vst v63  }
0x364: {  	s1 =	sld [smem:$0x7BB]  }
0x365: {  	[hbm4b:s3+s2] =	stream.linear.scatter [tilespmem:s10], [sflag:$0x9], $0x8000, $0x38;
	[tilespmem:$0x18000] =	vst v63  }
0x366: {  	_ = 	snop  }
0x367: {  	[tilespmem:s16], [sflag:$0x2] =	stream.linear.gather [hbm4b:s1+s2], $0x8000, $0x38;
	[tilespmem:$0x18000] =	vst v63  }
0x368: {  	_ =	swait.ge [sflag:s9], $0x8000  }
0x369: {  	[sflag:s9] =	ssyncset.done $0x0  }
0x36a: {  	[sflag:s9] =	ssyncadd.s32 $0xFFFF8000  }
0x36b: {  	_ =	swait.ge [sflag:s15], $0x8000  }
0x36c: {  	[sflag:s15] =	ssyncset.done $0x0  }
0x36d: {  	[sflag:s15] =	ssyncadd.s32 $0xFFFF8000  }
0x36e: {  	_ =	swait.ge [sflag:s11], $0x8000  }
0x36f: {  	s1 =	sld [smem:$0x7BC]  }
0x370: {  	[sflag:s11] =	ssyncset.done $0x0  }
0x371: {  	s3 =	sld [smem:$0x7BD];
	[sflag:s11] =	ssyncadd.s32 $0xFFFF8000  }
0x372: {  	[hbm4b:s1+s2] =	stream.linear.scatter [tilespmem:s2], [sflag:$0x4], $0x8000, $0x38;
	[tilespmem:$0x18000] =	vst v63  }
0x373: {  	s1 =	sld [smem:$0x7BE]  }
0x374: {  	[hbm4b:s3+s2] =	stream.linear.scatter [tilespmem:s2], [sflag:$0x7], $0x8000, $0x38;
	[tilespmem:$0x18000] =	vst v63  }
0x375: {  	_ = 	snop  }
0x376: {  	[tilespmem:s10], [sflag:$0x3] =	stream.linear.gather [hbm4b:s1+s2], $0x8000, $0x38;
	[tilespmem:$0x18000] =	vst v63  }
0x377: {  	_ =	swait.ge [sflag:s26], $0x8000  }
0x378: {  	[sflag:s26] =	ssyncset.done $0x0  }
0x379: {  	[sflag:s26] =	ssyncadd.s32 $0xFFFF8000  }
0x37a: {  	_ =	swait.ge [sflag:s5], $0x8000  }
0x37b: {  	[sflag:s5] =	ssyncset.done $0x0  }
0x37c: {  	[sflag:s5] =	ssyncadd.s32 $0xFFFF8000  }
0x37d: {  	_ =	swait.ge [sflag:s6], $0x8000  }
0x37e: {  	s1 =	sld [smem:$0x7BF]  }
0x37f: {  	[sflag:s6] =	ssyncset.done $0x0  }
0x380: {  	s3 =	sld [smem:$0x7C0];
	[sflag:s6] =	ssyncadd.s32 $0xFFFF8000  }
0x381: {  	[hbm4b:s1+s2] =	stream.linear.scatter [tilespmem:s16], [sflag:$0x5], $0x8000, $0x38;
	[tilespmem:$0x18000] =	vst v63  }
0x382: {  	s1 =	sld [smem:$0x7C1]  }
0x383: {  	[hbm4b:s3+s2] =	stream.linear.scatter [tilespmem:s16], [sflag:$0x8], $0x8000, $0x38;
	[tilespmem:$0x18000] =	vst v63  }
0x384: {  	_ = 	snop  }
0x385: {  	[tilespmem:s2], [sflag:$0x1] =	stream.linear.gather [hbm4b:s1+s2], $0x8000, $0x38;
	[tilespmem:$0x18000] =	vst v63  }
0x386: {  	_ =	swait.ge [sflag:s22], $0x8000  }
0x387: {  	[sflag:s22] =	ssyncset.done $0x0  }
0x388: {  	[sflag:s22] =	ssyncadd.s32 $0xFFFF8000  }
0x389: {  	_ =	swait.ge [sflag:s21], $0x8000  }
0x38a: {  	[sflag:s21] =	ssyncset.done $0x0  }
0x38b: {  	[sflag:s21] =	ssyncadd.s32 $0xFFFF8000  }
0x38c: {  	_ =	swait.ge [sflag:s17], $0x8000  }
0x38d: {  	s1 =	sld [smem:$0x7C2]  }
0x38e: {  	[sflag:s17] =	ssyncset.done $0x0  }
0x38f: {  	s3 =	sld [smem:$0x7C3];
	[sflag:s17] =	ssyncadd.s32 $0xFFFF8000  }
0x390: {  	[hbm4b:s1+s2] =	stream.linear.scatter [tilespmem:s10], [sflag:$0x6], $0x8000, $0x38;
	[tilespmem:$0x18000] =	vst v63  }
0x391: {  	s1 =	sld [smem:$0x7C4]  }
0x392: {  	[hbm4b:s3+s2] =	stream.linear.scatter [tilespmem:s10], [sflag:$0x9], $0x8000, $0x38;
	[tilespmem:$0x18000] =	vst v63  }
0x393: {  	_ = 	snop  }
0x394: {  	[tilespmem:s16], [sflag:$0x2] =	stream.linear.gather [hbm4b:s1+s2], $0x8000, $0x38;
	[tilespmem:$0x18000] =	vst v63  }
0x395: {  	_ =	swait.ge [sflag:s9], $0x8000  }
0x396: {  	[sflag:s9] =	ssyncset.done $0x0  }
0x397: {  	[sflag:s9] =	ssyncadd.s32 $0xFFFF8000  }
0x398: {  	_ =	swait.ge [sflag:s15], $0x8000  }
0x399: {  	[sflag:s15] =	ssyncset.done $0x0  }
0x39a: {  	[sflag:s15] =	ssyncadd.s32 $0xFFFF8000  }
0x39b: {  	_ =	swait.ge [sflag:s11], $0x8000  }
0x39c: {  	s1 =	sld [smem:$0x7C5]  }
0x39d: {  	[sflag:s11] =	ssyncset.done $0x0  }
0x39e: {  	s3 =	sld [smem:$0x7C6];
	[sflag:s11] =	ssyncadd.s32 $0xFFFF8000  }
0x39f: {  	[hbm4b:s1+s2] =	stream.linear.scatter [tilespmem:s2], [sflag:$0x4], $0x8000, $0x38;
	[tilespmem:$0x18000] =	vst v63  }
0x3a0: {  	s1 =	sld [smem:$0x7C7]  }
0x3a1: {  	[hbm4b:s3+s2] =	stream.linear.scatter [tilespmem:s2], [sflag:$0x7], $0x8000, $0x38;
	[tilespmem:$0x18000] =	vst v63  }
0x3a2: {  	_ = 	snop  }
0x3a3: {  	[tilespmem:s10], [sflag:$0x3] =	stream.linear.gather [hbm4b:s1+s2], $0x8000, $0x38;
	[tilespmem:$0x18000] =	vst v63  }
0x3a4: {  	_ =	swait.ge [sflag:s26], $0x8000  }
0x3a5: {  	[sflag:s26] =	ssyncset.done $0x0  }
0x3a6: {  	[sflag:s26] =	ssyncadd.s32 $0xFFFF8000  }
0x3a7: {  	_ =	swait.ge [sflag:s5], $0x8000  }
0x3a8: {  	[sflag:s5] =	ssyncset.done $0x0  }
0x3a9: {  	[sflag:s5] =	ssyncadd.s32 $0xFFFF8000  }
0x3aa: {  	_ =	swait.ge [sflag:s6], $0x8000  }
0x3ab: {  	s1 =	sld [smem:$0x7C8]  }
0x3ac: {  	[sflag:s6] =	ssyncset.done $0x0  }
0x3ad: {  	s3 =	sld [smem:$0x7C9];
	[sflag:s6] =	ssyncadd.s32 $0xFFFF8000  }
0x3ae: {  	[hbm4b:s1+s2] =	stream.linear.scatter [tilespmem:s16], [sflag:$0x5], $0x8000, $0x38;
	[tilespmem:$0x18000] =	vst v63  }
0x3af: {  	s1 =	sld [smem:$0x7CA]  }
0x3b0: {  	[hbm4b:s3+s2] =	stream.linear.scatter [tilespmem:s16], [sflag:$0x8], $0x8000, $0x38;
	[tilespmem:$0x18000] =	vst v63  }
0x3b1: {  	_ = 	snop  }
0x3b2: {  	[tilespmem:s2], [sflag:$0x1] =	stream.linear.gather [hbm4b:s1+s2], $0x8000, $0x38;
	[tilespmem:$0x18000] =	vst v63  }
0x3b3: {  	_ =	swait.ge [sflag:s22], $0x8000  }
0x3b4: {  	[sflag:s22] =	ssyncset.done $0x0  }
0x3b5: {  	[sflag:s22] =	ssyncadd.s32 $0xFFFF8000  }
0x3b6: {  	_ =	swait.ge [sflag:s21], $0x8000  }
0x3b7: {  	[sflag:s21] =	ssyncset.done $0x0  }
0x3b8: {  	[sflag:s21] =	ssyncadd.s32 $0xFFFF8000  }
0x3b9: {  	_ =	swait.ge [sflag:s17], $0x8000  }
0x3ba: {  	s1 =	sld [smem:$0x7CB]  }
0x3bb: {  	[sflag:s17] =	ssyncset.done $0x0  }
0x3bc: {  	s3 =	sld [smem:$0x7CC];
	[sflag:s17] =	ssyncadd.s32 $0xFFFF8000  }
0x3bd: {  	[hbm4b:s1+s2] =	stream.linear.scatter [tilespmem:s10], [sflag:$0x6], $0x8000, $0x38;
	[tilespmem:$0x18000] =	vst v63  }
0x3be: {  	s1 =	sld [smem:$0x7CD]  }
0x3bf: {  	[hbm4b:s3+s2] =	stream.linear.scatter [tilespmem:s10], [sflag:$0x9], $0x8000, $0x38;
	[tilespmem:$0x18000] =	vst v63  }
0x3c0: {  	_ = 	snop  }
0x3c1: {  	[tilespmem:s16], [sflag:$0x2] =	stream.linear.gather [hbm4b:s1+s2], $0x8000, $0x38;
	[tilespmem:$0x18000] =	vst v63  }
0x3c2: {  	_ =	swait.ge [sflag:s9], $0x8000  }
0x3c3: {  	[sflag:s9] =	ssyncset.done $0x0  }
0x3c4: {  	[sflag:s9] =	ssyncadd.s32 $0xFFFF8000  }
0x3c5: {  	_ =	swait.ge [sflag:s15], $0x8000  }
0x3c6: {  	[sflag:s15] =	ssyncset.done $0x0  }
0x3c7: {  	[sflag:s15] =	ssyncadd.s32 $0xFFFF8000  }
0x3c8: {  	_ =	swait.ge [sflag:s11], $0x8000  }
0x3c9: {  	s1 =	sld [smem:$0x7CE]  }
0x3ca: {  	[sflag:s11] =	ssyncset.done $0x0  }
0x3cb: {  	s3 =	sld [smem:$0x7CF];
	[sflag:s11] =	ssyncadd.s32 $0xFFFF8000  }
0x3cc: {  	[hbm4b:s1+s2] =	stream.linear.scatter [tilespmem:s2], [sflag:$0x4], $0x8000, $0x38;
	[tilespmem:$0x18000] =	vst v63  }
0x3cd: {  	s1 =	sld [smem:$0x7D0]  }
0x3ce: {  	[hbm4b:s3+s2] =	stream.linear.scatter [tilespmem:s2], [sflag:$0x7], $0x8000, $0x38;
	[tilespmem:$0x18000] =	vst v63  }
0x3cf: {  	_ = 	snop  }
0x3d0: {  	[tilespmem:s10], [sflag:$0x3] =	stream.linear.gather [hbm4b:s1+s2], $0x8000, $0x38;
	[tilespmem:$0x18000] =	vst v63  }
0x3d1: {  	_ =	swait.ge [sflag:s26], $0x8000  }
0x3d2: {  	[sflag:s26] =	ssyncset.done $0x0  }
0x3d3: {  	[sflag:s26] =	ssyncadd.s32 $0xFFFF8000  }
0x3d4: {  	_ =	swait.ge [sflag:s5], $0x8000  }
0x3d5: {  	[sflag:s5] =	ssyncset.done $0x0  }
0x3d6: {  	[sflag:s5] =	ssyncadd.s32 $0xFFFF8000  }
0x3d7: {  	_ =	swait.ge [sflag:s6], $0x8000  }
0x3d8: {  	s1 =	sld [smem:$0x7D1]  }
0x3d9: {  	[sflag:s6] =	ssyncset.done $0x0  }
0x3da: {  	s3 =	sld [smem:$0x7D2];
	[sflag:s6] =	ssyncadd.s32 $0xFFFF8000  }
0x3db: {  	[hbm4b:s1+s2] =	stream.linear.scatter [tilespmem:s16], [sflag:$0x5], $0x8000, $0x38;
	[tilespmem:$0x18000] =	vst v63  }
0x3dc: {  	s1 =	sld [smem:$0x7D3]  }
0x3dd: {  	[hbm4b:s3+s2] =	stream.linear.scatter [tilespmem:s16], [sflag:$0x8], $0x8000, $0x38;
	[tilespmem:$0x18000] =	vst v63  }
0x3de: {  	_ = 	snop  }
0x3df: {  	[tilespmem:s2], [sflag:$0x1] =	stream.linear.gather [hbm4b:s1+s2], $0x8000, $0x38;
	[tilespmem:$0x18000] =	vst v63  }
0x3e0: {  	_ =	swait.ge [sflag:s22], $0x8000  }
0x3e1: {  	[sflag:s22] =	ssyncset.done $0x0  }
0x3e2: {  	[sflag:s22] =	ssyncadd.s32 $0xFFFF8000  }
0x3e3: {  	_ =	swait.ge [sflag:s21], $0x8000  }
0x3e4: {  	[sflag:s21] =	ssyncset.done $0x0  }
0x3e5: {  	[sflag:s21] =	ssyncadd.s32 $0xFFFF8000  }
0x3e6: {  	_ =	swait.ge [sflag:s17], $0x8000  }
0x3e7: {  	s1 =	sld [smem:$0x7D4]  }
0x3e8: {  	[sflag:s17] =	ssyncset.done $0x0  }
0x3e9: {  	s3 =	sld [smem:$0x7D5];
	[sflag:s17] =	ssyncadd.s32 $0xFFFF8000  }
0x3ea: {  	[hbm4b:s1+s2] =	stream.linear.scatter [tilespmem:s10], [sflag:$0x6], $0x8000, $0x38;
	[tilespmem:$0x18000] =	vst v63  }
0x3eb: {  	s1 =	sld [smem:$0x7D6]  }
0x3ec: {  	[hbm4b:s3+s2] =	stream.linear.scatter [tilespmem:s10], [sflag:$0x9], $0x8000, $0x38;
	[tilespmem:$0x18000] =	vst v63  }
0x3ed: {  	_ = 	snop  }
0x3ee: {  	[tilespmem:s16], [sflag:$0x2] =	stream.linear.gather [hbm4b:s1+s2], $0x8000, $0x38;
	[tilespmem:$0x18000] =	vst v63  }
0x3ef: {  	_ =	swait.ge [sflag:s9], $0x8000  }
0x3f0: {  	[sflag:s9] =	ssyncset.done $0x0  }
0x3f1: {  	[sflag:s9] =	ssyncadd.s32 $0xFFFF8000  }
0x3f2: {  	_ =	swait.ge [sflag:s15], $0x8000  }
0x3f3: {  	[sflag:s15] =	ssyncset.done $0x0  }
0x3f4: {  	[sflag:s15] =	ssyncadd.s32 $0xFFFF8000  }
0x3f5: {  	_ =	swait.ge [sflag:s11], $0x8000  }
0x3f6: {  	s1 =	sld [smem:$0x7D7]  }
0x3f7: {  	[sflag:s11] =	ssyncset.done $0x0  }
0x3f8: {  	s3 =	sld [smem:$0x7D8];
	[sflag:s11] =	ssyncadd.s32 $0xFFFF8000  }
0x3f9: {  	[hbm4b:s1+s2] =	stream.linear.scatter [tilespmem:s2], [sflag:$0x4], $0x8000, $0x38;
	[tilespmem:$0x18000] =	vst v63  }
0x3fa: {  	s1 =	sld [smem:$0x7D9]  }
0x3fb: {  	[hbm4b:s3+s2] =	stream.linear.scatter [tilespmem:s2], [sflag:$0x7], $0x8000, $0x38;
	[tilespmem:$0x18000] =	vst v63  }
0x3fc: {  	_ = 	snop  }
0x3fd: {  	[tilespmem:s10], [sflag:$0x3] =	stream.linear.gather [hbm4b:s1+s2], $0x8000, $0x38;
	[tilespmem:$0x18000] =	vst v63  }
0x3fe: {  	_ =	swait.ge [sflag:s26], $0x8000  }
0x3ff: {  	[sflag:s26] =	ssyncset.done $0x0  }
0x400: {  	[sflag:s26] =	ssyncadd.s32 $0xFFFF8000  }
0x401: {  	_ =	swait.ge [sflag:s5], $0x8000  }
0x402: {  	[sflag:s5] =	ssyncset.done $0x0  }
0x403: {  	[sflag:s5] =	ssyncadd.s32 $0xFFFF8000  }
0x404: {  	_ =	swait.ge [sflag:s6], $0x8000  }
0x405: {  	s1 =	sld [smem:$0x7DA]  }
0x406: {  	[sflag:s6] =	ssyncset.done $0x0  }
0x407: {  	s3 =	sld [smem:$0x7DB];
	[sflag:s6] =	ssyncadd.s32 $0xFFFF8000  }
0x408: {  	[hbm4b:s1+s2] =	stream.linear.scatter [tilespmem:s16], [sflag:$0x5], $0x8000, $0x38;
	[tilespmem:$0x18000] =	vst v63  }
0x409: {  	s1 =	sld [smem:$0x7DC]  }
0x40a: {  	[hbm4b:s3+s2] =	stream.linear.scatter [tilespmem:s16], [sflag:$0x8], $0x8000, $0x38;
	[tilespmem:$0x18000] =	vst v63  }
0x40b: {  	_ = 	snop  }
0x40c: {  	[tilespmem:s2], [sflag:$0x1] =	stream.linear.gather [hbm4b:s1+s2], $0x8000, $0x38;
	[tilespmem:$0x18000] =	vst v63  }
0x40d: {  	_ =	swait.ge [sflag:s22], $0x8000  }
0x40e: {  	[sflag:s22] =	ssyncset.done $0x0  }
0x40f: {  	[sflag:s22] =	ssyncadd.s32 $0xFFFF8000  }
0x410: {  	_ =	swait.ge [sflag:s21], $0x8000  }
0x411: {  	[sflag:s21] =	ssyncset.done $0x0  }
0x412: {  	[sflag:s21] =	ssyncadd.s32 $0xFFFF8000  }
0x413: {  	_ =	swait.ge [sflag:s17], $0x8000  }
0x414: {  	s1 =	sld [smem:$0x7DD]  }
0x415: {  	[sflag:s17] =	ssyncset.done $0x0  }
0x416: {  	s3 =	sld [smem:$0x7DE];
	[sflag:s17] =	ssyncadd.s32 $0xFFFF8000  }
0x417: {  	[hbm4b:s1+s2] =	stream.linear.scatter [tilespmem:s10], [sflag:$0x6], $0x8000, $0x38;
	[tilespmem:$0x18000] =	vst v63  }
0x418: {  	s1 =	sld [smem:$0x7DF]  }
0x419: {  	[hbm4b:s3+s2] =	stream.linear.scatter [tilespmem:s10], [sflag:$0x9], $0x8000, $0x38;
	[tilespmem:$0x18000] =	vst v63  }
0x41a: {  	_ = 	snop  }
0x41b: {  	[tilespmem:s16], [sflag:$0x2] =	stream.linear.gather [hbm4b:s1+s2], $0x8000, $0x38;
	[tilespmem:$0x18000] =	vst v63  }
0x41c: {  	_ =	swait.ge [sflag:s9], $0x8000  }
0x41d: {  	[sflag:s9] =	ssyncset.done $0x0  }
0x41e: {  	[sflag:s9] =	ssyncadd.s32 $0xFFFF8000  }
0x41f: {  	_ =	swait.ge [sflag:s15], $0x8000  }
0x420: {  	[sflag:s15] =	ssyncset.done $0x0  }
0x421: {  	[sflag:s15] =	ssyncadd.s32 $0xFFFF8000  }
0x422: {  	_ =	swait.ge [sflag:s11], $0x8000  }
0x423: {  	s1 =	sld [smem:$0x7E0]  }
0x424: {  	[sflag:s11] =	ssyncset.done $0x0  }
0x425: {  	s3 =	sld [smem:$0x7E1];
	[sflag:s11] =	ssyncadd.s32 $0xFFFF8000  }
0x426: {  	[hbm4b:s1+s2] =	stream.linear.scatter [tilespmem:s2], [sflag:$0x4], $0x8000, $0x38;
	[tilespmem:$0x18000] =	vst v63  }
0x427: {  	s1 =	sld [smem:$0x7E2]  }
0x428: {  	[hbm4b:s3+s2] =	stream.linear.scatter [tilespmem:s2], [sflag:$0x7], $0x8000, $0x38;
	[tilespmem:$0x18000] =	vst v63  }
0x429: {  	_ = 	snop  }
0x42a: {  	[tilespmem:s10], [sflag:$0x3] =	stream.linear.gather [hbm4b:s1+s2], $0x8000, $0x38;
	[tilespmem:$0x18000] =	vst v63  }
0x42b: {  	_ =	swait.ge [sflag:s26], $0x8000  }
0x42c: {  	[sflag:s26] =	ssyncset.done $0x0  }
0x42d: {  	[sflag:s26] =	ssyncadd.s32 $0xFFFF8000  }
0x42e: {  	_ =	swait.ge [sflag:s5], $0x8000  }
0x42f: {  	[sflag:s5] =	ssyncset.done $0x0  }
0x430: {  	[sflag:s5] =	ssyncadd.s32 $0xFFFF8000  }
0x431: {  	_ =	swait.ge [sflag:s6], $0x8000  }
0x432: {  	s1 =	sld [smem:$0x7E3]  }
0x433: {  	[sflag:s6] =	ssyncset.done $0x0  }
0x434: {  	s3 =	sld [smem:$0x7E4];
	[sflag:s6] =	ssyncadd.s32 $0xFFFF8000  }
0x435: {  	[hbm4b:s1+s2] =	stream.linear.scatter [tilespmem:s16], [sflag:$0x5], $0x8000, $0x38;
	[tilespmem:$0x18000] =	vst v63  }
0x436: {  	s1 =	sld [smem:$0x7E5]  }
0x437: {  	[hbm4b:s3+s2] =	stream.linear.scatter [tilespmem:s16], [sflag:$0x8], $0x8000, $0x38;
	[tilespmem:$0x18000] =	vst v63  }
0x438: {  	_ = 	snop  }
0x439: {  	[tilespmem:s2], [sflag:$0x1] =	stream.linear.gather [hbm4b:s1+s2], $0x8000, $0x38;
	[tilespmem:$0x18000] =	vst v63  }
0x43a: {  	_ =	swait.ge [sflag:s22], $0x8000  }
0x43b: {  	[sflag:s22] =	ssyncset.done $0x0  }
0x43c: {  	[sflag:s22] =	ssyncadd.s32 $0xFFFF8000  }
0x43d: {  	_ =	swait.ge [sflag:s21], $0x8000  }
0x43e: {  	[sflag:s21] =	ssyncset.done $0x0  }
0x43f: {  	[sflag:s21] =	ssyncadd.s32 $0xFFFF8000  }
0x440: {  	_ =	swait.ge [sflag:s17], $0x8000  }
0x441: {  	s1 =	sld [smem:$0x7E6]  }
0x442: {  	[sflag:s17] =	ssyncset.done $0x0  }
0x443: {  	s3 =	sld [smem:$0x7E7];
	[sflag:s17] =	ssyncadd.s32 $0xFFFF8000  }
0x444: {  	[hbm4b:s1+s2] =	stream.linear.scatter [tilespmem:s10], [sflag:$0x6], $0x8000, $0x38;
	[tilespmem:$0x18000] =	vst v63  }
0x445: {  	s1 =	sld [smem:$0x7E8]  }
0x446: {  	[hbm4b:s3+s2] =	stream.linear.scatter [tilespmem:s10], [sflag:$0x9], $0x8000, $0x38;
	[tilespmem:$0x18000] =	vst v63  }
0x447: {  	_ = 	snop  }
0x448: {  	[tilespmem:s16], [sflag:$0x2] =	stream.linear.gather [hbm4b:s1+s2], $0x8000, $0x38;
	[tilespmem:$0x18000] =	vst v63  }
0x449: {  	_ =	swait.ge [sflag:s9], $0x8000  }
0x44a: {  	[sflag:s9] =	ssyncset.done $0x0  }
0x44b: {  	[sflag:s9] =	ssyncadd.s32 $0xFFFF8000  }
0x44c: {  	_ =	swait.ge [sflag:s15], $0x8000  }
0x44d: {  	[sflag:s15] =	ssyncset.done $0x0  }
0x44e: {  	[sflag:s15] =	ssyncadd.s32 $0xFFFF8000  }
0x44f: {  	_ =	swait.ge [sflag:s11], $0x8000  }
0x450: {  	s1 =	sld [smem:$0x7E9]  }
0x451: {  	[sflag:s11] =	ssyncset.done $0x0  }
0x452: {  	s3 =	sld [smem:$0x7EA];
	[sflag:s11] =	ssyncadd.s32 $0xFFFF8000  }
0x453: {  	[hbm4b:s1+s2] =	stream.linear.scatter [tilespmem:s2], [sflag:$0x4], $0x8000, $0x38;
	[tilespmem:$0x18000] =	vst v63  }
0x454: {  	s1 =	sld [smem:$0x7EB]  }
0x455: {  	[hbm4b:s3+s2] =	stream.linear.scatter [tilespmem:s2], [sflag:$0x7], $0x8000, $0x38;
	[tilespmem:$0x18000] =	vst v63  }
0x456: {  	_ = 	snop  }
0x457: {  	[tilespmem:s10], [sflag:$0x3] =	stream.linear.gather [hbm4b:s1+s2], $0x8000, $0x38;
	[tilespmem:$0x18000] =	vst v63  }
0x458: {  	_ =	swait.ge [sflag:s26], $0x8000  }
0x459: {  	[sflag:s26] =	ssyncset.done $0x0  }
0x45a: {  	[sflag:s26] =	ssyncadd.s32 $0xFFFF8000  }
0x45b: {  	_ =	swait.ge [sflag:s5], $0x8000  }
0x45c: {  	[sflag:s5] =	ssyncset.done $0x0  }
0x45d: {  	[sflag:s5] =	ssyncadd.s32 $0xFFFF8000  }
0x45e: {  	_ =	swait.ge [sflag:s6], $0x8000  }
0x45f: {  	s1 =	sld [smem:$0x7EC]  }
0x460: {  	[sflag:s6] =	ssyncset.done $0x0  }
0x461: {  	s3 =	sld [smem:$0x7ED];
	[sflag:s6] =	ssyncadd.s32 $0xFFFF8000  }
0x462: {  	[hbm4b:s1+s2] =	stream.linear.scatter [tilespmem:s16], [sflag:$0x5], $0x8000, $0x38;
	[tilespmem:$0x18000] =	vst v63  }
0x463: {  	s1 =	sld [smem:$0x7EE]  }
0x464: {  	[hbm4b:s3+s2] =	stream.linear.scatter [tilespmem:s16], [sflag:$0x8], $0x8000, $0x38;
	[tilespmem:$0x18000] =	vst v63  }
0x465: {  	_ = 	snop  }
0x466: {  	[tilespmem:s2], [sflag:$0x1] =	stream.linear.gather [hbm4b:s1+s2], $0x8000, $0x38;
	[tilespmem:$0x18000] =	vst v63  }
0x467: {  	_ =	swait.ge [sflag:s22], $0x8000  }
0x468: {  	[sflag:s22] =	ssyncset.done $0x0  }
0x469: {  	[sflag:s22] =	ssyncadd.s32 $0xFFFF8000  }
0x46a: {  	_ =	swait.ge [sflag:s21], $0x8000  }
0x46b: {  	[sflag:s21] =	ssyncset.done $0x0  }
0x46c: {  	[sflag:s21] =	ssyncadd.s32 $0xFFFF8000  }
0x46d: {  	_ =	swait.ge [sflag:s17], $0x8000  }
0x46e: {  	s1 =	sld [smem:$0x7EF]  }
0x46f: {  	[sflag:s17] =	ssyncset.done $0x0  }
0x470: {  	s3 =	sld [smem:$0x7F0];
	[sflag:s17] =	ssyncadd.s32 $0xFFFF8000  }
0x471: {  	[hbm4b:s1+s2] =	stream.linear.scatter [tilespmem:s10], [sflag:$0x6], $0x8000, $0x38;
	[tilespmem:$0x18000] =	vst v63  }
0x472: {  	s1 =	sld [smem:$0x7F1]  }
0x473: {  	[hbm4b:s3+s2] =	stream.linear.scatter [tilespmem:s10], [sflag:$0x9], $0x8000, $0x38;
	[tilespmem:$0x18000] =	vst v63  }
0x474: {  	_ = 	snop  }
0x475: {  	[tilespmem:s16], [sflag:$0x2] =	stream.linear.gather [hbm4b:s1+s2], $0x8000, $0x38;
	[tilespmem:$0x18000] =	vst v63  }
0x476: {  	_ =	swait.ge [sflag:s9], $0x8000  }
0x477: {  	[sflag:s9] =	ssyncset.done $0x0  }
0x478: {  	[sflag:s9] =	ssyncadd.s32 $0xFFFF8000  }
0x479: {  	_ =	swait.ge [sflag:s15], $0x8000  }
0x47a: {  	[sflag:s15] =	ssyncset.done $0x0  }
0x47b: {  	[sflag:s15] =	ssyncadd.s32 $0xFFFF8000  }
0x47c: {  	_ =	swait.ge [sflag:s11], $0x8000  }
0x47d: {  	s1 =	sld [smem:$0x7F2]  }
0x47e: {  	[sflag:s11] =	ssyncset.done $0x0  }
0x47f: {  	s3 =	sld [smem:$0x7F3];
	[sflag:s11] =	ssyncadd.s32 $0xFFFF8000  }
0x480: {  	[hbm4b:s1+s2] =	stream.linear.scatter [tilespmem:s2], [sflag:$0x4], $0x8000, $0x38;
	[tilespmem:$0x18000] =	vst v63  }
0x481: {  	s1 =	sld [smem:$0x7F4]  }
0x482: {  	[hbm4b:s3+s2] =	stream.linear.scatter [tilespmem:s2], [sflag:$0x7], $0x8000, $0x38;
	[tilespmem:$0x18000] =	vst v63  }
0x483: {  	_ = 	snop  }
0x484: {  	[tilespmem:s10], [sflag:$0x3] =	stream.linear.gather [hbm4b:s1+s2], $0x8000, $0x38;
	[tilespmem:$0x18000] =	vst v63  }
0x485: {  	_ =	swait.ge [sflag:s26], $0x8000  }
0x486: {  	[sflag:s26] =	ssyncset.done $0x0  }
0x487: {  	[sflag:s26] =	ssyncadd.s32 $0xFFFF8000  }
0x488: {  	_ =	swait.ge [sflag:s5], $0x8000  }
0x489: {  	[sflag:s5] =	ssyncset.done $0x0  }
0x48a: {  	[sflag:s5] =	ssyncadd.s32 $0xFFFF8000  }
0x48b: {  	_ =	swait.ge [sflag:s6], $0x8000  }
0x48c: {  	s1 =	sld [smem:$0x7F5]  }
0x48d: {  	[sflag:s6] =	ssyncset.done $0x0  }
0x48e: {  	s3 =	sld [smem:$0x7F6];
	[sflag:s6] =	ssyncadd.s32 $0xFFFF8000  }
0x48f: {  	[hbm4b:s1+s2] =	stream.linear.scatter [tilespmem:s16], [sflag:$0x5], $0x8000, $0x38;
	[tilespmem:$0x18000] =	vst v63  }
0x490: {  	s1 =	sld [smem:$0x7F7]  }
0x491: {  	[hbm4b:s3+s2] =	stream.linear.scatter [tilespmem:s16], [sflag:$0x8], $0x8000, $0x38;
	[tilespmem:$0x18000] =	vst v63  }
0x492: {  	_ = 	snop  }
0x493: {  	[tilespmem:s2], [sflag:$0x1] =	stream.linear.gather [hbm4b:s1+s2], $0x8000, $0x38;
	[tilespmem:$0x18000] =	vst v63  }
0x494: {  	_ =	swait.ge [sflag:s22], $0x8000  }
0x495: {  	[sflag:s22] =	ssyncset.done $0x0  }
0x496: {  	[sflag:s22] =	ssyncadd.s32 $0xFFFF8000  }
0x497: {  	_ =	swait.ge [sflag:s21], $0x8000  }
0x498: {  	[sflag:s21] =	ssyncset.done $0x0  }
0x499: {  	[sflag:s21] =	ssyncadd.s32 $0xFFFF8000  }
0x49a: {  	_ =	swait.ge [sflag:s17], $0x8000  }
0x49b: {  	s1 =	sld [smem:$0x7F8]  }
0x49c: {  	[sflag:s17] =	ssyncset.done $0x0  }
0x49d: {  	s3 =	sld [smem:$0x7F9];
	[sflag:s17] =	ssyncadd.s32 $0xFFFF8000  }
0x49e: {  	[hbm4b:s1+s2] =	stream.linear.scatter [tilespmem:s10], [sflag:$0x6], $0x8000, $0x38;
	[tilespmem:$0x18000] =	vst v63  }
0x49f: {  	s1 =	sld [smem:$0x7FA]  }
0x4a0: {  	[hbm4b:s3+s2] =	stream.linear.scatter [tilespmem:s10], [sflag:$0x9], $0x8000, $0x38;
	[tilespmem:$0x18000] =	vst v63  }
0x4a1: {  	_ = 	snop  }
0x4a2: {  	[tilespmem:s16], [sflag:$0x2] =	stream.linear.gather [hbm4b:s1+s2], $0x8000, $0x38;
	[tilespmem:$0x18000] =	vst v63  }
0x4a3: {  	_ =	swait.ge [sflag:s9], $0x8000  }
0x4a4: {  	[sflag:s9] =	ssyncset.done $0x0  }
0x4a5: {  	[sflag:s9] =	ssyncadd.s32 $0xFFFF8000  }
0x4a6: {  	_ =	swait.ge [sflag:s15], $0x8000  }
0x4a7: {  	[sflag:s15] =	ssyncset.done $0x0  }
0x4a8: {  	[sflag:s15] =	ssyncadd.s32 $0xFFFF8000  }
0x4a9: {  	_ =	swait.ge [sflag:s11], $0x8000  }
0x4aa: {  	s1 =	sld [smem:$0x7FB]  }
0x4ab: {  	[sflag:s11] =	ssyncset.done $0x0  }
0x4ac: {  	s3 =	sld [smem:$0x7FC];
	[sflag:s11] =	ssyncadd.s32 $0xFFFF8000  }
0x4ad: {  	[hbm4b:s1+s2] =	stream.linear.scatter [tilespmem:s2], [sflag:$0x4], $0x8000, $0x38;
	[tilespmem:$0x18000] =	vst v63  }
0x4ae: {  	s1 =	sld [smem:$0x7FD]  }
0x4af: {  	[hbm4b:s3+s2] =	stream.linear.scatter [tilespmem:s2], [sflag:$0x7], $0x8000, $0x38;
	[tilespmem:$0x18000] =	vst v63  }
0x4b0: {  	_ = 	snop  }
0x4b1: {  	[tilespmem:s10], [sflag:$0x3] =	stream.linear.gather [hbm4b:s1+s2], $0x8000, $0x38;
	[tilespmem:$0x18000] =	vst v63  }
0x4b2: {  	_ =	swait.ge [sflag:s26], $0x8000  }
0x4b3: {  	[sflag:s26] =	ssyncset.done $0x0  }
0x4b4: {  	s3 =	smov.u32 s4;
	s4 =	smov.u32 s7;
	[sflag:s26] =	ssyncadd.s32 $0xFFFF8000  }
0x4b5: {  	s7 =	smov.u32 s8;
	s8 =	smov.u32 s12;
	_ =	swait.ge [sflag:s5], $0x8000  }
0x4b6: {  	s12 =	smov.u32 s13;
	s13 =	smov.u32 s14;
	[sflag:s5] =	ssyncset.done $0x0  }
0x4b7: {  	s14 =	smov.u32 s18;
	s18 =	smov.u32 s19;
	[sflag:s5] =	ssyncadd.s32 $0xFFFF8000  }
0x4b8: {  	s19 =	smov.u32 s20;
	s20 =	smov.u32 s23;
	_ =	swait.ge [sflag:s6], $0x8000  }
0x4b9: {  	s23 =	smov.u32 s24;
	s24 =	smov.u32 s25;
	[sflag:s6] =	ssyncset.done $0x0  }
0x4ba: {  	s25 =	smov.u32 s28;
	s28 =	smov.u32 s29;
	[sflag:s6] =	ssyncadd.s32 $0xFFFF8000  }
0x4bb: {  	[hbm4b:s28+s2] =	stream.linear.scatter [tilespmem:s16], [sflag:$0x5], $0x8000, $0x38;
	[tilespmem:$0x18000] =	vst v63  }
0x4bc: {  	s29 =	smov.u32 s30  }
0x4bd: {  	[hbm4b:s29+s2] =	stream.linear.scatter [tilespmem:s16], [sflag:$0x8], $0x8000, $0x38;
	[tilespmem:$0x18000] =	vst v63  }
0x4be: {  	_ = 	snop  }
0x4bf: {  	[tilespmem:s2], [sflag:$0x1] =	stream.linear.gather [hbm4b:s31+s2], $0x8000, $0x38;
	[tilespmem:$0x18000] =	vst v63  }
0x4c0: {  	_ =	swait.ge [sflag:s22], $0x8000  }
0x4c1: {  	[sflag:s22] =	ssyncset.done $0x0  }
0x4c2: {  	[sflag:s22] =	ssyncadd.s32 $0xFFFF8000  }
0x4c3: {  	_ =	swait.ge [sflag:s21], $0x8000  }
0x4c4: {  	[sflag:s21] =	ssyncset.done $0x0  }
0x4c5: {  	[sflag:s21] =	ssyncadd.s32 $0xFFFF8000  }
0x4c6: {  	_ =	swait.ge [sflag:s17], $0x8000  }
0x4c7: {  	[sflag:s17] =	ssyncset.done $0x0  }
0x4c8: {  	[sflag:s17] =	ssyncadd.s32 $0xFFFF8000  }
0x4c9: {  	[hbm4b:s23+s2] =	stream.linear.scatter [tilespmem:s10], [sflag:$0x6], $0x8000, $0x38;
	[tilespmem:$0x18000] =	vst v63  }
0x4ca: {  	_ = 	snop  }
0x4cb: {  	[hbm4b:s24+s2] =	stream.linear.scatter [tilespmem:s10], [sflag:$0x9], $0x8000, $0x38;
	[tilespmem:$0x18000] =	vst v63  }
0x4cc: {  	_ = 	snop  }
0x4cd: {  	[tilespmem:s16], [sflag:$0x2] =	stream.linear.gather [hbm4b:s25+s2], $0x8000, $0x38;
	[tilespmem:$0x18000] =	vst v63  }
0x4ce: {  	_ =	swait.ge [sflag:s9], $0x8000  }
0x4cf: {  	[sflag:s9] =	ssyncset.done $0x0  }
0x4d0: {  	[sflag:s9] =	ssyncadd.s32 $0xFFFF8000  }
0x4d1: {  	_ =	swait.ge [sflag:s15], $0x8000  }
0x4d2: {  	[sflag:s15] =	ssyncset.done $0x0  }
0x4d3: {  	[sflag:s15] =	ssyncadd.s32 $0xFFFF8000  }
0x4d4: {  	_ =	swait.ge [sflag:s11], $0x8000  }
0x4d5: {  	[sflag:s11] =	ssyncset.done $0x0  }
0x4d6: {  	[sflag:s11] =	ssyncadd.s32 $0xFFFF8000  }
0x4d7: {  	[hbm4b:s18+s2] =	stream.linear.scatter [tilespmem:s2], [sflag:$0x4], $0x8000, $0x38;
	[tilespmem:$0x18000] =	vst v63  }
0x4d8: {  	_ = 	snop  }
0x4d9: {  	[hbm4b:s19+s2] =	stream.linear.scatter [tilespmem:s2], [sflag:$0x7], $0x8000, $0x38;
	[tilespmem:$0x18000] =	vst v63  }
0x4da: {  	_ = 	snop  }
0x4db: {  	[tilespmem:s10], [sflag:$0x3] =	stream.linear.gather [hbm4b:s20+s2], $0x8000, $0x38;
	[tilespmem:$0x18000] =	vst v63  }
0x4dc: {  	_ =	swait.ge [sflag:s26], $0x8000  }
0x4dd: {  	[sflag:s26] =	ssyncset.done $0x0  }
0x4de: {  	[sflag:s26] =	ssyncadd.s32 $0xFFFF8000  }
0x4df: {  	_ =	swait.ge [sflag:s5], $0x8000  }
0x4e0: {  	[sflag:s5] =	ssyncset.done $0x0  }
0x4e1: {  	[sflag:s5] =	ssyncadd.s32 $0xFFFF8000  }
0x4e2: {  	_ =	swait.ge [sflag:s6], $0x8000  }
0x4e3: {  	[sflag:s6] =	ssyncset.done $0x0  }
0x4e4: {  	[sflag:s6] =	ssyncadd.s32 $0xFFFF8000  }
0x4e5: {  	[hbm4b:s12+s2] =	stream.linear.scatter [tilespmem:s16], [sflag:$0x5], $0x8000, $0x38;
	[tilespmem:$0x18000] =	vst v63  }
0x4e6: {  	_ = 	snop  }
0x4e7: {  	[hbm4b:s13+s2] =	stream.linear.scatter [tilespmem:s16], [sflag:$0x8], $0x8000, $0x38;
	[tilespmem:$0x18000] =	vst v63  }
0x4e8: {  	_ = 	snop  }
0x4e9: {  	[tilespmem:s2], [sflag:$0x1] =	stream.linear.gather [hbm4b:s14+s2], $0x8000, $0x38;
	[tilespmem:$0x18000] =	vst v63  }
0x4ea: {  	_ =	swait.ge [sflag:s22], $0x8000  }
0x4eb: {  	[sflag:s22] =	ssyncset.done $0x0  }
0x4ec: {  	[sflag:s22] =	ssyncadd.s32 $0xFFFF8000  }
0x4ed: {  	_ =	swait.ge [sflag:s21], $0x8000  }
0x4ee: {  	[sflag:s21] =	ssyncset.done $0x0  }
0x4ef: {  	[sflag:s21] =	ssyncadd.s32 $0xFFFF8000  }
0x4f0: {  	_ =	swait.ge [sflag:s17], $0x8000  }
0x4f1: {  	[sflag:s17] =	ssyncset.done $0x0  }
0x4f2: {  	[sflag:s17] =	ssyncadd.s32 $0xFFFF8000  }
0x4f3: {  	[hbm4b:s7+s2] =	stream.linear.scatter [tilespmem:s10], [sflag:$0x6], $0x8000, $0x38;
	[tilespmem:$0x18000] =	vst v63  }
0x4f4: {  	_ = 	snop  }
0x4f5: {  	[hbm4b:s8+s2] =	stream.linear.scatter [tilespmem:s10], [sflag:$0x9], $0x8000, $0x38;
	[tilespmem:$0x18000] =	vst v63  }
0x4f6: {  	_ =	swait.ge [sflag:s9], $0x8000  }
0x4f7: {  	[sflag:s9] =	ssyncset.done $0x0  }
0x4f8: {  	[sflag:s9] =	ssyncadd.s32 $0xFFFF8000  }
0x4f9: {  	_ =	swait.ge [sflag:s15], $0x8000  }
0x4fa: {  	[sflag:s15] =	ssyncset.done $0x0  }
0x4fb: {  	[sflag:s15] =	ssyncadd.s32 $0xFFFF8000  }
0x4fc: {  	_ =	swait.ge [sflag:s11], $0x8000  }
0x4fd: {  	[sflag:s11] =	ssyncset.done $0x0  }
0x4fe: {  	[sflag:s11] =	ssyncadd.s32 $0xFFFF8000  }
0x4ff: {  	[hbm4b:s3+s2] =	stream.linear.scatter [tilespmem:s2], [sflag:$0x4], $0x8000, $0x38;
	[tilespmem:$0x18000] =	vst v63  }
0x500: {  	p1 =	sne.s32 s0, $0x1  }
0x501: {  	[hbm4b:s4+s2] =	stream.linear.scatter [tilespmem:s2], [sflag:$0x7], $0x8000, $0x38;
	[tilespmem:$0x18000] =	vst v63  }
.Ltmp2:
0x502: {  	_ =	swait.ge [sflag:s5], $0x8000;
	(pc) =	sbr.rel @p1 .LBB2_3-.Ltmp2, $4  }
0x503: {  	[sflag:s5] =	ssyncset.done $0x0  }
0x504: {  	[sflag:s5] =	ssyncadd.s32 $0xFFFF8000  }
0x505: {  	s0 =	sadd.s32 $0xFFFFFFFF, s0;
	_ =	swait.ge [sflag:s6], $0x8000  }
0x506: {  	s30 =	smov.u32 s31;
	s1 =	rddreg [dreg:$0x3];
	[sflag:s6] =	ssyncset.done $0x0  }
0x507: {  	s31 =	sld [smem:$0x7B3]  }
.LBB2_5:
0x508: {  	[sflag:s6] =	ssyncadd.s32 @p0 $0xFFFF8000  }
0x509: {  	[tilespmem:s2], [sflag:$0x1] =	stream.linear.gather [hbm4b:s1+s2], $0x8000, $0x38;
	[tilespmem:$0x18000] =	vst v63  }
0x50a: {  	s0 =	rddreg [dreg:$0x4]  }
0x50b: {  	[tilespmem:s16], [sflag:$0x2] =	stream.linear.gather [hbm4b:s0+s2], $0x8000, $0x38;
	[tilespmem:$0x18000] =	vst v63  }
0x50c: {  	_ =	swait.ge [sflag:s9], $0x8000  }
0x50d: {  	[sflag:s9] =	ssyncset.done $0x0  }
0x50e: {  	[sflag:s9] =	ssyncadd.s32 $0xFFFF8000  }
0x50f: {  	[hbm4b:s31+s2] =	stream.linear.scatter [tilespmem:s2], [sflag:$0x4], $0x8000, $0x38;
	[tilespmem:$0x18000] =	vst v63  }
0x510: {  	s1 =	rddreg [dreg:$0x5]  }
0x511: {  	[hbm4b:s1+s2] =	stream.linear.scatter [tilespmem:s2], [sflag:$0x7], $0x8000, $0x38;
	[tilespmem:$0x18000] =	vst v63  }
0x512: {  	s31 =	rddreg [dreg:$0x6]  }
0x513: {  	[tilespmem:s10], [sflag:$0x3] =	stream.linear.gather [hbm4b:s31+s2], $0x8000, $0x38;
	[tilespmem:$0x18000] =	vst v63  }
0x514: {  	_ =	swait.ge [sflag:s26], $0x8000  }
0x515: {  	[sflag:s26] =	ssyncset.done $0x0  }
0x516: {  	[sflag:s26] =	ssyncadd.s32 $0xFFFF8000  }
0x517: {  	_ =	swait.ge [sflag:s5], $0x8000  }
0x518: {  	[sflag:s5] =	ssyncset.done $0x0  }
0x519: {  	[sflag:s5] =	ssyncadd.s32 $0xFFFF8000  }
0x51a: {  	_ =	swait.ge [sflag:s6], $0x8000  }
0x51b: {  	[sflag:s6] =	ssyncset.done $0x0  }
0x51c: {  	s31 =	rddreg [dreg:$0x7];
	[sflag:s6] =	ssyncadd.s32 $0xFFFF8000  }
0x51d: {  	[hbm4b:s31+s2] =	stream.linear.scatter [tilespmem:s16], [sflag:$0x5], $0x8000, $0x38;
	[tilespmem:$0x18000] =	vst v63  }
0x51e: {  	s1 =	rddreg [dreg:$0x8]  }
0x51f: {  	[hbm4b:s1+s2] =	stream.linear.scatter [tilespmem:s16], [sflag:$0x8], $0x8000, $0x38;
	[tilespmem:$0x18000] =	vst v63  }
0x520: {  	s31 =	rddreg [dreg:$0x9]  }
0x521: {  	[tilespmem:s2], [sflag:$0x1] =	stream.linear.gather [hbm4b:s31+s2], $0x8000, $0x38;
	[tilespmem:$0x18000] =	vst v63  }
0x522: {  	_ =	swait.ge [sflag:s22], $0x8000  }
0x523: {  	[sflag:s22] =	ssyncset.done $0x0  }
0x524: {  	[sflag:s22] =	ssyncadd.s32 $0xFFFF8000  }
0x525: {  	_ =	swait.ge [sflag:s21], $0x8000  }
0x526: {  	[sflag:s21] =	ssyncset.done $0x0  }
0x527: {  	[sflag:s21] =	ssyncadd.s32 $0xFFFF8000  }
0x528: {  	_ =	swait.ge [sflag:s17], $0x8000  }
0x529: {  	[sflag:s17] =	ssyncset.done $0x0  }
0x52a: {  	s31 =	rddreg [dreg:$0xa];
	[sflag:s17] =	ssyncadd.s32 $0xFFFF8000  }
0x52b: {  	[hbm4b:s31+s2] =	stream.linear.scatter [tilespmem:s10], [sflag:$0x6], $0x8000, $0x38;
	[tilespmem:$0x18000] =	vst v63  }
0x52c: {  	s1 =	rddreg [dreg:$0xb]  }
0x52d: {  	[hbm4b:s1+s2] =	stream.linear.scatter [tilespmem:s10], [sflag:$0x9], $0x8000, $0x38;
	[tilespmem:$0x18000] =	vst v63  }
0x52e: {  	s31 =	rddreg [dreg:$0xc]  }
0x52f: {  	[tilespmem:s16], [sflag:$0x2] =	stream.linear.gather [hbm4b:s31+s2], $0x8000, $0x38;
	[tilespmem:$0x18000] =	vst v63  }
0x530: {  	_ =	swait.ge [sflag:s9], $0x8000  }
0x531: {  	[sflag:s9] =	ssyncset.done $0x0  }
0x532: {  	[sflag:s9] =	ssyncadd.s32 $0xFFFF8000  }
0x533: {  	_ =	swait.ge [sflag:s15], $0x8000  }
0x534: {  	[sflag:s15] =	ssyncset.done $0x0  }
0x535: {  	[sflag:s15] =	ssyncadd.s32 $0xFFFF8000  }
0x536: {  	_ =	swait.ge [sflag:s11], $0x8000  }
0x537: {  	[sflag:s11] =	ssyncset.done $0x0  }
0x538: {  	s31 =	rddreg [dreg:$0xd];
	[sflag:s11] =	ssyncadd.s32 $0xFFFF8000  }
0x539: {  	[hbm4b:s31+s2] =	stream.linear.scatter [tilespmem:s2], [sflag:$0x4], $0x8000, $0x38;
	[tilespmem:$0x18000] =	vst v63  }
0x53a: {  	s1 =	rddreg [dreg:$0xe]  }
0x53b: {  	[hbm4b:s1+s2] =	stream.linear.scatter [tilespmem:s2], [sflag:$0x7], $0x8000, $0x38;
	[tilespmem:$0x18000] =	vst v63  }
0x53c: {  	s31 =	rddreg [dreg:$0xf]  }
0x53d: {  	[tilespmem:s10], [sflag:$0x3] =	stream.linear.gather [hbm4b:s31+s2], $0x8000, $0x38;
	[tilespmem:$0x18000] =	vst v63  }
0x53e: {  	_ =	swait.ge [sflag:s26], $0x8000  }
0x53f: {  	[sflag:s26] =	ssyncset.done $0x0  }
0x540: {  	[sflag:s26] =	ssyncadd.s32 $0xFFFF8000  }
0x541: {  	_ =	swait.ge [sflag:s5], $0x8000  }
0x542: {  	[sflag:s5] =	ssyncset.done $0x0  }
0x543: {  	[sflag:s5] =	ssyncadd.s32 $0xFFFF8000  }
0x544: {  	_ =	swait.ge [sflag:s6], $0x8000  }
0x545: {  	[sflag:s6] =	ssyncset.done $0x0  }
0x546: {  	s31 =	rddreg [dreg:$0x10];
	[sflag:s6] =	ssyncadd.s32 $0xFFFF8000  }
0x547: {  	[hbm4b:s31+s2] =	stream.linear.scatter [tilespmem:s16], [sflag:$0x5], $0x8000, $0x38;
	[tilespmem:$0x18000] =	vst v63  }
0x548: {  	s1 =	rddreg [dreg:$0x11]  }
0x549: {  	[hbm4b:s1+s2] =	stream.linear.scatter [tilespmem:s16], [sflag:$0x8], $0x8000, $0x38;
	[tilespmem:$0x18000] =	vst v63  }
0x54a: {  	s31 =	rddreg [dreg:$0x12]  }
0x54b: {  	[tilespmem:s2], [sflag:$0x1] =	stream.linear.gather [hbm4b:s31+s2], $0x8000, $0x38;
	[tilespmem:$0x18000] =	vst v63  }
0x54c: {  	_ =	swait.ge [sflag:s22], $0x8000  }
0x54d: {  	[sflag:s22] =	ssyncset.done $0x0  }
0x54e: {  	[sflag:s22] =	ssyncadd.s32 $0xFFFF8000  }
0x54f: {  	_ =	swait.ge [sflag:s21], $0x8000  }
0x550: {  	[sflag:s21] =	ssyncset.done $0x0  }
0x551: {  	[sflag:s21] =	ssyncadd.s32 $0xFFFF8000  }
0x552: {  	_ =	swait.ge [sflag:s17], $0x8000  }
0x553: {  	[sflag:s17] =	ssyncset.done $0x0  }
0x554: {  	s31 =	rddreg [dreg:$0x13];
	[sflag:s17] =	ssyncadd.s32 $0xFFFF8000  }
0x555: {  	[hbm4b:s31+s2] =	stream.linear.scatter [tilespmem:s10], [sflag:$0x6], $0x8000, $0x38;
	[tilespmem:$0x18000] =	vst v63  }
0x556: {  	s1 =	rddreg [dreg:$0x14]  }
0x557: {  	[hbm4b:s1+s2] =	stream.linear.scatter [tilespmem:s10], [sflag:$0x9], $0x8000, $0x38;
	[tilespmem:$0x18000] =	vst v63  }
0x558: {  	s31 =	rddreg [dreg:$0x15]  }
0x559: {  	[tilespmem:s16], [sflag:$0x2] =	stream.linear.gather [hbm4b:s31+s2], $0x8000, $0x38;
	[tilespmem:$0x18000] =	vst v63  }
0x55a: {  	_ =	swait.ge [sflag:s9], $0x8000  }
0x55b: {  	[sflag:s9] =	ssyncset.done $0x0  }
0x55c: {  	[sflag:s9] =	ssyncadd.s32 $0xFFFF8000  }
0x55d: {  	_ =	swait.ge [sflag:s15], $0x8000  }
0x55e: {  	[sflag:s15] =	ssyncset.done $0x0  }
0x55f: {  	[sflag:s15] =	ssyncadd.s32 $0xFFFF8000  }
0x560: {  	_ =	swait.ge [sflag:s11], $0x8000  }
0x561: {  	[sflag:s11] =	ssyncset.done $0x0  }
0x562: {  	s31 =	rddreg [dreg:$0x16];
	[sflag:s11] =	ssyncadd.s32 $0xFFFF8000  }
0x563: {  	[hbm4b:s31+s2] =	stream.linear.scatter [tilespmem:s2], [sflag:$0x4], $0x8000, $0x38;
	[tilespmem:$0x18000] =	vst v63  }
0x564: {  	s1 =	rddreg [dreg:$0x17]  }
0x565: {  	[hbm4b:s1+s2] =	stream.linear.scatter [tilespmem:s2], [sflag:$0x7], $0x8000, $0x38;
	[tilespmem:$0x18000] =	vst v63  }
0x566: {  	s31 =	rddreg [dreg:$0x18]  }
0x567: {  	[tilespmem:s10], [sflag:$0x3] =	stream.linear.gather [hbm4b:s31+s2], $0x8000, $0x38;
	[tilespmem:$0x18000] =	vst v63  }
0x568: {  	_ =	swait.ge [sflag:s26], $0x8000  }
0x569: {  	[sflag:s26] =	ssyncset.done $0x0  }
0x56a: {  	[sflag:s26] =	ssyncadd.s32 $0xFFFF8000  }
0x56b: {  	_ =	swait.ge [sflag:s5], $0x8000  }
0x56c: {  	[sflag:s5] =	ssyncset.done $0x0  }
0x56d: {  	[sflag:s5] =	ssyncadd.s32 $0xFFFF8000  }
0x56e: {  	_ =	swait.ge [sflag:s6], $0x8000  }
0x56f: {  	[sflag:s6] =	ssyncset.done $0x0  }
0x570: {  	s31 =	rddreg [dreg:$0x19];
	[sflag:s6] =	ssyncadd.s32 $0xFFFF8000  }
0x571: {  	[hbm4b:s31+s2] =	stream.linear.scatter [tilespmem:s16], [sflag:$0x5], $0x8000, $0x38;
	[tilespmem:$0x18000] =	vst v63  }
0x572: {  	s1 =	rddreg [dreg:$0x1a]  }
0x573: {  	[hbm4b:s1+s2] =	stream.linear.scatter [tilespmem:s16], [sflag:$0x8], $0x8000, $0x38;
	[tilespmem:$0x18000] =	vst v63  }
0x574: {  	s31 =	rddreg [dreg:$0x1b]  }
0x575: {  	[tilespmem:s2], [sflag:$0x1] =	stream.linear.gather [hbm4b:s31+s2], $0x8000, $0x38;
	[tilespmem:$0x18000] =	vst v63  }
0x576: {  	_ =	swait.ge [sflag:s22], $0x8000  }
0x577: {  	[sflag:s22] =	ssyncset.done $0x0  }
0x578: {  	[sflag:s22] =	ssyncadd.s32 $0xFFFF8000  }
0x579: {  	_ =	swait.ge [sflag:s21], $0x8000  }
0x57a: {  	[sflag:s21] =	ssyncset.done $0x0  }
0x57b: {  	[sflag:s21] =	ssyncadd.s32 $0xFFFF8000  }
0x57c: {  	_ =	swait.ge [sflag:s17], $0x8000  }
0x57d: {  	[sflag:s17] =	ssyncset.done $0x0  }
0x57e: {  	s31 =	rddreg [dreg:$0x1c];
	[sflag:s17] =	ssyncadd.s32 $0xFFFF8000  }
0x57f: {  	[hbm4b:s31+s2] =	stream.linear.scatter [tilespmem:s10], [sflag:$0x6], $0x8000, $0x38;
	[tilespmem:$0x18000] =	vst v63  }
0x580: {  	s1 =	rddreg [dreg:$0x1d]  }
0x581: {  	[hbm4b:s1+s2] =	stream.linear.scatter [tilespmem:s10], [sflag:$0x9], $0x8000, $0x38;
	[tilespmem:$0x18000] =	vst v63  }
0x582: {  	s31 =	rddreg [dreg:$0x1e]  }
0x583: {  	[tilespmem:s16], [sflag:$0x2] =	stream.linear.gather [hbm4b:s31+s2], $0x8000, $0x38;
	[tilespmem:$0x18000] =	vst v63  }
0x584: {  	_ =	swait.ge [sflag:s9], $0x8000  }
0x585: {  	[sflag:s9] =	ssyncset.done $0x0  }
0x586: {  	[sflag:s9] =	ssyncadd.s32 $0xFFFF8000  }
0x587: {  	_ =	swait.ge [sflag:s15], $0x8000  }
0x588: {  	[sflag:s15] =	ssyncset.done $0x0  }
0x589: {  	[sflag:s15] =	ssyncadd.s32 $0xFFFF8000  }
0x58a: {  	_ =	swait.ge [sflag:s11], $0x8000  }
0x58b: {  	s31 =	rddreg [dreg:$0x1f];
	[sflag:s11] =	ssyncset.done $0x0  }
0x58c: {  	s1 =	sld [smem:$0x7B4];
	[sflag:s11] =	ssyncadd.s32 $0xFFFF8000  }
0x58d: {  	[hbm4b:s31+s2] =	stream.linear.scatter [tilespmem:s2], [sflag:$0x4], $0x8000, $0x38;
	[tilespmem:$0x18000] =	vst v63  }
0x58e: {  	s31 =	sld [smem:$0x7B5]  }
0x58f: {  	[hbm4b:s1+s2] =	stream.linear.scatter [tilespmem:s2], [sflag:$0x7], $0x8000, $0x38;
	[tilespmem:$0x18000] =	vst v63  }
0x590: {  	_ = 	snop  }
0x591: {  	[tilespmem:s10], [sflag:$0x3] =	stream.linear.gather [hbm4b:s31+s2], $0x8000, $0x38;
	[tilespmem:$0x18000] =	vst v63  }
0x592: {  	_ =	swait.ge [sflag:s26], $0x8000  }
0x593: {  	[sflag:s26] =	ssyncset.done $0x0  }
0x594: {  	[sflag:s26] =	ssyncadd.s32 $0xFFFF8000  }
0x595: {  	_ =	swait.ge [sflag:s5], $0x8000  }
0x596: {  	[sflag:s5] =	ssyncset.done $0x0  }
0x597: {  	[sflag:s5] =	ssyncadd.s32 $0xFFFF8000  }
0x598: {  	_ =	swait.ge [sflag:s6], $0x8000  }
0x599: {  	s31 =	sld [smem:$0x7B6]  }
0x59a: {  	[sflag:s6] =	ssyncset.done $0x0  }
0x59b: {  	s1 =	sld [smem:$0x7B7];
	[sflag:s6] =	ssyncadd.s32 $0xFFFF8000  }
0x59c: {  	[hbm4b:s31+s2] =	stream.linear.scatter [tilespmem:s16], [sflag:$0x5], $0x8000, $0x38;
	[tilespmem:$0x18000] =	vst v63  }
0x59d: {  	s31 =	sld [smem:$0x7B8]  }
0x59e: {  	[hbm4b:s1+s2] =	stream.linear.scatter [tilespmem:s16], [sflag:$0x8], $0x8000, $0x38;
	[tilespmem:$0x18000] =	vst v63  }
0x59f: {  	_ = 	snop  }
0x5a0: {  	[tilespmem:s2], [sflag:$0x1] =	stream.linear.gather [hbm4b:s31+s2], $0x8000, $0x38;
	[tilespmem:$0x18000] =	vst v63  }
0x5a1: {  	_ =	swait.ge [sflag:s22], $0x8000  }
0x5a2: {  	[sflag:s22] =	ssyncset.done $0x0  }
0x5a3: {  	[sflag:s22] =	ssyncadd.s32 $0xFFFF8000  }
0x5a4: {  	_ =	swait.ge [sflag:s21], $0x8000  }
0x5a5: {  	[sflag:s21] =	ssyncset.done $0x0  }
0x5a6: {  	[sflag:s21] =	ssyncadd.s32 $0xFFFF8000  }
0x5a7: {  	_ =	swait.ge [sflag:s17], $0x8000  }
0x5a8: {  	s31 =	sld [smem:$0x7B9]  }
0x5a9: {  	[sflag:s17] =	ssyncset.done $0x0  }
0x5aa: {  	s1 =	sld [smem:$0x7BA];
	[sflag:s17] =	ssyncadd.s32 $0xFFFF8000  }
0x5ab: {  	[hbm4b:s31+s2] =	stream.linear.scatter [tilespmem:s10], [sflag:$0x6], $0x8000, $0x38;
	[tilespmem:$0x18000] =	vst v63  }
0x5ac: {  	s31 =	sld [smem:$0x7BB]  }
0x5ad: {  	[hbm4b:s1+s2] =	stream.linear.scatter [tilespmem:s10], [sflag:$0x9], $0x8000, $0x38;
	[tilespmem:$0x18000] =	vst v63  }
0x5ae: {  	_ = 	snop  }
0x5af: {  	[tilespmem:s16], [sflag:$0x2] =	stream.linear.gather [hbm4b:s31+s2], $0x8000, $0x38;
	[tilespmem:$0x18000] =	vst v63  }
0x5b0: {  	_ =	swait.ge [sflag:s9], $0x8000  }
0x5b1: {  	[sflag:s9] =	ssyncset.done $0x0  }
0x5b2: {  	[sflag:s9] =	ssyncadd.s32 $0xFFFF8000  }
0x5b3: {  	_ =	swait.ge [sflag:s15], $0x8000  }
0x5b4: {  	[sflag:s15] =	ssyncset.done $0x0  }
0x5b5: {  	[sflag:s15] =	ssyncadd.s32 $0xFFFF8000  }
0x5b6: {  	_ =	swait.ge [sflag:s11], $0x8000  }
0x5b7: {  	s31 =	sld [smem:$0x7BC]  }
0x5b8: {  	[sflag:s11] =	ssyncset.done $0x0  }
0x5b9: {  	s1 =	sld [smem:$0x7BD];
	[sflag:s11] =	ssyncadd.s32 $0xFFFF8000  }
0x5ba: {  	[hbm4b:s31+s2] =	stream.linear.scatter [tilespmem:s2], [sflag:$0x4], $0x8000, $0x38;
	[tilespmem:$0x18000] =	vst v63  }
0x5bb: {  	s31 =	sld [smem:$0x7BE]  }
0x5bc: {  	[hbm4b:s1+s2] =	stream.linear.scatter [tilespmem:s2], [sflag:$0x7], $0x8000, $0x38;
	[tilespmem:$0x18000] =	vst v63  }
0x5bd: {  	_ = 	snop  }
0x5be: {  	[tilespmem:s10], [sflag:$0x3] =	stream.linear.gather [hbm4b:s31+s2], $0x8000, $0x38;
	[tilespmem:$0x18000] =	vst v63  }
0x5bf: {  	_ =	swait.ge [sflag:s26], $0x8000  }
0x5c0: {  	[sflag:s26] =	ssyncset.done $0x0  }
0x5c1: {  	[sflag:s26] =	ssyncadd.s32 $0xFFFF8000  }
0x5c2: {  	_ =	swait.ge [sflag:s5], $0x8000  }
0x5c3: {  	[sflag:s5] =	ssyncset.done $0x0  }
0x5c4: {  	[sflag:s5] =	ssyncadd.s32 $0xFFFF8000  }
0x5c5: {  	_ =	swait.ge [sflag:s6], $0x8000  }
0x5c6: {  	s31 =	sld [smem:$0x7BF]  }
0x5c7: {  	[sflag:s6] =	ssyncset.done $0x0  }
0x5c8: {  	s1 =	sld [smem:$0x7C0];
	[sflag:s6] =	ssyncadd.s32 $0xFFFF8000  }
0x5c9: {  	[hbm4b:s31+s2] =	stream.linear.scatter [tilespmem:s16], [sflag:$0x5], $0x8000, $0x38;
	[tilespmem:$0x18000] =	vst v63  }
0x5ca: {  	s31 =	sld [smem:$0x7C1]  }
0x5cb: {  	[hbm4b:s1+s2] =	stream.linear.scatter [tilespmem:s16], [sflag:$0x8], $0x8000, $0x38;
	[tilespmem:$0x18000] =	vst v63  }
0x5cc: {  	_ = 	snop  }
0x5cd: {  	[tilespmem:s2], [sflag:$0x1] =	stream.linear.gather [hbm4b:s31+s2], $0x8000, $0x38;
	[tilespmem:$0x18000] =	vst v63  }
0x5ce: {  	_ =	swait.ge [sflag:s22], $0x8000  }
0x5cf: {  	[sflag:s22] =	ssyncset.done $0x0  }
0x5d0: {  	[sflag:s22] =	ssyncadd.s32 $0xFFFF8000  }
0x5d1: {  	_ =	swait.ge [sflag:s21], $0x8000  }
0x5d2: {  	[sflag:s21] =	ssyncset.done $0x0  }
0x5d3: {  	[sflag:s21] =	ssyncadd.s32 $0xFFFF8000  }
0x5d4: {  	_ =	swait.ge [sflag:s17], $0x8000  }
0x5d5: {  	s31 =	sld [smem:$0x7C2]  }
0x5d6: {  	[sflag:s17] =	ssyncset.done $0x0  }
0x5d7: {  	s1 =	sld [smem:$0x7C3];
	[sflag:s17] =	ssyncadd.s32 $0xFFFF8000  }
0x5d8: {  	[hbm4b:s31+s2] =	stream.linear.scatter [tilespmem:s10], [sflag:$0x6], $0x8000, $0x38;
	[tilespmem:$0x18000] =	vst v63  }
0x5d9: {  	s31 =	sld [smem:$0x7C4]  }
0x5da: {  	[hbm4b:s1+s2] =	stream.linear.scatter [tilespmem:s10], [sflag:$0x9], $0x8000, $0x38;
	[tilespmem:$0x18000] =	vst v63  }
0x5db: {  	_ = 	snop  }
0x5dc: {  	[tilespmem:s16], [sflag:$0x2] =	stream.linear.gather [hbm4b:s31+s2], $0x8000, $0x38;
	[tilespmem:$0x18000] =	vst v63  }
0x5dd: {  	_ =	swait.ge [sflag:s9], $0x8000  }
0x5de: {  	[sflag:s9] =	ssyncset.done $0x0  }
0x5df: {  	[sflag:s9] =	ssyncadd.s32 $0xFFFF8000  }
0x5e0: {  	_ =	swait.ge [sflag:s15], $0x8000  }
0x5e1: {  	[sflag:s15] =	ssyncset.done $0x0  }
0x5e2: {  	[sflag:s15] =	ssyncadd.s32 $0xFFFF8000  }
0x5e3: {  	_ =	swait.ge [sflag:s11], $0x8000  }
0x5e4: {  	s31 =	sld [smem:$0x7C5]  }
0x5e5: {  	[sflag:s11] =	ssyncset.done $0x0  }
0x5e6: {  	s1 =	sld [smem:$0x7C6];
	[sflag:s11] =	ssyncadd.s32 $0xFFFF8000  }
0x5e7: {  	[hbm4b:s31+s2] =	stream.linear.scatter [tilespmem:s2], [sflag:$0x4], $0x8000, $0x38;
	[tilespmem:$0x18000] =	vst v63  }
0x5e8: {  	s31 =	sld [smem:$0x7C7]  }
0x5e9: {  	[hbm4b:s1+s2] =	stream.linear.scatter [tilespmem:s2], [sflag:$0x7], $0x8000, $0x38;
	[tilespmem:$0x18000] =	vst v63  }
0x5ea: {  	_ = 	snop  }
0x5eb: {  	[tilespmem:s10], [sflag:$0x3] =	stream.linear.gather [hbm4b:s31+s2], $0x8000, $0x38;
	[tilespmem:$0x18000] =	vst v63  }
0x5ec: {  	_ =	swait.ge [sflag:s26], $0x8000  }
0x5ed: {  	[sflag:s26] =	ssyncset.done $0x0  }
0x5ee: {  	[sflag:s26] =	ssyncadd.s32 $0xFFFF8000  }
0x5ef: {  	_ =	swait.ge [sflag:s5], $0x8000  }
0x5f0: {  	[sflag:s5] =	ssyncset.done $0x0  }
0x5f1: {  	[sflag:s5] =	ssyncadd.s32 $0xFFFF8000  }
0x5f2: {  	_ =	swait.ge [sflag:s6], $0x8000  }
0x5f3: {  	s31 =	sld [smem:$0x7C8]  }
0x5f4: {  	[sflag:s6] =	ssyncset.done $0x0  }
0x5f5: {  	s1 =	sld [smem:$0x7C9];
	[sflag:s6] =	ssyncadd.s32 $0xFFFF8000  }
0x5f6: {  	[hbm4b:s31+s2] =	stream.linear.scatter [tilespmem:s16], [sflag:$0x5], $0x8000, $0x38;
	[tilespmem:$0x18000] =	vst v63  }
0x5f7: {  	s31 =	sld [smem:$0x7CA]  }
0x5f8: {  	[hbm4b:s1+s2] =	stream.linear.scatter [tilespmem:s16], [sflag:$0x8], $0x8000, $0x38;
	[tilespmem:$0x18000] =	vst v63  }
0x5f9: {  	_ = 	snop  }
0x5fa: {  	[tilespmem:s2], [sflag:$0x1] =	stream.linear.gather [hbm4b:s31+s2], $0x8000, $0x38;
	[tilespmem:$0x18000] =	vst v63  }
0x5fb: {  	_ =	swait.ge [sflag:s22], $0x8000  }
0x5fc: {  	[sflag:s22] =	ssyncset.done $0x0  }
0x5fd: {  	[sflag:s22] =	ssyncadd.s32 $0xFFFF8000  }
0x5fe: {  	_ =	swait.ge [sflag:s21], $0x8000  }
0x5ff: {  	[sflag:s21] =	ssyncset.done $0x0  }
0x600: {  	[sflag:s21] =	ssyncadd.s32 $0xFFFF8000  }
0x601: {  	_ =	swait.ge [sflag:s17], $0x8000  }
0x602: {  	s31 =	sld [smem:$0x7CB]  }
0x603: {  	[sflag:s17] =	ssyncset.done $0x0  }
0x604: {  	s1 =	sld [smem:$0x7CC];
	[sflag:s17] =	ssyncadd.s32 $0xFFFF8000  }
0x605: {  	[hbm4b:s31+s2] =	stream.linear.scatter [tilespmem:s10], [sflag:$0x6], $0x8000, $0x38;
	[tilespmem:$0x18000] =	vst v63  }
0x606: {  	s31 =	sld [smem:$0x7CD]  }
0x607: {  	[hbm4b:s1+s2] =	stream.linear.scatter [tilespmem:s10], [sflag:$0x9], $0x8000, $0x38;
	[tilespmem:$0x18000] =	vst v63  }
0x608: {  	_ = 	snop  }
0x609: {  	[tilespmem:s16], [sflag:$0x2] =	stream.linear.gather [hbm4b:s31+s2], $0x8000, $0x38;
	[tilespmem:$0x18000] =	vst v63  }
0x60a: {  	_ =	swait.ge [sflag:s9], $0x8000  }
0x60b: {  	[sflag:s9] =	ssyncset.done $0x0  }
0x60c: {  	[sflag:s9] =	ssyncadd.s32 $0xFFFF8000  }
0x60d: {  	_ =	swait.ge [sflag:s15], $0x8000  }
0x60e: {  	[sflag:s15] =	ssyncset.done $0x0  }
0x60f: {  	[sflag:s15] =	ssyncadd.s32 $0xFFFF8000  }
0x610: {  	_ =	swait.ge [sflag:s11], $0x8000  }
0x611: {  	s31 =	sld [smem:$0x7CE]  }
0x612: {  	[sflag:s11] =	ssyncset.done $0x0  }
0x613: {  	s1 =	sld [smem:$0x7CF];
	[sflag:s11] =	ssyncadd.s32 $0xFFFF8000  }
0x614: {  	[hbm4b:s31+s2] =	stream.linear.scatter [tilespmem:s2], [sflag:$0x4], $0x8000, $0x38;
	[tilespmem:$0x18000] =	vst v63  }
0x615: {  	s31 =	sld [smem:$0x7D0]  }
0x616: {  	[hbm4b:s1+s2] =	stream.linear.scatter [tilespmem:s2], [sflag:$0x7], $0x8000, $0x38;
	[tilespmem:$0x18000] =	vst v63  }
0x617: {  	_ = 	snop  }
0x618: {  	[tilespmem:s10], [sflag:$0x3] =	stream.linear.gather [hbm4b:s31+s2], $0x8000, $0x38;
	[tilespmem:$0x18000] =	vst v63  }
0x619: {  	_ =	swait.ge [sflag:s26], $0x8000  }
0x61a: {  	[sflag:s26] =	ssyncset.done $0x0  }
0x61b: {  	[sflag:s26] =	ssyncadd.s32 $0xFFFF8000  }
0x61c: {  	_ =	swait.ge [sflag:s5], $0x8000  }
0x61d: {  	[sflag:s5] =	ssyncset.done $0x0  }
0x61e: {  	[sflag:s5] =	ssyncadd.s32 $0xFFFF8000  }
0x61f: {  	_ =	swait.ge [sflag:s6], $0x8000  }
0x620: {  	s31 =	sld [smem:$0x7D1]  }
0x621: {  	[sflag:s6] =	ssyncset.done $0x0  }
0x622: {  	s1 =	sld [smem:$0x7D2];
	[sflag:s6] =	ssyncadd.s32 $0xFFFF8000  }
0x623: {  	[hbm4b:s31+s2] =	stream.linear.scatter [tilespmem:s16], [sflag:$0x5], $0x8000, $0x38;
	[tilespmem:$0x18000] =	vst v63  }
0x624: {  	s31 =	sld [smem:$0x7D3]  }
0x625: {  	[hbm4b:s1+s2] =	stream.linear.scatter [tilespmem:s16], [sflag:$0x8], $0x8000, $0x38;
	[tilespmem:$0x18000] =	vst v63  }
0x626: {  	_ = 	snop  }
0x627: {  	[tilespmem:s2], [sflag:$0x1] =	stream.linear.gather [hbm4b:s31+s2], $0x8000, $0x38;
	[tilespmem:$0x18000] =	vst v63  }
0x628: {  	_ =	swait.ge [sflag:s22], $0x8000  }
0x629: {  	[sflag:s22] =	ssyncset.done $0x0  }
0x62a: {  	[sflag:s22] =	ssyncadd.s32 $0xFFFF8000  }
0x62b: {  	_ =	swait.ge [sflag:s21], $0x8000  }
0x62c: {  	[sflag:s21] =	ssyncset.done $0x0  }
0x62d: {  	[sflag:s21] =	ssyncadd.s32 $0xFFFF8000  }
0x62e: {  	_ =	swait.ge [sflag:s17], $0x8000  }
0x62f: {  	s31 =	sld [smem:$0x7D4]  }
0x630: {  	[sflag:s17] =	ssyncset.done $0x0  }
0x631: {  	s1 =	sld [smem:$0x7D5];
	[sflag:s17] =	ssyncadd.s32 $0xFFFF8000  }
0x632: {  	[hbm4b:s31+s2] =	stream.linear.scatter [tilespmem:s10], [sflag:$0x6], $0x8000, $0x38;
	[tilespmem:$0x18000] =	vst v63  }
0x633: {  	s31 =	sld [smem:$0x7D6]  }
0x634: {  	[hbm4b:s1+s2] =	stream.linear.scatter [tilespmem:s10], [sflag:$0x9], $0x8000, $0x38;
	[tilespmem:$0x18000] =	vst v63  }
0x635: {  	_ = 	snop  }
0x636: {  	[tilespmem:s16], [sflag:$0x2] =	stream.linear.gather [hbm4b:s31+s2], $0x8000, $0x38;
	[tilespmem:$0x18000] =	vst v63  }
0x637: {  	_ =	swait.ge [sflag:s9], $0x8000  }
0x638: {  	[sflag:s9] =	ssyncset.done $0x0  }
0x639: {  	[sflag:s9] =	ssyncadd.s32 $0xFFFF8000  }
0x63a: {  	_ =	swait.ge [sflag:s15], $0x8000  }
0x63b: {  	[sflag:s15] =	ssyncset.done $0x0  }
0x63c: {  	[sflag:s15] =	ssyncadd.s32 $0xFFFF8000  }
0x63d: {  	_ =	swait.ge [sflag:s11], $0x8000  }
0x63e: {  	s31 =	sld [smem:$0x7D7]  }
0x63f: {  	[sflag:s11] =	ssyncset.done $0x0  }
0x640: {  	s1 =	sld [smem:$0x7D8];
	[sflag:s11] =	ssyncadd.s32 $0xFFFF8000  }
0x641: {  	[hbm4b:s31+s2] =	stream.linear.scatter [tilespmem:s2], [sflag:$0x4], $0x8000, $0x38;
	[tilespmem:$0x18000] =	vst v63  }
0x642: {  	s31 =	sld [smem:$0x7D9]  }
0x643: {  	[hbm4b:s1+s2] =	stream.linear.scatter [tilespmem:s2], [sflag:$0x7], $0x8000, $0x38;
	[tilespmem:$0x18000] =	vst v63  }
0x644: {  	_ = 	snop  }
0x645: {  	[tilespmem:s10], [sflag:$0x3] =	stream.linear.gather [hbm4b:s31+s2], $0x8000, $0x38;
	[tilespmem:$0x18000] =	vst v63  }
0x646: {  	_ =	swait.ge [sflag:s26], $0x8000  }
0x647: {  	[sflag:s26] =	ssyncset.done $0x0  }
0x648: {  	[sflag:s26] =	ssyncadd.s32 $0xFFFF8000  }
0x649: {  	_ =	swait.ge [sflag:s5], $0x8000  }
0x64a: {  	[sflag:s5] =	ssyncset.done $0x0  }
0x64b: {  	[sflag:s5] =	ssyncadd.s32 $0xFFFF8000  }
0x64c: {  	_ =	swait.ge [sflag:s6], $0x8000  }
0x64d: {  	s31 =	sld [smem:$0x7DA]  }
0x64e: {  	[sflag:s6] =	ssyncset.done $0x0  }
0x64f: {  	s1 =	sld [smem:$0x7DB];
	[sflag:s6] =	ssyncadd.s32 $0xFFFF8000  }
0x650: {  	[hbm4b:s31+s2] =	stream.linear.scatter [tilespmem:s16], [sflag:$0x5], $0x8000, $0x38;
	[tilespmem:$0x18000] =	vst v63  }
0x651: {  	s31 =	sld [smem:$0x7DC]  }
0x652: {  	[hbm4b:s1+s2] =	stream.linear.scatter [tilespmem:s16], [sflag:$0x8], $0x8000, $0x38;
	[tilespmem:$0x18000] =	vst v63  }
0x653: {  	_ = 	snop  }
0x654: {  	[tilespmem:s2], [sflag:$0x1] =	stream.linear.gather [hbm4b:s31+s2], $0x8000, $0x38;
	[tilespmem:$0x18000] =	vst v63  }
0x655: {  	_ =	swait.ge [sflag:s22], $0x8000  }
0x656: {  	[sflag:s22] =	ssyncset.done $0x0  }
0x657: {  	[sflag:s22] =	ssyncadd.s32 $0xFFFF8000  }
0x658: {  	_ =	swait.ge [sflag:s21], $0x8000  }
0x659: {  	[sflag:s21] =	ssyncset.done $0x0  }
0x65a: {  	[sflag:s21] =	ssyncadd.s32 $0xFFFF8000  }
0x65b: {  	_ =	swait.ge [sflag:s17], $0x8000  }
0x65c: {  	s31 =	sld [smem:$0x7DD]  }
0x65d: {  	[sflag:s17] =	ssyncset.done $0x0  }
0x65e: {  	s1 =	sld [smem:$0x7DE];
	[sflag:s17] =	ssyncadd.s32 $0xFFFF8000  }
0x65f: {  	[hbm4b:s31+s2] =	stream.linear.scatter [tilespmem:s10], [sflag:$0x6], $0x8000, $0x38;
	[tilespmem:$0x18000] =	vst v63  }
0x660: {  	s31 =	sld [smem:$0x7DF]  }
0x661: {  	[hbm4b:s1+s2] =	stream.linear.scatter [tilespmem:s10], [sflag:$0x9], $0x8000, $0x38;
	[tilespmem:$0x18000] =	vst v63  }
0x662: {  	_ = 	snop  }
0x663: {  	[tilespmem:s16], [sflag:$0x2] =	stream.linear.gather [hbm4b:s31+s2], $0x8000, $0x38;
	[tilespmem:$0x18000] =	vst v63  }
0x664: {  	_ =	swait.ge [sflag:s9], $0x8000  }
0x665: {  	[sflag:s9] =	ssyncset.done $0x0  }
0x666: {  	[sflag:s9] =	ssyncadd.s32 $0xFFFF8000  }
0x667: {  	_ =	swait.ge [sflag:s15], $0x8000  }
0x668: {  	[sflag:s15] =	ssyncset.done $0x0  }
0x669: {  	[sflag:s15] =	ssyncadd.s32 $0xFFFF8000  }
0x66a: {  	_ =	swait.ge [sflag:s11], $0x8000  }
0x66b: {  	s31 =	sld [smem:$0x7E0]  }
0x66c: {  	[sflag:s11] =	ssyncset.done $0x0  }
0x66d: {  	s1 =	sld [smem:$0x7E1];
	[sflag:s11] =	ssyncadd.s32 $0xFFFF8000  }
0x66e: {  	[hbm4b:s31+s2] =	stream.linear.scatter [tilespmem:s2], [sflag:$0x4], $0x8000, $0x38;
	[tilespmem:$0x18000] =	vst v63  }
0x66f: {  	s31 =	sld [smem:$0x7E2]  }
0x670: {  	[hbm4b:s1+s2] =	stream.linear.scatter [tilespmem:s2], [sflag:$0x7], $0x8000, $0x38;
	[tilespmem:$0x18000] =	vst v63  }
0x671: {  	_ = 	snop  }
0x672: {  	[tilespmem:s10], [sflag:$0x3] =	stream.linear.gather [hbm4b:s31+s2], $0x8000, $0x38;
	[tilespmem:$0x18000] =	vst v63  }
0x673: {  	_ =	swait.ge [sflag:s26], $0x8000  }
0x674: {  	[sflag:s26] =	ssyncset.done $0x0  }
0x675: {  	[sflag:s26] =	ssyncadd.s32 $0xFFFF8000  }
0x676: {  	_ =	swait.ge [sflag:s5], $0x8000  }
0x677: {  	[sflag:s5] =	ssyncset.done $0x0  }
0x678: {  	[sflag:s5] =	ssyncadd.s32 $0xFFFF8000  }
0x679: {  	_ =	swait.ge [sflag:s6], $0x8000  }
0x67a: {  	s31 =	sld [smem:$0x7E3]  }
0x67b: {  	[sflag:s6] =	ssyncset.done $0x0  }
0x67c: {  	s1 =	sld [smem:$0x7E4];
	[sflag:s6] =	ssyncadd.s32 $0xFFFF8000  }
0x67d: {  	[hbm4b:s31+s2] =	stream.linear.scatter [tilespmem:s16], [sflag:$0x5], $0x8000, $0x38;
	[tilespmem:$0x18000] =	vst v63  }
0x67e: {  	s31 =	sld [smem:$0x7E5]  }
0x67f: {  	[hbm4b:s1+s2] =	stream.linear.scatter [tilespmem:s16], [sflag:$0x8], $0x8000, $0x38;
	[tilespmem:$0x18000] =	vst v63  }
0x680: {  	_ = 	snop  }
0x681: {  	[tilespmem:s2], [sflag:$0x1] =	stream.linear.gather [hbm4b:s31+s2], $0x8000, $0x38;
	[tilespmem:$0x18000] =	vst v63  }
0x682: {  	_ =	swait.ge [sflag:s22], $0x8000  }
0x683: {  	[sflag:s22] =	ssyncset.done $0x0  }
0x684: {  	[sflag:s22] =	ssyncadd.s32 $0xFFFF8000  }
0x685: {  	_ =	swait.ge [sflag:s21], $0x8000  }
0x686: {  	[sflag:s21] =	ssyncset.done $0x0  }
0x687: {  	[sflag:s21] =	ssyncadd.s32 $0xFFFF8000  }
0x688: {  	_ =	swait.ge [sflag:s17], $0x8000  }
0x689: {  	s31 =	sld [smem:$0x7E6]  }
0x68a: {  	[sflag:s17] =	ssyncset.done $0x0  }
0x68b: {  	s1 =	sld [smem:$0x7E7];
	[sflag:s17] =	ssyncadd.s32 $0xFFFF8000  }
0x68c: {  	[hbm4b:s31+s2] =	stream.linear.scatter [tilespmem:s10], [sflag:$0x6], $0x8000, $0x38;
	[tilespmem:$0x18000] =	vst v63  }
0x68d: {  	s31 =	sld [smem:$0x7E8]  }
0x68e: {  	[hbm4b:s1+s2] =	stream.linear.scatter [tilespmem:s10], [sflag:$0x9], $0x8000, $0x38;
	[tilespmem:$0x18000] =	vst v63  }
0x68f: {  	_ = 	snop  }
0x690: {  	[tilespmem:s16], [sflag:$0x2] =	stream.linear.gather [hbm4b:s31+s2], $0x8000, $0x38;
	[tilespmem:$0x18000] =	vst v63  }
0x691: {  	_ =	swait.ge [sflag:s9], $0x8000  }
0x692: {  	[sflag:s9] =	ssyncset.done $0x0  }
0x693: {  	[sflag:s9] =	ssyncadd.s32 $0xFFFF8000  }
0x694: {  	_ =	swait.ge [sflag:s15], $0x8000  }
0x695: {  	[sflag:s15] =	ssyncset.done $0x0  }
0x696: {  	[sflag:s15] =	ssyncadd.s32 $0xFFFF8000  }
0x697: {  	_ =	swait.ge [sflag:s11], $0x8000  }
0x698: {  	s31 =	sld [smem:$0x7E9]  }
0x699: {  	[sflag:s11] =	ssyncset.done $0x0  }
0x69a: {  	s1 =	sld [smem:$0x7EA];
	[sflag:s11] =	ssyncadd.s32 $0xFFFF8000  }
0x69b: {  	[hbm4b:s31+s2] =	stream.linear.scatter [tilespmem:s2], [sflag:$0x4], $0x8000, $0x38;
	[tilespmem:$0x18000] =	vst v63  }
0x69c: {  	s31 =	sld [smem:$0x7EB]  }
0x69d: {  	[hbm4b:s1+s2] =	stream.linear.scatter [tilespmem:s2], [sflag:$0x7], $0x8000, $0x38;
	[tilespmem:$0x18000] =	vst v63  }
0x69e: {  	_ = 	snop  }
0x69f: {  	[tilespmem:s10], [sflag:$0x3] =	stream.linear.gather [hbm4b:s31+s2], $0x8000, $0x38;
	[tilespmem:$0x18000] =	vst v63  }
0x6a0: {  	_ =	swait.ge [sflag:s26], $0x8000  }
0x6a1: {  	[sflag:s26] =	ssyncset.done $0x0  }
0x6a2: {  	[sflag:s26] =	ssyncadd.s32 $0xFFFF8000  }
0x6a3: {  	_ =	swait.ge [sflag:s5], $0x8000  }
0x6a4: {  	[sflag:s5] =	ssyncset.done $0x0  }
0x6a5: {  	[sflag:s5] =	ssyncadd.s32 $0xFFFF8000  }
0x6a6: {  	_ =	swait.ge [sflag:s6], $0x8000  }
0x6a7: {  	s31 =	sld [smem:$0x7EC]  }
0x6a8: {  	[sflag:s6] =	ssyncset.done $0x0  }
0x6a9: {  	s1 =	sld [smem:$0x7ED];
	[sflag:s6] =	ssyncadd.s32 $0xFFFF8000  }
0x6aa: {  	[hbm4b:s31+s2] =	stream.linear.scatter [tilespmem:s16], [sflag:$0x5], $0x8000, $0x38;
	[tilespmem:$0x18000] =	vst v63  }
0x6ab: {  	s31 =	sld [smem:$0x7EE]  }
0x6ac: {  	[hbm4b:s1+s2] =	stream.linear.scatter [tilespmem:s16], [sflag:$0x8], $0x8000, $0x38;
	[tilespmem:$0x18000] =	vst v63  }
0x6ad: {  	_ = 	snop  }
0x6ae: {  	[tilespmem:s2], [sflag:$0x1] =	stream.linear.gather [hbm4b:s31+s2], $0x8000, $0x38;
	[tilespmem:$0x18000] =	vst v63  }
0x6af: {  	_ =	swait.ge [sflag:s22], $0x8000  }
0x6b0: {  	[sflag:s22] =	ssyncset.done $0x0  }
0x6b1: {  	[sflag:s22] =	ssyncadd.s32 $0xFFFF8000  }
0x6b2: {  	_ =	swait.ge [sflag:s21], $0x8000  }
0x6b3: {  	[sflag:s21] =	ssyncset.done $0x0  }
0x6b4: {  	[sflag:s21] =	ssyncadd.s32 $0xFFFF8000  }
0x6b5: {  	_ =	swait.ge [sflag:s17], $0x8000  }
0x6b6: {  	s31 =	sld [smem:$0x7EF]  }
0x6b7: {  	[sflag:s17] =	ssyncset.done $0x0  }
0x6b8: {  	s1 =	sld [smem:$0x7F0];
	[sflag:s17] =	ssyncadd.s32 $0xFFFF8000  }
0x6b9: {  	[hbm4b:s31+s2] =	stream.linear.scatter [tilespmem:s10], [sflag:$0x6], $0x8000, $0x38;
	[tilespmem:$0x18000] =	vst v63  }
0x6ba: {  	s31 =	sld [smem:$0x7F1]  }
0x6bb: {  	[hbm4b:s1+s2] =	stream.linear.scatter [tilespmem:s10], [sflag:$0x9], $0x8000, $0x38;
	[tilespmem:$0x18000] =	vst v63  }
0x6bc: {  	_ = 	snop  }
0x6bd: {  	[tilespmem:s16], [sflag:$0x2] =	stream.linear.gather [hbm4b:s31+s2], $0x8000, $0x38;
	[tilespmem:$0x18000] =	vst v63  }
0x6be: {  	_ =	swait.ge [sflag:s9], $0x8000  }
0x6bf: {  	[sflag:s9] =	ssyncset.done $0x0  }
0x6c0: {  	[sflag:s9] =	ssyncadd.s32 $0xFFFF8000  }
0x6c1: {  	_ =	swait.ge [sflag:s15], $0x8000  }
0x6c2: {  	[sflag:s15] =	ssyncset.done $0x0  }
0x6c3: {  	[sflag:s15] =	ssyncadd.s32 $0xFFFF8000  }
0x6c4: {  	_ =	swait.ge [sflag:s11], $0x8000  }
0x6c5: {  	s31 =	sld [smem:$0x7F2]  }
0x6c6: {  	[sflag:s11] =	ssyncset.done $0x0  }
0x6c7: {  	s1 =	sld [smem:$0x7F3];
	[sflag:s11] =	ssyncadd.s32 $0xFFFF8000  }
0x6c8: {  	[hbm4b:s31+s2] =	stream.linear.scatter [tilespmem:s2], [sflag:$0x4], $0x8000, $0x38;
	[tilespmem:$0x18000] =	vst v63  }
0x6c9: {  	s31 =	sld [smem:$0x7F4]  }
0x6ca: {  	[hbm4b:s1+s2] =	stream.linear.scatter [tilespmem:s2], [sflag:$0x7], $0x8000, $0x38;
	[tilespmem:$0x18000] =	vst v63  }
0x6cb: {  	_ = 	snop  }
0x6cc: {  	[tilespmem:s10], [sflag:$0x3] =	stream.linear.gather [hbm4b:s31+s2], $0x8000, $0x38;
	[tilespmem:$0x18000] =	vst v63  }
0x6cd: {  	_ =	swait.ge [sflag:s26], $0x8000  }
0x6ce: {  	[sflag:s26] =	ssyncset.done $0x0  }
0x6cf: {  	[sflag:s26] =	ssyncadd.s32 $0xFFFF8000  }
0x6d0: {  	_ =	swait.ge [sflag:s5], $0x8000  }
0x6d1: {  	[sflag:s5] =	ssyncset.done $0x0  }
0x6d2: {  	[sflag:s5] =	ssyncadd.s32 $0xFFFF8000  }
0x6d3: {  	_ =	swait.ge [sflag:s6], $0x8000  }
0x6d4: {  	s31 =	sld [smem:$0x7F5]  }
0x6d5: {  	[sflag:s6] =	ssyncset.done $0x0  }
0x6d6: {  	s1 =	sld [smem:$0x7F6];
	[sflag:s6] =	ssyncadd.s32 $0xFFFF8000  }
0x6d7: {  	[hbm4b:s31+s2] =	stream.linear.scatter [tilespmem:s16], [sflag:$0x5], $0x8000, $0x38;
	[tilespmem:$0x18000] =	vst v63  }
0x6d8: {  	s31 =	sld [smem:$0x7F7]  }
0x6d9: {  	[hbm4b:s1+s2] =	stream.linear.scatter [tilespmem:s16], [sflag:$0x8], $0x8000, $0x38;
	[tilespmem:$0x18000] =	vst v63  }
0x6da: {  	_ = 	snop  }
0x6db: {  	[tilespmem:s2], [sflag:$0x1] =	stream.linear.gather [hbm4b:s31+s2], $0x8000, $0x38;
	[tilespmem:$0x18000] =	vst v63  }
0x6dc: {  	_ =	swait.ge [sflag:s22], $0x8000  }
0x6dd: {  	[sflag:s22] =	ssyncset.done $0x0  }
0x6de: {  	[sflag:s22] =	ssyncadd.s32 $0xFFFF8000  }
0x6df: {  	_ =	swait.ge [sflag:s21], $0x8000  }
0x6e0: {  	[sflag:s21] =	ssyncset.done $0x0  }
0x6e1: {  	[sflag:s21] =	ssyncadd.s32 $0xFFFF8000  }
0x6e2: {  	_ =	swait.ge [sflag:s17], $0x8000  }
0x6e3: {  	s31 =	sld [smem:$0x7F8]  }
0x6e4: {  	[sflag:s17] =	ssyncset.done $0x0  }
0x6e5: {  	s1 =	sld [smem:$0x7F9];
	[sflag:s17] =	ssyncadd.s32 $0xFFFF8000  }
0x6e6: {  	[hbm4b:s31+s2] =	stream.linear.scatter [tilespmem:s10], [sflag:$0x6], $0x8000, $0x38;
	[tilespmem:$0x18000] =	vst v63  }
0x6e7: {  	s31 =	sld [smem:$0x7FA]  }
0x6e8: {  	[hbm4b:s1+s2] =	stream.linear.scatter [tilespmem:s10], [sflag:$0x9], $0x8000, $0x38;
	[tilespmem:$0x18000] =	vst v63  }
0x6e9: {  	_ = 	snop  }
0x6ea: {  	[tilespmem:s16], [sflag:$0x2] =	stream.linear.gather [hbm4b:s31+s2], $0x8000, $0x38;
	[tilespmem:$0x18000] =	vst v63  }
0x6eb: {  	_ =	swait.ge [sflag:s9], $0x8000  }
0x6ec: {  	[sflag:s9] =	ssyncset.done $0x0  }
0x6ed: {  	[sflag:s9] =	ssyncadd.s32 $0xFFFF8000  }
0x6ee: {  	_ =	swait.ge [sflag:s15], $0x8000  }
0x6ef: {  	[sflag:s15] =	ssyncset.done $0x0  }
0x6f0: {  	[sflag:s15] =	ssyncadd.s32 $0xFFFF8000  }
0x6f1: {  	_ =	swait.ge [sflag:s11], $0x8000  }
0x6f2: {  	s31 =	sld [smem:$0x7FB]  }
0x6f3: {  	[sflag:s11] =	ssyncset.done $0x0  }
0x6f4: {  	s1 =	sld [smem:$0x7FC];
	[sflag:s11] =	ssyncadd.s32 $0xFFFF8000  }
0x6f5: {  	[hbm4b:s31+s2] =	stream.linear.scatter [tilespmem:s2], [sflag:$0x4], $0x8000, $0x38;
	[tilespmem:$0x18000] =	vst v63  }
0x6f6: {  	s31 =	sld [smem:$0x7FD]  }
0x6f7: {  	[hbm4b:s1+s2] =	stream.linear.scatter [tilespmem:s2], [sflag:$0x7], $0x8000, $0x38;
	[tilespmem:$0x18000] =	vst v63  }
0x6f8: {  	_ = 	snop  }
0x6f9: {  	[tilespmem:s10], [sflag:$0x3] =	stream.linear.gather [hbm4b:s31+s2], $0x8000, $0x38;
	[tilespmem:$0x18000] =	vst v63  }
0x6fa: {  	_ =	swait.ge [sflag:s26], $0x8000  }
0x6fb: {  	[sflag:s26] =	ssyncset.done $0x0  }
0x6fc: {  	[sflag:s26] =	ssyncadd.s32 $0xFFFF8000  }
0x6fd: {  	_ =	swait.ge [sflag:s5], $0x8000  }
0x6fe: {  	[sflag:s5] =	ssyncset.done $0x0  }
0x6ff: {  	[sflag:s5] =	ssyncadd.s32 $0xFFFF8000  }
0x700: {  	_ =	swait.ge [sflag:s6], $0x8000  }
0x701: {  	[sflag:s6] =	ssyncset.done $0x0  }
0x702: {  	[sflag:s6] =	ssyncadd.s32 $0xFFFF8000  }
0x703: {  	[hbm4b:s28+s2] =	stream.linear.scatter [tilespmem:s16], [sflag:$0x5], $0x8000, $0x38;
	[tilespmem:$0x18000] =	vst v63  }
0x704: {  	_ = 	snop  }
0x705: {  	[hbm4b:s29+s2] =	stream.linear.scatter [tilespmem:s16], [sflag:$0x8], $0x8000, $0x38;
	[tilespmem:$0x18000] =	vst v63  }
0x706: {  	_ = 	snop  }
0x707: {  	[tilespmem:s2], [sflag:$0x1] =	stream.linear.gather [hbm4b:s30+s2], $0x8000, $0x38;
	[tilespmem:$0x18000] =	vst v63  }
0x708: {  	_ =	swait.ge [sflag:s22], $0x8000  }
0x709: {  	[sflag:s22] =	ssyncset.done $0x0  }
0x70a: {  	[sflag:s22] =	ssyncadd.s32 $0xFFFF8000  }
0x70b: {  	_ =	swait.ge [sflag:s21], $0x8000  }
0x70c: {  	[sflag:s21] =	ssyncset.done $0x0  }
0x70d: {  	[sflag:s21] =	ssyncadd.s32 $0xFFFF8000  }
0x70e: {  	_ =	swait.ge [sflag:s17], $0x8000  }
0x70f: {  	[sflag:s17] =	ssyncset.done $0x0  }
0x710: {  	[sflag:s17] =	ssyncadd.s32 $0xFFFF8000  }
0x711: {  	[hbm4b:s23+s2] =	stream.linear.scatter [tilespmem:s10], [sflag:$0x6], $0x8000, $0x38;
	[tilespmem:$0x18000] =	vst v63  }
0x712: {  	_ = 	snop  }
0x713: {  	[hbm4b:s24+s2] =	stream.linear.scatter [tilespmem:s10], [sflag:$0x9], $0x8000, $0x38;
	[tilespmem:$0x18000] =	vst v63  }
0x714: {  	_ = 	snop  }
0x715: {  	[tilespmem:s16], [sflag:$0x2] =	stream.linear.gather [hbm4b:s25+s2], $0x8000, $0x38;
	[tilespmem:$0x18000] =	vst v63  }
0x716: {  	_ =	swait.ge [sflag:s9], $0x8000  }
0x717: {  	[sflag:s9] =	ssyncset.done $0x0  }
0x718: {  	[sflag:s9] =	ssyncadd.s32 $0xFFFF8000  }
0x719: {  	_ =	swait.ge [sflag:s15], $0x8000  }
0x71a: {  	[sflag:s15] =	ssyncset.done $0x0  }
0x71b: {  	[sflag:s15] =	ssyncadd.s32 $0xFFFF8000  }
0x71c: {  	_ =	swait.ge [sflag:s11], $0x8000  }
0x71d: {  	[sflag:s11] =	ssyncset.done $0x0  }
0x71e: {  	[sflag:s11] =	ssyncadd.s32 $0xFFFF8000  }
0x71f: {  	[hbm4b:s18+s2] =	stream.linear.scatter [tilespmem:s2], [sflag:$0x4], $0x8000, $0x38;
	[tilespmem:$0x18000] =	vst v63  }
0x720: {  	_ = 	snop  }
0x721: {  	[hbm4b:s19+s2] =	stream.linear.scatter [tilespmem:s2], [sflag:$0x7], $0x8000, $0x38;
	[tilespmem:$0x18000] =	vst v63  }
0x722: {  	_ = 	snop  }
0x723: {  	[tilespmem:s10], [sflag:$0x3] =	stream.linear.gather [hbm4b:s20+s2], $0x8000, $0x38;
	[tilespmem:$0x18000] =	vst v63  }
0x724: {  	_ =	swait.ge [sflag:s26], $0x8000  }
0x725: {  	[sflag:s26] =	ssyncset.done $0x0  }
0x726: {  	[sflag:s26] =	ssyncadd.s32 $0xFFFF8000  }
0x727: {  	_ =	swait.ge [sflag:s5], $0x8000  }
0x728: {  	[sflag:s5] =	ssyncset.done $0x0  }
0x729: {  	[sflag:s5] =	ssyncadd.s32 $0xFFFF8000  }
0x72a: {  	_ =	swait.ge [sflag:s6], $0x8000  }
0x72b: {  	[sflag:s6] =	ssyncset.done $0x0  }
0x72c: {  	[sflag:s6] =	ssyncadd.s32 $0xFFFF8000  }
0x72d: {  	[hbm4b:s12+s2] =	stream.linear.scatter [tilespmem:s16], [sflag:$0x5], $0x8000, $0x38;
	[tilespmem:$0x18000] =	vst v63  }
0x72e: {  	_ = 	snop  }
0x72f: {  	[hbm4b:s13+s2] =	stream.linear.scatter [tilespmem:s16], [sflag:$0x8], $0x8000, $0x38;
	[tilespmem:$0x18000] =	vst v63  }
0x730: {  	_ = 	snop  }
0x731: {  	[tilespmem:s2], [sflag:$0x1] =	stream.linear.gather [hbm4b:s14+s2], $0x8000, $0x38;
	[tilespmem:$0x18000] =	vst v63  }
0x732: {  	_ =	swait.ge [sflag:s22], $0x8000  }
0x733: {  	[sflag:s22] =	ssyncset.done $0x0  }
0x734: {  	[sflag:s22] =	ssyncadd.s32 $0xFFFF8000  }
0x735: {  	_ =	swait.ge [sflag:s21], $0x8000  }
0x736: {  	[sflag:s21] =	ssyncset.done $0x0  }
0x737: {  	[sflag:s21] =	ssyncadd.s32 $0xFFFF8000  }
0x738: {  	_ =	swait.ge [sflag:s17], $0x8000  }
0x739: {  	[sflag:s17] =	ssyncset.done $0x0  }
0x73a: {  	[sflag:s17] =	ssyncadd.s32 $0xFFFF8000  }
0x73b: {  	[hbm4b:s7+s2] =	stream.linear.scatter [tilespmem:s10], [sflag:$0x6], $0x8000, $0x38;
	[tilespmem:$0x18000] =	vst v63  }
0x73c: {  	_ = 	snop  }
0x73d: {  	[hbm4b:s8+s2] =	stream.linear.scatter [tilespmem:s10], [sflag:$0x9], $0x8000, $0x38;
	[tilespmem:$0x18000] =	vst v63  }
0x73e: {  	_ =	swait.ge [sflag:s9], $0x8000  }
0x73f: {  	[sflag:s9] =	ssyncset.done $0x0  }
0x740: {  	[sflag:s9] =	ssyncadd.s32 $0xFFFF8000  }
0x741: {  	_ =	swait.ge [sflag:s15], $0x8000  }
0x742: {  	[sflag:s15] =	ssyncset.done $0x0  }
0x743: {  	[sflag:s15] =	ssyncadd.s32 $0xFFFF8000  }
0x744: {  	_ =	swait.ge [sflag:s11], $0x8000  }
0x745: {  	[sflag:s11] =	ssyncset.done $0x0  }
0x746: {  	[sflag:s11] =	ssyncadd.s32 $0xFFFF8000  }
0x747: {  	[hbm4b:s3+s2] =	stream.linear.scatter [tilespmem:s2], [sflag:$0x4], $0x8000, $0x38;
	[tilespmem:$0x18000] =	vst v63  }
0x748: {  	_ = 	snop  }
0x749: {  	[hbm4b:s4+s2] =	stream.linear.scatter [tilespmem:s2], [sflag:$0x7], $0x8000, $0x38;
	[tilespmem:$0x18000] =	vst v63  }
0x74a: {  	_ =	swait.ge [sflag:s5], $0x8000  }
0x74b: {  	[sflag:s5] =	ssyncset.done $0x0  }
0x74c: {  	[sflag:s5] =	ssyncadd.s32 $0xFFFF8000  }
0x74d: {  	_ =	swait.ge [sflag:s6], $0x8000  }
0x74e: {  	[sflag:s6] =	ssyncset.done $0x0  }
0x74f: {  	[sflag:s6] =	ssyncadd.s32 $0xFFFF8000  }
0x750: {  	_ =	sfence.sel $0x180000  }
0x751: {  	[bflag:$0x0] =	sbarrier.arrive $0xFFFF  }
0x752: {  	_ =	strace $0x90000047  }
0x753: {  	s31 =	stileid.u32;
	[bflag:$0x2] =	sbarrier.arrive $0xFFFF  }
0x754: {  	p0 =	sne.s32 s31, $0x0;
	s0 =	rddreg [dreg:$0x2]  }
0x755: {  	s0 =	sadd.s32 @!p0 $0x100000, s0  }
0x756: {  	[sflag:s0] =	ssyncadd.tile.s32 @!p0 $0x1;
	_ =	shalt  }
.LBB2_2:
.Ltmp3:
0x757: {  	(pc) =	sbr.rel .LBB2_5-.Ltmp3, $2  }
0x758: {  	_ =	sdelay $0x2  }
0x759: {  	s31 =	sld [smem:$0x7B3]  }
.Lfunc_end2:
_tile_overlayer_lowered:
.L_overlay_start_2:
0x75a: {  	(tag) =	ssettag $0x2  }
0x75b: {  	s0 =	rddreg [dreg:$0x0];
	s2 =	stileid.u32  }
0x75c: {  	s1 =	rddreg [dreg:$0x1];
	p0 =	sne.s32 s2, $0x0  }
0x75d: {  	s3 =	rddreg [dreg:$0x2];
	[bflag:$0x3] =	sbarrier.arrive $0xFFFF;
	s2 =	simm.s32 @!p0 $0x1C0A  }
0x75e: {  	[timem:s3], [sflag:s2] =	dma.local @!p0 [hbm:s0], s1  }
0x75f: {  	s0 =	simm.s32 @!p0 $0xA  }
0x760: {  	_ =	swait.ge @!p0 [sflag:s0], s1  }
0x761: {  	s1 =	ssub.s32 @!p0 $0x0, s1;
	[sflag:s0] =	ssyncset.done @!p0 $0x0  }
0x762: {  	[sflag:s0] =	ssyncadd.s32 @!p0 s1  }
0x763: {  	[bflag:$0x3] =	sbarrier.arrive $0xFFFF  }
0x764: {  	_ =	shalt  }

</sc_bundles>
